<compile_context>
chip_gen: v7x
topology: tpu7x:2x2x1
jax: 0.10.2.dev20260603
libtpu: 0.0.44.dev20260713+nightly
codegen_flags: <defaults>
</compile_context>

<pallas_src>
import functools

import jax
import jax.numpy as jnp
from jax import lax
from jax.experimental import pallas as pl
from jax.experimental.pallas import tpu as pltpu
from jax.experimental.pallas import tpu_sc as plsc

_HID = 128
_NC = 2
_NS = 16
_NW = _NC * _NS
_LANES = 16
_CHUNK = 200
_GRP = 25


def _edge_sc(xe, tab_flat):
    E = xe.shape[0]
    rows_w = E // _NW
    n_ch = rows_w // _CHUNK
    ncol = _HID // _LANES

    mesh = plsc.VectorSubcoreMesh(core_axis_name="c", subcore_axis_name="s")

    @functools.partial(
        pl.kernel,
        mesh=mesh,
        compiler_params=pltpu.CompilerParams(needs_layout_passes=False),
        out_type=jax.ShapeDtypeStruct((E * _HID,), jnp.float32),
        scratch_types=[
            pltpu.VMEM((rows_w,), jnp.int32),
            pltpu.VMEM((_CHUNK * _HID,), jnp.float32),
            pltpu.VMEM((_CHUNK * _HID,), jnp.float32),
            pltpu.VMEM((2 * _HID,), jnp.float32),
            pltpu.SemaphoreType.DMA,
            pltpu.SemaphoreType.DMA,
        ],
    )
    def k(xe_hbm, tab_hbm, out_hbm, idx_v, outv0, outv1, tab_v, os0, os1):
        outb = (outv0, outv1)
        osem = (os0, os1)
        wid = lax.axis_index("s") * _NC + lax.axis_index("c")
        base = wid * rows_w
        pltpu.sync_copy(xe_hbm.at[pl.ds(base, rows_w)], idx_v)
        pltpu.sync_copy(tab_hbm, tab_v)
        r0 = [
            jnp.maximum(tab_v[pl.ds(_LANES * j, _LANES)], 0.0)
            for j in range(ncol)
        ]
        r1 = [
            jnp.maximum(tab_v[pl.ds(_HID + _LANES * j, _LANES)], 0.0)
            for j in range(ncol)
        ]

        def pair_body(t, carry):
            ch0 = t * 2
            for b in range(2):
                ch = ch0 + b
                row0 = base + ch * _CHUNK

                @pl.when(ch >= 2)
                def _wait_store():
                    pltpu.make_async_copy(
                        outb[b],
                        out_hbm.at[pl.ds(row0 * _HID, _CHUNK * _HID)],
                        osem[b],
                    ).wait()

                def grp(g, c2):
                    for i in range(_GRP):
                        r = g * _GRP + i
                        sp = plsc.load_gather(
                            idx_v,
                            [jnp.broadcast_to(
                                ch * _CHUNK + r, (_LANES,))],
                        )
                        m = sp == 0
                        for j in range(ncol):
                            outb[b][pl.ds(r * _HID + _LANES * j, _LANES)] = (
                                jnp.where(m, r0[j], r1[j])
                            )
                    return c2

                lax.fori_loop(0, _CHUNK // _GRP, grp, 0, unroll=False)
                pltpu.async_copy(
                    outb[b],
                    out_hbm.at[pl.ds(row0 * _HID, _CHUNK * _HID)],
                    osem[b],
                )

            return carry

        lax.fori_loop(0, n_ch // 2, pair_body, 0, unroll=False)
        for b in range(2):
            last0 = base + (n_ch - 2 + b) * _CHUNK
            pltpu.make_async_copy(
                outb[b],
                out_hbm.at[pl.ds(last0 * _HID, _CHUNK * _HID)],
                osem[b],
            ).wait()

    return k(xe, tab_flat)


def _node_tc(xg, xc, ecat_pad, wg, bg, w1, w2, bn):
    N = xg.shape[0]
    BN = 1000
    CPAD = ecat_pad.shape[0]

    def body(xg_ref, xc_ref, ec_ref, wg_ref, bg_ref, w1_ref, w2_ref,
             bn_ref, out_ref):
        g = jnp.maximum(
            jnp.dot(xg_ref[...], wg_ref[...],
                    preferred_element_type=jnp.float32) + bg_ref[...],
            0.0,
        )
        ids = xc_ref[...]
        oh = (ids == lax.broadcasted_iota(jnp.int32, (BN, CPAD), 1)
              ).astype(jnp.float32)
        cat = jnp.maximum(
            jnp.dot(oh, ec_ref[...], preferred_element_type=jnp.float32),
            0.0,
        )
        out = (
            jnp.dot(g, w1_ref[...], preferred_element_type=jnp.float32)
            + jnp.dot(cat, w2_ref[...], preferred_element_type=jnp.float32)
            + bn_ref[...]
        )
        out_ref[...] = jnp.maximum(out, 0.0)

    return pl.pallas_call(
        body,
        grid=(N // BN,),
        in_specs=[
            pl.BlockSpec((BN, 16), lambda i: (i, 0)),
            pl.BlockSpec((BN, 1), lambda i: (i, 0)),
            pl.BlockSpec((CPAD, _HID), lambda i: (0, 0)),
            pl.BlockSpec((16, _HID), lambda i: (0, 0)),
            pl.BlockSpec((1, _HID), lambda i: (0, 0)),
            pl.BlockSpec((_HID, _HID), lambda i: (0, 0)),
            pl.BlockSpec((_HID, _HID), lambda i: (0, 0)),
            pl.BlockSpec((1, _HID), lambda i: (0, 0)),
        ],
        out_specs=pl.BlockSpec((BN, _HID), lambda i: (i, 0)),
        out_shape=jax.ShapeDtypeStruct((N, _HID), jnp.float32),
    )(xg, xc, ecat_pad, wg, bg, w1, w2, bn)


@jax.jit
def kernel(xn_geom, xn_cat, xe, E_cat, W_geom, b_geom, W_node, b_node,
           E_edge):
    E = xe.shape[0]
    cats = E_cat.shape[0]
    cpad = ((cats + 127) // 128) * 128

    xe_i32 = xe.astype(jnp.int32)
    tab_flat = E_edge.reshape(-1)
    xe_flat = _edge_sc(xe_i32, tab_flat)
    xe_out = xe_flat.reshape(E, _HID)

    ecat_pad = jnp.concatenate(
        [E_cat, jnp.zeros((cpad - cats, _HID), jnp.float32)], axis=0
    )
    w1 = W_node[:_HID]
    w2 = W_node[_HID:]
    xn = _node_tc(
        xn_geom,
        xn_cat.astype(jnp.int32),
        ecat_pad,
        W_geom,
        b_geom.reshape(1, _HID),
        w1,
        w2,
        b_node.reshape(1, _HID),
    )
    return (xn, xe_out)

# --- scband reference (transcript-rebuilt; emitter-appended) ---
"""Pipeline reference for scband-graph-encoder-23089744183402 (READ-ONLY COPY).

The authoritative reference and input builder live on the scoring server;
editing this copy changes nothing except your own understanding.
"""

import jax, jax.numpy as jnp
import numpy as np

N = 10000
E = 320000
HID = 128
GEOM = 16
CATS = 1000

def _xavier_uniform(key, fan_in, fan_out):
    limit = float(np.sqrt(6.0 / (fan_in + fan_out)))
    return jax.random.uniform(key, (fan_in, fan_out), dtype=jnp.float32, minval=-limit, maxval=limit)

def setup_inputs(seed: int = 0) -> dict:
    key = jax.random.key(seed)
    ks = jax.random.split(key, 8)
    xn_geom = jax.random.normal(ks[0], (N, GEOM), dtype=jnp.float32)
    xn_cat = jax.random.randint(ks[1], (N, 1), 0, CATS)
    xe = jax.random.randint(ks[2], (E,), 0, 2)
    # learned parameters
    E_cat = jax.random.normal(ks[3], (CATS, HID), dtype=jnp.float32)  # nn.Embedding default N(0,1)
    E_edge = jax.random.normal(ks[4], (2, HID), dtype=jnp.float32)
    W_geom = _xavier_uniform(ks[5], GEOM, HID)
    b_geom = jnp.full((HID,), 0.01, dtype=jnp.float32)
    W_node = _xavier_uniform(ks[6], 2 * HID, HID)
    b_node = jnp.full((HID,), 0.01, dtype=jnp.float32)
    return {"xn_geom": xn_geom, "xn_cat": xn_cat, "xe": xe,
            "E_cat": E_cat, "W_geom": W_geom, "b_geom": b_geom,
            "W_node": W_node, "b_node": b_node, "E_edge": E_edge}

def reference(xn_geom, xn_cat, xe, E_cat, W_geom, b_geom, W_node, b_node, E_edge):
    # cats_encoder: Embedding -> ReLU -> Dropout (eval mode: identity)
    cat_emb = jax.nn.relu(jnp.take(E_cat, xn_cat, axis=0))  # [N, 1, HID]
    # geom_encoder: Linear -> ReLU
    geom_h = jax.nn.relu(xn_geom @ W_geom + b_geom)          # [N, HID]
    # node_encoder on concat
    xn = jnp.concatenate([geom_h, jnp.squeeze(cat_emb, axis=1)], axis=-1)  # [N, 2*HID]
    xn = jax.nn.relu(xn @ W_node + b_node)                   # [N, HID]
    # edge_encoder: Embedding(2, HID) -> ReLU -> Dropout (eval identity)
    xe_out = jax.nn.relu(jnp.take(E_edge, xe, axis=0))       # [E, HID]
    return (xn, xe_out)

if __name__ == "__main__":
    import jax
    _d = setup_inputs()
    print(jax.jit(kernel)(*tuple(_d.values())))

</pallas_src>

<mosaic_0001>
#map = affine_map<(d0, d1) -> (0)>
module attributes {stable_mosaic.version = 14 : i64} {
  func.func @k(%arg0: i32, %arg1: i32, %arg2: memref<320000xi32, #tpu.memory_space<hbm>>, %arg3: memref<256xf32, #tpu.memory_space<hbm>>, %arg4: memref<40960000xf32, #tpu.memory_space<hbm>>, %arg5: memref<10000xi32, #tpu.memory_space<vmem>>, %arg6: memref<25600xf32, #tpu.memory_space<vmem>>, %arg7: memref<25600xf32, #tpu.memory_space<vmem>>, %arg8: memref<256xf32, #tpu.memory_space<vmem>>, %arg9: memref<!tpu.dma_semaphore, #tpu.memory_space<semaphore_mem>>, %arg10: memref<!tpu.dma_semaphore, #tpu.memory_space<semaphore_mem>>) attributes {dimension_semantics = [#tpu.dimension_semantics<core_parallel>, #tpu.dimension_semantics<subcore_parallel>], iteration_bounds = array<i64: 2, 16>, scalar_prefetch = 0 : i64, scratch_operands = 6 : i64, tpu.core_type = #tpu.core_type<sc_vector_subcore>, window_params = [{transform_indices = #map}, {transform_indices = #map}, {transform_indices = #map}]} {
    %mul3A = arith.constant 2 : i32
    %mul3A_0 = arith.muli %arg1, %mul3A : i32
    %add3A = arith.addi %mul3A_0, %arg0 : i32
    %mul3A_1 = arith.constant 10000 : i32
    %mul3A_2 = arith.muli %add3A, %mul3A_1 : i32
    "tpu.region"() ({
      %run_scoped3A = tpu.sem_alloc : memref<!tpu.dma_semaphore, #tpu.memory_space<semaphore_mem>>
      %dma_start3A = tpu.memref_slice %arg2[%mul3A_2] : memref<320000xi32, #tpu.memory_space<hbm>> -> memref<10000xi32, #tpu.memory_space<hbm>>
      %dma_start3A_97 = tpu.memref_slice %arg2[%mul3A_2] : memref<320000xi32, #tpu.memory_space<hbm>> -> memref<10000xi32, #tpu.memory_space<hbm>>
      tpu.enqueue_dma source(%dma_start3A_97 : memref<10000xi32, #tpu.memory_space<hbm>>) target(%arg5 : memref<10000xi32, #tpu.memory_space<vmem>>) target_semaphore(%run_scoped3A : memref<!tpu.dma_semaphore, #tpu.memory_space<semaphore_mem>>)
      %dma_wait3A_98 = tpu.memref_slice %arg2[%mul3A_2] : memref<320000xi32, #tpu.memory_space<hbm>> -> memref<10000xi32, #tpu.memory_space<hbm>>
      %dma_wait3A_99 = tpu.memref_slice %arg2[%mul3A_2] : memref<320000xi32, #tpu.memory_space<hbm>> -> memref<10000xi32, #tpu.memory_space<hbm>>
      tpu.wait_dma2 semaphore(%run_scoped3A : memref<!tpu.dma_semaphore, #tpu.memory_space<semaphore_mem>>) src(%dma_wait3A_99 : memref<10000xi32, #tpu.memory_space<hbm>>) dst(%arg5 : memref<10000xi32, #tpu.memory_space<vmem>>)
      tpu.yield
    }) : () -> ()
    "tpu.region"() ({
      %run_scoped3A = tpu.sem_alloc : memref<!tpu.dma_semaphore, #tpu.memory_space<semaphore_mem>>
      tpu.enqueue_dma source(%arg3 : memref<256xf32, #tpu.memory_space<hbm>>) target(%arg8 : memref<256xf32, #tpu.memory_space<vmem>>) target_semaphore(%run_scoped3A : memref<!tpu.dma_semaphore, #tpu.memory_space<semaphore_mem>>)
      tpu.wait_dma2 semaphore(%run_scoped3A : memref<!tpu.dma_semaphore, #tpu.memory_space<semaphore_mem>>) src(%arg3 : memref<256xf32, #tpu.memory_space<hbm>>) dst(%arg8 : memref<256xf32, #tpu.memory_space<vmem>>)
      tpu.yield
    }) : () -> ()
    %get3A = arith.constant 0 : index
    %get3A_3 = tpu.vector_load %arg8[%get3A] {strides = array<i32>} : memref<256xf32, #tpu.memory_space<vmem>>, vector<16xf32>,
    %max3A = arith.constant 0.000000e+00 : f32
    %max3A_4 = vector.broadcast %max3A : f32 to vector<16xf32>
    %max3A_5 = arith.maximumf %get3A_3, %max3A_4 : vector<16xf32>
    %get3A_6 = arith.constant 16 : index
    %get3A_7 = tpu.vector_load %arg8[%get3A_6] {strides = array<i32>} : memref<256xf32, #tpu.memory_space<vmem>>, vector<16xf32>,
    %max3A_8 = arith.constant 0.000000e+00 : f32
    %max3A_9 = vector.broadcast %max3A_8 : f32 to vector<16xf32>
    %max3A_10 = arith.maximumf %get3A_7, %max3A_9 : vector<16xf32>
    %get3A_11 = arith.constant 32 : index
    %get3A_12 = tpu.vector_load %arg8[%get3A_11] {strides = array<i32>} : memref<256xf32, #tpu.memory_space<vmem>>, vector<16xf32>,
    %max3A_13 = arith.constant 0.000000e+00 : f32
    %max3A_14 = vector.broadcast %max3A_13 : f32 to vector<16xf32>
    %max3A_15 = arith.maximumf %get3A_12, %max3A_14 : vector<16xf32>
    %get3A_16 = arith.constant 48 : index
    %get3A_17 = tpu.vector_load %arg8[%get3A_16] {strides = array<i32>} : memref<256xf32, #tpu.memory_space<vmem>>, vector<16xf32>,
    %max3A_18 = arith.constant 0.000000e+00 : f32
    %max3A_19 = vector.broadcast %max3A_18 : f32 to vector<16xf32>
    %max3A_20 = arith.maximumf %get3A_17, %max3A_19 : vector<16xf32>
    %get3A_21 = arith.constant 64 : index
    %get3A_22 = tpu.vector_load %arg8[%get3A_21] {strides = array<i32>} : memref<256xf32, #tpu.memory_space<vmem>>, vector<16xf32>,
    %max3A_23 = arith.constant 0.000000e+00 : f32
    %max3A_24 = vector.broadcast %max3A_23 : f32 to vector<16xf32>
    %max3A_25 = arith.maximumf %get3A_22, %max3A_24 : vector<16xf32>
    %get3A_26 = arith.constant 80 : index
    %get3A_27 = tpu.vector_load %arg8[%get3A_26] {strides = array<i32>} : memref<256xf32, #tpu.memory_space<vmem>>, vector<16xf32>,
    %max3A_28 = arith.constant 0.000000e+00 : f32
    %max3A_29 = vector.broadcast %max3A_28 : f32 to vector<16xf32>
    %max3A_30 = arith.maximumf %get3A_27, %max3A_29 : vector<16xf32>
    %get3A_31 = arith.constant 96 : index
    %get3A_32 = tpu.vector_load %arg8[%get3A_31] {strides = array<i32>} : memref<256xf32, #tpu.memory_space<vmem>>, vector<16xf32>,
    %max3A_33 = arith.constant 0.000000e+00 : f32
    %max3A_34 = vector.broadcast %max3A_33 : f32 to vector<16xf32>
    %max3A_35 = arith.maximumf %get3A_32, %max3A_34 : vector<16xf32>
    %get3A_36 = arith.constant 112 : index
    %get3A_37 = tpu.vector_load %arg8[%get3A_36] {strides = array<i32>} : memref<256xf32, #tpu.memory_space<vmem>>, vector<16xf32>,
    %max3A_38 = arith.constant 0.000000e+00 : f32
    %max3A_39 = vector.broadcast %max3A_38 : f32 to vector<16xf32>
    %max3A_40 = arith.maximumf %get3A_37, %max3A_39 : vector<16xf32>
    %get3A_41 = arith.constant 128 : index
    %get3A_42 = tpu.vector_load %arg8[%get3A_41] {strides = array<i32>} : memref<256xf32, #tpu.memory_space<vmem>>, vector<16xf32>,
    %max3A_43 = arith.constant 0.000000e+00 : f32
    %max3A_44 = vector.broadcast %max3A_43 : f32 to vector<16xf32>
    %max3A_45 = arith.maximumf %get3A_42, %max3A_44 : vector<16xf32>
    %get3A_46 = arith.constant 144 : index
    %get3A_47 = tpu.vector_load %arg8[%get3A_46] {strides = array<i32>} : memref<256xf32, #tpu.memory_space<vmem>>, vector<16xf32>,
    %max3A_48 = arith.constant 0.000000e+00 : f32
    %max3A_49 = vector.broadcast %max3A_48 : f32 to vector<16xf32>
    %max3A_50 = arith.maximumf %get3A_47, %max3A_49 : vector<16xf32>
    %get3A_51 = arith.constant 160 : index
    %get3A_52 = tpu.vector_load %arg8[%get3A_51] {strides = array<i32>} : memref<256xf32, #tpu.memory_space<vmem>>, vector<16xf32>,
    %max3A_53 = arith.constant 0.000000e+00 : f32
    %max3A_54 = vector.broadcast %max3A_53 : f32 to vector<16xf32>
    %max3A_55 = arith.maximumf %get3A_52, %max3A_54 : vector<16xf32>
    %get3A_56 = arith.constant 176 : index
    %get3A_57 = tpu.vector_load %arg8[%get3A_56] {strides = array<i32>} : memref<256xf32, #tpu.memory_space<vmem>>, vector<16xf32>,
    %max3A_58 = arith.constant 0.000000e+00 : f32
    %max3A_59 = vector.broadcast %max3A_58 : f32 to vector<16xf32>
    %max3A_60 = arith.maximumf %get3A_57, %max3A_59 : vector<16xf32>
    %get3A_61 = arith.constant 192 : index
    %get3A_62 = tpu.vector_load %arg8[%get3A_61] {strides = array<i32>} : memref<256xf32, #tpu.memory_space<vmem>>, vector<16xf32>,
    %max3A_63 = arith.constant 0.000000e+00 : f32
    %max3A_64 = vector.broadcast %max3A_63 : f32 to vector<16xf32>
    %max3A_65 = arith.maximumf %get3A_62, %max3A_64 : vector<16xf32>
    %get3A_66 = arith.constant 208 : index
    %get3A_67 = tpu.vector_load %arg8[%get3A_66] {strides = array<i32>} : memref<256xf32, #tpu.memory_space<vmem>>, vector<16xf32>,
    %max3A_68 = arith.constant 0.000000e+00 : f32
    %max3A_69 = vector.broadcast %max3A_68 : f32 to vector<16xf32>
    %max3A_70 = arith.maximumf %get3A_67, %max3A_69 : vector<16xf32>
    %get3A_71 = arith.constant 224 : index
    %get3A_72 = tpu.vector_load %arg8[%get3A_71] {strides = array<i32>} : memref<256xf32, #tpu.memory_space<vmem>>, vector<16xf32>,
    %max3A_73 = arith.constant 0.000000e+00 : f32
    %max3A_74 = vector.broadcast %max3A_73 : f32 to vector<16xf32>
    %max3A_75 = arith.maximumf %get3A_72, %max3A_74 : vector<16xf32>
    %get3A_76 = arith.constant 240 : index
    %get3A_77 = tpu.vector_load %arg8[%get3A_76] {strides = array<i32>} : memref<256xf32, #tpu.memory_space<vmem>>, vector<16xf32>,
    %max3A_78 = arith.constant 0.000000e+00 : f32
    %max3A_79 = vector.broadcast %max3A_78 : f32 to vector<16xf32>
    %max3A_80 = arith.maximumf %get3A_77, %max3A_79 : vector<16xf32>
    %scan3A = arith.constant 0 : i32
    %scan3A_81 = arith.constant 0 : i32
    %scan3A_82 = arith.constant 25 : i32
    %scan3A_83 = arith.addi %scan3A_81, %scan3A_82 : i32
    %scan3A_84 = arith.constant 1 : i32
    scf.for %scan3A_97 = %scan3A_81 to %scan3A_83 step %scan3A_84  : i32 {
      %mul3A_98 = arith.constant 2 : i32
      %mul3A_99 = arith.muli %scan3A_97, %mul3A_98 : i32
      %add3A_100 = arith.constant 0 : i32
      %add3A_101 = arith.addi %mul3A_99, %add3A_100 : i32
      %mul3A_102 = arith.constant 200 : i32
      %mul3A_103 = arith.muli %add3A_101, %mul3A_102 : i32
      %add3A_104 = arith.addi %mul3A_2, %mul3A_103 : i32
      %ge3A = arith.constant 2 : i32
      %ge3A_105 = arith.cmpi sge, %add3A_101, %ge3A : i32
      %convert_element_type3A = arith.extui %ge3A_105 : i1 to i32
      %cond3A = arith.constant 0 : i32
      %cond3A_106 = arith.cmpi ne, %convert_element_type3A, %cond3A : i32
      scf.if %cond3A_106 {
        %mul3A_136 = arith.constant 128 : i32
        %mul3A_137 = arith.muli %add3A_104, %mul3A_136 : i32
        %dma_wait3A_138 = tpu.memref_slice %arg4[%mul3A_137] : memref<40960000xf32, #tpu.memory_space<hbm>> -> memref<25600xf32, #tpu.memory_space<hbm>>
        %dma_wait3A_139 = tpu.memref_slice %arg4[%mul3A_137] : memref<40960000xf32, #tpu.memory_space<hbm>> -> memref<25600xf32, #tpu.memory_space<hbm>>
        tpu.wait_dma2 semaphore(%arg9 : memref<!tpu.dma_semaphore, #tpu.memory_space<semaphore_mem>>) src(%arg6 : memref<25600xf32, #tpu.memory_space<vmem>>) dst(%dma_wait3A_139 : memref<25600xf32, #tpu.memory_space<hbm>>)
      } else {
      }
      %scan3A_107 = arith.constant 0 : i32
      %scan3A_108 = arith.constant 0 : i32
      %scan3A_109 = arith.constant 8 : i32
      %scan3A_110 = arith.addi %scan3A_108, %scan3A_109 : i32
      %scan3A_111 = arith.constant 1 : i32
      scf.for %scan3A_136 = %scan3A_108 to %scan3A_110 step %scan3A_111  : i32 {
        %mul3A_137 = arith.constant 25 : i32
        %mul3A_138 = arith.muli %scan3A_136, %mul3A_137 : i32
        %add3A_139 = arith.constant 0 : i32
        %add3A_140 = arith.addi %mul3A_138, %add3A_139 : i32
        %mul3A_141 = arith.constant 200 : i32
        %mul3A_142 = arith.muli %add3A_101, %mul3A_141 : i32
        %add3A_143 = arith.addi %mul3A_142, %add3A_140 : i32
        %broadcast_in_dim3A = vector.broadcast %add3A_143 : i32 to vector<16xi32>
        %gather3A = tpu.vector_load_idx %arg5[%broadcast_in_dim3A] : memref<10000xi32, #tpu.memory_space<vmem>>[vector<16xi32>], vector<16xi32>,
        %eq3A = arith.constant 0 : i32
        %eq3A_144 = vector.broadcast %eq3A : i32 to vector<16xi32>
        %eq3A_145 = arith.cmpi eq, %gather3A, %eq3A_144 : vector<16xi32>
        %select_n3A = arith.select %eq3A_145, %max3A_5, %max3A_45 : vector<16xi1>, vector<16xf32>
        %mul3A_146 = arith.constant 128 : i32
        %mul3A_147 = arith.muli %add3A_140, %mul3A_146 : i32
        %add3A_148 = arith.constant 0 : i32
        %add3A_149 = arith.addi %mul3A_147, %add3A_148 : i32
        %swap3A = arith.index_cast %add3A_149 : i32 to index
        %swap3A_150 = tpu.vector_load %arg6[%swap3A] {strides = array<i32>} : memref<25600xf32, #tpu.memory_space<vmem>>, vector<16xf32>,
        tpu.vector_store %arg6[%swap3A], %select_n3A {strides = array<i32>} : memref<25600xf32, #tpu.memory_space<vmem>>, vector<16xf32>,
        %select_n3A_151 = arith.select %eq3A_145, %max3A_10, %max3A_50 : vector<16xi1>, vector<16xf32>
        %mul3A_152 = arith.constant 128 : i32
        %mul3A_153 = arith.muli %add3A_140, %mul3A_152 : i32
        %add3A_154 = arith.constant 16 : i32
        %add3A_155 = arith.addi %mul3A_153, %add3A_154 : i32
        %swap3A_156 = arith.index_cast %add3A_155 : i32 to index
        %swap3A_157 = tpu.vector_load %arg6[%swap3A_156] {strides = array<i32>} : memref<25600xf32, #tpu.memory_space<vmem>>, vector<16xf32>,
        tpu.vector_store %arg6[%swap3A_156], %select_n3A_151 {strides = array<i32>} : memref<25600xf32, #tpu.memory_space<vmem>>, vector<16xf32>,
        %select_n3A_158 = arith.select %eq3A_145, %max3A_15, %max3A_55 : vector<16xi1>, vector<16xf32>
        %mul3A_159 = arith.constant 128 : i32
        %mul3A_160 = arith.muli %add3A_140, %mul3A_159 : i32
        %add3A_161 = arith.constant 32 : i32
        %add3A_162 = arith.addi %mul3A_160, %add3A_161 : i32
        %swap3A_163 = arith.index_cast %add3A_162 : i32 to index
        %swap3A_164 = tpu.vector_load %arg6[%swap3A_163] {strides = array<i32>} : memref<25600xf32, #tpu.memory_space<vmem>>, vector<16xf32>,
        tpu.vector_store %arg6[%swap3A_163], %select_n3A_158 {strides = array<i32>} : memref<25600xf32, #tpu.memory_space<vmem>>, vector<16xf32>,
        %select_n3A_165 = arith.select %eq3A_145, %max3A_20, %max3A_60 : vector<16xi1>, vector<16xf32>
        %mul3A_166 = arith.constant 128 : i32
        %mul3A_167 = arith.muli %add3A_140, %mul3A_166 : i32
        %add3A_168 = arith.constant 48 : i32
        %add3A_169 = arith.addi %mul3A_167, %add3A_168 : i32
        %swap3A_170 = arith.index_cast %add3A_169 : i32 to index
        %swap3A_171 = tpu.vector_load %arg6[%swap3A_170] {strides = array<i32>} : memref<25600xf32, #tpu.memory_space<vmem>>, vector<16xf32>,
        tpu.vector_store %arg6[%swap3A_170], %select_n3A_165 {strides = array<i32>} : memref<25600xf32, #tpu.memory_space<vmem>>, vector<16xf32>,
        %select_n3A_172 = arith.select %eq3A_145, %max3A_25, %max3A_65 : vector<16xi1>, vector<16xf32>
        %mul3A_173 = arith.constant 128 : i32
        %mul3A_174 = arith.muli %add3A_140, %mul3A_173 : i32
        %add3A_175 = arith.constant 64 : i32
        %add3A_176 = arith.addi %mul3A_174, %add3A_175 : i32
        %swap3A_177 = arith.index_cast %add3A_176 : i32 to index
        %swap3A_178 = tpu.vector_load %arg6[%swap3A_177] {strides = array<i32>} : memref<25600xf32, #tpu.memory_space<vmem>>, vector<16xf32>,
        tpu.vector_store %arg6[%swap3A_177], %select_n3A_172 {strides = array<i32>} : memref<25600xf32, #tpu.memory_space<vmem>>, vector<16xf32>,
        %select_n3A_179 = arith.select %eq3A_145, %max3A_30, %max3A_70 : vector<16xi1>, vector<16xf32>
        %mul3A_180 = arith.constant 128 : i32
        %mul3A_181 = arith.muli %add3A_140, %mul3A_180 : i32
        %add3A_182 = arith.constant 80 : i32
        %add3A_183 = arith.addi %mul3A_181, %add3A_182 : i32
        %swap3A_184 = arith.index_cast %add3A_183 : i32 to index
        %swap3A_185 = tpu.vector_load %arg6[%swap3A_184] {strides = array<i32>} : memref<25600xf32, #tpu.memory_space<vmem>>, vector<16xf32>,
        tpu.vector_store %arg6[%swap3A_184], %select_n3A_179 {strides = array<i32>} : memref<25600xf32, #tpu.memory_space<vmem>>, vector<16xf32>,
        %select_n3A_186 = arith.select %eq3A_145, %max3A_35, %max3A_75 : vector<16xi1>, vector<16xf32>
        %mul3A_187 = arith.constant 128 : i32
        %mul3A_188 = arith.muli %add3A_140, %mul3A_187 : i32
        %add3A_189 = arith.constant 96 : i32
        %add3A_190 = arith.addi %mul3A_188, %add3A_189 : i32
        %swap3A_191 = arith.index_cast %add3A_190 : i32 to index
        %swap3A_192 = tpu.vector_load %arg6[%swap3A_191] {strides = array<i32>} : memref<25600xf32, #tpu.memory_space<vmem>>, vector<16xf32>,
        tpu.vector_store %arg6[%swap3A_191], %select_n3A_186 {strides = array<i32>} : memref<25600xf32, #tpu.memory_space<vmem>>, vector<16xf32>,
        %select_n3A_193 = arith.select %eq3A_145, %max3A_40, %max3A_80 : vector<16xi1>, vector<16xf32>
        %mul3A_194 = arith.constant 128 : i32
        %mul3A_195 = arith.muli %add3A_140, %mul3A_194 : i32
        %add3A_196 = arith.constant 112 : i32
        %add3A_197 = arith.addi %mul3A_195, %add3A_196 : i32
        %swap3A_198 = arith.index_cast %add3A_197 : i32 to index
        %swap3A_199 = tpu.vector_load %arg6[%swap3A_198] {strides = array<i32>} : memref<25600xf32, #tpu.memory_space<vmem>>, vector<16xf32>,
        tpu.vector_store %arg6[%swap3A_198], %select_n3A_193 {strides = array<i32>} : memref<25600xf32, #tpu.memory_space<vmem>>, vector<16xf32>,
        %mul3A_200 = arith.constant 25 : i32
        %mul3A_201 = arith.muli %scan3A_136, %mul3A_200 : i32
        %add3A_202 = arith.constant 1 : i32
        %add3A_203 = arith.addi %mul3A_201, %add3A_202 : i32
        %mul3A_204 = arith.constant 200 : i32
        %mul3A_205 = arith.muli %add3A_101, %mul3A_204 : i32
        %add3A_206 = arith.addi %mul3A_205, %add3A_203 : i32
        %broadcast_in_dim3A_207 = vector.broadcast %add3A_206 : i32 to vector<16xi32>
        %gather3A_208 = tpu.vector_load_idx %arg5[%broadcast_in_dim3A_207] : memref<10000xi32, #tpu.memory_space<vmem>>[vector<16xi32>], vector<16xi32>,
        %eq3A_209 = arith.constant 0 : i32
        %eq3A_210 = vector.broadcast %eq3A_209 : i32 to vector<16xi32>
        %eq3A_211 = arith.cmpi eq, %gather3A_208, %eq3A_210 : vector<16xi32>
        %select_n3A_212 = arith.select %eq3A_211, %max3A_5, %max3A_45 : vector<16xi1>, vector<16xf32>
        %mul3A_213 = arith.constant 128 : i32
        %mul3A_214 = arith.muli %add3A_203, %mul3A_213 : i32
        %add3A_215 = arith.constant 0 : i32
        %add3A_216 = arith.addi %mul3A_214, %add3A_215 : i32
        %swap3A_217 = arith.index_cast %add3A_216 : i32 to index
        %swap3A_218 = tpu.vector_load %arg6[%swap3A_217] {strides = array<i32>} : memref<25600xf32, #tpu.memory_space<vmem>>, vector<16xf32>,
        tpu.vector_store %arg6[%swap3A_217], %select_n3A_212 {strides = array<i32>} : memref<25600xf32, #tpu.memory_space<vmem>>, vector<16xf32>,
        %select_n3A_219 = arith.select %eq3A_211, %max3A_10, %max3A_50 : vector<16xi1>, vector<16xf32>
        %mul3A_220 = arith.constant 128 : i32
        %mul3A_221 = arith.muli %add3A_203, %mul3A_220 : i32
        %add3A_222 = arith.constant 16 : i32
        %add3A_223 = arith.addi %mul3A_221, %add3A_222 : i32
        %swap3A_224 = arith.index_cast %add3A_223 : i32 to index
        %swap3A_225 = tpu.vector_load %arg6[%swap3A_224] {strides = array<i32>} : memref<25600xf32, #tpu.memory_space<vmem>>, vector<16xf32>,
        tpu.vector_store %arg6[%swap3A_224], %select_n3A_219 {strides = array<i32>} : memref<25600xf32, #tpu.memory_space<vmem>>, vector<16xf32>,
        %select_n3A_226 = arith.select %eq3A_211, %max3A_15, %max3A_55 : vector<16xi1>, vector<16xf32>
        %mul3A_227 = arith.constant 128 : i32
        %mul3A_228 = arith.muli %add3A_203, %mul3A_227 : i32
        %add3A_229 = arith.constant 32 : i32
        %add3A_230 = arith.addi %mul3A_228, %add3A_229 : i32
        %swap3A_231 = arith.index_cast %add3A_230 : i32 to index
        %swap3A_232 = tpu.vector_load %arg6[%swap3A_231] {strides = array<i32>} : memref<25600xf32, #tpu.memory_space<vmem>>, vector<16xf32>,
        tpu.vector_store %arg6[%swap3A_231], %select_n3A_226 {strides = array<i32>} : memref<25600xf32, #tpu.memory_space<vmem>>, vector<16xf32>,
        %select_n3A_233 = arith.select %eq3A_211, %max3A_20, %max3A_60 : vector<16xi1>, vector<16xf32>
        %mul3A_234 = arith.constant 128 : i32
        %mul3A_235 = arith.muli %add3A_203, %mul3A_234 : i32
        %add3A_236 = arith.constant 48 : i32
        %add3A_237 = arith.addi %mul3A_235, %add3A_236 : i32
        %swap3A_238 = arith.index_cast %add3A_237 : i32 to index
        %swap3A_239 = tpu.vector_load %arg6[%swap3A_238] {strides = array<i32>} : memref<25600xf32, #tpu.memory_space<vmem>>, vector<16xf32>,
        tpu.vector_store %arg6[%swap3A_238], %select_n3A_233 {strides = array<i32>} : memref<25600xf32, #tpu.memory_space<vmem>>, vector<16xf32>,
        %select_n3A_240 = arith.select %eq3A_211, %max3A_25, %max3A_65 : vector<16xi1>, vector<16xf32>
        %mul3A_241 = arith.constant 128 : i32
        %mul3A_242 = arith.muli %add3A_203, %mul3A_241 : i32
        %add3A_243 = arith.constant 64 : i32
        %add3A_244 = arith.addi %mul3A_242, %add3A_243 : i32
        %swap3A_245 = arith.index_cast %add3A_244 : i32 to index
        %swap3A_246 = tpu.vector_load %arg6[%swap3A_245] {strides = array<i32>} : memref<25600xf32, #tpu.memory_space<vmem>>, vector<16xf32>,
        tpu.vector_store %arg6[%swap3A_245], %select_n3A_240 {strides = array<i32>} : memref<25600xf32, #tpu.memory_space<vmem>>, vector<16xf32>,
        %select_n3A_247 = arith.select %eq3A_211, %max3A_30, %max3A_70 : vector<16xi1>, vector<16xf32>
        %mul3A_248 = arith.constant 128 : i32
        %mul3A_249 = arith.muli %add3A_203, %mul3A_248 : i32
        %add3A_250 = arith.constant 80 : i32
        %add3A_251 = arith.addi %mul3A_249, %add3A_250 : i32
        %swap3A_252 = arith.index_cast %add3A_251 : i32 to index
        %swap3A_253 = tpu.vector_load %arg6[%swap3A_252] {strides = array<i32>} : memref<25600xf32, #tpu.memory_space<vmem>>, vector<16xf32>,
        tpu.vector_store %arg6[%swap3A_252], %select_n3A_247 {strides = array<i32>} : memref<25600xf32, #tpu.memory_space<vmem>>, vector<16xf32>,
        %select_n3A_254 = arith.select %eq3A_211, %max3A_35, %max3A_75 : vector<16xi1>, vector<16xf32>
        %mul3A_255 = arith.constant 128 : i32
        %mul3A_256 = arith.muli %add3A_203, %mul3A_255 : i32
        %add3A_257 = arith.constant 96 : i32
        %add3A_258 = arith.addi %mul3A_256, %add3A_257 : i32
        %swap3A_259 = arith.index_cast %add3A_258 : i32 to index
        %swap3A_260 = tpu.vector_load %arg6[%swap3A_259] {strides = array<i32>} : memref<25600xf32, #tpu.memory_space<vmem>>, vector<16xf32>,
        tpu.vector_store %arg6[%swap3A_259], %select_n3A_254 {strides = array<i32>} : memref<25600xf32, #tpu.memory_space<vmem>>, vector<16xf32>,
        %select_n3A_261 = arith.select %eq3A_211, %max3A_40, %max3A_80 : vector<16xi1>, vector<16xf32>
        %mul3A_262 = arith.constant 128 : i32
        %mul3A_263 = arith.muli %add3A_203, %mul3A_262 : i32
        %add3A_264 = arith.constant 112 : i32
        %add3A_265 = arith.addi %mul3A_263, %add3A_264 : i32
        %swap3A_266 = arith.index_cast %add3A_265 : i32 to index
        %swap3A_267 = tpu.vector_load %arg6[%swap3A_266] {strides = array<i32>} : memref<25600xf32, #tpu.memory_space<vmem>>, vector<16xf32>,
        tpu.vector_store %arg6[%swap3A_266], %select_n3A_261 {strides = array<i32>} : memref<25600xf32, #tpu.memory_space<vmem>>, vector<16xf32>,
        %mul3A_268 = arith.constant 25 : i32
        %mul3A_269 = arith.muli %scan3A_136, %mul3A_268 : i32
        %add3A_270 = arith.constant 2 : i32
        %add3A_271 = arith.addi %mul3A_269, %add3A_270 : i32
        %mul3A_272 = arith.constant 200 : i32
        %mul3A_273 = arith.muli %add3A_101, %mul3A_272 : i32
        %add3A_274 = arith.addi %mul3A_273, %add3A_271 : i32
        %broadcast_in_dim3A_275 = vector.broadcast %add3A_274 : i32 to vector<16xi32>
        %gather3A_276 = tpu.vector_load_idx %arg5[%broadcast_in_dim3A_275] : memref<10000xi32, #tpu.memory_space<vmem>>[vector<16xi32>], vector<16xi32>,
        %eq3A_277 = arith.constant 0 : i32
        %eq3A_278 = vector.broadcast %eq3A_277 : i32 to vector<16xi32>
        %eq3A_279 = arith.cmpi eq, %gather3A_276, %eq3A_278 : vector<16xi32>
        %select_n3A_280 = arith.select %eq3A_279, %max3A_5, %max3A_45 : vector<16xi1>, vector<16xf32>
        %mul3A_281 = arith.constant 128 : i32
        %mul3A_282 = arith.muli %add3A_271, %mul3A_281 : i32
        %add3A_283 = arith.constant 0 : i32
        %add3A_284 = arith.addi %mul3A_282, %add3A_283 : i32
        %swap3A_285 = arith.index_cast %add3A_284 : i32 to index
        %swap3A_286 = tpu.vector_load %arg6[%swap3A_285] {strides = array<i32>} : memref<25600xf32, #tpu.memory_space<vmem>>, vector<16xf32>,
        tpu.vector_store %arg6[%swap3A_285], %select_n3A_280 {strides = array<i32>} : memref<25600xf32, #tpu.memory_space<vmem>>, vector<16xf32>,
        %select_n3A_287 = arith.select %eq3A_279, %max3A_10, %max3A_50 : vector<16xi1>, vector<16xf32>
        %mul3A_288 = arith.constant 128 : i32
        %mul3A_289 = arith.muli %add3A_271, %mul3A_288 : i32
        %add3A_290 = arith.constant 16 : i32
        %add3A_291 = arith.addi %mul3A_289, %add3A_290 : i32
        %swap3A_292 = arith.index_cast %add3A_291 : i32 to index
        %swap3A_293 = tpu.vector_load %arg6[%swap3A_292] {strides = array<i32>} : memref<25600xf32, #tpu.memory_space<vmem>>, vector<16xf32>,
        tpu.vector_store %arg6[%swap3A_292], %select_n3A_287 {strides = array<i32>} : memref<25600xf32, #tpu.memory_space<vmem>>, vector<16xf32>,
        %select_n3A_294 = arith.select %eq3A_279, %max3A_15, %max3A_55 : vector<16xi1>, vector<16xf32>
        %mul3A_295 = arith.constant 128 : i32
        %mul3A_296 = arith.muli %add3A_271, %mul3A_295 : i32
        %add3A_297 = arith.constant 32 : i32
        %add3A_298 = arith.addi %mul3A_296, %add3A_297 : i32
        %swap3A_299 = arith.index_cast %add3A_298 : i32 to index
        %swap3A_300 = tpu.vector_load %arg6[%swap3A_299] {strides = array<i32>} : memref<25600xf32, #tpu.memory_space<vmem>>, vector<16xf32>,
        tpu.vector_store %arg6[%swap3A_299], %select_n3A_294 {strides = array<i32>} : memref<25600xf32, #tpu.memory_space<vmem>>, vector<16xf32>,
        %select_n3A_301 = arith.select %eq3A_279, %max3A_20, %max3A_60 : vector<16xi1>, vector<16xf32>
        %mul3A_302 = arith.constant 128 : i32
        %mul3A_303 = arith.muli %add3A_271, %mul3A_302 : i32
        %add3A_304 = arith.constant 48 : i32
        %add3A_305 = arith.addi %mul3A_303, %add3A_304 : i32
        %swap3A_306 = arith.index_cast %add3A_305 : i32 to index
        %swap3A_307 = tpu.vector_load %arg6[%swap3A_306] {strides = array<i32>} : memref<25600xf32, #tpu.memory_space<vmem>>, vector<16xf32>,
        tpu.vector_store %arg6[%swap3A_306], %select_n3A_301 {strides = array<i32>} : memref<25600xf32, #tpu.memory_space<vmem>>, vector<16xf32>,
        %select_n3A_308 = arith.select %eq3A_279, %max3A_25, %max3A_65 : vector<16xi1>, vector<16xf32>
        %mul3A_309 = arith.constant 128 : i32
        %mul3A_310 = arith.muli %add3A_271, %mul3A_309 : i32
        %add3A_311 = arith.constant 64 : i32
        %add3A_312 = arith.addi %mul3A_310, %add3A_311 : i32
        %swap3A_313 = arith.index_cast %add3A_312 : i32 to index
        %swap3A_314 = tpu.vector_load %arg6[%swap3A_313] {strides = array<i32>} : memref<25600xf32, #tpu.memory_space<vmem>>, vector<16xf32>,
        tpu.vector_store %arg6[%swap3A_313], %select_n3A_308 {strides = array<i32>} : memref<25600xf32, #tpu.memory_space<vmem>>, vector<16xf32>,
        %select_n3A_315 = arith.select %eq3A_279, %max3A_30, %max3A_70 : vector<16xi1>, vector<16xf32>
        %mul3A_316 = arith.constant 128 : i32
        %mul3A_317 = arith.muli %add3A_271, %mul3A_316 : i32
        %add3A_318 = arith.constant 80 : i32
        %add3A_319 = arith.addi %mul3A_317, %add3A_318 : i32
        %swap3A_320 = arith.index_cast %add3A_319 : i32 to index
        %swap3A_321 = tpu.vector_load %arg6[%swap3A_320] {strides = array<i32>} : memref<25600xf32, #tpu.memory_space<vmem>>, vector<16xf32>,
        tpu.vector_store %arg6[%swap3A_320], %select_n3A_315 {strides = array<i32>} : memref<25600xf32, #tpu.memory_space<vmem>>, vector<16xf32>,
        %select_n3A_322 = arith.select %eq3A_279, %max3A_35, %max3A_75 : vector<16xi1>, vector<16xf32>
        %mul3A_323 = arith.constant 128 : i32
        %mul3A_324 = arith.muli %add3A_271, %mul3A_323 : i32
        %add3A_325 = arith.constant 96 : i32
        %add3A_326 = arith.addi %mul3A_324, %add3A_325 : i32
        %swap3A_327 = arith.index_cast %add3A_326 : i32 to index
        %swap3A_328 = tpu.vector_load %arg6[%swap3A_327] {strides = array<i32>} : memref<25600xf32, #tpu.memory_space<vmem>>, vector<16xf32>,
        tpu.vector_store %arg6[%swap3A_327], %select_n3A_322 {strides = array<i32>} : memref<25600xf32, #tpu.memory_space<vmem>>, vector<16xf32>,
        %select_n3A_329 = arith.select %eq3A_279, %max3A_40, %max3A_80 : vector<16xi1>, vector<16xf32>
        %mul3A_330 = arith.constant 128 : i32
        %mul3A_331 = arith.muli %add3A_271, %mul3A_330 : i32
        %add3A_332 = arith.constant 112 : i32
        %add3A_333 = arith.addi %mul3A_331, %add3A_332 : i32
        %swap3A_334 = arith.index_cast %add3A_333 : i32 to index
        %swap3A_335 = tpu.vector_load %arg6[%swap3A_334] {strides = array<i32>} : memref<25600xf32, #tpu.memory_space<vmem>>, vector<16xf32>,
        tpu.vector_store %arg6[%swap3A_334], %select_n3A_329 {strides = array<i32>} : memref<25600xf32, #tpu.memory_space<vmem>>, vector<16xf32>,
        %mul3A_336 = arith.constant 25 : i32
        %mul3A_337 = arith.muli %scan3A_136, %mul3A_336 : i32
        %add3A_338 = arith.constant 3 : i32
        %add3A_339 = arith.addi %mul3A_337, %add3A_338 : i32
        %mul3A_340 = arith.constant 200 : i32
        %mul3A_341 = arith.muli %add3A_101, %mul3A_340 : i32
        %add3A_342 = arith.addi %mul3A_341, %add3A_339 : i32
        %broadcast_in_dim3A_343 = vector.broadcast %add3A_342 : i32 to vector<16xi32>
        %gather3A_344 = tpu.vector_load_idx %arg5[%broadcast_in_dim3A_343] : memref<10000xi32, #tpu.memory_space<vmem>>[vector<16xi32>], vector<16xi32>,
        %eq3A_345 = arith.constant 0 : i32
        %eq3A_346 = vector.broadcast %eq3A_345 : i32 to vector<16xi32>
        %eq3A_347 = arith.cmpi eq, %gather3A_344, %eq3A_346 : vector<16xi32>
        %select_n3A_348 = arith.select %eq3A_347, %max3A_5, %max3A_45 : vector<16xi1>, vector<16xf32>
        %mul3A_349 = arith.constant 128 : i32
        %mul3A_350 = arith.muli %add3A_339, %mul3A_349 : i32
        %add3A_351 = arith.constant 0 : i32
        %add3A_352 = arith.addi %mul3A_350, %add3A_351 : i32
        %swap3A_353 = arith.index_cast %add3A_352 : i32 to index
        %swap3A_354 = tpu.vector_load %arg6[%swap3A_353] {strides = array<i32>} : memref<25600xf32, #tpu.memory_space<vmem>>, vector<16xf32>,
        tpu.vector_store %arg6[%swap3A_353], %select_n3A_348 {strides = array<i32>} : memref<25600xf32, #tpu.memory_space<vmem>>, vector<16xf32>,
        %select_n3A_355 = arith.select %eq3A_347, %max3A_10, %max3A_50 : vector<16xi1>, vector<16xf32>
        %mul3A_356 = arith.constant 128 : i32
        %mul3A_357 = arith.muli %add3A_339, %mul3A_356 : i32
        %add3A_358 = arith.constant 16 : i32
        %add3A_359 = arith.addi %mul3A_357, %add3A_358 : i32
        %swap3A_360 = arith.index_cast %add3A_359 : i32 to index
        %swap3A_361 = tpu.vector_load %arg6[%swap3A_360] {strides = array<i32>} : memref<25600xf32, #tpu.memory_space<vmem>>, vector<16xf32>,
        tpu.vector_store %arg6[%swap3A_360], %select_n3A_355 {strides = array<i32>} : memref<25600xf32, #tpu.memory_space<vmem>>, vector<16xf32>,
        %select_n3A_362 = arith.select %eq3A_347, %max3A_15, %max3A_55 : vector<16xi1>, vector<16xf32>
        %mul3A_363 = arith.constant 128 : i32
        %mul3A_364 = arith.muli %add3A_339, %mul3A_363 : i32
        %add3A_365 = arith.constant 32 : i32
        %add3A_366 = arith.addi %mul3A_364, %add3A_365 : i32
        %swap3A_367 = arith.index_cast %add3A_366 : i32 to index
        %swap3A_368 = tpu.vector_load %arg6[%swap3A_367] {strides = array<i32>} : memref<25600xf32, #tpu.memory_space<vmem>>, vector<16xf32>,
        tpu.vector_store %arg6[%swap3A_367], %select_n3A_362 {strides = array<i32>} : memref<25600xf32, #tpu.memory_space<vmem>>, vector<16xf32>,
        %select_n3A_369 = arith.select %eq3A_347, %max3A_20, %max3A_60 : vector<16xi1>, vector<16xf32>
        %mul3A_370 = arith.constant 128 : i32
        %mul3A_371 = arith.muli %add3A_339, %mul3A_370 : i32
        %add3A_372 = arith.constant 48 : i32
        %add3A_373 = arith.addi %mul3A_371, %add3A_372 : i32
        %swap3A_374 = arith.index_cast %add3A_373 : i32 to index
        %swap3A_375 = tpu.vector_load %arg6[%swap3A_374] {strides = array<i32>} : memref<25600xf32, #tpu.memory_space<vmem>>, vector<16xf32>,
        tpu.vector_store %arg6[%swap3A_374], %select_n3A_369 {strides = array<i32>} : memref<25600xf32, #tpu.memory_space<vmem>>, vector<16xf32>,
        %select_n3A_376 = arith.select %eq3A_347, %max3A_25, %max3A_65 : vector<16xi1>, vector<16xf32>
        %mul3A_377 = arith.constant 128 : i32
        %mul3A_378 = arith.muli %add3A_339, %mul3A_377 : i32
        %add3A_379 = arith.constant 64 : i32
        %add3A_380 = arith.addi %mul3A_378, %add3A_379 : i32
        %swap3A_381 = arith.index_cast %add3A_380 : i32 to index
        %swap3A_382 = tpu.vector_load %arg6[%swap3A_381] {strides = array<i32>} : memref<25600xf32, #tpu.memory_space<vmem>>, vector<16xf32>,
        tpu.vector_store %arg6[%swap3A_381], %select_n3A_376 {strides = array<i32>} : memref<25600xf32, #tpu.memory_space<vmem>>, vector<16xf32>,
        %select_n3A_383 = arith.select %eq3A_347, %max3A_30, %max3A_70 : vector<16xi1>, vector<16xf32>
        %mul3A_384 = arith.constant 128 : i32
        %mul3A_385 = arith.muli %add3A_339, %mul3A_384 : i32
        %add3A_386 = arith.constant 80 : i32
        %add3A_387 = arith.addi %mul3A_385, %add3A_386 : i32
        %swap3A_388 = arith.index_cast %add3A_387 : i32 to index
        %swap3A_389 = tpu.vector_load %arg6[%swap3A_388] {strides = array<i32>} : memref<25600xf32, #tpu.memory_space<vmem>>, vector<16xf32>,
        tpu.vector_store %arg6[%swap3A_388], %select_n3A_383 {strides = array<i32>} : memref<25600xf32, #tpu.memory_space<vmem>>, vector<16xf32>,
        %select_n3A_390 = arith.select %eq3A_347, %max3A_35, %max3A_75 : vector<16xi1>, vector<16xf32>
        %mul3A_391 = arith.constant 128 : i32
        %mul3A_392 = arith.muli %add3A_339, %mul3A_391 : i32
        %add3A_393 = arith.constant 96 : i32
        %add3A_394 = arith.addi %mul3A_392, %add3A_393 : i32
        %swap3A_395 = arith.index_cast %add3A_394 : i32 to index
        %swap3A_396 = tpu.vector_load %arg6[%swap3A_395] {strides = array<i32>} : memref<25600xf32, #tpu.memory_space<vmem>>, vector<16xf32>,
        tpu.vector_store %arg6[%swap3A_395], %select_n3A_390 {strides = array<i32>} : memref<25600xf32, #tpu.memory_space<vmem>>, vector<16xf32>,
        %select_n3A_397 = arith.select %eq3A_347, %max3A_40, %max3A_80 : vector<16xi1>, vector<16xf32>
        %mul3A_398 = arith.constant 128 : i32
        %mul3A_399 = arith.muli %add3A_339, %mul3A_398 : i32
        %add3A_400 = arith.constant 112 : i32
        %add3A_401 = arith.addi %mul3A_399, %add3A_400 : i32
        %swap3A_402 = arith.index_cast %add3A_401 : i32 to index
        %swap3A_403 = tpu.vector_load %arg6[%swap3A_402] {strides = array<i32>} : memref<25600xf32, #tpu.memory_space<vmem>>, vector<16xf32>,
        tpu.vector_store %arg6[%swap3A_402], %select_n3A_397 {strides = array<i32>} : memref<25600xf32, #tpu.memory_space<vmem>>, vector<16xf32>,
        %mul3A_404 = arith.constant 25 : i32
        %mul3A_405 = arith.muli %scan3A_136, %mul3A_404 : i32
        %add3A_406 = arith.constant 4 : i32
        %add3A_407 = arith.addi %mul3A_405, %add3A_406 : i32
        %mul3A_408 = arith.constant 200 : i32
        %mul3A_409 = arith.muli %add3A_101, %mul3A_408 : i32
        %add3A_410 = arith.addi %mul3A_409, %add3A_407 : i32
        %broadcast_in_dim3A_411 = vector.broadcast %add3A_410 : i32 to vector<16xi32>
        %gather3A_412 = tpu.vector_load_idx %arg5[%broadcast_in_dim3A_411] : memref<10000xi32, #tpu.memory_space<vmem>>[vector<16xi32>], vector<16xi32>,
        %eq3A_413 = arith.constant 0 : i32
        %eq3A_414 = vector.broadcast %eq3A_413 : i32 to vector<16xi32>
        %eq3A_415 = arith.cmpi eq, %gather3A_412, %eq3A_414 : vector<16xi32>
        %select_n3A_416 = arith.select %eq3A_415, %max3A_5, %max3A_45 : vector<16xi1>, vector<16xf32>
        %mul3A_417 = arith.constant 128 : i32
        %mul3A_418 = arith.muli %add3A_407, %mul3A_417 : i32
        %add3A_419 = arith.constant 0 : i32
        %add3A_420 = arith.addi %mul3A_418, %add3A_419 : i32
        %swap3A_421 = arith.index_cast %add3A_420 : i32 to index
        %swap3A_422 = tpu.vector_load %arg6[%swap3A_421] {strides = array<i32>} : memref<25600xf32, #tpu.memory_space<vmem>>, vector<16xf32>,
        tpu.vector_store %arg6[%swap3A_421], %select_n3A_416 {strides = array<i32>} : memref<25600xf32, #tpu.memory_space<vmem>>, vector<16xf32>,
        %select_n3A_423 = arith.select %eq3A_415, %max3A_10, %max3A_50 : vector<16xi1>, vector<16xf32>
        %mul3A_424 = arith.constant 128 : i32
        %mul3A_425 = arith.muli %add3A_407, %mul3A_424 : i32
        %add3A_426 = arith.constant 16 : i32
        %add3A_427 = arith.addi %mul3A_425, %add3A_426 : i32
        %swap3A_428 = arith.index_cast %add3A_427 : i32 to index
        %swap3A_429 = tpu.vector_load %arg6[%swap3A_428] {strides = array<i32>} : memref<25600xf32, #tpu.memory_space<vmem>>, vector<16xf32>,
        tpu.vector_store %arg6[%swap3A_428], %select_n3A_423 {strides = array<i32>} : memref<25600xf32, #tpu.memory_space<vmem>>, vector<16xf32>,
        %select_n3A_430 = arith.select %eq3A_415, %max3A_15, %max3A_55 : vector<16xi1>, vector<16xf32>
        %mul3A_431 = arith.constant 128 : i32
        %mul3A_432 = arith.muli %add3A_407, %mul3A_431 : i32
        %add3A_433 = arith.constant 32 : i32
        %add3A_434 = arith.addi %mul3A_432, %add3A_433 : i32
        %swap3A_435 = arith.index_cast %add3A_434 : i32 to index
        %swap3A_436 = tpu.vector_load %arg6[%swap3A_435] {strides = array<i32>} : memref<25600xf32, #tpu.memory_space<vmem>>, vector<16xf32>,
        tpu.vector_store %arg6[%swap3A_435], %select_n3A_430 {strides = array<i32>} : memref<25600xf32, #tpu.memory_space<vmem>>, vector<16xf32>,
        %select_n3A_437 = arith.select %eq3A_415, %max3A_20, %max3A_60 : vector<16xi1>, vector<16xf32>
        %mul3A_438 = arith.constant 128 : i32
        %mul3A_439 = arith.muli %add3A_407, %mul3A_438 : i32
        %add3A_440 = arith.constant 48 : i32
        %add3A_441 = arith.addi %mul3A_439, %add3A_440 : i32
        %swap3A_442 = arith.index_cast %add3A_441 : i32 to index
        %swap3A_443 = tpu.vector_load %arg6[%swap3A_442] {strides = array<i32>} : memref<25600xf32, #tpu.memory_space<vmem>>, vector<16xf32>,
        tpu.vector_store %arg6[%swap3A_442], %select_n3A_437 {strides = array<i32>} : memref<25600xf32, #tpu.memory_space<vmem>>, vector<16xf32>,
        %select_n3A_444 = arith.select %eq3A_415, %max3A_25, %max3A_65 : vector<16xi1>, vector<16xf32>
        %mul3A_445 = arith.constant 128 : i32
        %mul3A_446 = arith.muli %add3A_407, %mul3A_445 : i32
        %add3A_447 = arith.constant 64 : i32
        %add3A_448 = arith.addi %mul3A_446, %add3A_447 : i32
        %swap3A_449 = arith.index_cast %add3A_448 : i32 to index
        %swap3A_450 = tpu.vector_load %arg6[%swap3A_449] {strides = array<i32>} : memref<25600xf32, #tpu.memory_space<vmem>>, vector<16xf32>,
        tpu.vector_store %arg6[%swap3A_449], %select_n3A_444 {strides = array<i32>} : memref<25600xf32, #tpu.memory_space<vmem>>, vector<16xf32>,
        %select_n3A_451 = arith.select %eq3A_415, %max3A_30, %max3A_70 : vector<16xi1>, vector<16xf32>
        %mul3A_452 = arith.constant 128 : i32
        %mul3A_453 = arith.muli %add3A_407, %mul3A_452 : i32
        %add3A_454 = arith.constant 80 : i32
        %add3A_455 = arith.addi %mul3A_453, %add3A_454 : i32
        %swap3A_456 = arith.index_cast %add3A_455 : i32 to index
        %swap3A_457 = tpu.vector_load %arg6[%swap3A_456] {strides = array<i32>} : memref<25600xf32, #tpu.memory_space<vmem>>, vector<16xf32>,
        tpu.vector_store %arg6[%swap3A_456], %select_n3A_451 {strides = array<i32>} : memref<25600xf32, #tpu.memory_space<vmem>>, vector<16xf32>,
        %select_n3A_458 = arith.select %eq3A_415, %max3A_35, %max3A_75 : vector<16xi1>, vector<16xf32>
        %mul3A_459 = arith.constant 128 : i32
        %mul3A_460 = arith.muli %add3A_407, %mul3A_459 : i32
        %add3A_461 = arith.constant 96 : i32
        %add3A_462 = arith.addi %mul3A_460, %add3A_461 : i32
        %swap3A_463 = arith.index_cast %add3A_462 : i32 to index
        %swap3A_464 = tpu.vector_load %arg6[%swap3A_463] {strides = array<i32>} : memref<25600xf32, #tpu.memory_space<vmem>>, vector<16xf32>,
        tpu.vector_store %arg6[%swap3A_463], %select_n3A_458 {strides = array<i32>} : memref<25600xf32, #tpu.memory_space<vmem>>, vector<16xf32>,
        %select_n3A_465 = arith.select %eq3A_415, %max3A_40, %max3A_80 : vector<16xi1>, vector<16xf32>
        %mul3A_466 = arith.constant 128 : i32
        %mul3A_467 = arith.muli %add3A_407, %mul3A_466 : i32
        %add3A_468 = arith.constant 112 : i32
        %add3A_469 = arith.addi %mul3A_467, %add3A_468 : i32
        %swap3A_470 = arith.index_cast %add3A_469 : i32 to index
        %swap3A_471 = tpu.vector_load %arg6[%swap3A_470] {strides = array<i32>} : memref<25600xf32, #tpu.memory_space<vmem>>, vector<16xf32>,
        tpu.vector_store %arg6[%swap3A_470], %select_n3A_465 {strides = array<i32>} : memref<25600xf32, #tpu.memory_space<vmem>>, vector<16xf32>,
        %mul3A_472 = arith.constant 25 : i32
        %mul3A_473 = arith.muli %scan3A_136, %mul3A_472 : i32
        %add3A_474 = arith.constant 5 : i32
        %add3A_475 = arith.addi %mul3A_473, %add3A_474 : i32
        %mul3A_476 = arith.constant 200 : i32
        %mul3A_477 = arith.muli %add3A_101, %mul3A_476 : i32
        %add3A_478 = arith.addi %mul3A_477, %add3A_475 : i32
        %broadcast_in_dim3A_479 = vector.broadcast %add3A_478 : i32 to vector<16xi32>
        %gather3A_480 = tpu.vector_load_idx %arg5[%broadcast_in_dim3A_479] : memref<10000xi32, #tpu.memory_space<vmem>>[vector<16xi32>], vector<16xi32>,
        %eq3A_481 = arith.constant 0 : i32
        %eq3A_482 = vector.broadcast %eq3A_481 : i32 to vector<16xi32>
        %eq3A_483 = arith.cmpi eq, %gather3A_480, %eq3A_482 : vector<16xi32>
        %select_n3A_484 = arith.select %eq3A_483, %max3A_5, %max3A_45 : vector<16xi1>, vector<16xf32>
        %mul3A_485 = arith.constant 128 : i32
        %mul3A_486 = arith.muli %add3A_475, %mul3A_485 : i32
        %add3A_487 = arith.constant 0 : i32
        %add3A_488 = arith.addi %mul3A_486, %add3A_487 : i32
        %swap3A_489 = arith.index_cast %add3A_488 : i32 to index
        %swap3A_490 = tpu.vector_load %arg6[%swap3A_489] {strides = array<i32>} : memref<25600xf32, #tpu.memory_space<vmem>>, vector<16xf32>,
        tpu.vector_store %arg6[%swap3A_489], %select_n3A_484 {strides = array<i32>} : memref<25600xf32, #tpu.memory_space<vmem>>, vector<16xf32>,
        %select_n3A_491 = arith.select %eq3A_483, %max3A_10, %max3A_50 : vector<16xi1>, vector<16xf32>
        %mul3A_492 = arith.constant 128 : i32
        %mul3A_493 = arith.muli %add3A_475, %mul3A_492 : i32
        %add3A_494 = arith.constant 16 : i32
        %add3A_495 = arith.addi %mul3A_493, %add3A_494 : i32
        %swap3A_496 = arith.index_cast %add3A_495 : i32 to index
        %swap3A_497 = tpu.vector_load %arg6[%swap3A_496] {strides = array<i32>} : memref<25600xf32, #tpu.memory_space<vmem>>, vector<16xf32>,
        tpu.vector_store %arg6[%swap3A_496], %select_n3A_491 {strides = array<i32>} : memref<25600xf32, #tpu.memory_space<vmem>>, vector<16xf32>,
        %select_n3A_498 = arith.select %eq3A_483, %max3A_15, %max3A_55 : vector<16xi1>, vector<16xf32>
        %mul3A_499 = arith.constant 128 : i32
        %mul3A_500 = arith.muli %add3A_475, %mul3A_499 : i32
        %add3A_501 = arith.constant 32 : i32
        %add3A_502 = arith.addi %mul3A_500, %add3A_501 : i32
        %swap3A_503 = arith.index_cast %add3A_502 : i32 to index
        %swap3A_504 = tpu.vector_load %arg6[%swap3A_503] {strides = array<i32>} : memref<25600xf32, #tpu.memory_space<vmem>>, vector<16xf32>,
        tpu.vector_store %arg6[%swap3A_503], %select_n3A_498 {strides = array<i32>} : memref<25600xf32, #tpu.memory_space<vmem>>, vector<16xf32>,
        %select_n3A_505 = arith.select %eq3A_483, %max3A_20, %max3A_60 : vector<16xi1>, vector<16xf32>
        %mul3A_506 = arith.constant 128 : i32
        %mul3A_507 = arith.muli %add3A_475, %mul3A_506 : i32
        %add3A_508 = arith.constant 48 : i32
        %add3A_509 = arith.addi %mul3A_507, %add3A_508 : i32
        %swap3A_510 = arith.index_cast %add3A_509 : i32 to index
        %swap3A_511 = tpu.vector_load %arg6[%swap3A_510] {strides = array<i32>} : memref<25600xf32, #tpu.memory_space<vmem>>, vector<16xf32>,
        tpu.vector_store %arg6[%swap3A_510], %select_n3A_505 {strides = array<i32>} : memref<25600xf32, #tpu.memory_space<vmem>>, vector<16xf32>,
        %select_n3A_512 = arith.select %eq3A_483, %max3A_25, %max3A_65 : vector<16xi1>, vector<16xf32>
        %mul3A_513 = arith.constant 128 : i32
        %mul3A_514 = arith.muli %add3A_475, %mul3A_513 : i32
        %add3A_515 = arith.constant 64 : i32
        %add3A_516 = arith.addi %mul3A_514, %add3A_515 : i32
        %swap3A_517 = arith.index_cast %add3A_516 : i32 to index
        %swap3A_518 = tpu.vector_load %arg6[%swap3A_517] {strides = array<i32>} : memref<25600xf32, #tpu.memory_space<vmem>>, vector<16xf32>,
        tpu.vector_store %arg6[%swap3A_517], %select_n3A_512 {strides = array<i32>} : memref<25600xf32, #tpu.memory_space<vmem>>, vector<16xf32>,
        %select_n3A_519 = arith.select %eq3A_483, %max3A_30, %max3A_70 : vector<16xi1>, vector<16xf32>
        %mul3A_520 = arith.constant 128 : i32
        %mul3A_521 = arith.muli %add3A_475, %mul3A_520 : i32
        %add3A_522 = arith.constant 80 : i32
        %add3A_523 = arith.addi %mul3A_521, %add3A_522 : i32
        %swap3A_524 = arith.index_cast %add3A_523 : i32 to index
        %swap3A_525 = tpu.vector_load %arg6[%swap3A_524] {strides = array<i32>} : memref<25600xf32, #tpu.memory_space<vmem>>, vector<16xf32>,
        tpu.vector_store %arg6[%swap3A_524], %select_n3A_519 {strides = array<i32>} : memref<25600xf32, #tpu.memory_space<vmem>>, vector<16xf32>,
        %select_n3A_526 = arith.select %eq3A_483, %max3A_35, %max3A_75 : vector<16xi1>, vector<16xf32>
        %mul3A_527 = arith.constant 128 : i32
        %mul3A_528 = arith.muli %add3A_475, %mul3A_527 : i32
        %add3A_529 = arith.constant 96 : i32
        %add3A_530 = arith.addi %mul3A_528, %add3A_529 : i32
        %swap3A_531 = arith.index_cast %add3A_530 : i32 to index
        %swap3A_532 = tpu.vector_load %arg6[%swap3A_531] {strides = array<i32>} : memref<25600xf32, #tpu.memory_space<vmem>>, vector<16xf32>,
        tpu.vector_store %arg6[%swap3A_531], %select_n3A_526 {strides = array<i32>} : memref<25600xf32, #tpu.memory_space<vmem>>, vector<16xf32>,
        %select_n3A_533 = arith.select %eq3A_483, %max3A_40, %max3A_80 : vector<16xi1>, vector<16xf32>
        %mul3A_534 = arith.constant 128 : i32
        %mul3A_535 = arith.muli %add3A_475, %mul3A_534 : i32
        %add3A_536 = arith.constant 112 : i32
        %add3A_537 = arith.addi %mul3A_535, %add3A_536 : i32
        %swap3A_538 = arith.index_cast %add3A_537 : i32 to index
        %swap3A_539 = tpu.vector_load %arg6[%swap3A_538] {strides = array<i32>} : memref<25600xf32, #tpu.memory_space<vmem>>, vector<16xf32>,
        tpu.vector_store %arg6[%swap3A_538], %select_n3A_533 {strides = array<i32>} : memref<25600xf32, #tpu.memory_space<vmem>>, vector<16xf32>,
        %mul3A_540 = arith.constant 25 : i32
        %mul3A_541 = arith.muli %scan3A_136, %mul3A_540 : i32
        %add3A_542 = arith.constant 6 : i32
        %add3A_543 = arith.addi %mul3A_541, %add3A_542 : i32
        %mul3A_544 = arith.constant 200 : i32
        %mul3A_545 = arith.muli %add3A_101, %mul3A_544 : i32
        %add3A_546 = arith.addi %mul3A_545, %add3A_543 : i32
        %broadcast_in_dim3A_547 = vector.broadcast %add3A_546 : i32 to vector<16xi32>
        %gather3A_548 = tpu.vector_load_idx %arg5[%broadcast_in_dim3A_547] : memref<10000xi32, #tpu.memory_space<vmem>>[vector<16xi32>], vector<16xi32>,
        %eq3A_549 = arith.constant 0 : i32
        %eq3A_550 = vector.broadcast %eq3A_549 : i32 to vector<16xi32>
        %eq3A_551 = arith.cmpi eq, %gather3A_548, %eq3A_550 : vector<16xi32>
        %select_n3A_552 = arith.select %eq3A_551, %max3A_5, %max3A_45 : vector<16xi1>, vector<16xf32>
        %mul3A_553 = arith.constant 128 : i32
        %mul3A_554 = arith.muli %add3A_543, %mul3A_553 : i32
        %add3A_555 = arith.constant 0 : i32
        %add3A_556 = arith.addi %mul3A_554, %add3A_555 : i32
        %swap3A_557 = arith.index_cast %add3A_556 : i32 to index
        %swap3A_558 = tpu.vector_load %arg6[%swap3A_557] {strides = array<i32>} : memref<25600xf32, #tpu.memory_space<vmem>>, vector<16xf32>,
        tpu.vector_store %arg6[%swap3A_557], %select_n3A_552 {strides = array<i32>} : memref<25600xf32, #tpu.memory_space<vmem>>, vector<16xf32>,
        %select_n3A_559 = arith.select %eq3A_551, %max3A_10, %max3A_50 : vector<16xi1>, vector<16xf32>
        %mul3A_560 = arith.constant 128 : i32
        %mul3A_561 = arith.muli %add3A_543, %mul3A_560 : i32
        %add3A_562 = arith.constant 16 : i32
        %add3A_563 = arith.addi %mul3A_561, %add3A_562 : i32
        %swap3A_564 = arith.index_cast %add3A_563 : i32 to index
        %swap3A_565 = tpu.vector_load %arg6[%swap3A_564] {strides = array<i32>} : memref<25600xf32, #tpu.memory_space<vmem>>, vector<16xf32>,
        tpu.vector_store %arg6[%swap3A_564], %select_n3A_559 {strides = array<i32>} : memref<25600xf32, #tpu.memory_space<vmem>>, vector<16xf32>,
        %select_n3A_566 = arith.select %eq3A_551, %max3A_15, %max3A_55 : vector<16xi1>, vector<16xf32>
        %mul3A_567 = arith.constant 128 : i32
        %mul3A_568 = arith.muli %add3A_543, %mul3A_567 : i32
        %add3A_569 = arith.constant 32 : i32
        %add3A_570 = arith.addi %mul3A_568, %add3A_569 : i32
        %swap3A_571 = arith.index_cast %add3A_570 : i32 to index
        %swap3A_572 = tpu.vector_load %arg6[%swap3A_571] {strides = array<i32>} : memref<25600xf32, #tpu.memory_space<vmem>>, vector<16xf32>,
        tpu.vector_store %arg6[%swap3A_571], %select_n3A_566 {strides = array<i32>} : memref<25600xf32, #tpu.memory_space<vmem>>, vector<16xf32>,
        %select_n3A_573 = arith.select %eq3A_551, %max3A_20, %max3A_60 : vector<16xi1>, vector<16xf32>
        %mul3A_574 = arith.constant 128 : i32
        %mul3A_575 = arith.muli %add3A_543, %mul3A_574 : i32
        %add3A_576 = arith.constant 48 : i32
        %add3A_577 = arith.addi %mul3A_575, %add3A_576 : i32
        %swap3A_578 = arith.index_cast %add3A_577 : i32 to index
        %swap3A_579 = tpu.vector_load %arg6[%swap3A_578] {strides = array<i32>} : memref<25600xf32, #tpu.memory_space<vmem>>, vector<16xf32>,
        tpu.vector_store %arg6[%swap3A_578], %select_n3A_573 {strides = array<i32>} : memref<25600xf32, #tpu.memory_space<vmem>>, vector<16xf32>,
        %select_n3A_580 = arith.select %eq3A_551, %max3A_25, %max3A_65 : vector<16xi1>, vector<16xf32>
        %mul3A_581 = arith.constant 128 : i32
        %mul3A_582 = arith.muli %add3A_543, %mul3A_581 : i32
        %add3A_583 = arith.constant 64 : i32
        %add3A_584 = arith.addi %mul3A_582, %add3A_583 : i32
        %swap3A_585 = arith.index_cast %add3A_584 : i32 to index
        %swap3A_586 = tpu.vector_load %arg6[%swap3A_585] {strides = array<i32>} : memref<25600xf32, #tpu.memory_space<vmem>>, vector<16xf32>,
        tpu.vector_store %arg6[%swap3A_585], %select_n3A_580 {strides = array<i32>} : memref<25600xf32, #tpu.memory_space<vmem>>, vector<16xf32>,
        %select_n3A_587 = arith.select %eq3A_551, %max3A_30, %max3A_70 : vector<16xi1>, vector<16xf32>
        %mul3A_588 = arith.constant 128 : i32
        %mul3A_589 = arith.muli %add3A_543, %mul3A_588 : i32
        %add3A_590 = arith.constant 80 : i32
        %add3A_591 = arith.addi %mul3A_589, %add3A_590 : i32
        %swap3A_592 = arith.index_cast %add3A_591 : i32 to index
        %swap3A_593 = tpu.vector_load %arg6[%swap3A_592] {strides = array<i32>} : memref<25600xf32, #tpu.memory_space<vmem>>, vector<16xf32>,
        tpu.vector_store %arg6[%swap3A_592], %select_n3A_587 {strides = array<i32>} : memref<25600xf32, #tpu.memory_space<vmem>>, vector<16xf32>,
        %select_n3A_594 = arith.select %eq3A_551, %max3A_35, %max3A_75 : vector<16xi1>, vector<16xf32>
        %mul3A_595 = arith.constant 128 : i32
        %mul3A_596 = arith.muli %add3A_543, %mul3A_595 : i32
        %add3A_597 = arith.constant 96 : i32
        %add3A_598 = arith.addi %mul3A_596, %add3A_597 : i32
        %swap3A_599 = arith.index_cast %add3A_598 : i32 to index
        %swap3A_600 = tpu.vector_load %arg6[%swap3A_599] {strides = array<i32>} : memref<25600xf32, #tpu.memory_space<vmem>>, vector<16xf32>,
        tpu.vector_store %arg6[%swap3A_599], %select_n3A_594 {strides = array<i32>} : memref<25600xf32, #tpu.memory_space<vmem>>, vector<16xf32>,
        %select_n3A_601 = arith.select %eq3A_551, %max3A_40, %max3A_80 : vector<16xi1>, vector<16xf32>
        %mul3A_602 = arith.constant 128 : i32
        %mul3A_603 = arith.muli %add3A_543, %mul3A_602 : i32
        %add3A_604 = arith.constant 112 : i32
        %add3A_605 = arith.addi %mul3A_603, %add3A_604 : i32
        %swap3A_606 = arith.index_cast %add3A_605 : i32 to index
        %swap3A_607 = tpu.vector_load %arg6[%swap3A_606] {strides = array<i32>} : memref<25600xf32, #tpu.memory_space<vmem>>, vector<16xf32>,
        tpu.vector_store %arg6[%swap3A_606], %select_n3A_601 {strides = array<i32>} : memref<25600xf32, #tpu.memory_space<vmem>>, vector<16xf32>,
        %mul3A_608 = arith.constant 25 : i32
        %mul3A_609 = arith.muli %scan3A_136, %mul3A_608 : i32
        %add3A_610 = arith.constant 7 : i32
        %add3A_611 = arith.addi %mul3A_609, %add3A_610 : i32
        %mul3A_612 = arith.constant 200 : i32
        %mul3A_613 = arith.muli %add3A_101, %mul3A_612 : i32
        %add3A_614 = arith.addi %mul3A_613, %add3A_611 : i32
        %broadcast_in_dim3A_615 = vector.broadcast %add3A_614 : i32 to vector<16xi32>
        %gather3A_616 = tpu.vector_load_idx %arg5[%broadcast_in_dim3A_615] : memref<10000xi32, #tpu.memory_space<vmem>>[vector<16xi32>], vector<16xi32>,
        %eq3A_617 = arith.constant 0 : i32
        %eq3A_618 = vector.broadcast %eq3A_617 : i32 to vector<16xi32>
        %eq3A_619 = arith.cmpi eq, %gather3A_616, %eq3A_618 : vector<16xi32>
        %select_n3A_620 = arith.select %eq3A_619, %max3A_5, %max3A_45 : vector<16xi1>, vector<16xf32>
        %mul3A_621 = arith.constant 128 : i32
        %mul3A_622 = arith.muli %add3A_611, %mul3A_621 : i32
        %add3A_623 = arith.constant 0 : i32
        %add3A_624 = arith.addi %mul3A_622, %add3A_623 : i32
        %swap3A_625 = arith.index_cast %add3A_624 : i32 to index
        %swap3A_626 = tpu.vector_load %arg6[%swap3A_625] {strides = array<i32>} : memref<25600xf32, #tpu.memory_space<vmem>>, vector<16xf32>,
        tpu.vector_store %arg6[%swap3A_625], %select_n3A_620 {strides = array<i32>} : memref<25600xf32, #tpu.memory_space<vmem>>, vector<16xf32>,
        %select_n3A_627 = arith.select %eq3A_619, %max3A_10, %max3A_50 : vector<16xi1>, vector<16xf32>
        %mul3A_628 = arith.constant 128 : i32
        %mul3A_629 = arith.muli %add3A_611, %mul3A_628 : i32
        %add3A_630 = arith.constant 16 : i32
        %add3A_631 = arith.addi %mul3A_629, %add3A_630 : i32
        %swap3A_632 = arith.index_cast %add3A_631 : i32 to index
        %swap3A_633 = tpu.vector_load %arg6[%swap3A_632] {strides = array<i32>} : memref<25600xf32, #tpu.memory_space<vmem>>, vector<16xf32>,
        tpu.vector_store %arg6[%swap3A_632], %select_n3A_627 {strides = array<i32>} : memref<25600xf32, #tpu.memory_space<vmem>>, vector<16xf32>,
        %select_n3A_634 = arith.select %eq3A_619, %max3A_15, %max3A_55 : vector<16xi1>, vector<16xf32>
        %mul3A_635 = arith.constant 128 : i32
        %mul3A_636 = arith.muli %add3A_611, %mul3A_635 : i32
        %add3A_637 = arith.constant 32 : i32
        %add3A_638 = arith.addi %mul3A_636, %add3A_637 : i32
        %swap3A_639 = arith.index_cast %add3A_638 : i32 to index
        %swap3A_640 = tpu.vector_load %arg6[%swap3A_639] {strides = array<i32>} : memref<25600xf32, #tpu.memory_space<vmem>>, vector<16xf32>,
        tpu.vector_store %arg6[%swap3A_639], %select_n3A_634 {strides = array<i32>} : memref<25600xf32, #tpu.memory_space<vmem>>, vector<16xf32>,
        %select_n3A_641 = arith.select %eq3A_619, %max3A_20, %max3A_60 : vector<16xi1>, vector<16xf32>
        %mul3A_642 = arith.constant 128 : i32
        %mul3A_643 = arith.muli %add3A_611, %mul3A_642 : i32
        %add3A_644 = arith.constant 48 : i32
        %add3A_645 = arith.addi %mul3A_643, %add3A_644 : i32
        %swap3A_646 = arith.index_cast %add3A_645 : i32 to index
        %swap3A_647 = tpu.vector_load %arg6[%swap3A_646] {strides = array<i32>} : memref<25600xf32, #tpu.memory_space<vmem>>, vector<16xf32>,
        tpu.vector_store %arg6[%swap3A_646], %select_n3A_641 {strides = array<i32>} : memref<25600xf32, #tpu.memory_space<vmem>>, vector<16xf32>,
        %select_n3A_648 = arith.select %eq3A_619, %max3A_25, %max3A_65 : vector<16xi1>, vector<16xf32>
        %mul3A_649 = arith.constant 128 : i32
        %mul3A_650 = arith.muli %add3A_611, %mul3A_649 : i32
        %add3A_651 = arith.constant 64 : i32
        %add3A_652 = arith.addi %mul3A_650, %add3A_651 : i32
        %swap3A_653 = arith.index_cast %add3A_652 : i32 to index
        %swap3A_654 = tpu.vector_load %arg6[%swap3A_653] {strides = array<i32>} : memref<25600xf32, #tpu.memory_space<vmem>>, vector<16xf32>,
        tpu.vector_store %arg6[%swap3A_653], %select_n3A_648 {strides = array<i32>} : memref<25600xf32, #tpu.memory_space<vmem>>, vector<16xf32>,
        %select_n3A_655 = arith.select %eq3A_619, %max3A_30, %max3A_70 : vector<16xi1>, vector<16xf32>
        %mul3A_656 = arith.constant 128 : i32
        %mul3A_657 = arith.muli %add3A_611, %mul3A_656 : i32
        %add3A_658 = arith.constant 80 : i32
        %add3A_659 = arith.addi %mul3A_657, %add3A_658 : i32
        %swap3A_660 = arith.index_cast %add3A_659 : i32 to index
        %swap3A_661 = tpu.vector_load %arg6[%swap3A_660] {strides = array<i32>} : memref<25600xf32, #tpu.memory_space<vmem>>, vector<16xf32>,
        tpu.vector_store %arg6[%swap3A_660], %select_n3A_655 {strides = array<i32>} : memref<25600xf32, #tpu.memory_space<vmem>>, vector<16xf32>,
        %select_n3A_662 = arith.select %eq3A_619, %max3A_35, %max3A_75 : vector<16xi1>, vector<16xf32>
        %mul3A_663 = arith.constant 128 : i32
        %mul3A_664 = arith.muli %add3A_611, %mul3A_663 : i32
        %add3A_665 = arith.constant 96 : i32
        %add3A_666 = arith.addi %mul3A_664, %add3A_665 : i32
        %swap3A_667 = arith.index_cast %add3A_666 : i32 to index
        %swap3A_668 = tpu.vector_load %arg6[%swap3A_667] {strides = array<i32>} : memref<25600xf32, #tpu.memory_space<vmem>>, vector<16xf32>,
        tpu.vector_store %arg6[%swap3A_667], %select_n3A_662 {strides = array<i32>} : memref<25600xf32, #tpu.memory_space<vmem>>, vector<16xf32>,
        %select_n3A_669 = arith.select %eq3A_619, %max3A_40, %max3A_80 : vector<16xi1>, vector<16xf32>
        %mul3A_670 = arith.constant 128 : i32
        %mul3A_671 = arith.muli %add3A_611, %mul3A_670 : i32
        %add3A_672 = arith.constant 112 : i32
        %add3A_673 = arith.addi %mul3A_671, %add3A_672 : i32
        %swap3A_674 = arith.index_cast %add3A_673 : i32 to index
        %swap3A_675 = tpu.vector_load %arg6[%swap3A_674] {strides = array<i32>} : memref<25600xf32, #tpu.memory_space<vmem>>, vector<16xf32>,
        tpu.vector_store %arg6[%swap3A_674], %select_n3A_669 {strides = array<i32>} : memref<25600xf32, #tpu.memory_space<vmem>>, vector<16xf32>,
        %mul3A_676 = arith.constant 25 : i32
        %mul3A_677 = arith.muli %scan3A_136, %mul3A_676 : i32
        %add3A_678 = arith.constant 8 : i32
        %add3A_679 = arith.addi %mul3A_677, %add3A_678 : i32
        %mul3A_680 = arith.constant 200 : i32
        %mul3A_681 = arith.muli %add3A_101, %mul3A_680 : i32
        %add3A_682 = arith.addi %mul3A_681, %add3A_679 : i32
        %broadcast_in_dim3A_683 = vector.broadcast %add3A_682 : i32 to vector<16xi32>
        %gather3A_684 = tpu.vector_load_idx %arg5[%broadcast_in_dim3A_683] : memref<10000xi32, #tpu.memory_space<vmem>>[vector<16xi32>], vector<16xi32>,
        %eq3A_685 = arith.constant 0 : i32
        %eq3A_686 = vector.broadcast %eq3A_685 : i32 to vector<16xi32>
        %eq3A_687 = arith.cmpi eq, %gather3A_684, %eq3A_686 : vector<16xi32>
        %select_n3A_688 = arith.select %eq3A_687, %max3A_5, %max3A_45 : vector<16xi1>, vector<16xf32>
        %mul3A_689 = arith.constant 128 : i32
        %mul3A_690 = arith.muli %add3A_679, %mul3A_689 : i32
        %add3A_691 = arith.constant 0 : i32
        %add3A_692 = arith.addi %mul3A_690, %add3A_691 : i32
        %swap3A_693 = arith.index_cast %add3A_692 : i32 to index
        %swap3A_694 = tpu.vector_load %arg6[%swap3A_693] {strides = array<i32>} : memref<25600xf32, #tpu.memory_space<vmem>>, vector<16xf32>,
        tpu.vector_store %arg6[%swap3A_693], %select_n3A_688 {strides = array<i32>} : memref<25600xf32, #tpu.memory_space<vmem>>, vector<16xf32>,
        %select_n3A_695 = arith.select %eq3A_687, %max3A_10, %max3A_50 : vector<16xi1>, vector<16xf32>
        %mul3A_696 = arith.constant 128 : i32
        %mul3A_697 = arith.muli %add3A_679, %mul3A_696 : i32
        %add3A_698 = arith.constant 16 : i32
        %add3A_699 = arith.addi %mul3A_697, %add3A_698 : i32
        %swap3A_700 = arith.index_cast %add3A_699 : i32 to index
        %swap3A_701 = tpu.vector_load %arg6[%swap3A_700] {strides = array<i32>} : memref<25600xf32, #tpu.memory_space<vmem>>, vector<16xf32>,
        tpu.vector_store %arg6[%swap3A_700], %select_n3A_695 {strides = array<i32>} : memref<25600xf32, #tpu.memory_space<vmem>>, vector<16xf32>,
        %select_n3A_702 = arith.select %eq3A_687, %max3A_15, %max3A_55 : vector<16xi1>, vector<16xf32>
        %mul3A_703 = arith.constant 128 : i32
        %mul3A_704 = arith.muli %add3A_679, %mul3A_703 : i32
        %add3A_705 = arith.constant 32 : i32
        %add3A_706 = arith.addi %mul3A_704, %add3A_705 : i32
        %swap3A_707 = arith.index_cast %add3A_706 : i32 to index
        %swap3A_708 = tpu.vector_load %arg6[%swap3A_707] {strides = array<i32>} : memref<25600xf32, #tpu.memory_space<vmem>>, vector<16xf32>,
        tpu.vector_store %arg6[%swap3A_707], %select_n3A_702 {strides = array<i32>} : memref<25600xf32, #tpu.memory_space<vmem>>, vector<16xf32>,
        %select_n3A_709 = arith.select %eq3A_687, %max3A_20, %max3A_60 : vector<16xi1>, vector<16xf32>
        %mul3A_710 = arith.constant 128 : i32
        %mul3A_711 = arith.muli %add3A_679, %mul3A_710 : i32
        %add3A_712 = arith.constant 48 : i32
        %add3A_713 = arith.addi %mul3A_711, %add3A_712 : i32
        %swap3A_714 = arith.index_cast %add3A_713 : i32 to index
        %swap3A_715 = tpu.vector_load %arg6[%swap3A_714] {strides = array<i32>} : memref<25600xf32, #tpu.memory_space<vmem>>, vector<16xf32>,
        tpu.vector_store %arg6[%swap3A_714], %select_n3A_709 {strides = array<i32>} : memref<25600xf32, #tpu.memory_space<vmem>>, vector<16xf32>,
        %select_n3A_716 = arith.select %eq3A_687, %max3A_25, %max3A_65 : vector<16xi1>, vector<16xf32>
        %mul3A_717 = arith.constant 128 : i32
        %mul3A_718 = arith.muli %add3A_679, %mul3A_717 : i32
        %add3A_719 = arith.constant 64 : i32
        %add3A_720 = arith.addi %mul3A_718, %add3A_719 : i32
        %swap3A_721 = arith.index_cast %add3A_720 : i32 to index
        %swap3A_722 = tpu.vector_load %arg6[%swap3A_721] {strides = array<i32>} : memref<25600xf32, #tpu.memory_space<vmem>>, vector<16xf32>,
        tpu.vector_store %arg6[%swap3A_721], %select_n3A_716 {strides = array<i32>} : memref<25600xf32, #tpu.memory_space<vmem>>, vector<16xf32>,
        %select_n3A_723 = arith.select %eq3A_687, %max3A_30, %max3A_70 : vector<16xi1>, vector<16xf32>
        %mul3A_724 = arith.constant 128 : i32
        %mul3A_725 = arith.muli %add3A_679, %mul3A_724 : i32
        %add3A_726 = arith.constant 80 : i32
        %add3A_727 = arith.addi %mul3A_725, %add3A_726 : i32
        %swap3A_728 = arith.index_cast %add3A_727 : i32 to index
        %swap3A_729 = tpu.vector_load %arg6[%swap3A_728] {strides = array<i32>} : memref<25600xf32, #tpu.memory_space<vmem>>, vector<16xf32>,
        tpu.vector_store %arg6[%swap3A_728], %select_n3A_723 {strides = array<i32>} : memref<25600xf32, #tpu.memory_space<vmem>>, vector<16xf32>,
        %select_n3A_730 = arith.select %eq3A_687, %max3A_35, %max3A_75 : vector<16xi1>, vector<16xf32>
        %mul3A_731 = arith.constant 128 : i32
        %mul3A_732 = arith.muli %add3A_679, %mul3A_731 : i32
        %add3A_733 = arith.constant 96 : i32
        %add3A_734 = arith.addi %mul3A_732, %add3A_733 : i32
        %swap3A_735 = arith.index_cast %add3A_734 : i32 to index
        %swap3A_736 = tpu.vector_load %arg6[%swap3A_735] {strides = array<i32>} : memref<25600xf32, #tpu.memory_space<vmem>>, vector<16xf32>,
        tpu.vector_store %arg6[%swap3A_735], %select_n3A_730 {strides = array<i32>} : memref<25600xf32, #tpu.memory_space<vmem>>, vector<16xf32>,
        %select_n3A_737 = arith.select %eq3A_687, %max3A_40, %max3A_80 : vector<16xi1>, vector<16xf32>
        %mul3A_738 = arith.constant 128 : i32
        %mul3A_739 = arith.muli %add3A_679, %mul3A_738 : i32
        %add3A_740 = arith.constant 112 : i32
        %add3A_741 = arith.addi %mul3A_739, %add3A_740 : i32
        %swap3A_742 = arith.index_cast %add3A_741 : i32 to index
        %swap3A_743 = tpu.vector_load %arg6[%swap3A_742] {strides = array<i32>} : memref<25600xf32, #tpu.memory_space<vmem>>, vector<16xf32>,
        tpu.vector_store %arg6[%swap3A_742], %select_n3A_737 {strides = array<i32>} : memref<25600xf32, #tpu.memory_space<vmem>>, vector<16xf32>,
        %mul3A_744 = arith.constant 25 : i32
        %mul3A_745 = arith.muli %scan3A_136, %mul3A_744 : i32
        %add3A_746 = arith.constant 9 : i32
        %add3A_747 = arith.addi %mul3A_745, %add3A_746 : i32
        %mul3A_748 = arith.constant 200 : i32
        %mul3A_749 = arith.muli %add3A_101, %mul3A_748 : i32
        %add3A_750 = arith.addi %mul3A_749, %add3A_747 : i32
        %broadcast_in_dim3A_751 = vector.broadcast %add3A_750 : i32 to vector<16xi32>
        %gather3A_752 = tpu.vector_load_idx %arg5[%broadcast_in_dim3A_751] : memref<10000xi32, #tpu.memory_space<vmem>>[vector<16xi32>], vector<16xi32>,
        %eq3A_753 = arith.constant 0 : i32
        %eq3A_754 = vector.broadcast %eq3A_753 : i32 to vector<16xi32>
        %eq3A_755 = arith.cmpi eq, %gather3A_752, %eq3A_754 : vector<16xi32>
        %select_n3A_756 = arith.select %eq3A_755, %max3A_5, %max3A_45 : vector<16xi1>, vector<16xf32>
        %mul3A_757 = arith.constant 128 : i32
        %mul3A_758 = arith.muli %add3A_747, %mul3A_757 : i32
        %add3A_759 = arith.constant 0 : i32
        %add3A_760 = arith.addi %mul3A_758, %add3A_759 : i32
        %swap3A_761 = arith.index_cast %add3A_760 : i32 to index
        %swap3A_762 = tpu.vector_load %arg6[%swap3A_761] {strides = array<i32>} : memref<25600xf32, #tpu.memory_space<vmem>>, vector<16xf32>,
        tpu.vector_store %arg6[%swap3A_761], %select_n3A_756 {strides = array<i32>} : memref<25600xf32, #tpu.memory_space<vmem>>, vector<16xf32>,
        %select_n3A_763 = arith.select %eq3A_755, %max3A_10, %max3A_50 : vector<16xi1>, vector<16xf32>
        %mul3A_764 = arith.constant 128 : i32
        %mul3A_765 = arith.muli %add3A_747, %mul3A_764 : i32
        %add3A_766 = arith.constant 16 : i32
        %add3A_767 = arith.addi %mul3A_765, %add3A_766 : i32
        %swap3A_768 = arith.index_cast %add3A_767 : i32 to index
        %swap3A_769 = tpu.vector_load %arg6[%swap3A_768] {strides = array<i32>} : memref<25600xf32, #tpu.memory_space<vmem>>, vector<16xf32>,
        tpu.vector_store %arg6[%swap3A_768], %select_n3A_763 {strides = array<i32>} : memref<25600xf32, #tpu.memory_space<vmem>>, vector<16xf32>,
        %select_n3A_770 = arith.select %eq3A_755, %max3A_15, %max3A_55 : vector<16xi1>, vector<16xf32>
        %mul3A_771 = arith.constant 128 : i32
        %mul3A_772 = arith.muli %add3A_747, %mul3A_771 : i32
        %add3A_773 = arith.constant 32 : i32
        %add3A_774 = arith.addi %mul3A_772, %add3A_773 : i32
        %swap3A_775 = arith.index_cast %add3A_774 : i32 to index
        %swap3A_776 = tpu.vector_load %arg6[%swap3A_775] {strides = array<i32>} : memref<25600xf32, #tpu.memory_space<vmem>>, vector<16xf32>,
        tpu.vector_store %arg6[%swap3A_775], %select_n3A_770 {strides = array<i32>} : memref<25600xf32, #tpu.memory_space<vmem>>, vector<16xf32>,
        %select_n3A_777 = arith.select %eq3A_755, %max3A_20, %max3A_60 : vector<16xi1>, vector<16xf32>
        %mul3A_778 = arith.constant 128 : i32
        %mul3A_779 = arith.muli %add3A_747, %mul3A_778 : i32
        %add3A_780 = arith.constant 48 : i32
        %add3A_781 = arith.addi %mul3A_779, %add3A_780 : i32
        %swap3A_782 = arith.index_cast %add3A_781 : i32 to index
        %swap3A_783 = tpu.vector_load %arg6[%swap3A_782] {strides = array<i32>} : memref<25600xf32, #tpu.memory_space<vmem>>, vector<16xf32>,
        tpu.vector_store %arg6[%swap3A_782], %select_n3A_777 {strides = array<i32>} : memref<25600xf32, #tpu.memory_space<vmem>>, vector<16xf32>,
        %select_n3A_784 = arith.select %eq3A_755, %max3A_25, %max3A_65 : vector<16xi1>, vector<16xf32>
        %mul3A_785 = arith.constant 128 : i32
        %mul3A_786 = arith.muli %add3A_747, %mul3A_785 : i32
        %add3A_787 = arith.constant 64 : i32
        %add3A_788 = arith.addi %mul3A_786, %add3A_787 : i32
        %swap3A_789 = arith.index_cast %add3A_788 : i32 to index
        %swap3A_790 = tpu.vector_load %arg6[%swap3A_789] {strides = array<i32>} : memref<25600xf32, #tpu.memory_space<vmem>>, vector<16xf32>,
        tpu.vector_store %arg6[%swap3A_789], %select_n3A_784 {strides = array<i32>} : memref<25600xf32, #tpu.memory_space<vmem>>, vector<16xf32>,
        %select_n3A_791 = arith.select %eq3A_755, %max3A_30, %max3A_70 : vector<16xi1>, vector<16xf32>
        %mul3A_792 = arith.constant 128 : i32
        %mul3A_793 = arith.muli %add3A_747, %mul3A_792 : i32
        %add3A_794 = arith.constant 80 : i32
        %add3A_795 = arith.addi %mul3A_793, %add3A_794 : i32
        %swap3A_796 = arith.index_cast %add3A_795 : i32 to index
        %swap3A_797 = tpu.vector_load %arg6[%swap3A_796] {strides = array<i32>} : memref<25600xf32, #tpu.memory_space<vmem>>, vector<16xf32>,
        tpu.vector_store %arg6[%swap3A_796], %select_n3A_791 {strides = array<i32>} : memref<25600xf32, #tpu.memory_space<vmem>>, vector<16xf32>,
        %select_n3A_798 = arith.select %eq3A_755, %max3A_35, %max3A_75 : vector<16xi1>, vector<16xf32>
        %mul3A_799 = arith.constant 128 : i32
        %mul3A_800 = arith.muli %add3A_747, %mul3A_799 : i32
        %add3A_801 = arith.constant 96 : i32
        %add3A_802 = arith.addi %mul3A_800, %add3A_801 : i32
        %swap3A_803 = arith.index_cast %add3A_802 : i32 to index
        %swap3A_804 = tpu.vector_load %arg6[%swap3A_803] {strides = array<i32>} : memref<25600xf32, #tpu.memory_space<vmem>>, vector<16xf32>,
        tpu.vector_store %arg6[%swap3A_803], %select_n3A_798 {strides = array<i32>} : memref<25600xf32, #tpu.memory_space<vmem>>, vector<16xf32>,
        %select_n3A_805 = arith.select %eq3A_755, %max3A_40, %max3A_80 : vector<16xi1>, vector<16xf32>
        %mul3A_806 = arith.constant 128 : i32
        %mul3A_807 = arith.muli %add3A_747, %mul3A_806 : i32
        %add3A_808 = arith.constant 112 : i32
        %add3A_809 = arith.addi %mul3A_807, %add3A_808 : i32
        %swap3A_810 = arith.index_cast %add3A_809 : i32 to index
        %swap3A_811 = tpu.vector_load %arg6[%swap3A_810] {strides = array<i32>} : memref<25600xf32, #tpu.memory_space<vmem>>, vector<16xf32>,
        tpu.vector_store %arg6[%swap3A_810], %select_n3A_805 {strides = array<i32>} : memref<25600xf32, #tpu.memory_space<vmem>>, vector<16xf32>,
        %mul3A_812 = arith.constant 25 : i32
        %mul3A_813 = arith.muli %scan3A_136, %mul3A_812 : i32
        %add3A_814 = arith.constant 10 : i32
        %add3A_815 = arith.addi %mul3A_813, %add3A_814 : i32
        %mul3A_816 = arith.constant 200 : i32
        %mul3A_817 = arith.muli %add3A_101, %mul3A_816 : i32
        %add3A_818 = arith.addi %mul3A_817, %add3A_815 : i32
        %broadcast_in_dim3A_819 = vector.broadcast %add3A_818 : i32 to vector<16xi32>
        %gather3A_820 = tpu.vector_load_idx %arg5[%broadcast_in_dim3A_819] : memref<10000xi32, #tpu.memory_space<vmem>>[vector<16xi32>], vector<16xi32>,
        %eq3A_821 = arith.constant 0 : i32
        %eq3A_822 = vector.broadcast %eq3A_821 : i32 to vector<16xi32>
        %eq3A_823 = arith.cmpi eq, %gather3A_820, %eq3A_822 : vector<16xi32>
        %select_n3A_824 = arith.select %eq3A_823, %max3A_5, %max3A_45 : vector<16xi1>, vector<16xf32>
        %mul3A_825 = arith.constant 128 : i32
        %mul3A_826 = arith.muli %add3A_815, %mul3A_825 : i32
        %add3A_827 = arith.constant 0 : i32
        %add3A_828 = arith.addi %mul3A_826, %add3A_827 : i32
        %swap3A_829 = arith.index_cast %add3A_828 : i32 to index
        %swap3A_830 = tpu.vector_load %arg6[%swap3A_829] {strides = array<i32>} : memref<25600xf32, #tpu.memory_space<vmem>>, vector<16xf32>,
        tpu.vector_store %arg6[%swap3A_829], %select_n3A_824 {strides = array<i32>} : memref<25600xf32, #tpu.memory_space<vmem>>, vector<16xf32>,
        %select_n3A_831 = arith.select %eq3A_823, %max3A_10, %max3A_50 : vector<16xi1>, vector<16xf32>
        %mul3A_832 = arith.constant 128 : i32
        %mul3A_833 = arith.muli %add3A_815, %mul3A_832 : i32
        %add3A_834 = arith.constant 16 : i32
        %add3A_835 = arith.addi %mul3A_833, %add3A_834 : i32
        %swap3A_836 = arith.index_cast %add3A_835 : i32 to index
        %swap3A_837 = tpu.vector_load %arg6[%swap3A_836] {strides = array<i32>} : memref<25600xf32, #tpu.memory_space<vmem>>, vector<16xf32>,
        tpu.vector_store %arg6[%swap3A_836], %select_n3A_831 {strides = array<i32>} : memref<25600xf32, #tpu.memory_space<vmem>>, vector<16xf32>,
        %select_n3A_838 = arith.select %eq3A_823, %max3A_15, %max3A_55 : vector<16xi1>, vector<16xf32>
        %mul3A_839 = arith.constant 128 : i32
        %mul3A_840 = arith.muli %add3A_815, %mul3A_839 : i32
        %add3A_841 = arith.constant 32 : i32
        %add3A_842 = arith.addi %mul3A_840, %add3A_841 : i32
        %swap3A_843 = arith.index_cast %add3A_842 : i32 to index
        %swap3A_844 = tpu.vector_load %arg6[%swap3A_843] {strides = array<i32>} : memref<25600xf32, #tpu.memory_space<vmem>>, vector<16xf32>,
        tpu.vector_store %arg6[%swap3A_843], %select_n3A_838 {strides = array<i32>} : memref<25600xf32, #tpu.memory_space<vmem>>, vector<16xf32>,
        %select_n3A_845 = arith.select %eq3A_823, %max3A_20, %max3A_60 : vector<16xi1>, vector<16xf32>
        %mul3A_846 = arith.constant 128 : i32
        %mul3A_847 = arith.muli %add3A_815, %mul3A_846 : i32
        %add3A_848 = arith.constant 48 : i32
        %add3A_849 = arith.addi %mul3A_847, %add3A_848 : i32
        %swap3A_850 = arith.index_cast %add3A_849 : i32 to index
        %swap3A_851 = tpu.vector_load %arg6[%swap3A_850] {strides = array<i32>} : memref<25600xf32, #tpu.memory_space<vmem>>, vector<16xf32>,
        tpu.vector_store %arg6[%swap3A_850], %select_n3A_845 {strides = array<i32>} : memref<25600xf32, #tpu.memory_space<vmem>>, vector<16xf32>,
        %select_n3A_852 = arith.select %eq3A_823, %max3A_25, %max3A_65 : vector<16xi1>, vector<16xf32>
        %mul3A_853 = arith.constant 128 : i32
        %mul3A_854 = arith.muli %add3A_815, %mul3A_853 : i32
        %add3A_855 = arith.constant 64 : i32
        %add3A_856 = arith.addi %mul3A_854, %add3A_855 : i32
        %swap3A_857 = arith.index_cast %add3A_856 : i32 to index
        %swap3A_858 = tpu.vector_load %arg6[%swap3A_857] {strides = array<i32>} : memref<25600xf32, #tpu.memory_space<vmem>>, vector<16xf32>,
        tpu.vector_store %arg6[%swap3A_857], %select_n3A_852 {strides = array<i32>} : memref<25600xf32, #tpu.memory_space<vmem>>, vector<16xf32>,
        %select_n3A_859 = arith.select %eq3A_823, %max3A_30, %max3A_70 : vector<16xi1>, vector<16xf32>
        %mul3A_860 = arith.constant 128 : i32
        %mul3A_861 = arith.muli %add3A_815, %mul3A_860 : i32
        %add3A_862 = arith.constant 80 : i32
        %add3A_863 = arith.addi %mul3A_861, %add3A_862 : i32
        %swap3A_864 = arith.index_cast %add3A_863 : i32 to index
        %swap3A_865 = tpu.vector_load %arg6[%swap3A_864] {strides = array<i32>} : memref<25600xf32, #tpu.memory_space<vmem>>, vector<16xf32>,
        tpu.vector_store %arg6[%swap3A_864], %select_n3A_859 {strides = array<i32>} : memref<25600xf32, #tpu.memory_space<vmem>>, vector<16xf32>,
        %select_n3A_866 = arith.select %eq3A_823, %max3A_35, %max3A_75 : vector<16xi1>, vector<16xf32>
        %mul3A_867 = arith.constant 128 : i32
        %mul3A_868 = arith.muli %add3A_815, %mul3A_867 : i32
        %add3A_869 = arith.constant 96 : i32
        %add3A_870 = arith.addi %mul3A_868, %add3A_869 : i32
        %swap3A_871 = arith.index_cast %add3A_870 : i32 to index
        %swap3A_872 = tpu.vector_load %arg6[%swap3A_871] {strides = array<i32>} : memref<25600xf32, #tpu.memory_space<vmem>>, vector<16xf32>,
        tpu.vector_store %arg6[%swap3A_871], %select_n3A_866 {strides = array<i32>} : memref<25600xf32, #tpu.memory_space<vmem>>, vector<16xf32>,
        %select_n3A_873 = arith.select %eq3A_823, %max3A_40, %max3A_80 : vector<16xi1>, vector<16xf32>
        %mul3A_874 = arith.constant 128 : i32
        %mul3A_875 = arith.muli %add3A_815, %mul3A_874 : i32
        %add3A_876 = arith.constant 112 : i32
        %add3A_877 = arith.addi %mul3A_875, %add3A_876 : i32
        %swap3A_878 = arith.index_cast %add3A_877 : i32 to index
        %swap3A_879 = tpu.vector_load %arg6[%swap3A_878] {strides = array<i32>} : memref<25600xf32, #tpu.memory_space<vmem>>, vector<16xf32>,
        tpu.vector_store %arg6[%swap3A_878], %select_n3A_873 {strides = array<i32>} : memref<25600xf32, #tpu.memory_space<vmem>>, vector<16xf32>,
        %mul3A_880 = arith.constant 25 : i32
        %mul3A_881 = arith.muli %scan3A_136, %mul3A_880 : i32
        %add3A_882 = arith.constant 11 : i32
        %add3A_883 = arith.addi %mul3A_881, %add3A_882 : i32
        %mul3A_884 = arith.constant 200 : i32
        %mul3A_885 = arith.muli %add3A_101, %mul3A_884 : i32
        %add3A_886 = arith.addi %mul3A_885, %add3A_883 : i32
        %broadcast_in_dim3A_887 = vector.broadcast %add3A_886 : i32 to vector<16xi32>
        %gather3A_888 = tpu.vector_load_idx %arg5[%broadcast_in_dim3A_887] : memref<10000xi32, #tpu.memory_space<vmem>>[vector<16xi32>], vector<16xi32>,
        %eq3A_889 = arith.constant 0 : i32
        %eq3A_890 = vector.broadcast %eq3A_889 : i32 to vector<16xi32>
        %eq3A_891 = arith.cmpi eq, %gather3A_888, %eq3A_890 : vector<16xi32>
        %select_n3A_892 = arith.select %eq3A_891, %max3A_5, %max3A_45 : vector<16xi1>, vector<16xf32>
        %mul3A_893 = arith.constant 128 : i32
        %mul3A_894 = arith.muli %add3A_883, %mul3A_893 : i32
        %add3A_895 = arith.constant 0 : i32
        %add3A_896 = arith.addi %mul3A_894, %add3A_895 : i32
        %swap3A_897 = arith.index_cast %add3A_896 : i32 to index
        %swap3A_898 = tpu.vector_load %arg6[%swap3A_897] {strides = array<i32>} : memref<25600xf32, #tpu.memory_space<vmem>>, vector<16xf32>,
        tpu.vector_store %arg6[%swap3A_897], %select_n3A_892 {strides = array<i32>} : memref<25600xf32, #tpu.memory_space<vmem>>, vector<16xf32>,
        %select_n3A_899 = arith.select %eq3A_891, %max3A_10, %max3A_50 : vector<16xi1>, vector<16xf32>
        %mul3A_900 = arith.constant 128 : i32
        %mul3A_901 = arith.muli %add3A_883, %mul3A_900 : i32
        %add3A_902 = arith.constant 16 : i32
        %add3A_903 = arith.addi %mul3A_901, %add3A_902 : i32
        %swap3A_904 = arith.index_cast %add3A_903 : i32 to index
        %swap3A_905 = tpu.vector_load %arg6[%swap3A_904] {strides = array<i32>} : memref<25600xf32, #tpu.memory_space<vmem>>, vector<16xf32>,
        tpu.vector_store %arg6[%swap3A_904], %select_n3A_899 {strides = array<i32>} : memref<25600xf32, #tpu.memory_space<vmem>>, vector<16xf32>,
        %select_n3A_906 = arith.select %eq3A_891, %max3A_15, %max3A_55 : vector<16xi1>, vector<16xf32>
        %mul3A_907 = arith.constant 128 : i32
        %mul3A_908 = arith.muli %add3A_883, %mul3A_907 : i32
        %add3A_909 = arith.constant 32 : i32
        %add3A_910 = arith.addi %mul3A_908, %add3A_909 : i32
        %swap3A_911 = arith.index_cast %add3A_910 : i32 to index
        %swap3A_912 = tpu.vector_load %arg6[%swap3A_911] {strides = array<i32>} : memref<25600xf32, #tpu.memory_space<vmem>>, vector<16xf32>,
        tpu.vector_store %arg6[%swap3A_911], %select_n3A_906 {strides = array<i32>} : memref<25600xf32, #tpu.memory_space<vmem>>, vector<16xf32>,
        %select_n3A_913 = arith.select %eq3A_891, %max3A_20, %max3A_60 : vector<16xi1>, vector<16xf32>
        %mul3A_914 = arith.constant 128 : i32
        %mul3A_915 = arith.muli %add3A_883, %mul3A_914 : i32
        %add3A_916 = arith.constant 48 : i32
        %add3A_917 = arith.addi %mul3A_915, %add3A_916 : i32
        %swap3A_918 = arith.index_cast %add3A_917 : i32 to index
        %swap3A_919 = tpu.vector_load %arg6[%swap3A_918] {strides = array<i32>} : memref<25600xf32, #tpu.memory_space<vmem>>, vector<16xf32>,
        tpu.vector_store %arg6[%swap3A_918], %select_n3A_913 {strides = array<i32>} : memref<25600xf32, #tpu.memory_space<vmem>>, vector<16xf32>,
        %select_n3A_920 = arith.select %eq3A_891, %max3A_25, %max3A_65 : vector<16xi1>, vector<16xf32>
        %mul3A_921 = arith.constant 128 : i32
        %mul3A_922 = arith.muli %add3A_883, %mul3A_921 : i32
        %add3A_923 = arith.constant 64 : i32
        %add3A_924 = arith.addi %mul3A_922, %add3A_923 : i32
        %swap3A_925 = arith.index_cast %add3A_924 : i32 to index
        %swap3A_926 = tpu.vector_load %arg6[%swap3A_925] {strides = array<i32>} : memref<25600xf32, #tpu.memory_space<vmem>>, vector<16xf32>,
        tpu.vector_store %arg6[%swap3A_925], %select_n3A_920 {strides = array<i32>} : memref<25600xf32, #tpu.memory_space<vmem>>, vector<16xf32>,
        %select_n3A_927 = arith.select %eq3A_891, %max3A_30, %max3A_70 : vector<16xi1>, vector<16xf32>
        %mul3A_928 = arith.constant 128 : i32
        %mul3A_929 = arith.muli %add3A_883, %mul3A_928 : i32
        %add3A_930 = arith.constant 80 : i32
        %add3A_931 = arith.addi %mul3A_929, %add3A_930 : i32
        %swap3A_932 = arith.index_cast %add3A_931 : i32 to index
        %swap3A_933 = tpu.vector_load %arg6[%swap3A_932] {strides = array<i32>} : memref<25600xf32, #tpu.memory_space<vmem>>, vector<16xf32>,
        tpu.vector_store %arg6[%swap3A_932], %select_n3A_927 {strides = array<i32>} : memref<25600xf32, #tpu.memory_space<vmem>>, vector<16xf32>,
        %select_n3A_934 = arith.select %eq3A_891, %max3A_35, %max3A_75 : vector<16xi1>, vector<16xf32>
        %mul3A_935 = arith.constant 128 : i32
        %mul3A_936 = arith.muli %add3A_883, %mul3A_935 : i32
        %add3A_937 = arith.constant 96 : i32
        %add3A_938 = arith.addi %mul3A_936, %add3A_937 : i32
        %swap3A_939 = arith.index_cast %add3A_938 : i32 to index
        %swap3A_940 = tpu.vector_load %arg6[%swap3A_939] {strides = array<i32>} : memref<25600xf32, #tpu.memory_space<vmem>>, vector<16xf32>,
        tpu.vector_store %arg6[%swap3A_939], %select_n3A_934 {strides = array<i32>} : memref<25600xf32, #tpu.memory_space<vmem>>, vector<16xf32>,
        %select_n3A_941 = arith.select %eq3A_891, %max3A_40, %max3A_80 : vector<16xi1>, vector<16xf32>
        %mul3A_942 = arith.constant 128 : i32
        %mul3A_943 = arith.muli %add3A_883, %mul3A_942 : i32
        %add3A_944 = arith.constant 112 : i32
        %add3A_945 = arith.addi %mul3A_943, %add3A_944 : i32
        %swap3A_946 = arith.index_cast %add3A_945 : i32 to index
        %swap3A_947 = tpu.vector_load %arg6[%swap3A_946] {strides = array<i32>} : memref<25600xf32, #tpu.memory_space<vmem>>, vector<16xf32>,
        tpu.vector_store %arg6[%swap3A_946], %select_n3A_941 {strides = array<i32>} : memref<25600xf32, #tpu.memory_space<vmem>>, vector<16xf32>,
        %mul3A_948 = arith.constant 25 : i32
        %mul3A_949 = arith.muli %scan3A_136, %mul3A_948 : i32
        %add3A_950 = arith.constant 12 : i32
        %add3A_951 = arith.addi %mul3A_949, %add3A_950 : i32
        %mul3A_952 = arith.constant 200 : i32
        %mul3A_953 = arith.muli %add3A_101, %mul3A_952 : i32
        %add3A_954 = arith.addi %mul3A_953, %add3A_951 : i32
        %broadcast_in_dim3A_955 = vector.broadcast %add3A_954 : i32 to vector<16xi32>
        %gather3A_956 = tpu.vector_load_idx %arg5[%broadcast_in_dim3A_955] : memref<10000xi32, #tpu.memory_space<vmem>>[vector<16xi32>], vector<16xi32>,
        %eq3A_957 = arith.constant 0 : i32
        %eq3A_958 = vector.broadcast %eq3A_957 : i32 to vector<16xi32>
        %eq3A_959 = arith.cmpi eq, %gather3A_956, %eq3A_958 : vector<16xi32>
        %select_n3A_960 = arith.select %eq3A_959, %max3A_5, %max3A_45 : vector<16xi1>, vector<16xf32>
        %mul3A_961 = arith.constant 128 : i32
        %mul3A_962 = arith.muli %add3A_951, %mul3A_961 : i32
        %add3A_963 = arith.constant 0 : i32
        %add3A_964 = arith.addi %mul3A_962, %add3A_963 : i32
        %swap3A_965 = arith.index_cast %add3A_964 : i32 to index
        %swap3A_966 = tpu.vector_load %arg6[%swap3A_965] {strides = array<i32>} : memref<25600xf32, #tpu.memory_space<vmem>>, vector<16xf32>,
        tpu.vector_store %arg6[%swap3A_965], %select_n3A_960 {strides = array<i32>} : memref<25600xf32, #tpu.memory_space<vmem>>, vector<16xf32>,
        %select_n3A_967 = arith.select %eq3A_959, %max3A_10, %max3A_50 : vector<16xi1>, vector<16xf32>
        %mul3A_968 = arith.constant 128 : i32
        %mul3A_969 = arith.muli %add3A_951, %mul3A_968 : i32
        %add3A_970 = arith.constant 16 : i32
        %add3A_971 = arith.addi %mul3A_969, %add3A_970 : i32
        %swap3A_972 = arith.index_cast %add3A_971 : i32 to index
        %swap3A_973 = tpu.vector_load %arg6[%swap3A_972] {strides = array<i32>} : memref<25600xf32, #tpu.memory_space<vmem>>, vector<16xf32>,
        tpu.vector_store %arg6[%swap3A_972], %select_n3A_967 {strides = array<i32>} : memref<25600xf32, #tpu.memory_space<vmem>>, vector<16xf32>,
        %select_n3A_974 = arith.select %eq3A_959, %max3A_15, %max3A_55 : vector<16xi1>, vector<16xf32>
        %mul3A_975 = arith.constant 128 : i32
        %mul3A_976 = arith.muli %add3A_951, %mul3A_975 : i32
        %add3A_977 = arith.constant 32 : i32
        %add3A_978 = arith.addi %mul3A_976, %add3A_977 : i32
        %swap3A_979 = arith.index_cast %add3A_978 : i32 to index
        %swap3A_980 = tpu.vector_load %arg6[%swap3A_979] {strides = array<i32>} : memref<25600xf32, #tpu.memory_space<vmem>>, vector<16xf32>,
        tpu.vector_store %arg6[%swap3A_979], %select_n3A_974 {strides = array<i32>} : memref<25600xf32, #tpu.memory_space<vmem>>, vector<16xf32>,
        %select_n3A_981 = arith.select %eq3A_959, %max3A_20, %max3A_60 : vector<16xi1>, vector<16xf32>
        %mul3A_982 = arith.constant 128 : i32
        %mul3A_983 = arith.muli %add3A_951, %mul3A_982 : i32
        %add3A_984 = arith.constant 48 : i32
        %add3A_985 = arith.addi %mul3A_983, %add3A_984 : i32
        %swap3A_986 = arith.index_cast %add3A_985 : i32 to index
        %swap3A_987 = tpu.vector_load %arg6[%swap3A_986] {strides = array<i32>} : memref<25600xf32, #tpu.memory_space<vmem>>, vector<16xf32>,
        tpu.vector_store %arg6[%swap3A_986], %select_n3A_981 {strides = array<i32>} : memref<25600xf32, #tpu.memory_space<vmem>>, vector<16xf32>,
        %select_n3A_988 = arith.select %eq3A_959, %max3A_25, %max3A_65 : vector<16xi1>, vector<16xf32>
        %mul3A_989 = arith.constant 128 : i32
        %mul3A_990 = arith.muli %add3A_951, %mul3A_989 : i32
        %add3A_991 = arith.constant 64 : i32
        %add3A_992 = arith.addi %mul3A_990, %add3A_991 : i32
        %swap3A_993 = arith.index_cast %add3A_992 : i32 to index
        %swap3A_994 = tpu.vector_load %arg6[%swap3A_993] {strides = array<i32>} : memref<25600xf32, #tpu.memory_space<vmem>>, vector<16xf32>,
        tpu.vector_store %arg6[%swap3A_993], %select_n3A_988 {strides = array<i32>} : memref<25600xf32, #tpu.memory_space<vmem>>, vector<16xf32>,
        %select_n3A_995 = arith.select %eq3A_959, %max3A_30, %max3A_70 : vector<16xi1>, vector<16xf32>
        %mul3A_996 = arith.constant 128 : i32
        %mul3A_997 = arith.muli %add3A_951, %mul3A_996 : i32
        %add3A_998 = arith.constant 80 : i32
        %add3A_999 = arith.addi %mul3A_997, %add3A_998 : i32
        %swap3A_1000 = arith.index_cast %add3A_999 : i32 to index
        %swap3A_1001 = tpu.vector_load %arg6[%swap3A_1000] {strides = array<i32>} : memref<25600xf32, #tpu.memory_space<vmem>>, vector<16xf32>,
        tpu.vector_store %arg6[%swap3A_1000], %select_n3A_995 {strides = array<i32>} : memref<25600xf32, #tpu.memory_space<vmem>>, vector<16xf32>,
        %select_n3A_1002 = arith.select %eq3A_959, %max3A_35, %max3A_75 : vector<16xi1>, vector<16xf32>
        %mul3A_1003 = arith.constant 128 : i32
        %mul3A_1004 = arith.muli %add3A_951, %mul3A_1003 : i32
        %add3A_1005 = arith.constant 96 : i32
        %add3A_1006 = arith.addi %mul3A_1004, %add3A_1005 : i32
        %swap3A_1007 = arith.index_cast %add3A_1006 : i32 to index
        %swap3A_1008 = tpu.vector_load %arg6[%swap3A_1007] {strides = array<i32>} : memref<25600xf32, #tpu.memory_space<vmem>>, vector<16xf32>,
        tpu.vector_store %arg6[%swap3A_1007], %select_n3A_1002 {strides = array<i32>} : memref<25600xf32, #tpu.memory_space<vmem>>, vector<16xf32>,
        %select_n3A_1009 = arith.select %eq3A_959, %max3A_40, %max3A_80 : vector<16xi1>, vector<16xf32>
        %mul3A_1010 = arith.constant 128 : i32
        %mul3A_1011 = arith.muli %add3A_951, %mul3A_1010 : i32
        %add3A_1012 = arith.constant 112 : i32
        %add3A_1013 = arith.addi %mul3A_1011, %add3A_1012 : i32
        %swap3A_1014 = arith.index_cast %add3A_1013 : i32 to index
        %swap3A_1015 = tpu.vector_load %arg6[%swap3A_1014] {strides = array<i32>} : memref<25600xf32, #tpu.memory_space<vmem>>, vector<16xf32>,
        tpu.vector_store %arg6[%swap3A_1014], %select_n3A_1009 {strides = array<i32>} : memref<25600xf32, #tpu.memory_space<vmem>>, vector<16xf32>,
        %mul3A_1016 = arith.constant 25 : i32
        %mul3A_1017 = arith.muli %scan3A_136, %mul3A_1016 : i32
        %add3A_1018 = arith.constant 13 : i32
        %add3A_1019 = arith.addi %mul3A_1017, %add3A_1018 : i32
        %mul3A_1020 = arith.constant 200 : i32
        %mul3A_1021 = arith.muli %add3A_101, %mul3A_1020 : i32
        %add3A_1022 = arith.addi %mul3A_1021, %add3A_1019 : i32
        %broadcast_in_dim3A_1023 = vector.broadcast %add3A_1022 : i32 to vector<16xi32>
        %gather3A_1024 = tpu.vector_load_idx %arg5[%broadcast_in_dim3A_1023] : memref<10000xi32, #tpu.memory_space<vmem>>[vector<16xi32>], vector<16xi32>,
        %eq3A_1025 = arith.constant 0 : i32
        %eq3A_1026 = vector.broadcast %eq3A_1025 : i32 to vector<16xi32>
        %eq3A_1027 = arith.cmpi eq, %gather3A_1024, %eq3A_1026 : vector<16xi32>
        %select_n3A_1028 = arith.select %eq3A_1027, %max3A_5, %max3A_45 : vector<16xi1>, vector<16xf32>
        %mul3A_1029 = arith.constant 128 : i32
        %mul3A_1030 = arith.muli %add3A_1019, %mul3A_1029 : i32
        %add3A_1031 = arith.constant 0 : i32
        %add3A_1032 = arith.addi %mul3A_1030, %add3A_1031 : i32
        %swap3A_1033 = arith.index_cast %add3A_1032 : i32 to index
        %swap3A_1034 = tpu.vector_load %arg6[%swap3A_1033] {strides = array<i32>} : memref<25600xf32, #tpu.memory_space<vmem>>, vector<16xf32>,
        tpu.vector_store %arg6[%swap3A_1033], %select_n3A_1028 {strides = array<i32>} : memref<25600xf32, #tpu.memory_space<vmem>>, vector<16xf32>,
        %select_n3A_1035 = arith.select %eq3A_1027, %max3A_10, %max3A_50 : vector<16xi1>, vector<16xf32>
        %mul3A_1036 = arith.constant 128 : i32
        %mul3A_1037 = arith.muli %add3A_1019, %mul3A_1036 : i32
        %add3A_1038 = arith.constant 16 : i32
        %add3A_1039 = arith.addi %mul3A_1037, %add3A_1038 : i32
        %swap3A_1040 = arith.index_cast %add3A_1039 : i32 to index
        %swap3A_1041 = tpu.vector_load %arg6[%swap3A_1040] {strides = array<i32>} : memref<25600xf32, #tpu.memory_space<vmem>>, vector<16xf32>,
        tpu.vector_store %arg6[%swap3A_1040], %select_n3A_1035 {strides = array<i32>} : memref<25600xf32, #tpu.memory_space<vmem>>, vector<16xf32>,
        %select_n3A_1042 = arith.select %eq3A_1027, %max3A_15, %max3A_55 : vector<16xi1>, vector<16xf32>
        %mul3A_1043 = arith.constant 128 : i32
        %mul3A_1044 = arith.muli %add3A_1019, %mul3A_1043 : i32
        %add3A_1045 = arith.constant 32 : i32
        %add3A_1046 = arith.addi %mul3A_1044, %add3A_1045 : i32
        %swap3A_1047 = arith.index_cast %add3A_1046 : i32 to index
        %swap3A_1048 = tpu.vector_load %arg6[%swap3A_1047] {strides = array<i32>} : memref<25600xf32, #tpu.memory_space<vmem>>, vector<16xf32>,
        tpu.vector_store %arg6[%swap3A_1047], %select_n3A_1042 {strides = array<i32>} : memref<25600xf32, #tpu.memory_space<vmem>>, vector<16xf32>,
        %select_n3A_1049 = arith.select %eq3A_1027, %max3A_20, %max3A_60 : vector<16xi1>, vector<16xf32>
        %mul3A_1050 = arith.constant 128 : i32
        %mul3A_1051 = arith.muli %add3A_1019, %mul3A_1050 : i32
        %add3A_1052 = arith.constant 48 : i32
        %add3A_1053 = arith.addi %mul3A_1051, %add3A_1052 : i32
        %swap3A_1054 = arith.index_cast %add3A_1053 : i32 to index
        %swap3A_1055 = tpu.vector_load %arg6[%swap3A_1054] {strides = array<i32>} : memref<25600xf32, #tpu.memory_space<vmem>>, vector<16xf32>,
        tpu.vector_store %arg6[%swap3A_1054], %select_n3A_1049 {strides = array<i32>} : memref<25600xf32, #tpu.memory_space<vmem>>, vector<16xf32>,
        %select_n3A_1056 = arith.select %eq3A_1027, %max3A_25, %max3A_65 : vector<16xi1>, vector<16xf32>
        %mul3A_1057 = arith.constant 128 : i32
        %mul3A_1058 = arith.muli %add3A_1019, %mul3A_1057 : i32
        %add3A_1059 = arith.constant 64 : i32
        %add3A_1060 = arith.addi %mul3A_1058, %add3A_1059 : i32
        %swap3A_1061 = arith.index_cast %add3A_1060 : i32 to index
        %swap3A_1062 = tpu.vector_load %arg6[%swap3A_1061] {strides = array<i32>} : memref<25600xf32, #tpu.memory_space<vmem>>, vector<16xf32>,
        tpu.vector_store %arg6[%swap3A_1061], %select_n3A_1056 {strides = array<i32>} : memref<25600xf32, #tpu.memory_space<vmem>>, vector<16xf32>,
        %select_n3A_1063 = arith.select %eq3A_1027, %max3A_30, %max3A_70 : vector<16xi1>, vector<16xf32>
        %mul3A_1064 = arith.constant 128 : i32
        %mul3A_1065 = arith.muli %add3A_1019, %mul3A_1064 : i32
        %add3A_1066 = arith.constant 80 : i32
        %add3A_1067 = arith.addi %mul3A_1065, %add3A_1066 : i32
        %swap3A_1068 = arith.index_cast %add3A_1067 : i32 to index
        %swap3A_1069 = tpu.vector_load %arg6[%swap3A_1068] {strides = array<i32>} : memref<25600xf32, #tpu.memory_space<vmem>>, vector<16xf32>,
        tpu.vector_store %arg6[%swap3A_1068], %select_n3A_1063 {strides = array<i32>} : memref<25600xf32, #tpu.memory_space<vmem>>, vector<16xf32>,
        %select_n3A_1070 = arith.select %eq3A_1027, %max3A_35, %max3A_75 : vector<16xi1>, vector<16xf32>
        %mul3A_1071 = arith.constant 128 : i32
        %mul3A_1072 = arith.muli %add3A_1019, %mul3A_1071 : i32
        %add3A_1073 = arith.constant 96 : i32
        %add3A_1074 = arith.addi %mul3A_1072, %add3A_1073 : i32
        %swap3A_1075 = arith.index_cast %add3A_1074 : i32 to index
        %swap3A_1076 = tpu.vector_load %arg6[%swap3A_1075] {strides = array<i32>} : memref<25600xf32, #tpu.memory_space<vmem>>, vector<16xf32>,
        tpu.vector_store %arg6[%swap3A_1075], %select_n3A_1070 {strides = array<i32>} : memref<25600xf32, #tpu.memory_space<vmem>>, vector<16xf32>,
        %select_n3A_1077 = arith.select %eq3A_1027, %max3A_40, %max3A_80 : vector<16xi1>, vector<16xf32>
        %mul3A_1078 = arith.constant 128 : i32
        %mul3A_1079 = arith.muli %add3A_1019, %mul3A_1078 : i32
        %add3A_1080 = arith.constant 112 : i32
        %add3A_1081 = arith.addi %mul3A_1079, %add3A_1080 : i32
        %swap3A_1082 = arith.index_cast %add3A_1081 : i32 to index
        %swap3A_1083 = tpu.vector_load %arg6[%swap3A_1082] {strides = array<i32>} : memref<25600xf32, #tpu.memory_space<vmem>>, vector<16xf32>,
        tpu.vector_store %arg6[%swap3A_1082], %select_n3A_1077 {strides = array<i32>} : memref<25600xf32, #tpu.memory_space<vmem>>, vector<16xf32>,
        %mul3A_1084 = arith.constant 25 : i32
        %mul3A_1085 = arith.muli %scan3A_136, %mul3A_1084 : i32
        %add3A_1086 = arith.constant 14 : i32
        %add3A_1087 = arith.addi %mul3A_1085, %add3A_1086 : i32
        %mul3A_1088 = arith.constant 200 : i32
        %mul3A_1089 = arith.muli %add3A_101, %mul3A_1088 : i32
        %add3A_1090 = arith.addi %mul3A_1089, %add3A_1087 : i32
        %broadcast_in_dim3A_1091 = vector.broadcast %add3A_1090 : i32 to vector<16xi32>
        %gather3A_1092 = tpu.vector_load_idx %arg5[%broadcast_in_dim3A_1091] : memref<10000xi32, #tpu.memory_space<vmem>>[vector<16xi32>], vector<16xi32>,
        %eq3A_1093 = arith.constant 0 : i32
        %eq3A_1094 = vector.broadcast %eq3A_1093 : i32 to vector<16xi32>
        %eq3A_1095 = arith.cmpi eq, %gather3A_1092, %eq3A_1094 : vector<16xi32>
        %select_n3A_1096 = arith.select %eq3A_1095, %max3A_5, %max3A_45 : vector<16xi1>, vector<16xf32>
        %mul3A_1097 = arith.constant 128 : i32
        %mul3A_1098 = arith.muli %add3A_1087, %mul3A_1097 : i32
        %add3A_1099 = arith.constant 0 : i32
        %add3A_1100 = arith.addi %mul3A_1098, %add3A_1099 : i32
        %swap3A_1101 = arith.index_cast %add3A_1100 : i32 to index
        %swap3A_1102 = tpu.vector_load %arg6[%swap3A_1101] {strides = array<i32>} : memref<25600xf32, #tpu.memory_space<vmem>>, vector<16xf32>,
        tpu.vector_store %arg6[%swap3A_1101], %select_n3A_1096 {strides = array<i32>} : memref<25600xf32, #tpu.memory_space<vmem>>, vector<16xf32>,
        %select_n3A_1103 = arith.select %eq3A_1095, %max3A_10, %max3A_50 : vector<16xi1>, vector<16xf32>
        %mul3A_1104 = arith.constant 128 : i32
        %mul3A_1105 = arith.muli %add3A_1087, %mul3A_1104 : i32
        %add3A_1106 = arith.constant 16 : i32
        %add3A_1107 = arith.addi %mul3A_1105, %add3A_1106 : i32
        %swap3A_1108 = arith.index_cast %add3A_1107 : i32 to index
        %swap3A_1109 = tpu.vector_load %arg6[%swap3A_1108] {strides = array<i32>} : memref<25600xf32, #tpu.memory_space<vmem>>, vector<16xf32>,
        tpu.vector_store %arg6[%swap3A_1108], %select_n3A_1103 {strides = array<i32>} : memref<25600xf32, #tpu.memory_space<vmem>>, vector<16xf32>,
        %select_n3A_1110 = arith.select %eq3A_1095, %max3A_15, %max3A_55 : vector<16xi1>, vector<16xf32>
        %mul3A_1111 = arith.constant 128 : i32
        %mul3A_1112 = arith.muli %add3A_1087, %mul3A_1111 : i32
        %add3A_1113 = arith.constant 32 : i32
        %add3A_1114 = arith.addi %mul3A_1112, %add3A_1113 : i32
        %swap3A_1115 = arith.index_cast %add3A_1114 : i32 to index
        %swap3A_1116 = tpu.vector_load %arg6[%swap3A_1115] {strides = array<i32>} : memref<25600xf32, #tpu.memory_space<vmem>>, vector<16xf32>,
        tpu.vector_store %arg6[%swap3A_1115], %select_n3A_1110 {strides = array<i32>} : memref<25600xf32, #tpu.memory_space<vmem>>, vector<16xf32>,
        %select_n3A_1117 = arith.select %eq3A_1095, %max3A_20, %max3A_60 : vector<16xi1>, vector<16xf32>
        %mul3A_1118 = arith.constant 128 : i32
        %mul3A_1119 = arith.muli %add3A_1087, %mul3A_1118 : i32
        %add3A_1120 = arith.constant 48 : i32
        %add3A_1121 = arith.addi %mul3A_1119, %add3A_1120 : i32
        %swap3A_1122 = arith.index_cast %add3A_1121 : i32 to index
        %swap3A_1123 = tpu.vector_load %arg6[%swap3A_1122] {strides = array<i32>} : memref<25600xf32, #tpu.memory_space<vmem>>, vector<16xf32>,
        tpu.vector_store %arg6[%swap3A_1122], %select_n3A_1117 {strides = array<i32>} : memref<25600xf32, #tpu.memory_space<vmem>>, vector<16xf32>,
        %select_n3A_1124 = arith.select %eq3A_1095, %max3A_25, %max3A_65 : vector<16xi1>, vector<16xf32>
        %mul3A_1125 = arith.constant 128 : i32
        %mul3A_1126 = arith.muli %add3A_1087, %mul3A_1125 : i32
        %add3A_1127 = arith.constant 64 : i32
        %add3A_1128 = arith.addi %mul3A_1126, %add3A_1127 : i32
        %swap3A_1129 = arith.index_cast %add3A_1128 : i32 to index
        %swap3A_1130 = tpu.vector_load %arg6[%swap3A_1129] {strides = array<i32>} : memref<25600xf32, #tpu.memory_space<vmem>>, vector<16xf32>,
        tpu.vector_store %arg6[%swap3A_1129], %select_n3A_1124 {strides = array<i32>} : memref<25600xf32, #tpu.memory_space<vmem>>, vector<16xf32>,
        %select_n3A_1131 = arith.select %eq3A_1095, %max3A_30, %max3A_70 : vector<16xi1>, vector<16xf32>
        %mul3A_1132 = arith.constant 128 : i32
        %mul3A_1133 = arith.muli %add3A_1087, %mul3A_1132 : i32
        %add3A_1134 = arith.constant 80 : i32
        %add3A_1135 = arith.addi %mul3A_1133, %add3A_1134 : i32
        %swap3A_1136 = arith.index_cast %add3A_1135 : i32 to index
        %swap3A_1137 = tpu.vector_load %arg6[%swap3A_1136] {strides = array<i32>} : memref<25600xf32, #tpu.memory_space<vmem>>, vector<16xf32>,
        tpu.vector_store %arg6[%swap3A_1136], %select_n3A_1131 {strides = array<i32>} : memref<25600xf32, #tpu.memory_space<vmem>>, vector<16xf32>,
        %select_n3A_1138 = arith.select %eq3A_1095, %max3A_35, %max3A_75 : vector<16xi1>, vector<16xf32>
        %mul3A_1139 = arith.constant 128 : i32
        %mul3A_1140 = arith.muli %add3A_1087, %mul3A_1139 : i32
        %add3A_1141 = arith.constant 96 : i32
        %add3A_1142 = arith.addi %mul3A_1140, %add3A_1141 : i32
        %swap3A_1143 = arith.index_cast %add3A_1142 : i32 to index
        %swap3A_1144 = tpu.vector_load %arg6[%swap3A_1143] {strides = array<i32>} : memref<25600xf32, #tpu.memory_space<vmem>>, vector<16xf32>,
        tpu.vector_store %arg6[%swap3A_1143], %select_n3A_1138 {strides = array<i32>} : memref<25600xf32, #tpu.memory_space<vmem>>, vector<16xf32>,
        %select_n3A_1145 = arith.select %eq3A_1095, %max3A_40, %max3A_80 : vector<16xi1>, vector<16xf32>
        %mul3A_1146 = arith.constant 128 : i32
        %mul3A_1147 = arith.muli %add3A_1087, %mul3A_1146 : i32
        %add3A_1148 = arith.constant 112 : i32
        %add3A_1149 = arith.addi %mul3A_1147, %add3A_1148 : i32
        %swap3A_1150 = arith.index_cast %add3A_1149 : i32 to index
        %swap3A_1151 = tpu.vector_load %arg6[%swap3A_1150] {strides = array<i32>} : memref<25600xf32, #tpu.memory_space<vmem>>, vector<16xf32>,
        tpu.vector_store %arg6[%swap3A_1150], %select_n3A_1145 {strides = array<i32>} : memref<25600xf32, #tpu.memory_space<vmem>>, vector<16xf32>,
        %mul3A_1152 = arith.constant 25 : i32
        %mul3A_1153 = arith.muli %scan3A_136, %mul3A_1152 : i32
        %add3A_1154 = arith.constant 15 : i32
        %add3A_1155 = arith.addi %mul3A_1153, %add3A_1154 : i32
        %mul3A_1156 = arith.constant 200 : i32
        %mul3A_1157 = arith.muli %add3A_101, %mul3A_1156 : i32
        %add3A_1158 = arith.addi %mul3A_1157, %add3A_1155 : i32
        %broadcast_in_dim3A_1159 = vector.broadcast %add3A_1158 : i32 to vector<16xi32>
        %gather3A_1160 = tpu.vector_load_idx %arg5[%broadcast_in_dim3A_1159] : memref<10000xi32, #tpu.memory_space<vmem>>[vector<16xi32>], vector<16xi32>,
        %eq3A_1161 = arith.constant 0 : i32
        %eq3A_1162 = vector.broadcast %eq3A_1161 : i32 to vector<16xi32>
        %eq3A_1163 = arith.cmpi eq, %gather3A_1160, %eq3A_1162 : vector<16xi32>
        %select_n3A_1164 = arith.select %eq3A_1163, %max3A_5, %max3A_45 : vector<16xi1>, vector<16xf32>
        %mul3A_1165 = arith.constant 128 : i32
        %mul3A_1166 = arith.muli %add3A_1155, %mul3A_1165 : i32
        %add3A_1167 = arith.constant 0 : i32
        %add3A_1168 = arith.addi %mul3A_1166, %add3A_1167 : i32
        %swap3A_1169 = arith.index_cast %add3A_1168 : i32 to index
        %swap3A_1170 = tpu.vector_load %arg6[%swap3A_1169] {strides = array<i32>} : memref<25600xf32, #tpu.memory_space<vmem>>, vector<16xf32>,
        tpu.vector_store %arg6[%swap3A_1169], %select_n3A_1164 {strides = array<i32>} : memref<25600xf32, #tpu.memory_space<vmem>>, vector<16xf32>,
        %select_n3A_1171 = arith.select %eq3A_1163, %max3A_10, %max3A_50 : vector<16xi1>, vector<16xf32>
        %mul3A_1172 = arith.constant 128 : i32
        %mul3A_1173 = arith.muli %add3A_1155, %mul3A_1172 : i32
        %add3A_1174 = arith.constant 16 : i32
        %add3A_1175 = arith.addi %mul3A_1173, %add3A_1174 : i32
        %swap3A_1176 = arith.index_cast %add3A_1175 : i32 to index
        %swap3A_1177 = tpu.vector_load %arg6[%swap3A_1176] {strides = array<i32>} : memref<25600xf32, #tpu.memory_space<vmem>>, vector<16xf32>,
        tpu.vector_store %arg6[%swap3A_1176], %select_n3A_1171 {strides = array<i32>} : memref<25600xf32, #tpu.memory_space<vmem>>, vector<16xf32>,
        %select_n3A_1178 = arith.select %eq3A_1163, %max3A_15, %max3A_55 : vector<16xi1>, vector<16xf32>
        %mul3A_1179 = arith.constant 128 : i32
        %mul3A_1180 = arith.muli %add3A_1155, %mul3A_1179 : i32
        %add3A_1181 = arith.constant 32 : i32
        %add3A_1182 = arith.addi %mul3A_1180, %add3A_1181 : i32
        %swap3A_1183 = arith.index_cast %add3A_1182 : i32 to index
        %swap3A_1184 = tpu.vector_load %arg6[%swap3A_1183] {strides = array<i32>} : memref<25600xf32, #tpu.memory_space<vmem>>, vector<16xf32>,
        tpu.vector_store %arg6[%swap3A_1183], %select_n3A_1178 {strides = array<i32>} : memref<25600xf32, #tpu.memory_space<vmem>>, vector<16xf32>,
        %select_n3A_1185 = arith.select %eq3A_1163, %max3A_20, %max3A_60 : vector<16xi1>, vector<16xf32>
        %mul3A_1186 = arith.constant 128 : i32
        %mul3A_1187 = arith.muli %add3A_1155, %mul3A_1186 : i32
        %add3A_1188 = arith.constant 48 : i32
        %add3A_1189 = arith.addi %mul3A_1187, %add3A_1188 : i32
        %swap3A_1190 = arith.index_cast %add3A_1189 : i32 to index
        %swap3A_1191 = tpu.vector_load %arg6[%swap3A_1190] {strides = array<i32>} : memref<25600xf32, #tpu.memory_space<vmem>>, vector<16xf32>,
        tpu.vector_store %arg6[%swap3A_1190], %select_n3A_1185 {strides = array<i32>} : memref<25600xf32, #tpu.memory_space<vmem>>, vector<16xf32>,
        %select_n3A_1192 = arith.select %eq3A_1163, %max3A_25, %max3A_65 : vector<16xi1>, vector<16xf32>
        %mul3A_1193 = arith.constant 128 : i32
        %mul3A_1194 = arith.muli %add3A_1155, %mul3A_1193 : i32
        %add3A_1195 = arith.constant 64 : i32
        %add3A_1196 = arith.addi %mul3A_1194, %add3A_1195 : i32
        %swap3A_1197 = arith.index_cast %add3A_1196 : i32 to index
        %swap3A_1198 = tpu.vector_load %arg6[%swap3A_1197] {strides = array<i32>} : memref<25600xf32, #tpu.memory_space<vmem>>, vector<16xf32>,
        tpu.vector_store %arg6[%swap3A_1197], %select_n3A_1192 {strides = array<i32>} : memref<25600xf32, #tpu.memory_space<vmem>>, vector<16xf32>,
        %select_n3A_1199 = arith.select %eq3A_1163, %max3A_30, %max3A_70 : vector<16xi1>, vector<16xf32>
        %mul3A_1200 = arith.constant 128 : i32
        %mul3A_1201 = arith.muli %add3A_1155, %mul3A_1200 : i32
        %add3A_1202 = arith.constant 80 : i32
        %add3A_1203 = arith.addi %mul3A_1201, %add3A_1202 : i32
        %swap3A_1204 = arith.index_cast %add3A_1203 : i32 to index
        %swap3A_1205 = tpu.vector_load %arg6[%swap3A_1204] {strides = array<i32>} : memref<25600xf32, #tpu.memory_space<vmem>>, vector<16xf32>,
        tpu.vector_store %arg6[%swap3A_1204], %select_n3A_1199 {strides = array<i32>} : memref<25600xf32, #tpu.memory_space<vmem>>, vector<16xf32>,
        %select_n3A_1206 = arith.select %eq3A_1163, %max3A_35, %max3A_75 : vector<16xi1>, vector<16xf32>
        %mul3A_1207 = arith.constant 128 : i32
        %mul3A_1208 = arith.muli %add3A_1155, %mul3A_1207 : i32
        %add3A_1209 = arith.constant 96 : i32
        %add3A_1210 = arith.addi %mul3A_1208, %add3A_1209 : i32
        %swap3A_1211 = arith.index_cast %add3A_1210 : i32 to index
        %swap3A_1212 = tpu.vector_load %arg6[%swap3A_1211] {strides = array<i32>} : memref<25600xf32, #tpu.memory_space<vmem>>, vector<16xf32>,
        tpu.vector_store %arg6[%swap3A_1211], %select_n3A_1206 {strides = array<i32>} : memref<25600xf32, #tpu.memory_space<vmem>>, vector<16xf32>,
        %select_n3A_1213 = arith.select %eq3A_1163, %max3A_40, %max3A_80 : vector<16xi1>, vector<16xf32>
        %mul3A_1214 = arith.constant 128 : i32
        %mul3A_1215 = arith.muli %add3A_1155, %mul3A_1214 : i32
        %add3A_1216 = arith.constant 112 : i32
        %add3A_1217 = arith.addi %mul3A_1215, %add3A_1216 : i32
        %swap3A_1218 = arith.index_cast %add3A_1217 : i32 to index
        %swap3A_1219 = tpu.vector_load %arg6[%swap3A_1218] {strides = array<i32>} : memref<25600xf32, #tpu.memory_space<vmem>>, vector<16xf32>,
        tpu.vector_store %arg6[%swap3A_1218], %select_n3A_1213 {strides = array<i32>} : memref<25600xf32, #tpu.memory_space<vmem>>, vector<16xf32>,
        %mul3A_1220 = arith.constant 25 : i32
        %mul3A_1221 = arith.muli %scan3A_136, %mul3A_1220 : i32
        %add3A_1222 = arith.constant 16 : i32
        %add3A_1223 = arith.addi %mul3A_1221, %add3A_1222 : i32
        %mul3A_1224 = arith.constant 200 : i32
        %mul3A_1225 = arith.muli %add3A_101, %mul3A_1224 : i32
        %add3A_1226 = arith.addi %mul3A_1225, %add3A_1223 : i32
        %broadcast_in_dim3A_1227 = vector.broadcast %add3A_1226 : i32 to vector<16xi32>
        %gather3A_1228 = tpu.vector_load_idx %arg5[%broadcast_in_dim3A_1227] : memref<10000xi32, #tpu.memory_space<vmem>>[vector<16xi32>], vector<16xi32>,
        %eq3A_1229 = arith.constant 0 : i32
        %eq3A_1230 = vector.broadcast %eq3A_1229 : i32 to vector<16xi32>
        %eq3A_1231 = arith.cmpi eq, %gather3A_1228, %eq3A_1230 : vector<16xi32>
        %select_n3A_1232 = arith.select %eq3A_1231, %max3A_5, %max3A_45 : vector<16xi1>, vector<16xf32>
        %mul3A_1233 = arith.constant 128 : i32
        %mul3A_1234 = arith.muli %add3A_1223, %mul3A_1233 : i32
        %add3A_1235 = arith.constant 0 : i32
        %add3A_1236 = arith.addi %mul3A_1234, %add3A_1235 : i32
        %swap3A_1237 = arith.index_cast %add3A_1236 : i32 to index
        %swap3A_1238 = tpu.vector_load %arg6[%swap3A_1237] {strides = array<i32>} : memref<25600xf32, #tpu.memory_space<vmem>>, vector<16xf32>,
        tpu.vector_store %arg6[%swap3A_1237], %select_n3A_1232 {strides = array<i32>} : memref<25600xf32, #tpu.memory_space<vmem>>, vector<16xf32>,
        %select_n3A_1239 = arith.select %eq3A_1231, %max3A_10, %max3A_50 : vector<16xi1>, vector<16xf32>
        %mul3A_1240 = arith.constant 128 : i32
        %mul3A_1241 = arith.muli %add3A_1223, %mul3A_1240 : i32
        %add3A_1242 = arith.constant 16 : i32
        %add3A_1243 = arith.addi %mul3A_1241, %add3A_1242 : i32
        %swap3A_1244 = arith.index_cast %add3A_1243 : i32 to index
        %swap3A_1245 = tpu.vector_load %arg6[%swap3A_1244] {strides = array<i32>} : memref<25600xf32, #tpu.memory_space<vmem>>, vector<16xf32>,
        tpu.vector_store %arg6[%swap3A_1244], %select_n3A_1239 {strides = array<i32>} : memref<25600xf32, #tpu.memory_space<vmem>>, vector<16xf32>,
        %select_n3A_1246 = arith.select %eq3A_1231, %max3A_15, %max3A_55 : vector<16xi1>, vector<16xf32>
        %mul3A_1247 = arith.constant 128 : i32
        %mul3A_1248 = arith.muli %add3A_1223, %mul3A_1247 : i32
        %add3A_1249 = arith.constant 32 : i32
        %add3A_1250 = arith.addi %mul3A_1248, %add3A_1249 : i32
        %swap3A_1251 = arith.index_cast %add3A_1250 : i32 to index
        %swap3A_1252 = tpu.vector_load %arg6[%swap3A_1251] {strides = array<i32>} : memref<25600xf32, #tpu.memory_space<vmem>>, vector<16xf32>,
        tpu.vector_store %arg6[%swap3A_1251], %select_n3A_1246 {strides = array<i32>} : memref<25600xf32, #tpu.memory_space<vmem>>, vector<16xf32>,
        %select_n3A_1253 = arith.select %eq3A_1231, %max3A_20, %max3A_60 : vector<16xi1>, vector<16xf32>
        %mul3A_1254 = arith.constant 128 : i32
        %mul3A_1255 = arith.muli %add3A_1223, %mul3A_1254 : i32
        %add3A_1256 = arith.constant 48 : i32
        %add3A_1257 = arith.addi %mul3A_1255, %add3A_1256 : i32
        %swap3A_1258 = arith.index_cast %add3A_1257 : i32 to index
        %swap3A_1259 = tpu.vector_load %arg6[%swap3A_1258] {strides = array<i32>} : memref<25600xf32, #tpu.memory_space<vmem>>, vector<16xf32>,
        tpu.vector_store %arg6[%swap3A_1258], %select_n3A_1253 {strides = array<i32>} : memref<25600xf32, #tpu.memory_space<vmem>>, vector<16xf32>,
        %select_n3A_1260 = arith.select %eq3A_1231, %max3A_25, %max3A_65 : vector<16xi1>, vector<16xf32>
        %mul3A_1261 = arith.constant 128 : i32
        %mul3A_1262 = arith.muli %add3A_1223, %mul3A_1261 : i32
        %add3A_1263 = arith.constant 64 : i32
        %add3A_1264 = arith.addi %mul3A_1262, %add3A_1263 : i32
        %swap3A_1265 = arith.index_cast %add3A_1264 : i32 to index
        %swap3A_1266 = tpu.vector_load %arg6[%swap3A_1265] {strides = array<i32>} : memref<25600xf32, #tpu.memory_space<vmem>>, vector<16xf32>,
        tpu.vector_store %arg6[%swap3A_1265], %select_n3A_1260 {strides = array<i32>} : memref<25600xf32, #tpu.memory_space<vmem>>, vector<16xf32>,
        %select_n3A_1267 = arith.select %eq3A_1231, %max3A_30, %max3A_70 : vector<16xi1>, vector<16xf32>
        %mul3A_1268 = arith.constant 128 : i32
        %mul3A_1269 = arith.muli %add3A_1223, %mul3A_1268 : i32
        %add3A_1270 = arith.constant 80 : i32
        %add3A_1271 = arith.addi %mul3A_1269, %add3A_1270 : i32
        %swap3A_1272 = arith.index_cast %add3A_1271 : i32 to index
        %swap3A_1273 = tpu.vector_load %arg6[%swap3A_1272] {strides = array<i32>} : memref<25600xf32, #tpu.memory_space<vmem>>, vector<16xf32>,
        tpu.vector_store %arg6[%swap3A_1272], %select_n3A_1267 {strides = array<i32>} : memref<25600xf32, #tpu.memory_space<vmem>>, vector<16xf32>,
        %select_n3A_1274 = arith.select %eq3A_1231, %max3A_35, %max3A_75 : vector<16xi1>, vector<16xf32>
        %mul3A_1275 = arith.constant 128 : i32
        %mul3A_1276 = arith.muli %add3A_1223, %mul3A_1275 : i32
        %add3A_1277 = arith.constant 96 : i32
        %add3A_1278 = arith.addi %mul3A_1276, %add3A_1277 : i32
        %swap3A_1279 = arith.index_cast %add3A_1278 : i32 to index
        %swap3A_1280 = tpu.vector_load %arg6[%swap3A_1279] {strides = array<i32>} : memref<25600xf32, #tpu.memory_space<vmem>>, vector<16xf32>,
        tpu.vector_store %arg6[%swap3A_1279], %select_n3A_1274 {strides = array<i32>} : memref<25600xf32, #tpu.memory_space<vmem>>, vector<16xf32>,
        %select_n3A_1281 = arith.select %eq3A_1231, %max3A_40, %max3A_80 : vector<16xi1>, vector<16xf32>
        %mul3A_1282 = arith.constant 128 : i32
        %mul3A_1283 = arith.muli %add3A_1223, %mul3A_1282 : i32
        %add3A_1284 = arith.constant 112 : i32
        %add3A_1285 = arith.addi %mul3A_1283, %add3A_1284 : i32
        %swap3A_1286 = arith.index_cast %add3A_1285 : i32 to index
        %swap3A_1287 = tpu.vector_load %arg6[%swap3A_1286] {strides = array<i32>} : memref<25600xf32, #tpu.memory_space<vmem>>, vector<16xf32>,
        tpu.vector_store %arg6[%swap3A_1286], %select_n3A_1281 {strides = array<i32>} : memref<25600xf32, #tpu.memory_space<vmem>>, vector<16xf32>,
        %mul3A_1288 = arith.constant 25 : i32
        %mul3A_1289 = arith.muli %scan3A_136, %mul3A_1288 : i32
        %add3A_1290 = arith.constant 17 : i32
        %add3A_1291 = arith.addi %mul3A_1289, %add3A_1290 : i32
        %mul3A_1292 = arith.constant 200 : i32
        %mul3A_1293 = arith.muli %add3A_101, %mul3A_1292 : i32
        %add3A_1294 = arith.addi %mul3A_1293, %add3A_1291 : i32
        %broadcast_in_dim3A_1295 = vector.broadcast %add3A_1294 : i32 to vector<16xi32>
        %gather3A_1296 = tpu.vector_load_idx %arg5[%broadcast_in_dim3A_1295] : memref<10000xi32, #tpu.memory_space<vmem>>[vector<16xi32>], vector<16xi32>,
        %eq3A_1297 = arith.constant 0 : i32
        %eq3A_1298 = vector.broadcast %eq3A_1297 : i32 to vector<16xi32>
        %eq3A_1299 = arith.cmpi eq, %gather3A_1296, %eq3A_1298 : vector<16xi32>
        %select_n3A_1300 = arith.select %eq3A_1299, %max3A_5, %max3A_45 : vector<16xi1>, vector<16xf32>
        %mul3A_1301 = arith.constant 128 : i32
        %mul3A_1302 = arith.muli %add3A_1291, %mul3A_1301 : i32
        %add3A_1303 = arith.constant 0 : i32
        %add3A_1304 = arith.addi %mul3A_1302, %add3A_1303 : i32
        %swap3A_1305 = arith.index_cast %add3A_1304 : i32 to index
        %swap3A_1306 = tpu.vector_load %arg6[%swap3A_1305] {strides = array<i32>} : memref<25600xf32, #tpu.memory_space<vmem>>, vector<16xf32>,
        tpu.vector_store %arg6[%swap3A_1305], %select_n3A_1300 {strides = array<i32>} : memref<25600xf32, #tpu.memory_space<vmem>>, vector<16xf32>,
        %select_n3A_1307 = arith.select %eq3A_1299, %max3A_10, %max3A_50 : vector<16xi1>, vector<16xf32>
        %mul3A_1308 = arith.constant 128 : i32
        %mul3A_1309 = arith.muli %add3A_1291, %mul3A_1308 : i32
        %add3A_1310 = arith.constant 16 : i32
        %add3A_1311 = arith.addi %mul3A_1309, %add3A_1310 : i32
        %swap3A_1312 = arith.index_cast %add3A_1311 : i32 to index
        %swap3A_1313 = tpu.vector_load %arg6[%swap3A_1312] {strides = array<i32>} : memref<25600xf32, #tpu.memory_space<vmem>>, vector<16xf32>,
        tpu.vector_store %arg6[%swap3A_1312], %select_n3A_1307 {strides = array<i32>} : memref<25600xf32, #tpu.memory_space<vmem>>, vector<16xf32>,
        %select_n3A_1314 = arith.select %eq3A_1299, %max3A_15, %max3A_55 : vector<16xi1>, vector<16xf32>
        %mul3A_1315 = arith.constant 128 : i32
        %mul3A_1316 = arith.muli %add3A_1291, %mul3A_1315 : i32
        %add3A_1317 = arith.constant 32 : i32
        %add3A_1318 = arith.addi %mul3A_1316, %add3A_1317 : i32
        %swap3A_1319 = arith.index_cast %add3A_1318 : i32 to index
        %swap3A_1320 = tpu.vector_load %arg6[%swap3A_1319] {strides = array<i32>} : memref<25600xf32, #tpu.memory_space<vmem>>, vector<16xf32>,
        tpu.vector_store %arg6[%swap3A_1319], %select_n3A_1314 {strides = array<i32>} : memref<25600xf32, #tpu.memory_space<vmem>>, vector<16xf32>,
        %select_n3A_1321 = arith.select %eq3A_1299, %max3A_20, %max3A_60 : vector<16xi1>, vector<16xf32>
        %mul3A_1322 = arith.constant 128 : i32
        %mul3A_1323 = arith.muli %add3A_1291, %mul3A_1322 : i32
        %add3A_1324 = arith.constant 48 : i32
        %add3A_1325 = arith.addi %mul3A_1323, %add3A_1324 : i32
        %swap3A_1326 = arith.index_cast %add3A_1325 : i32 to index
        %swap3A_1327 = tpu.vector_load %arg6[%swap3A_1326] {strides = array<i32>} : memref<25600xf32, #tpu.memory_space<vmem>>, vector<16xf32>,
        tpu.vector_store %arg6[%swap3A_1326], %select_n3A_1321 {strides = array<i32>} : memref<25600xf32, #tpu.memory_space<vmem>>, vector<16xf32>,
        %select_n3A_1328 = arith.select %eq3A_1299, %max3A_25, %max3A_65 : vector<16xi1>, vector<16xf32>
        %mul3A_1329 = arith.constant 128 : i32
        %mul3A_1330 = arith.muli %add3A_1291, %mul3A_1329 : i32
        %add3A_1331 = arith.constant 64 : i32
        %add3A_1332 = arith.addi %mul3A_1330, %add3A_1331 : i32
        %swap3A_1333 = arith.index_cast %add3A_1332 : i32 to index
        %swap3A_1334 = tpu.vector_load %arg6[%swap3A_1333] {strides = array<i32>} : memref<25600xf32, #tpu.memory_space<vmem>>, vector<16xf32>,
        tpu.vector_store %arg6[%swap3A_1333], %select_n3A_1328 {strides = array<i32>} : memref<25600xf32, #tpu.memory_space<vmem>>, vector<16xf32>,
        %select_n3A_1335 = arith.select %eq3A_1299, %max3A_30, %max3A_70 : vector<16xi1>, vector<16xf32>
        %mul3A_1336 = arith.constant 128 : i32
        %mul3A_1337 = arith.muli %add3A_1291, %mul3A_1336 : i32
        %add3A_1338 = arith.constant 80 : i32
        %add3A_1339 = arith.addi %mul3A_1337, %add3A_1338 : i32
        %swap3A_1340 = arith.index_cast %add3A_1339 : i32 to index
        %swap3A_1341 = tpu.vector_load %arg6[%swap3A_1340] {strides = array<i32>} : memref<25600xf32, #tpu.memory_space<vmem>>, vector<16xf32>,
        tpu.vector_store %arg6[%swap3A_1340], %select_n3A_1335 {strides = array<i32>} : memref<25600xf32, #tpu.memory_space<vmem>>, vector<16xf32>,
        %select_n3A_1342 = arith.select %eq3A_1299, %max3A_35, %max3A_75 : vector<16xi1>, vector<16xf32>
        %mul3A_1343 = arith.constant 128 : i32
        %mul3A_1344 = arith.muli %add3A_1291, %mul3A_1343 : i32
        %add3A_1345 = arith.constant 96 : i32
        %add3A_1346 = arith.addi %mul3A_1344, %add3A_1345 : i32
        %swap3A_1347 = arith.index_cast %add3A_1346 : i32 to index
        %swap3A_1348 = tpu.vector_load %arg6[%swap3A_1347] {strides = array<i32>} : memref<25600xf32, #tpu.memory_space<vmem>>, vector<16xf32>,
        tpu.vector_store %arg6[%swap3A_1347], %select_n3A_1342 {strides = array<i32>} : memref<25600xf32, #tpu.memory_space<vmem>>, vector<16xf32>,
        %select_n3A_1349 = arith.select %eq3A_1299, %max3A_40, %max3A_80 : vector<16xi1>, vector<16xf32>
        %mul3A_1350 = arith.constant 128 : i32
        %mul3A_1351 = arith.muli %add3A_1291, %mul3A_1350 : i32
        %add3A_1352 = arith.constant 112 : i32
        %add3A_1353 = arith.addi %mul3A_1351, %add3A_1352 : i32
        %swap3A_1354 = arith.index_cast %add3A_1353 : i32 to index
        %swap3A_1355 = tpu.vector_load %arg6[%swap3A_1354] {strides = array<i32>} : memref<25600xf32, #tpu.memory_space<vmem>>, vector<16xf32>,
        tpu.vector_store %arg6[%swap3A_1354], %select_n3A_1349 {strides = array<i32>} : memref<25600xf32, #tpu.memory_space<vmem>>, vector<16xf32>,
        %mul3A_1356 = arith.constant 25 : i32
        %mul3A_1357 = arith.muli %scan3A_136, %mul3A_1356 : i32
        %add3A_1358 = arith.constant 18 : i32
        %add3A_1359 = arith.addi %mul3A_1357, %add3A_1358 : i32
        %mul3A_1360 = arith.constant 200 : i32
        %mul3A_1361 = arith.muli %add3A_101, %mul3A_1360 : i32
        %add3A_1362 = arith.addi %mul3A_1361, %add3A_1359 : i32
        %broadcast_in_dim3A_1363 = vector.broadcast %add3A_1362 : i32 to vector<16xi32>
        %gather3A_1364 = tpu.vector_load_idx %arg5[%broadcast_in_dim3A_1363] : memref<10000xi32, #tpu.memory_space<vmem>>[vector<16xi32>], vector<16xi32>,
        %eq3A_1365 = arith.constant 0 : i32
        %eq3A_1366 = vector.broadcast %eq3A_1365 : i32 to vector<16xi32>
        %eq3A_1367 = arith.cmpi eq, %gather3A_1364, %eq3A_1366 : vector<16xi32>
        %select_n3A_1368 = arith.select %eq3A_1367, %max3A_5, %max3A_45 : vector<16xi1>, vector<16xf32>
        %mul3A_1369 = arith.constant 128 : i32
        %mul3A_1370 = arith.muli %add3A_1359, %mul3A_1369 : i32
        %add3A_1371 = arith.constant 0 : i32
        %add3A_1372 = arith.addi %mul3A_1370, %add3A_1371 : i32
        %swap3A_1373 = arith.index_cast %add3A_1372 : i32 to index
        %swap3A_1374 = tpu.vector_load %arg6[%swap3A_1373] {strides = array<i32>} : memref<25600xf32, #tpu.memory_space<vmem>>, vector<16xf32>,
        tpu.vector_store %arg6[%swap3A_1373], %select_n3A_1368 {strides = array<i32>} : memref<25600xf32, #tpu.memory_space<vmem>>, vector<16xf32>,
        %select_n3A_1375 = arith.select %eq3A_1367, %max3A_10, %max3A_50 : vector<16xi1>, vector<16xf32>
        %mul3A_1376 = arith.constant 128 : i32
        %mul3A_1377 = arith.muli %add3A_1359, %mul3A_1376 : i32
        %add3A_1378 = arith.constant 16 : i32
        %add3A_1379 = arith.addi %mul3A_1377, %add3A_1378 : i32
        %swap3A_1380 = arith.index_cast %add3A_1379 : i32 to index
        %swap3A_1381 = tpu.vector_load %arg6[%swap3A_1380] {strides = array<i32>} : memref<25600xf32, #tpu.memory_space<vmem>>, vector<16xf32>,
        tpu.vector_store %arg6[%swap3A_1380], %select_n3A_1375 {strides = array<i32>} : memref<25600xf32, #tpu.memory_space<vmem>>, vector<16xf32>,
        %select_n3A_1382 = arith.select %eq3A_1367, %max3A_15, %max3A_55 : vector<16xi1>, vector<16xf32>
        %mul3A_1383 = arith.constant 128 : i32
        %mul3A_1384 = arith.muli %add3A_1359, %mul3A_1383 : i32
        %add3A_1385 = arith.constant 32 : i32
        %add3A_1386 = arith.addi %mul3A_1384, %add3A_1385 : i32
        %swap3A_1387 = arith.index_cast %add3A_1386 : i32 to index
        %swap3A_1388 = tpu.vector_load %arg6[%swap3A_1387] {strides = array<i32>} : memref<25600xf32, #tpu.memory_space<vmem>>, vector<16xf32>,
        tpu.vector_store %arg6[%swap3A_1387], %select_n3A_1382 {strides = array<i32>} : memref<25600xf32, #tpu.memory_space<vmem>>, vector<16xf32>,
        %select_n3A_1389 = arith.select %eq3A_1367, %max3A_20, %max3A_60 : vector<16xi1>, vector<16xf32>
        %mul3A_1390 = arith.constant 128 : i32
        %mul3A_1391 = arith.muli %add3A_1359, %mul3A_1390 : i32
        %add3A_1392 = arith.constant 48 : i32
        %add3A_1393 = arith.addi %mul3A_1391, %add3A_1392 : i32
        %swap3A_1394 = arith.index_cast %add3A_1393 : i32 to index
        %swap3A_1395 = tpu.vector_load %arg6[%swap3A_1394] {strides = array<i32>} : memref<25600xf32, #tpu.memory_space<vmem>>, vector<16xf32>,
        tpu.vector_store %arg6[%swap3A_1394], %select_n3A_1389 {strides = array<i32>} : memref<25600xf32, #tpu.memory_space<vmem>>, vector<16xf32>,
        %select_n3A_1396 = arith.select %eq3A_1367, %max3A_25, %max3A_65 : vector<16xi1>, vector<16xf32>
        %mul3A_1397 = arith.constant 128 : i32
        %mul3A_1398 = arith.muli %add3A_1359, %mul3A_1397 : i32
        %add3A_1399 = arith.constant 64 : i32
        %add3A_1400 = arith.addi %mul3A_1398, %add3A_1399 : i32
        %swap3A_1401 = arith.index_cast %add3A_1400 : i32 to index
        %swap3A_1402 = tpu.vector_load %arg6[%swap3A_1401] {strides = array<i32>} : memref<25600xf32, #tpu.memory_space<vmem>>, vector<16xf32>,
        tpu.vector_store %arg6[%swap3A_1401], %select_n3A_1396 {strides = array<i32>} : memref<25600xf32, #tpu.memory_space<vmem>>, vector<16xf32>,
        %select_n3A_1403 = arith.select %eq3A_1367, %max3A_30, %max3A_70 : vector<16xi1>, vector<16xf32>
        %mul3A_1404 = arith.constant 128 : i32
        %mul3A_1405 = arith.muli %add3A_1359, %mul3A_1404 : i32
        %add3A_1406 = arith.constant 80 : i32
        %add3A_1407 = arith.addi %mul3A_1405, %add3A_1406 : i32
        %swap3A_1408 = arith.index_cast %add3A_1407 : i32 to index
        %swap3A_1409 = tpu.vector_load %arg6[%swap3A_1408] {strides = array<i32>} : memref<25600xf32, #tpu.memory_space<vmem>>, vector<16xf32>,
        tpu.vector_store %arg6[%swap3A_1408], %select_n3A_1403 {strides = array<i32>} : memref<25600xf32, #tpu.memory_space<vmem>>, vector<16xf32>,
        %select_n3A_1410 = arith.select %eq3A_1367, %max3A_35, %max3A_75 : vector<16xi1>, vector<16xf32>
        %mul3A_1411 = arith.constant 128 : i32
        %mul3A_1412 = arith.muli %add3A_1359, %mul3A_1411 : i32
        %add3A_1413 = arith.constant 96 : i32
        %add3A_1414 = arith.addi %mul3A_1412, %add3A_1413 : i32
        %swap3A_1415 = arith.index_cast %add3A_1414 : i32 to index
        %swap3A_1416 = tpu.vector_load %arg6[%swap3A_1415] {strides = array<i32>} : memref<25600xf32, #tpu.memory_space<vmem>>, vector<16xf32>,
        tpu.vector_store %arg6[%swap3A_1415], %select_n3A_1410 {strides = array<i32>} : memref<25600xf32, #tpu.memory_space<vmem>>, vector<16xf32>,
        %select_n3A_1417 = arith.select %eq3A_1367, %max3A_40, %max3A_80 : vector<16xi1>, vector<16xf32>
        %mul3A_1418 = arith.constant 128 : i32
        %mul3A_1419 = arith.muli %add3A_1359, %mul3A_1418 : i32
        %add3A_1420 = arith.constant 112 : i32
        %add3A_1421 = arith.addi %mul3A_1419, %add3A_1420 : i32
        %swap3A_1422 = arith.index_cast %add3A_1421 : i32 to index
        %swap3A_1423 = tpu.vector_load %arg6[%swap3A_1422] {strides = array<i32>} : memref<25600xf32, #tpu.memory_space<vmem>>, vector<16xf32>,
        tpu.vector_store %arg6[%swap3A_1422], %select_n3A_1417 {strides = array<i32>} : memref<25600xf32, #tpu.memory_space<vmem>>, vector<16xf32>,
        %mul3A_1424 = arith.constant 25 : i32
        %mul3A_1425 = arith.muli %scan3A_136, %mul3A_1424 : i32
        %add3A_1426 = arith.constant 19 : i32
        %add3A_1427 = arith.addi %mul3A_1425, %add3A_1426 : i32
        %mul3A_1428 = arith.constant 200 : i32
        %mul3A_1429 = arith.muli %add3A_101, %mul3A_1428 : i32
        %add3A_1430 = arith.addi %mul3A_1429, %add3A_1427 : i32
        %broadcast_in_dim3A_1431 = vector.broadcast %add3A_1430 : i32 to vector<16xi32>
        %gather3A_1432 = tpu.vector_load_idx %arg5[%broadcast_in_dim3A_1431] : memref<10000xi32, #tpu.memory_space<vmem>>[vector<16xi32>], vector<16xi32>,
        %eq3A_1433 = arith.constant 0 : i32
        %eq3A_1434 = vector.broadcast %eq3A_1433 : i32 to vector<16xi32>
        %eq3A_1435 = arith.cmpi eq, %gather3A_1432, %eq3A_1434 : vector<16xi32>
        %select_n3A_1436 = arith.select %eq3A_1435, %max3A_5, %max3A_45 : vector<16xi1>, vector<16xf32>
        %mul3A_1437 = arith.constant 128 : i32
        %mul3A_1438 = arith.muli %add3A_1427, %mul3A_1437 : i32
        %add3A_1439 = arith.constant 0 : i32
        %add3A_1440 = arith.addi %mul3A_1438, %add3A_1439 : i32
        %swap3A_1441 = arith.index_cast %add3A_1440 : i32 to index
        %swap3A_1442 = tpu.vector_load %arg6[%swap3A_1441] {strides = array<i32>} : memref<25600xf32, #tpu.memory_space<vmem>>, vector<16xf32>,
        tpu.vector_store %arg6[%swap3A_1441], %select_n3A_1436 {strides = array<i32>} : memref<25600xf32, #tpu.memory_space<vmem>>, vector<16xf32>,
        %select_n3A_1443 = arith.select %eq3A_1435, %max3A_10, %max3A_50 : vector<16xi1>, vector<16xf32>
        %mul3A_1444 = arith.constant 128 : i32
        %mul3A_1445 = arith.muli %add3A_1427, %mul3A_1444 : i32
        %add3A_1446 = arith.constant 16 : i32
        %add3A_1447 = arith.addi %mul3A_1445, %add3A_1446 : i32
        %swap3A_1448 = arith.index_cast %add3A_1447 : i32 to index
        %swap3A_1449 = tpu.vector_load %arg6[%swap3A_1448] {strides = array<i32>} : memref<25600xf32, #tpu.memory_space<vmem>>, vector<16xf32>,
        tpu.vector_store %arg6[%swap3A_1448], %select_n3A_1443 {strides = array<i32>} : memref<25600xf32, #tpu.memory_space<vmem>>, vector<16xf32>,
        %select_n3A_1450 = arith.select %eq3A_1435, %max3A_15, %max3A_55 : vector<16xi1>, vector<16xf32>
        %mul3A_1451 = arith.constant 128 : i32
        %mul3A_1452 = arith.muli %add3A_1427, %mul3A_1451 : i32
        %add3A_1453 = arith.constant 32 : i32
        %add3A_1454 = arith.addi %mul3A_1452, %add3A_1453 : i32
        %swap3A_1455 = arith.index_cast %add3A_1454 : i32 to index
        %swap3A_1456 = tpu.vector_load %arg6[%swap3A_1455] {strides = array<i32>} : memref<25600xf32, #tpu.memory_space<vmem>>, vector<16xf32>,
        tpu.vector_store %arg6[%swap3A_1455], %select_n3A_1450 {strides = array<i32>} : memref<25600xf32, #tpu.memory_space<vmem>>, vector<16xf32>,
        %select_n3A_1457 = arith.select %eq3A_1435, %max3A_20, %max3A_60 : vector<16xi1>, vector<16xf32>
        %mul3A_1458 = arith.constant 128 : i32
        %mul3A_1459 = arith.muli %add3A_1427, %mul3A_1458 : i32
        %add3A_1460 = arith.constant 48 : i32
        %add3A_1461 = arith.addi %mul3A_1459, %add3A_1460 : i32
        %swap3A_1462 = arith.index_cast %add3A_1461 : i32 to index
        %swap3A_1463 = tpu.vector_load %arg6[%swap3A_1462] {strides = array<i32>} : memref<25600xf32, #tpu.memory_space<vmem>>, vector<16xf32>,
        tpu.vector_store %arg6[%swap3A_1462], %select_n3A_1457 {strides = array<i32>} : memref<25600xf32, #tpu.memory_space<vmem>>, vector<16xf32>,
        %select_n3A_1464 = arith.select %eq3A_1435, %max3A_25, %max3A_65 : vector<16xi1>, vector<16xf32>
        %mul3A_1465 = arith.constant 128 : i32
        %mul3A_1466 = arith.muli %add3A_1427, %mul3A_1465 : i32
        %add3A_1467 = arith.constant 64 : i32
        %add3A_1468 = arith.addi %mul3A_1466, %add3A_1467 : i32
        %swap3A_1469 = arith.index_cast %add3A_1468 : i32 to index
        %swap3A_1470 = tpu.vector_load %arg6[%swap3A_1469] {strides = array<i32>} : memref<25600xf32, #tpu.memory_space<vmem>>, vector<16xf32>,
        tpu.vector_store %arg6[%swap3A_1469], %select_n3A_1464 {strides = array<i32>} : memref<25600xf32, #tpu.memory_space<vmem>>, vector<16xf32>,
        %select_n3A_1471 = arith.select %eq3A_1435, %max3A_30, %max3A_70 : vector<16xi1>, vector<16xf32>
        %mul3A_1472 = arith.constant 128 : i32
        %mul3A_1473 = arith.muli %add3A_1427, %mul3A_1472 : i32
        %add3A_1474 = arith.constant 80 : i32
        %add3A_1475 = arith.addi %mul3A_1473, %add3A_1474 : i32
        %swap3A_1476 = arith.index_cast %add3A_1475 : i32 to index
        %swap3A_1477 = tpu.vector_load %arg6[%swap3A_1476] {strides = array<i32>} : memref<25600xf32, #tpu.memory_space<vmem>>, vector<16xf32>,
        tpu.vector_store %arg6[%swap3A_1476], %select_n3A_1471 {strides = array<i32>} : memref<25600xf32, #tpu.memory_space<vmem>>, vector<16xf32>,
        %select_n3A_1478 = arith.select %eq3A_1435, %max3A_35, %max3A_75 : vector<16xi1>, vector<16xf32>
        %mul3A_1479 = arith.constant 128 : i32
        %mul3A_1480 = arith.muli %add3A_1427, %mul3A_1479 : i32
        %add3A_1481 = arith.constant 96 : i32
        %add3A_1482 = arith.addi %mul3A_1480, %add3A_1481 : i32
        %swap3A_1483 = arith.index_cast %add3A_1482 : i32 to index
        %swap3A_1484 = tpu.vector_load %arg6[%swap3A_1483] {strides = array<i32>} : memref<25600xf32, #tpu.memory_space<vmem>>, vector<16xf32>,
        tpu.vector_store %arg6[%swap3A_1483], %select_n3A_1478 {strides = array<i32>} : memref<25600xf32, #tpu.memory_space<vmem>>, vector<16xf32>,
        %select_n3A_1485 = arith.select %eq3A_1435, %max3A_40, %max3A_80 : vector<16xi1>, vector<16xf32>
        %mul3A_1486 = arith.constant 128 : i32
        %mul3A_1487 = arith.muli %add3A_1427, %mul3A_1486 : i32
        %add3A_1488 = arith.constant 112 : i32
        %add3A_1489 = arith.addi %mul3A_1487, %add3A_1488 : i32
        %swap3A_1490 = arith.index_cast %add3A_1489 : i32 to index
        %swap3A_1491 = tpu.vector_load %arg6[%swap3A_1490] {strides = array<i32>} : memref<25600xf32, #tpu.memory_space<vmem>>, vector<16xf32>,
        tpu.vector_store %arg6[%swap3A_1490], %select_n3A_1485 {strides = array<i32>} : memref<25600xf32, #tpu.memory_space<vmem>>, vector<16xf32>,
        %mul3A_1492 = arith.constant 25 : i32
        %mul3A_1493 = arith.muli %scan3A_136, %mul3A_1492 : i32
        %add3A_1494 = arith.constant 20 : i32
        %add3A_1495 = arith.addi %mul3A_1493, %add3A_1494 : i32
        %mul3A_1496 = arith.constant 200 : i32
        %mul3A_1497 = arith.muli %add3A_101, %mul3A_1496 : i32
        %add3A_1498 = arith.addi %mul3A_1497, %add3A_1495 : i32
        %broadcast_in_dim3A_1499 = vector.broadcast %add3A_1498 : i32 to vector<16xi32>
        %gather3A_1500 = tpu.vector_load_idx %arg5[%broadcast_in_dim3A_1499] : memref<10000xi32, #tpu.memory_space<vmem>>[vector<16xi32>], vector<16xi32>,
        %eq3A_1501 = arith.constant 0 : i32
        %eq3A_1502 = vector.broadcast %eq3A_1501 : i32 to vector<16xi32>
        %eq3A_1503 = arith.cmpi eq, %gather3A_1500, %eq3A_1502 : vector<16xi32>
        %select_n3A_1504 = arith.select %eq3A_1503, %max3A_5, %max3A_45 : vector<16xi1>, vector<16xf32>
        %mul3A_1505 = arith.constant 128 : i32
        %mul3A_1506 = arith.muli %add3A_1495, %mul3A_1505 : i32
        %add3A_1507 = arith.constant 0 : i32
        %add3A_1508 = arith.addi %mul3A_1506, %add3A_1507 : i32
        %swap3A_1509 = arith.index_cast %add3A_1508 : i32 to index
        %swap3A_1510 = tpu.vector_load %arg6[%swap3A_1509] {strides = array<i32>} : memref<25600xf32, #tpu.memory_space<vmem>>, vector<16xf32>,
        tpu.vector_store %arg6[%swap3A_1509], %select_n3A_1504 {strides = array<i32>} : memref<25600xf32, #tpu.memory_space<vmem>>, vector<16xf32>,
        %select_n3A_1511 = arith.select %eq3A_1503, %max3A_10, %max3A_50 : vector<16xi1>, vector<16xf32>
        %mul3A_1512 = arith.constant 128 : i32
        %mul3A_1513 = arith.muli %add3A_1495, %mul3A_1512 : i32
        %add3A_1514 = arith.constant 16 : i32
        %add3A_1515 = arith.addi %mul3A_1513, %add3A_1514 : i32
        %swap3A_1516 = arith.index_cast %add3A_1515 : i32 to index
        %swap3A_1517 = tpu.vector_load %arg6[%swap3A_1516] {strides = array<i32>} : memref<25600xf32, #tpu.memory_space<vmem>>, vector<16xf32>,
        tpu.vector_store %arg6[%swap3A_1516], %select_n3A_1511 {strides = array<i32>} : memref<25600xf32, #tpu.memory_space<vmem>>, vector<16xf32>,
        %select_n3A_1518 = arith.select %eq3A_1503, %max3A_15, %max3A_55 : vector<16xi1>, vector<16xf32>
        %mul3A_1519 = arith.constant 128 : i32
        %mul3A_1520 = arith.muli %add3A_1495, %mul3A_1519 : i32
        %add3A_1521 = arith.constant 32 : i32
        %add3A_1522 = arith.addi %mul3A_1520, %add3A_1521 : i32
        %swap3A_1523 = arith.index_cast %add3A_1522 : i32 to index
        %swap3A_1524 = tpu.vector_load %arg6[%swap3A_1523] {strides = array<i32>} : memref<25600xf32, #tpu.memory_space<vmem>>, vector<16xf32>,
        tpu.vector_store %arg6[%swap3A_1523], %select_n3A_1518 {strides = array<i32>} : memref<25600xf32, #tpu.memory_space<vmem>>, vector<16xf32>,
        %select_n3A_1525 = arith.select %eq3A_1503, %max3A_20, %max3A_60 : vector<16xi1>, vector<16xf32>
        %mul3A_1526 = arith.constant 128 : i32
        %mul3A_1527 = arith.muli %add3A_1495, %mul3A_1526 : i32
        %add3A_1528 = arith.constant 48 : i32
        %add3A_1529 = arith.addi %mul3A_1527, %add3A_1528 : i32
        %swap3A_1530 = arith.index_cast %add3A_1529 : i32 to index
        %swap3A_1531 = tpu.vector_load %arg6[%swap3A_1530] {strides = array<i32>} : memref<25600xf32, #tpu.memory_space<vmem>>, vector<16xf32>,
        tpu.vector_store %arg6[%swap3A_1530], %select_n3A_1525 {strides = array<i32>} : memref<25600xf32, #tpu.memory_space<vmem>>, vector<16xf32>,
        %select_n3A_1532 = arith.select %eq3A_1503, %max3A_25, %max3A_65 : vector<16xi1>, vector<16xf32>
        %mul3A_1533 = arith.constant 128 : i32
        %mul3A_1534 = arith.muli %add3A_1495, %mul3A_1533 : i32
        %add3A_1535 = arith.constant 64 : i32
        %add3A_1536 = arith.addi %mul3A_1534, %add3A_1535 : i32
        %swap3A_1537 = arith.index_cast %add3A_1536 : i32 to index
        %swap3A_1538 = tpu.vector_load %arg6[%swap3A_1537] {strides = array<i32>} : memref<25600xf32, #tpu.memory_space<vmem>>, vector<16xf32>,
        tpu.vector_store %arg6[%swap3A_1537], %select_n3A_1532 {strides = array<i32>} : memref<25600xf32, #tpu.memory_space<vmem>>, vector<16xf32>,
        %select_n3A_1539 = arith.select %eq3A_1503, %max3A_30, %max3A_70 : vector<16xi1>, vector<16xf32>
        %mul3A_1540 = arith.constant 128 : i32
        %mul3A_1541 = arith.muli %add3A_1495, %mul3A_1540 : i32
        %add3A_1542 = arith.constant 80 : i32
        %add3A_1543 = arith.addi %mul3A_1541, %add3A_1542 : i32
        %swap3A_1544 = arith.index_cast %add3A_1543 : i32 to index
        %swap3A_1545 = tpu.vector_load %arg6[%swap3A_1544] {strides = array<i32>} : memref<25600xf32, #tpu.memory_space<vmem>>, vector<16xf32>,
        tpu.vector_store %arg6[%swap3A_1544], %select_n3A_1539 {strides = array<i32>} : memref<25600xf32, #tpu.memory_space<vmem>>, vector<16xf32>,
        %select_n3A_1546 = arith.select %eq3A_1503, %max3A_35, %max3A_75 : vector<16xi1>, vector<16xf32>
        %mul3A_1547 = arith.constant 128 : i32
        %mul3A_1548 = arith.muli %add3A_1495, %mul3A_1547 : i32
        %add3A_1549 = arith.constant 96 : i32
        %add3A_1550 = arith.addi %mul3A_1548, %add3A_1549 : i32
        %swap3A_1551 = arith.index_cast %add3A_1550 : i32 to index
        %swap3A_1552 = tpu.vector_load %arg6[%swap3A_1551] {strides = array<i32>} : memref<25600xf32, #tpu.memory_space<vmem>>, vector<16xf32>,
        tpu.vector_store %arg6[%swap3A_1551], %select_n3A_1546 {strides = array<i32>} : memref<25600xf32, #tpu.memory_space<vmem>>, vector<16xf32>,
        %select_n3A_1553 = arith.select %eq3A_1503, %max3A_40, %max3A_80 : vector<16xi1>, vector<16xf32>
        %mul3A_1554 = arith.constant 128 : i32
        %mul3A_1555 = arith.muli %add3A_1495, %mul3A_1554 : i32
        %add3A_1556 = arith.constant 112 : i32
        %add3A_1557 = arith.addi %mul3A_1555, %add3A_1556 : i32
        %swap3A_1558 = arith.index_cast %add3A_1557 : i32 to index
        %swap3A_1559 = tpu.vector_load %arg6[%swap3A_1558] {strides = array<i32>} : memref<25600xf32, #tpu.memory_space<vmem>>, vector<16xf32>,
        tpu.vector_store %arg6[%swap3A_1558], %select_n3A_1553 {strides = array<i32>} : memref<25600xf32, #tpu.memory_space<vmem>>, vector<16xf32>,
        %mul3A_1560 = arith.constant 25 : i32
        %mul3A_1561 = arith.muli %scan3A_136, %mul3A_1560 : i32
        %add3A_1562 = arith.constant 21 : i32
        %add3A_1563 = arith.addi %mul3A_1561, %add3A_1562 : i32
        %mul3A_1564 = arith.constant 200 : i32
        %mul3A_1565 = arith.muli %add3A_101, %mul3A_1564 : i32
        %add3A_1566 = arith.addi %mul3A_1565, %add3A_1563 : i32
        %broadcast_in_dim3A_1567 = vector.broadcast %add3A_1566 : i32 to vector<16xi32>
        %gather3A_1568 = tpu.vector_load_idx %arg5[%broadcast_in_dim3A_1567] : memref<10000xi32, #tpu.memory_space<vmem>>[vector<16xi32>], vector<16xi32>,
        %eq3A_1569 = arith.constant 0 : i32
        %eq3A_1570 = vector.broadcast %eq3A_1569 : i32 to vector<16xi32>
        %eq3A_1571 = arith.cmpi eq, %gather3A_1568, %eq3A_1570 : vector<16xi32>
        %select_n3A_1572 = arith.select %eq3A_1571, %max3A_5, %max3A_45 : vector<16xi1>, vector<16xf32>
        %mul3A_1573 = arith.constant 128 : i32
        %mul3A_1574 = arith.muli %add3A_1563, %mul3A_1573 : i32
        %add3A_1575 = arith.constant 0 : i32
        %add3A_1576 = arith.addi %mul3A_1574, %add3A_1575 : i32
        %swap3A_1577 = arith.index_cast %add3A_1576 : i32 to index
        %swap3A_1578 = tpu.vector_load %arg6[%swap3A_1577] {strides = array<i32>} : memref<25600xf32, #tpu.memory_space<vmem>>, vector<16xf32>,
        tpu.vector_store %arg6[%swap3A_1577], %select_n3A_1572 {strides = array<i32>} : memref<25600xf32, #tpu.memory_space<vmem>>, vector<16xf32>,
        %select_n3A_1579 = arith.select %eq3A_1571, %max3A_10, %max3A_50 : vector<16xi1>, vector<16xf32>
        %mul3A_1580 = arith.constant 128 : i32
        %mul3A_1581 = arith.muli %add3A_1563, %mul3A_1580 : i32
        %add3A_1582 = arith.constant 16 : i32
        %add3A_1583 = arith.addi %mul3A_1581, %add3A_1582 : i32
        %swap3A_1584 = arith.index_cast %add3A_1583 : i32 to index
        %swap3A_1585 = tpu.vector_load %arg6[%swap3A_1584] {strides = array<i32>} : memref<25600xf32, #tpu.memory_space<vmem>>, vector<16xf32>,
        tpu.vector_store %arg6[%swap3A_1584], %select_n3A_1579 {strides = array<i32>} : memref<25600xf32, #tpu.memory_space<vmem>>, vector<16xf32>,
        %select_n3A_1586 = arith.select %eq3A_1571, %max3A_15, %max3A_55 : vector<16xi1>, vector<16xf32>
        %mul3A_1587 = arith.constant 128 : i32
        %mul3A_1588 = arith.muli %add3A_1563, %mul3A_1587 : i32
        %add3A_1589 = arith.constant 32 : i32
        %add3A_1590 = arith.addi %mul3A_1588, %add3A_1589 : i32
        %swap3A_1591 = arith.index_cast %add3A_1590 : i32 to index
        %swap3A_1592 = tpu.vector_load %arg6[%swap3A_1591] {strides = array<i32>} : memref<25600xf32, #tpu.memory_space<vmem>>, vector<16xf32>,
        tpu.vector_store %arg6[%swap3A_1591], %select_n3A_1586 {strides = array<i32>} : memref<25600xf32, #tpu.memory_space<vmem>>, vector<16xf32>,
        %select_n3A_1593 = arith.select %eq3A_1571, %max3A_20, %max3A_60 : vector<16xi1>, vector<16xf32>
        %mul3A_1594 = arith.constant 128 : i32
        %mul3A_1595 = arith.muli %add3A_1563, %mul3A_1594 : i32
        %add3A_1596 = arith.constant 48 : i32
        %add3A_1597 = arith.addi %mul3A_1595, %add3A_1596 : i32
        %swap3A_1598 = arith.index_cast %add3A_1597 : i32 to index
        %swap3A_1599 = tpu.vector_load %arg6[%swap3A_1598] {strides = array<i32>} : memref<25600xf32, #tpu.memory_space<vmem>>, vector<16xf32>,
        tpu.vector_store %arg6[%swap3A_1598], %select_n3A_1593 {strides = array<i32>} : memref<25600xf32, #tpu.memory_space<vmem>>, vector<16xf32>,
        %select_n3A_1600 = arith.select %eq3A_1571, %max3A_25, %max3A_65 : vector<16xi1>, vector<16xf32>
        %mul3A_1601 = arith.constant 128 : i32
        %mul3A_1602 = arith.muli %add3A_1563, %mul3A_1601 : i32
        %add3A_1603 = arith.constant 64 : i32
        %add3A_1604 = arith.addi %mul3A_1602, %add3A_1603 : i32
        %swap3A_1605 = arith.index_cast %add3A_1604 : i32 to index
        %swap3A_1606 = tpu.vector_load %arg6[%swap3A_1605] {strides = array<i32>} : memref<25600xf32, #tpu.memory_space<vmem>>, vector<16xf32>,
        tpu.vector_store %arg6[%swap3A_1605], %select_n3A_1600 {strides = array<i32>} : memref<25600xf32, #tpu.memory_space<vmem>>, vector<16xf32>,
        %select_n3A_1607 = arith.select %eq3A_1571, %max3A_30, %max3A_70 : vector<16xi1>, vector<16xf32>
        %mul3A_1608 = arith.constant 128 : i32
        %mul3A_1609 = arith.muli %add3A_1563, %mul3A_1608 : i32
        %add3A_1610 = arith.constant 80 : i32
        %add3A_1611 = arith.addi %mul3A_1609, %add3A_1610 : i32
        %swap3A_1612 = arith.index_cast %add3A_1611 : i32 to index
        %swap3A_1613 = tpu.vector_load %arg6[%swap3A_1612] {strides = array<i32>} : memref<25600xf32, #tpu.memory_space<vmem>>, vector<16xf32>,
        tpu.vector_store %arg6[%swap3A_1612], %select_n3A_1607 {strides = array<i32>} : memref<25600xf32, #tpu.memory_space<vmem>>, vector<16xf32>,
        %select_n3A_1614 = arith.select %eq3A_1571, %max3A_35, %max3A_75 : vector<16xi1>, vector<16xf32>
        %mul3A_1615 = arith.constant 128 : i32
        %mul3A_1616 = arith.muli %add3A_1563, %mul3A_1615 : i32
        %add3A_1617 = arith.constant 96 : i32
        %add3A_1618 = arith.addi %mul3A_1616, %add3A_1617 : i32
        %swap3A_1619 = arith.index_cast %add3A_1618 : i32 to index
        %swap3A_1620 = tpu.vector_load %arg6[%swap3A_1619] {strides = array<i32>} : memref<25600xf32, #tpu.memory_space<vmem>>, vector<16xf32>,
        tpu.vector_store %arg6[%swap3A_1619], %select_n3A_1614 {strides = array<i32>} : memref<25600xf32, #tpu.memory_space<vmem>>, vector<16xf32>,
        %select_n3A_1621 = arith.select %eq3A_1571, %max3A_40, %max3A_80 : vector<16xi1>, vector<16xf32>
        %mul3A_1622 = arith.constant 128 : i32
        %mul3A_1623 = arith.muli %add3A_1563, %mul3A_1622 : i32
        %add3A_1624 = arith.constant 112 : i32
        %add3A_1625 = arith.addi %mul3A_1623, %add3A_1624 : i32
        %swap3A_1626 = arith.index_cast %add3A_1625 : i32 to index
        %swap3A_1627 = tpu.vector_load %arg6[%swap3A_1626] {strides = array<i32>} : memref<25600xf32, #tpu.memory_space<vmem>>, vector<16xf32>,
        tpu.vector_store %arg6[%swap3A_1626], %select_n3A_1621 {strides = array<i32>} : memref<25600xf32, #tpu.memory_space<vmem>>, vector<16xf32>,
        %mul3A_1628 = arith.constant 25 : i32
        %mul3A_1629 = arith.muli %scan3A_136, %mul3A_1628 : i32
        %add3A_1630 = arith.constant 22 : i32
        %add3A_1631 = arith.addi %mul3A_1629, %add3A_1630 : i32
        %mul3A_1632 = arith.constant 200 : i32
        %mul3A_1633 = arith.muli %add3A_101, %mul3A_1632 : i32
        %add3A_1634 = arith.addi %mul3A_1633, %add3A_1631 : i32
        %broadcast_in_dim3A_1635 = vector.broadcast %add3A_1634 : i32 to vector<16xi32>
        %gather3A_1636 = tpu.vector_load_idx %arg5[%broadcast_in_dim3A_1635] : memref<10000xi32, #tpu.memory_space<vmem>>[vector<16xi32>], vector<16xi32>,
        %eq3A_1637 = arith.constant 0 : i32
        %eq3A_1638 = vector.broadcast %eq3A_1637 : i32 to vector<16xi32>
        %eq3A_1639 = arith.cmpi eq, %gather3A_1636, %eq3A_1638 : vector<16xi32>
        %select_n3A_1640 = arith.select %eq3A_1639, %max3A_5, %max3A_45 : vector<16xi1>, vector<16xf32>
        %mul3A_1641 = arith.constant 128 : i32
        %mul3A_1642 = arith.muli %add3A_1631, %mul3A_1641 : i32
        %add3A_1643 = arith.constant 0 : i32
        %add3A_1644 = arith.addi %mul3A_1642, %add3A_1643 : i32
        %swap3A_1645 = arith.index_cast %add3A_1644 : i32 to index
        %swap3A_1646 = tpu.vector_load %arg6[%swap3A_1645] {strides = array<i32>} : memref<25600xf32, #tpu.memory_space<vmem>>, vector<16xf32>,
        tpu.vector_store %arg6[%swap3A_1645], %select_n3A_1640 {strides = array<i32>} : memref<25600xf32, #tpu.memory_space<vmem>>, vector<16xf32>,
        %select_n3A_1647 = arith.select %eq3A_1639, %max3A_10, %max3A_50 : vector<16xi1>, vector<16xf32>
        %mul3A_1648 = arith.constant 128 : i32
        %mul3A_1649 = arith.muli %add3A_1631, %mul3A_1648 : i32
        %add3A_1650 = arith.constant 16 : i32
        %add3A_1651 = arith.addi %mul3A_1649, %add3A_1650 : i32
        %swap3A_1652 = arith.index_cast %add3A_1651 : i32 to index
        %swap3A_1653 = tpu.vector_load %arg6[%swap3A_1652] {strides = array<i32>} : memref<25600xf32, #tpu.memory_space<vmem>>, vector<16xf32>,
        tpu.vector_store %arg6[%swap3A_1652], %select_n3A_1647 {strides = array<i32>} : memref<25600xf32, #tpu.memory_space<vmem>>, vector<16xf32>,
        %select_n3A_1654 = arith.select %eq3A_1639, %max3A_15, %max3A_55 : vector<16xi1>, vector<16xf32>
        %mul3A_1655 = arith.constant 128 : i32
        %mul3A_1656 = arith.muli %add3A_1631, %mul3A_1655 : i32
        %add3A_1657 = arith.constant 32 : i32
        %add3A_1658 = arith.addi %mul3A_1656, %add3A_1657 : i32
        %swap3A_1659 = arith.index_cast %add3A_1658 : i32 to index
        %swap3A_1660 = tpu.vector_load %arg6[%swap3A_1659] {strides = array<i32>} : memref<25600xf32, #tpu.memory_space<vmem>>, vector<16xf32>,
        tpu.vector_store %arg6[%swap3A_1659], %select_n3A_1654 {strides = array<i32>} : memref<25600xf32, #tpu.memory_space<vmem>>, vector<16xf32>,
        %select_n3A_1661 = arith.select %eq3A_1639, %max3A_20, %max3A_60 : vector<16xi1>, vector<16xf32>
        %mul3A_1662 = arith.constant 128 : i32
        %mul3A_1663 = arith.muli %add3A_1631, %mul3A_1662 : i32
        %add3A_1664 = arith.constant 48 : i32
        %add3A_1665 = arith.addi %mul3A_1663, %add3A_1664 : i32
        %swap3A_1666 = arith.index_cast %add3A_1665 : i32 to index
        %swap3A_1667 = tpu.vector_load %arg6[%swap3A_1666] {strides = array<i32>} : memref<25600xf32, #tpu.memory_space<vmem>>, vector<16xf32>,
        tpu.vector_store %arg6[%swap3A_1666], %select_n3A_1661 {strides = array<i32>} : memref<25600xf32, #tpu.memory_space<vmem>>, vector<16xf32>,
        %select_n3A_1668 = arith.select %eq3A_1639, %max3A_25, %max3A_65 : vector<16xi1>, vector<16xf32>
        %mul3A_1669 = arith.constant 128 : i32
        %mul3A_1670 = arith.muli %add3A_1631, %mul3A_1669 : i32
        %add3A_1671 = arith.constant 64 : i32
        %add3A_1672 = arith.addi %mul3A_1670, %add3A_1671 : i32
        %swap3A_1673 = arith.index_cast %add3A_1672 : i32 to index
        %swap3A_1674 = tpu.vector_load %arg6[%swap3A_1673] {strides = array<i32>} : memref<25600xf32, #tpu.memory_space<vmem>>, vector<16xf32>,
        tpu.vector_store %arg6[%swap3A_1673], %select_n3A_1668 {strides = array<i32>} : memref<25600xf32, #tpu.memory_space<vmem>>, vector<16xf32>,
        %select_n3A_1675 = arith.select %eq3A_1639, %max3A_30, %max3A_70 : vector<16xi1>, vector<16xf32>
        %mul3A_1676 = arith.constant 128 : i32
        %mul3A_1677 = arith.muli %add3A_1631, %mul3A_1676 : i32
        %add3A_1678 = arith.constant 80 : i32
        %add3A_1679 = arith.addi %mul3A_1677, %add3A_1678 : i32
        %swap3A_1680 = arith.index_cast %add3A_1679 : i32 to index
        %swap3A_1681 = tpu.vector_load %arg6[%swap3A_1680] {strides = array<i32>} : memref<25600xf32, #tpu.memory_space<vmem>>, vector<16xf32>,
        tpu.vector_store %arg6[%swap3A_1680], %select_n3A_1675 {strides = array<i32>} : memref<25600xf32, #tpu.memory_space<vmem>>, vector<16xf32>,
        %select_n3A_1682 = arith.select %eq3A_1639, %max3A_35, %max3A_75 : vector<16xi1>, vector<16xf32>
        %mul3A_1683 = arith.constant 128 : i32
        %mul3A_1684 = arith.muli %add3A_1631, %mul3A_1683 : i32
        %add3A_1685 = arith.constant 96 : i32
        %add3A_1686 = arith.addi %mul3A_1684, %add3A_1685 : i32
        %swap3A_1687 = arith.index_cast %add3A_1686 : i32 to index
        %swap3A_1688 = tpu.vector_load %arg6[%swap3A_1687] {strides = array<i32>} : memref<25600xf32, #tpu.memory_space<vmem>>, vector<16xf32>,
        tpu.vector_store %arg6[%swap3A_1687], %select_n3A_1682 {strides = array<i32>} : memref<25600xf32, #tpu.memory_space<vmem>>, vector<16xf32>,
        %select_n3A_1689 = arith.select %eq3A_1639, %max3A_40, %max3A_80 : vector<16xi1>, vector<16xf32>
        %mul3A_1690 = arith.constant 128 : i32
        %mul3A_1691 = arith.muli %add3A_1631, %mul3A_1690 : i32
        %add3A_1692 = arith.constant 112 : i32
        %add3A_1693 = arith.addi %mul3A_1691, %add3A_1692 : i32
        %swap3A_1694 = arith.index_cast %add3A_1693 : i32 to index
        %swap3A_1695 = tpu.vector_load %arg6[%swap3A_1694] {strides = array<i32>} : memref<25600xf32, #tpu.memory_space<vmem>>, vector<16xf32>,
        tpu.vector_store %arg6[%swap3A_1694], %select_n3A_1689 {strides = array<i32>} : memref<25600xf32, #tpu.memory_space<vmem>>, vector<16xf32>,
        %mul3A_1696 = arith.constant 25 : i32
        %mul3A_1697 = arith.muli %scan3A_136, %mul3A_1696 : i32
        %add3A_1698 = arith.constant 23 : i32
        %add3A_1699 = arith.addi %mul3A_1697, %add3A_1698 : i32
        %mul3A_1700 = arith.constant 200 : i32
        %mul3A_1701 = arith.muli %add3A_101, %mul3A_1700 : i32
        %add3A_1702 = arith.addi %mul3A_1701, %add3A_1699 : i32
        %broadcast_in_dim3A_1703 = vector.broadcast %add3A_1702 : i32 to vector<16xi32>
        %gather3A_1704 = tpu.vector_load_idx %arg5[%broadcast_in_dim3A_1703] : memref<10000xi32, #tpu.memory_space<vmem>>[vector<16xi32>], vector<16xi32>,
        %eq3A_1705 = arith.constant 0 : i32
        %eq3A_1706 = vector.broadcast %eq3A_1705 : i32 to vector<16xi32>
        %eq3A_1707 = arith.cmpi eq, %gather3A_1704, %eq3A_1706 : vector<16xi32>
        %select_n3A_1708 = arith.select %eq3A_1707, %max3A_5, %max3A_45 : vector<16xi1>, vector<16xf32>
        %mul3A_1709 = arith.constant 128 : i32
        %mul3A_1710 = arith.muli %add3A_1699, %mul3A_1709 : i32
        %add3A_1711 = arith.constant 0 : i32
        %add3A_1712 = arith.addi %mul3A_1710, %add3A_1711 : i32
        %swap3A_1713 = arith.index_cast %add3A_1712 : i32 to index
        %swap3A_1714 = tpu.vector_load %arg6[%swap3A_1713] {strides = array<i32>} : memref<25600xf32, #tpu.memory_space<vmem>>, vector<16xf32>,
        tpu.vector_store %arg6[%swap3A_1713], %select_n3A_1708 {strides = array<i32>} : memref<25600xf32, #tpu.memory_space<vmem>>, vector<16xf32>,
        %select_n3A_1715 = arith.select %eq3A_1707, %max3A_10, %max3A_50 : vector<16xi1>, vector<16xf32>
        %mul3A_1716 = arith.constant 128 : i32
        %mul3A_1717 = arith.muli %add3A_1699, %mul3A_1716 : i32
        %add3A_1718 = arith.constant 16 : i32
        %add3A_1719 = arith.addi %mul3A_1717, %add3A_1718 : i32
        %swap3A_1720 = arith.index_cast %add3A_1719 : i32 to index
        %swap3A_1721 = tpu.vector_load %arg6[%swap3A_1720] {strides = array<i32>} : memref<25600xf32, #tpu.memory_space<vmem>>, vector<16xf32>,
        tpu.vector_store %arg6[%swap3A_1720], %select_n3A_1715 {strides = array<i32>} : memref<25600xf32, #tpu.memory_space<vmem>>, vector<16xf32>,
        %select_n3A_1722 = arith.select %eq3A_1707, %max3A_15, %max3A_55 : vector<16xi1>, vector<16xf32>
        %mul3A_1723 = arith.constant 128 : i32
        %mul3A_1724 = arith.muli %add3A_1699, %mul3A_1723 : i32
        %add3A_1725 = arith.constant 32 : i32
        %add3A_1726 = arith.addi %mul3A_1724, %add3A_1725 : i32
        %swap3A_1727 = arith.index_cast %add3A_1726 : i32 to index
        %swap3A_1728 = tpu.vector_load %arg6[%swap3A_1727] {strides = array<i32>} : memref<25600xf32, #tpu.memory_space<vmem>>, vector<16xf32>,
        tpu.vector_store %arg6[%swap3A_1727], %select_n3A_1722 {strides = array<i32>} : memref<25600xf32, #tpu.memory_space<vmem>>, vector<16xf32>,
        %select_n3A_1729 = arith.select %eq3A_1707, %max3A_20, %max3A_60 : vector<16xi1>, vector<16xf32>
        %mul3A_1730 = arith.constant 128 : i32
        %mul3A_1731 = arith.muli %add3A_1699, %mul3A_1730 : i32
        %add3A_1732 = arith.constant 48 : i32
        %add3A_1733 = arith.addi %mul3A_1731, %add3A_1732 : i32
        %swap3A_1734 = arith.index_cast %add3A_1733 : i32 to index
        %swap3A_1735 = tpu.vector_load %arg6[%swap3A_1734] {strides = array<i32>} : memref<25600xf32, #tpu.memory_space<vmem>>, vector<16xf32>,
        tpu.vector_store %arg6[%swap3A_1734], %select_n3A_1729 {strides = array<i32>} : memref<25600xf32, #tpu.memory_space<vmem>>, vector<16xf32>,
        %select_n3A_1736 = arith.select %eq3A_1707, %max3A_25, %max3A_65 : vector<16xi1>, vector<16xf32>
        %mul3A_1737 = arith.constant 128 : i32
        %mul3A_1738 = arith.muli %add3A_1699, %mul3A_1737 : i32
        %add3A_1739 = arith.constant 64 : i32
        %add3A_1740 = arith.addi %mul3A_1738, %add3A_1739 : i32
        %swap3A_1741 = arith.index_cast %add3A_1740 : i32 to index
        %swap3A_1742 = tpu.vector_load %arg6[%swap3A_1741] {strides = array<i32>} : memref<25600xf32, #tpu.memory_space<vmem>>, vector<16xf32>,
        tpu.vector_store %arg6[%swap3A_1741], %select_n3A_1736 {strides = array<i32>} : memref<25600xf32, #tpu.memory_space<vmem>>, vector<16xf32>,
        %select_n3A_1743 = arith.select %eq3A_1707, %max3A_30, %max3A_70 : vector<16xi1>, vector<16xf32>
        %mul3A_1744 = arith.constant 128 : i32
        %mul3A_1745 = arith.muli %add3A_1699, %mul3A_1744 : i32
        %add3A_1746 = arith.constant 80 : i32
        %add3A_1747 = arith.addi %mul3A_1745, %add3A_1746 : i32
        %swap3A_1748 = arith.index_cast %add3A_1747 : i32 to index
        %swap3A_1749 = tpu.vector_load %arg6[%swap3A_1748] {strides = array<i32>} : memref<25600xf32, #tpu.memory_space<vmem>>, vector<16xf32>,
        tpu.vector_store %arg6[%swap3A_1748], %select_n3A_1743 {strides = array<i32>} : memref<25600xf32, #tpu.memory_space<vmem>>, vector<16xf32>,
        %select_n3A_1750 = arith.select %eq3A_1707, %max3A_35, %max3A_75 : vector<16xi1>, vector<16xf32>
        %mul3A_1751 = arith.constant 128 : i32
        %mul3A_1752 = arith.muli %add3A_1699, %mul3A_1751 : i32
        %add3A_1753 = arith.constant 96 : i32
        %add3A_1754 = arith.addi %mul3A_1752, %add3A_1753 : i32
        %swap3A_1755 = arith.index_cast %add3A_1754 : i32 to index
        %swap3A_1756 = tpu.vector_load %arg6[%swap3A_1755] {strides = array<i32>} : memref<25600xf32, #tpu.memory_space<vmem>>, vector<16xf32>,
        tpu.vector_store %arg6[%swap3A_1755], %select_n3A_1750 {strides = array<i32>} : memref<25600xf32, #tpu.memory_space<vmem>>, vector<16xf32>,
        %select_n3A_1757 = arith.select %eq3A_1707, %max3A_40, %max3A_80 : vector<16xi1>, vector<16xf32>
        %mul3A_1758 = arith.constant 128 : i32
        %mul3A_1759 = arith.muli %add3A_1699, %mul3A_1758 : i32
        %add3A_1760 = arith.constant 112 : i32
        %add3A_1761 = arith.addi %mul3A_1759, %add3A_1760 : i32
        %swap3A_1762 = arith.index_cast %add3A_1761 : i32 to index
        %swap3A_1763 = tpu.vector_load %arg6[%swap3A_1762] {strides = array<i32>} : memref<25600xf32, #tpu.memory_space<vmem>>, vector<16xf32>,
        tpu.vector_store %arg6[%swap3A_1762], %select_n3A_1757 {strides = array<i32>} : memref<25600xf32, #tpu.memory_space<vmem>>, vector<16xf32>,
        %mul3A_1764 = arith.constant 25 : i32
        %mul3A_1765 = arith.muli %scan3A_136, %mul3A_1764 : i32
        %add3A_1766 = arith.constant 24 : i32
        %add3A_1767 = arith.addi %mul3A_1765, %add3A_1766 : i32
        %mul3A_1768 = arith.constant 200 : i32
        %mul3A_1769 = arith.muli %add3A_101, %mul3A_1768 : i32
        %add3A_1770 = arith.addi %mul3A_1769, %add3A_1767 : i32
        %broadcast_in_dim3A_1771 = vector.broadcast %add3A_1770 : i32 to vector<16xi32>
        %gather3A_1772 = tpu.vector_load_idx %arg5[%broadcast_in_dim3A_1771] : memref<10000xi32, #tpu.memory_space<vmem>>[vector<16xi32>], vector<16xi32>,
        %eq3A_1773 = arith.constant 0 : i32
        %eq3A_1774 = vector.broadcast %eq3A_1773 : i32 to vector<16xi32>
        %eq3A_1775 = arith.cmpi eq, %gather3A_1772, %eq3A_1774 : vector<16xi32>
        %select_n3A_1776 = arith.select %eq3A_1775, %max3A_5, %max3A_45 : vector<16xi1>, vector<16xf32>
        %mul3A_1777 = arith.constant 128 : i32
        %mul3A_1778 = arith.muli %add3A_1767, %mul3A_1777 : i32
        %add3A_1779 = arith.constant 0 : i32
        %add3A_1780 = arith.addi %mul3A_1778, %add3A_1779 : i32
        %swap3A_1781 = arith.index_cast %add3A_1780 : i32 to index
        %swap3A_1782 = tpu.vector_load %arg6[%swap3A_1781] {strides = array<i32>} : memref<25600xf32, #tpu.memory_space<vmem>>, vector<16xf32>,
        tpu.vector_store %arg6[%swap3A_1781], %select_n3A_1776 {strides = array<i32>} : memref<25600xf32, #tpu.memory_space<vmem>>, vector<16xf32>,
        %select_n3A_1783 = arith.select %eq3A_1775, %max3A_10, %max3A_50 : vector<16xi1>, vector<16xf32>
        %mul3A_1784 = arith.constant 128 : i32
        %mul3A_1785 = arith.muli %add3A_1767, %mul3A_1784 : i32
        %add3A_1786 = arith.constant 16 : i32
        %add3A_1787 = arith.addi %mul3A_1785, %add3A_1786 : i32
        %swap3A_1788 = arith.index_cast %add3A_1787 : i32 to index
        %swap3A_1789 = tpu.vector_load %arg6[%swap3A_1788] {strides = array<i32>} : memref<25600xf32, #tpu.memory_space<vmem>>, vector<16xf32>,
        tpu.vector_store %arg6[%swap3A_1788], %select_n3A_1783 {strides = array<i32>} : memref<25600xf32, #tpu.memory_space<vmem>>, vector<16xf32>,
        %select_n3A_1790 = arith.select %eq3A_1775, %max3A_15, %max3A_55 : vector<16xi1>, vector<16xf32>
        %mul3A_1791 = arith.constant 128 : i32
        %mul3A_1792 = arith.muli %add3A_1767, %mul3A_1791 : i32
        %add3A_1793 = arith.constant 32 : i32
        %add3A_1794 = arith.addi %mul3A_1792, %add3A_1793 : i32
        %swap3A_1795 = arith.index_cast %add3A_1794 : i32 to index
        %swap3A_1796 = tpu.vector_load %arg6[%swap3A_1795] {strides = array<i32>} : memref<25600xf32, #tpu.memory_space<vmem>>, vector<16xf32>,
        tpu.vector_store %arg6[%swap3A_1795], %select_n3A_1790 {strides = array<i32>} : memref<25600xf32, #tpu.memory_space<vmem>>, vector<16xf32>,
        %select_n3A_1797 = arith.select %eq3A_1775, %max3A_20, %max3A_60 : vector<16xi1>, vector<16xf32>
        %mul3A_1798 = arith.constant 128 : i32
        %mul3A_1799 = arith.muli %add3A_1767, %mul3A_1798 : i32
        %add3A_1800 = arith.constant 48 : i32
        %add3A_1801 = arith.addi %mul3A_1799, %add3A_1800 : i32
        %swap3A_1802 = arith.index_cast %add3A_1801 : i32 to index
        %swap3A_1803 = tpu.vector_load %arg6[%swap3A_1802] {strides = array<i32>} : memref<25600xf32, #tpu.memory_space<vmem>>, vector<16xf32>,
        tpu.vector_store %arg6[%swap3A_1802], %select_n3A_1797 {strides = array<i32>} : memref<25600xf32, #tpu.memory_space<vmem>>, vector<16xf32>,
        %select_n3A_1804 = arith.select %eq3A_1775, %max3A_25, %max3A_65 : vector<16xi1>, vector<16xf32>
        %mul3A_1805 = arith.constant 128 : i32
        %mul3A_1806 = arith.muli %add3A_1767, %mul3A_1805 : i32
        %add3A_1807 = arith.constant 64 : i32
        %add3A_1808 = arith.addi %mul3A_1806, %add3A_1807 : i32
        %swap3A_1809 = arith.index_cast %add3A_1808 : i32 to index
        %swap3A_1810 = tpu.vector_load %arg6[%swap3A_1809] {strides = array<i32>} : memref<25600xf32, #tpu.memory_space<vmem>>, vector<16xf32>,
        tpu.vector_store %arg6[%swap3A_1809], %select_n3A_1804 {strides = array<i32>} : memref<25600xf32, #tpu.memory_space<vmem>>, vector<16xf32>,
        %select_n3A_1811 = arith.select %eq3A_1775, %max3A_30, %max3A_70 : vector<16xi1>, vector<16xf32>
        %mul3A_1812 = arith.constant 128 : i32
        %mul3A_1813 = arith.muli %add3A_1767, %mul3A_1812 : i32
        %add3A_1814 = arith.constant 80 : i32
        %add3A_1815 = arith.addi %mul3A_1813, %add3A_1814 : i32
        %swap3A_1816 = arith.index_cast %add3A_1815 : i32 to index
        %swap3A_1817 = tpu.vector_load %arg6[%swap3A_1816] {strides = array<i32>} : memref<25600xf32, #tpu.memory_space<vmem>>, vector<16xf32>,
        tpu.vector_store %arg6[%swap3A_1816], %select_n3A_1811 {strides = array<i32>} : memref<25600xf32, #tpu.memory_space<vmem>>, vector<16xf32>,
        %select_n3A_1818 = arith.select %eq3A_1775, %max3A_35, %max3A_75 : vector<16xi1>, vector<16xf32>
        %mul3A_1819 = arith.constant 128 : i32
        %mul3A_1820 = arith.muli %add3A_1767, %mul3A_1819 : i32
        %add3A_1821 = arith.constant 96 : i32
        %add3A_1822 = arith.addi %mul3A_1820, %add3A_1821 : i32
        %swap3A_1823 = arith.index_cast %add3A_1822 : i32 to index
        %swap3A_1824 = tpu.vector_load %arg6[%swap3A_1823] {strides = array<i32>} : memref<25600xf32, #tpu.memory_space<vmem>>, vector<16xf32>,
        tpu.vector_store %arg6[%swap3A_1823], %select_n3A_1818 {strides = array<i32>} : memref<25600xf32, #tpu.memory_space<vmem>>, vector<16xf32>,
        %select_n3A_1825 = arith.select %eq3A_1775, %max3A_40, %max3A_80 : vector<16xi1>, vector<16xf32>
        %mul3A_1826 = arith.constant 128 : i32
        %mul3A_1827 = arith.muli %add3A_1767, %mul3A_1826 : i32
        %add3A_1828 = arith.constant 112 : i32
        %add3A_1829 = arith.addi %mul3A_1827, %add3A_1828 : i32
        %swap3A_1830 = arith.index_cast %add3A_1829 : i32 to index
        %swap3A_1831 = tpu.vector_load %arg6[%swap3A_1830] {strides = array<i32>} : memref<25600xf32, #tpu.memory_space<vmem>>, vector<16xf32>,
        tpu.vector_store %arg6[%swap3A_1830], %select_n3A_1825 {strides = array<i32>} : memref<25600xf32, #tpu.memory_space<vmem>>, vector<16xf32>,
      }
      %scan3A_112 = arith.constant 8 : i32
      %mul3A_113 = arith.constant 128 : i32
      %mul3A_114 = arith.muli %add3A_104, %mul3A_113 : i32
      %dma_start3A = tpu.memref_slice %arg4[%mul3A_114] : memref<40960000xf32, #tpu.memory_space<hbm>> -> memref<25600xf32, #tpu.memory_space<hbm>>
      %dma_start3A_115 = tpu.memref_slice %arg4[%mul3A_114] : memref<40960000xf32, #tpu.memory_space<hbm>> -> memref<25600xf32, #tpu.memory_space<hbm>>
      tpu.enqueue_dma source(%arg6 : memref<25600xf32, #tpu.memory_space<vmem>>) target(%dma_start3A_115 : memref<25600xf32, #tpu.memory_space<hbm>>) target_semaphore(%arg9 : memref<!tpu.dma_semaphore, #tpu.memory_space<semaphore_mem>>)
      %add3A_116 = arith.constant 1 : i32
      %add3A_117 = arith.addi %mul3A_99, %add3A_116 : i32
      %mul3A_118 = arith.constant 200 : i32
      %mul3A_119 = arith.muli %add3A_117, %mul3A_118 : i32
      %add3A_120 = arith.addi %mul3A_2, %mul3A_119 : i32
      %ge3A_121 = arith.constant 2 : i32
      %ge3A_122 = arith.cmpi sge, %add3A_117, %ge3A_121 : i32
      %convert_element_type3A_123 = arith.extui %ge3A_122 : i1 to i32
      %cond3A_124 = arith.constant 0 : i32
      %cond3A_125 = arith.cmpi ne, %convert_element_type3A_123, %cond3A_124 : i32
      scf.if %cond3A_125 {
        %mul3A_136 = arith.constant 128 : i32
        %mul3A_137 = arith.muli %add3A_120, %mul3A_136 : i32
        %dma_wait3A_138 = tpu.memref_slice %arg4[%mul3A_137] : memref<40960000xf32, #tpu.memory_space<hbm>> -> memref<25600xf32, #tpu.memory_space<hbm>>
        %dma_wait3A_139 = tpu.memref_slice %arg4[%mul3A_137] : memref<40960000xf32, #tpu.memory_space<hbm>> -> memref<25600xf32, #tpu.memory_space<hbm>>
        tpu.wait_dma2 semaphore(%arg10 : memref<!tpu.dma_semaphore, #tpu.memory_space<semaphore_mem>>) src(%arg7 : memref<25600xf32, #tpu.memory_space<vmem>>) dst(%dma_wait3A_139 : memref<25600xf32, #tpu.memory_space<hbm>>)
      } else {
      }
      %scan3A_126 = arith.constant 0 : i32
      %scan3A_127 = arith.constant 0 : i32
      %scan3A_128 = arith.constant 8 : i32
      %scan3A_129 = arith.addi %scan3A_127, %scan3A_128 : i32
      %scan3A_130 = arith.constant 1 : i32
      scf.for %scan3A_136 = %scan3A_127 to %scan3A_129 step %scan3A_130  : i32 {
        %mul3A_137 = arith.constant 25 : i32
        %mul3A_138 = arith.muli %scan3A_136, %mul3A_137 : i32
        %add3A_139 = arith.constant 0 : i32
        %add3A_140 = arith.addi %mul3A_138, %add3A_139 : i32
        %mul3A_141 = arith.constant 200 : i32
        %mul3A_142 = arith.muli %add3A_117, %mul3A_141 : i32
        %add3A_143 = arith.addi %mul3A_142, %add3A_140 : i32
        %broadcast_in_dim3A = vector.broadcast %add3A_143 : i32 to vector<16xi32>
        %gather3A = tpu.vector_load_idx %arg5[%broadcast_in_dim3A] : memref<10000xi32, #tpu.memory_space<vmem>>[vector<16xi32>], vector<16xi32>,
        %eq3A = arith.constant 0 : i32
        %eq3A_144 = vector.broadcast %eq3A : i32 to vector<16xi32>
        %eq3A_145 = arith.cmpi eq, %gather3A, %eq3A_144 : vector<16xi32>
        %select_n3A = arith.select %eq3A_145, %max3A_5, %max3A_45 : vector<16xi1>, vector<16xf32>
        %mul3A_146 = arith.constant 128 : i32
        %mul3A_147 = arith.muli %add3A_140, %mul3A_146 : i32
        %add3A_148 = arith.constant 0 : i32
        %add3A_149 = arith.addi %mul3A_147, %add3A_148 : i32
        %swap3A = arith.index_cast %add3A_149 : i32 to index
        %swap3A_150 = tpu.vector_load %arg7[%swap3A] {strides = array<i32>} : memref<25600xf32, #tpu.memory_space<vmem>>, vector<16xf32>,
        tpu.vector_store %arg7[%swap3A], %select_n3A {strides = array<i32>} : memref<25600xf32, #tpu.memory_space<vmem>>, vector<16xf32>,
        %select_n3A_151 = arith.select %eq3A_145, %max3A_10, %max3A_50 : vector<16xi1>, vector<16xf32>
        %mul3A_152 = arith.constant 128 : i32
        %mul3A_153 = arith.muli %add3A_140, %mul3A_152 : i32
        %add3A_154 = arith.constant 16 : i32
        %add3A_155 = arith.addi %mul3A_153, %add3A_154 : i32
        %swap3A_156 = arith.index_cast %add3A_155 : i32 to index
        %swap3A_157 = tpu.vector_load %arg7[%swap3A_156] {strides = array<i32>} : memref<25600xf32, #tpu.memory_space<vmem>>, vector<16xf32>,
        tpu.vector_store %arg7[%swap3A_156], %select_n3A_151 {strides = array<i32>} : memref<25600xf32, #tpu.memory_space<vmem>>, vector<16xf32>,
        %select_n3A_158 = arith.select %eq3A_145, %max3A_15, %max3A_55 : vector<16xi1>, vector<16xf32>
        %mul3A_159 = arith.constant 128 : i32
        %mul3A_160 = arith.muli %add3A_140, %mul3A_159 : i32
        %add3A_161 = arith.constant 32 : i32
        %add3A_162 = arith.addi %mul3A_160, %add3A_161 : i32
        %swap3A_163 = arith.index_cast %add3A_162 : i32 to index
        %swap3A_164 = tpu.vector_load %arg7[%swap3A_163] {strides = array<i32>} : memref<25600xf32, #tpu.memory_space<vmem>>, vector<16xf32>,
        tpu.vector_store %arg7[%swap3A_163], %select_n3A_158 {strides = array<i32>} : memref<25600xf32, #tpu.memory_space<vmem>>, vector<16xf32>,
        %select_n3A_165 = arith.select %eq3A_145, %max3A_20, %max3A_60 : vector<16xi1>, vector<16xf32>
        %mul3A_166 = arith.constant 128 : i32
        %mul3A_167 = arith.muli %add3A_140, %mul3A_166 : i32
        %add3A_168 = arith.constant 48 : i32
        %add3A_169 = arith.addi %mul3A_167, %add3A_168 : i32
        %swap3A_170 = arith.index_cast %add3A_169 : i32 to index
        %swap3A_171 = tpu.vector_load %arg7[%swap3A_170] {strides = array<i32>} : memref<25600xf32, #tpu.memory_space<vmem>>, vector<16xf32>,
        tpu.vector_store %arg7[%swap3A_170], %select_n3A_165 {strides = array<i32>} : memref<25600xf32, #tpu.memory_space<vmem>>, vector<16xf32>,
        %select_n3A_172 = arith.select %eq3A_145, %max3A_25, %max3A_65 : vector<16xi1>, vector<16xf32>
        %mul3A_173 = arith.constant 128 : i32
        %mul3A_174 = arith.muli %add3A_140, %mul3A_173 : i32
        %add3A_175 = arith.constant 64 : i32
        %add3A_176 = arith.addi %mul3A_174, %add3A_175 : i32
        %swap3A_177 = arith.index_cast %add3A_176 : i32 to index
        %swap3A_178 = tpu.vector_load %arg7[%swap3A_177] {strides = array<i32>} : memref<25600xf32, #tpu.memory_space<vmem>>, vector<16xf32>,
        tpu.vector_store %arg7[%swap3A_177], %select_n3A_172 {strides = array<i32>} : memref<25600xf32, #tpu.memory_space<vmem>>, vector<16xf32>,
        %select_n3A_179 = arith.select %eq3A_145, %max3A_30, %max3A_70 : vector<16xi1>, vector<16xf32>
        %mul3A_180 = arith.constant 128 : i32
        %mul3A_181 = arith.muli %add3A_140, %mul3A_180 : i32
        %add3A_182 = arith.constant 80 : i32
        %add3A_183 = arith.addi %mul3A_181, %add3A_182 : i32
        %swap3A_184 = arith.index_cast %add3A_183 : i32 to index
        %swap3A_185 = tpu.vector_load %arg7[%swap3A_184] {strides = array<i32>} : memref<25600xf32, #tpu.memory_space<vmem>>, vector<16xf32>,
        tpu.vector_store %arg7[%swap3A_184], %select_n3A_179 {strides = array<i32>} : memref<25600xf32, #tpu.memory_space<vmem>>, vector<16xf32>,
        %select_n3A_186 = arith.select %eq3A_145, %max3A_35, %max3A_75 : vector<16xi1>, vector<16xf32>
        %mul3A_187 = arith.constant 128 : i32
        %mul3A_188 = arith.muli %add3A_140, %mul3A_187 : i32
        %add3A_189 = arith.constant 96 : i32
        %add3A_190 = arith.addi %mul3A_188, %add3A_189 : i32
        %swap3A_191 = arith.index_cast %add3A_190 : i32 to index
        %swap3A_192 = tpu.vector_load %arg7[%swap3A_191] {strides = array<i32>} : memref<25600xf32, #tpu.memory_space<vmem>>, vector<16xf32>,
        tpu.vector_store %arg7[%swap3A_191], %select_n3A_186 {strides = array<i32>} : memref<25600xf32, #tpu.memory_space<vmem>>, vector<16xf32>,
        %select_n3A_193 = arith.select %eq3A_145, %max3A_40, %max3A_80 : vector<16xi1>, vector<16xf32>
        %mul3A_194 = arith.constant 128 : i32
        %mul3A_195 = arith.muli %add3A_140, %mul3A_194 : i32
        %add3A_196 = arith.constant 112 : i32
        %add3A_197 = arith.addi %mul3A_195, %add3A_196 : i32
        %swap3A_198 = arith.index_cast %add3A_197 : i32 to index
        %swap3A_199 = tpu.vector_load %arg7[%swap3A_198] {strides = array<i32>} : memref<25600xf32, #tpu.memory_space<vmem>>, vector<16xf32>,
        tpu.vector_store %arg7[%swap3A_198], %select_n3A_193 {strides = array<i32>} : memref<25600xf32, #tpu.memory_space<vmem>>, vector<16xf32>,
        %mul3A_200 = arith.constant 25 : i32
        %mul3A_201 = arith.muli %scan3A_136, %mul3A_200 : i32
        %add3A_202 = arith.constant 1 : i32
        %add3A_203 = arith.addi %mul3A_201, %add3A_202 : i32
        %mul3A_204 = arith.constant 200 : i32
        %mul3A_205 = arith.muli %add3A_117, %mul3A_204 : i32
        %add3A_206 = arith.addi %mul3A_205, %add3A_203 : i32
        %broadcast_in_dim3A_207 = vector.broadcast %add3A_206 : i32 to vector<16xi32>
        %gather3A_208 = tpu.vector_load_idx %arg5[%broadcast_in_dim3A_207] : memref<10000xi32, #tpu.memory_space<vmem>>[vector<16xi32>], vector<16xi32>,
        %eq3A_209 = arith.constant 0 : i32
        %eq3A_210 = vector.broadcast %eq3A_209 : i32 to vector<16xi32>
        %eq3A_211 = arith.cmpi eq, %gather3A_208, %eq3A_210 : vector<16xi32>
        %select_n3A_212 = arith.select %eq3A_211, %max3A_5, %max3A_45 : vector<16xi1>, vector<16xf32>
        %mul3A_213 = arith.constant 128 : i32
        %mul3A_214 = arith.muli %add3A_203, %mul3A_213 : i32
        %add3A_215 = arith.constant 0 : i32
        %add3A_216 = arith.addi %mul3A_214, %add3A_215 : i32
        %swap3A_217 = arith.index_cast %add3A_216 : i32 to index
        %swap3A_218 = tpu.vector_load %arg7[%swap3A_217] {strides = array<i32>} : memref<25600xf32, #tpu.memory_space<vmem>>, vector<16xf32>,
        tpu.vector_store %arg7[%swap3A_217], %select_n3A_212 {strides = array<i32>} : memref<25600xf32, #tpu.memory_space<vmem>>, vector<16xf32>,
        %select_n3A_219 = arith.select %eq3A_211, %max3A_10, %max3A_50 : vector<16xi1>, vector<16xf32>
        %mul3A_220 = arith.constant 128 : i32
        %mul3A_221 = arith.muli %add3A_203, %mul3A_220 : i32
        %add3A_222 = arith.constant 16 : i32
        %add3A_223 = arith.addi %mul3A_221, %add3A_222 : i32
        %swap3A_224 = arith.index_cast %add3A_223 : i32 to index
        %swap3A_225 = tpu.vector_load %arg7[%swap3A_224] {strides = array<i32>} : memref<25600xf32, #tpu.memory_space<vmem>>, vector<16xf32>,
        tpu.vector_store %arg7[%swap3A_224], %select_n3A_219 {strides = array<i32>} : memref<25600xf32, #tpu.memory_space<vmem>>, vector<16xf32>,
        %select_n3A_226 = arith.select %eq3A_211, %max3A_15, %max3A_55 : vector<16xi1>, vector<16xf32>
        %mul3A_227 = arith.constant 128 : i32
        %mul3A_228 = arith.muli %add3A_203, %mul3A_227 : i32
        %add3A_229 = arith.constant 32 : i32
        %add3A_230 = arith.addi %mul3A_228, %add3A_229 : i32
        %swap3A_231 = arith.index_cast %add3A_230 : i32 to index
        %swap3A_232 = tpu.vector_load %arg7[%swap3A_231] {strides = array<i32>} : memref<25600xf32, #tpu.memory_space<vmem>>, vector<16xf32>,
        tpu.vector_store %arg7[%swap3A_231], %select_n3A_226 {strides = array<i32>} : memref<25600xf32, #tpu.memory_space<vmem>>, vector<16xf32>,
        %select_n3A_233 = arith.select %eq3A_211, %max3A_20, %max3A_60 : vector<16xi1>, vector<16xf32>
        %mul3A_234 = arith.constant 128 : i32
        %mul3A_235 = arith.muli %add3A_203, %mul3A_234 : i32
        %add3A_236 = arith.constant 48 : i32
        %add3A_237 = arith.addi %mul3A_235, %add3A_236 : i32
        %swap3A_238 = arith.index_cast %add3A_237 : i32 to index
        %swap3A_239 = tpu.vector_load %arg7[%swap3A_238] {strides = array<i32>} : memref<25600xf32, #tpu.memory_space<vmem>>, vector<16xf32>,
        tpu.vector_store %arg7[%swap3A_238], %select_n3A_233 {strides = array<i32>} : memref<25600xf32, #tpu.memory_space<vmem>>, vector<16xf32>,
        %select_n3A_240 = arith.select %eq3A_211, %max3A_25, %max3A_65 : vector<16xi1>, vector<16xf32>
        %mul3A_241 = arith.constant 128 : i32
        %mul3A_242 = arith.muli %add3A_203, %mul3A_241 : i32
        %add3A_243 = arith.constant 64 : i32
        %add3A_244 = arith.addi %mul3A_242, %add3A_243 : i32
        %swap3A_245 = arith.index_cast %add3A_244 : i32 to index
        %swap3A_246 = tpu.vector_load %arg7[%swap3A_245] {strides = array<i32>} : memref<25600xf32, #tpu.memory_space<vmem>>, vector<16xf32>,
        tpu.vector_store %arg7[%swap3A_245], %select_n3A_240 {strides = array<i32>} : memref<25600xf32, #tpu.memory_space<vmem>>, vector<16xf32>,
        %select_n3A_247 = arith.select %eq3A_211, %max3A_30, %max3A_70 : vector<16xi1>, vector<16xf32>
        %mul3A_248 = arith.constant 128 : i32
        %mul3A_249 = arith.muli %add3A_203, %mul3A_248 : i32
        %add3A_250 = arith.constant 80 : i32
        %add3A_251 = arith.addi %mul3A_249, %add3A_250 : i32
        %swap3A_252 = arith.index_cast %add3A_251 : i32 to index
        %swap3A_253 = tpu.vector_load %arg7[%swap3A_252] {strides = array<i32>} : memref<25600xf32, #tpu.memory_space<vmem>>, vector<16xf32>,
        tpu.vector_store %arg7[%swap3A_252], %select_n3A_247 {strides = array<i32>} : memref<25600xf32, #tpu.memory_space<vmem>>, vector<16xf32>,
        %select_n3A_254 = arith.select %eq3A_211, %max3A_35, %max3A_75 : vector<16xi1>, vector<16xf32>
        %mul3A_255 = arith.constant 128 : i32
        %mul3A_256 = arith.muli %add3A_203, %mul3A_255 : i32
        %add3A_257 = arith.constant 96 : i32
        %add3A_258 = arith.addi %mul3A_256, %add3A_257 : i32
        %swap3A_259 = arith.index_cast %add3A_258 : i32 to index
        %swap3A_260 = tpu.vector_load %arg7[%swap3A_259] {strides = array<i32>} : memref<25600xf32, #tpu.memory_space<vmem>>, vector<16xf32>,
        tpu.vector_store %arg7[%swap3A_259], %select_n3A_254 {strides = array<i32>} : memref<25600xf32, #tpu.memory_space<vmem>>, vector<16xf32>,
        %select_n3A_261 = arith.select %eq3A_211, %max3A_40, %max3A_80 : vector<16xi1>, vector<16xf32>
        %mul3A_262 = arith.constant 128 : i32
        %mul3A_263 = arith.muli %add3A_203, %mul3A_262 : i32
        %add3A_264 = arith.constant 112 : i32
        %add3A_265 = arith.addi %mul3A_263, %add3A_264 : i32
        %swap3A_266 = arith.index_cast %add3A_265 : i32 to index
        %swap3A_267 = tpu.vector_load %arg7[%swap3A_266] {strides = array<i32>} : memref<25600xf32, #tpu.memory_space<vmem>>, vector<16xf32>,
        tpu.vector_store %arg7[%swap3A_266], %select_n3A_261 {strides = array<i32>} : memref<25600xf32, #tpu.memory_space<vmem>>, vector<16xf32>,
        %mul3A_268 = arith.constant 25 : i32
        %mul3A_269 = arith.muli %scan3A_136, %mul3A_268 : i32
        %add3A_270 = arith.constant 2 : i32
        %add3A_271 = arith.addi %mul3A_269, %add3A_270 : i32
        %mul3A_272 = arith.constant 200 : i32
        %mul3A_273 = arith.muli %add3A_117, %mul3A_272 : i32
        %add3A_274 = arith.addi %mul3A_273, %add3A_271 : i32
        %broadcast_in_dim3A_275 = vector.broadcast %add3A_274 : i32 to vector<16xi32>
        %gather3A_276 = tpu.vector_load_idx %arg5[%broadcast_in_dim3A_275] : memref<10000xi32, #tpu.memory_space<vmem>>[vector<16xi32>], vector<16xi32>,
        %eq3A_277 = arith.constant 0 : i32
        %eq3A_278 = vector.broadcast %eq3A_277 : i32 to vector<16xi32>
        %eq3A_279 = arith.cmpi eq, %gather3A_276, %eq3A_278 : vector<16xi32>
        %select_n3A_280 = arith.select %eq3A_279, %max3A_5, %max3A_45 : vector<16xi1>, vector<16xf32>
        %mul3A_281 = arith.constant 128 : i32
        %mul3A_282 = arith.muli %add3A_271, %mul3A_281 : i32
        %add3A_283 = arith.constant 0 : i32
        %add3A_284 = arith.addi %mul3A_282, %add3A_283 : i32
        %swap3A_285 = arith.index_cast %add3A_284 : i32 to index
        %swap3A_286 = tpu.vector_load %arg7[%swap3A_285] {strides = array<i32>} : memref<25600xf32, #tpu.memory_space<vmem>>, vector<16xf32>,
        tpu.vector_store %arg7[%swap3A_285], %select_n3A_280 {strides = array<i32>} : memref<25600xf32, #tpu.memory_space<vmem>>, vector<16xf32>,
        %select_n3A_287 = arith.select %eq3A_279, %max3A_10, %max3A_50 : vector<16xi1>, vector<16xf32>
        %mul3A_288 = arith.constant 128 : i32
        %mul3A_289 = arith.muli %add3A_271, %mul3A_288 : i32
        %add3A_290 = arith.constant 16 : i32
        %add3A_291 = arith.addi %mul3A_289, %add3A_290 : i32
        %swap3A_292 = arith.index_cast %add3A_291 : i32 to index
        %swap3A_293 = tpu.vector_load %arg7[%swap3A_292] {strides = array<i32>} : memref<25600xf32, #tpu.memory_space<vmem>>, vector<16xf32>,
        tpu.vector_store %arg7[%swap3A_292], %select_n3A_287 {strides = array<i32>} : memref<25600xf32, #tpu.memory_space<vmem>>, vector<16xf32>,
        %select_n3A_294 = arith.select %eq3A_279, %max3A_15, %max3A_55 : vector<16xi1>, vector<16xf32>
        %mul3A_295 = arith.constant 128 : i32
        %mul3A_296 = arith.muli %add3A_271, %mul3A_295 : i32
        %add3A_297 = arith.constant 32 : i32
        %add3A_298 = arith.addi %mul3A_296, %add3A_297 : i32
        %swap3A_299 = arith.index_cast %add3A_298 : i32 to index
        %swap3A_300 = tpu.vector_load %arg7[%swap3A_299] {strides = array<i32>} : memref<25600xf32, #tpu.memory_space<vmem>>, vector<16xf32>,
        tpu.vector_store %arg7[%swap3A_299], %select_n3A_294 {strides = array<i32>} : memref<25600xf32, #tpu.memory_space<vmem>>, vector<16xf32>,
        %select_n3A_301 = arith.select %eq3A_279, %max3A_20, %max3A_60 : vector<16xi1>, vector<16xf32>
        %mul3A_302 = arith.constant 128 : i32
        %mul3A_303 = arith.muli %add3A_271, %mul3A_302 : i32
        %add3A_304 = arith.constant 48 : i32
        %add3A_305 = arith.addi %mul3A_303, %add3A_304 : i32
        %swap3A_306 = arith.index_cast %add3A_305 : i32 to index
        %swap3A_307 = tpu.vector_load %arg7[%swap3A_306] {strides = array<i32>} : memref<25600xf32, #tpu.memory_space<vmem>>, vector<16xf32>,
        tpu.vector_store %arg7[%swap3A_306], %select_n3A_301 {strides = array<i32>} : memref<25600xf32, #tpu.memory_space<vmem>>, vector<16xf32>,
        %select_n3A_308 = arith.select %eq3A_279, %max3A_25, %max3A_65 : vector<16xi1>, vector<16xf32>
        %mul3A_309 = arith.constant 128 : i32
        %mul3A_310 = arith.muli %add3A_271, %mul3A_309 : i32
        %add3A_311 = arith.constant 64 : i32
        %add3A_312 = arith.addi %mul3A_310, %add3A_311 : i32
        %swap3A_313 = arith.index_cast %add3A_312 : i32 to index
        %swap3A_314 = tpu.vector_load %arg7[%swap3A_313] {strides = array<i32>} : memref<25600xf32, #tpu.memory_space<vmem>>, vector<16xf32>,
        tpu.vector_store %arg7[%swap3A_313], %select_n3A_308 {strides = array<i32>} : memref<25600xf32, #tpu.memory_space<vmem>>, vector<16xf32>,
        %select_n3A_315 = arith.select %eq3A_279, %max3A_30, %max3A_70 : vector<16xi1>, vector<16xf32>
        %mul3A_316 = arith.constant 128 : i32
        %mul3A_317 = arith.muli %add3A_271, %mul3A_316 : i32
        %add3A_318 = arith.constant 80 : i32
        %add3A_319 = arith.addi %mul3A_317, %add3A_318 : i32
        %swap3A_320 = arith.index_cast %add3A_319 : i32 to index
        %swap3A_321 = tpu.vector_load %arg7[%swap3A_320] {strides = array<i32>} : memref<25600xf32, #tpu.memory_space<vmem>>, vector<16xf32>,
        tpu.vector_store %arg7[%swap3A_320], %select_n3A_315 {strides = array<i32>} : memref<25600xf32, #tpu.memory_space<vmem>>, vector<16xf32>,
        %select_n3A_322 = arith.select %eq3A_279, %max3A_35, %max3A_75 : vector<16xi1>, vector<16xf32>
        %mul3A_323 = arith.constant 128 : i32
        %mul3A_324 = arith.muli %add3A_271, %mul3A_323 : i32
        %add3A_325 = arith.constant 96 : i32
        %add3A_326 = arith.addi %mul3A_324, %add3A_325 : i32
        %swap3A_327 = arith.index_cast %add3A_326 : i32 to index
        %swap3A_328 = tpu.vector_load %arg7[%swap3A_327] {strides = array<i32>} : memref<25600xf32, #tpu.memory_space<vmem>>, vector<16xf32>,
        tpu.vector_store %arg7[%swap3A_327], %select_n3A_322 {strides = array<i32>} : memref<25600xf32, #tpu.memory_space<vmem>>, vector<16xf32>,
        %select_n3A_329 = arith.select %eq3A_279, %max3A_40, %max3A_80 : vector<16xi1>, vector<16xf32>
        %mul3A_330 = arith.constant 128 : i32
        %mul3A_331 = arith.muli %add3A_271, %mul3A_330 : i32
        %add3A_332 = arith.constant 112 : i32
        %add3A_333 = arith.addi %mul3A_331, %add3A_332 : i32
        %swap3A_334 = arith.index_cast %add3A_333 : i32 to index
        %swap3A_335 = tpu.vector_load %arg7[%swap3A_334] {strides = array<i32>} : memref<25600xf32, #tpu.memory_space<vmem>>, vector<16xf32>,
        tpu.vector_store %arg7[%swap3A_334], %select_n3A_329 {strides = array<i32>} : memref<25600xf32, #tpu.memory_space<vmem>>, vector<16xf32>,
        %mul3A_336 = arith.constant 25 : i32
        %mul3A_337 = arith.muli %scan3A_136, %mul3A_336 : i32
        %add3A_338 = arith.constant 3 : i32
        %add3A_339 = arith.addi %mul3A_337, %add3A_338 : i32
        %mul3A_340 = arith.constant 200 : i32
        %mul3A_341 = arith.muli %add3A_117, %mul3A_340 : i32
        %add3A_342 = arith.addi %mul3A_341, %add3A_339 : i32
        %broadcast_in_dim3A_343 = vector.broadcast %add3A_342 : i32 to vector<16xi32>
        %gather3A_344 = tpu.vector_load_idx %arg5[%broadcast_in_dim3A_343] : memref<10000xi32, #tpu.memory_space<vmem>>[vector<16xi32>], vector<16xi32>,
        %eq3A_345 = arith.constant 0 : i32
        %eq3A_346 = vector.broadcast %eq3A_345 : i32 to vector<16xi32>
        %eq3A_347 = arith.cmpi eq, %gather3A_344, %eq3A_346 : vector<16xi32>
        %select_n3A_348 = arith.select %eq3A_347, %max3A_5, %max3A_45 : vector<16xi1>, vector<16xf32>
        %mul3A_349 = arith.constant 128 : i32
        %mul3A_350 = arith.muli %add3A_339, %mul3A_349 : i32
        %add3A_351 = arith.constant 0 : i32
        %add3A_352 = arith.addi %mul3A_350, %add3A_351 : i32
        %swap3A_353 = arith.index_cast %add3A_352 : i32 to index
        %swap3A_354 = tpu.vector_load %arg7[%swap3A_353] {strides = array<i32>} : memref<25600xf32, #tpu.memory_space<vmem>>, vector<16xf32>,
        tpu.vector_store %arg7[%swap3A_353], %select_n3A_348 {strides = array<i32>} : memref<25600xf32, #tpu.memory_space<vmem>>, vector<16xf32>,
        %select_n3A_355 = arith.select %eq3A_347, %max3A_10, %max3A_50 : vector<16xi1>, vector<16xf32>
        %mul3A_356 = arith.constant 128 : i32
        %mul3A_357 = arith.muli %add3A_339, %mul3A_356 : i32
        %add3A_358 = arith.constant 16 : i32
        %add3A_359 = arith.addi %mul3A_357, %add3A_358 : i32
        %swap3A_360 = arith.index_cast %add3A_359 : i32 to index
        %swap3A_361 = tpu.vector_load %arg7[%swap3A_360] {strides = array<i32>} : memref<25600xf32, #tpu.memory_space<vmem>>, vector<16xf32>,
        tpu.vector_store %arg7[%swap3A_360], %select_n3A_355 {strides = array<i32>} : memref<25600xf32, #tpu.memory_space<vmem>>, vector<16xf32>,
        %select_n3A_362 = arith.select %eq3A_347, %max3A_15, %max3A_55 : vector<16xi1>, vector<16xf32>
        %mul3A_363 = arith.constant 128 : i32
        %mul3A_364 = arith.muli %add3A_339, %mul3A_363 : i32
        %add3A_365 = arith.constant 32 : i32
        %add3A_366 = arith.addi %mul3A_364, %add3A_365 : i32
        %swap3A_367 = arith.index_cast %add3A_366 : i32 to index
        %swap3A_368 = tpu.vector_load %arg7[%swap3A_367] {strides = array<i32>} : memref<25600xf32, #tpu.memory_space<vmem>>, vector<16xf32>,
        tpu.vector_store %arg7[%swap3A_367], %select_n3A_362 {strides = array<i32>} : memref<25600xf32, #tpu.memory_space<vmem>>, vector<16xf32>,
        %select_n3A_369 = arith.select %eq3A_347, %max3A_20, %max3A_60 : vector<16xi1>, vector<16xf32>
        %mul3A_370 = arith.constant 128 : i32
        %mul3A_371 = arith.muli %add3A_339, %mul3A_370 : i32
        %add3A_372 = arith.constant 48 : i32
        %add3A_373 = arith.addi %mul3A_371, %add3A_372 : i32
        %swap3A_374 = arith.index_cast %add3A_373 : i32 to index
        %swap3A_375 = tpu.vector_load %arg7[%swap3A_374] {strides = array<i32>} : memref<25600xf32, #tpu.memory_space<vmem>>, vector<16xf32>,
        tpu.vector_store %arg7[%swap3A_374], %select_n3A_369 {strides = array<i32>} : memref<25600xf32, #tpu.memory_space<vmem>>, vector<16xf32>,
        %select_n3A_376 = arith.select %eq3A_347, %max3A_25, %max3A_65 : vector<16xi1>, vector<16xf32>
        %mul3A_377 = arith.constant 128 : i32
        %mul3A_378 = arith.muli %add3A_339, %mul3A_377 : i32
        %add3A_379 = arith.constant 64 : i32
        %add3A_380 = arith.addi %mul3A_378, %add3A_379 : i32
        %swap3A_381 = arith.index_cast %add3A_380 : i32 to index
        %swap3A_382 = tpu.vector_load %arg7[%swap3A_381] {strides = array<i32>} : memref<25600xf32, #tpu.memory_space<vmem>>, vector<16xf32>,
        tpu.vector_store %arg7[%swap3A_381], %select_n3A_376 {strides = array<i32>} : memref<25600xf32, #tpu.memory_space<vmem>>, vector<16xf32>,
        %select_n3A_383 = arith.select %eq3A_347, %max3A_30, %max3A_70 : vector<16xi1>, vector<16xf32>
        %mul3A_384 = arith.constant 128 : i32
        %mul3A_385 = arith.muli %add3A_339, %mul3A_384 : i32
        %add3A_386 = arith.constant 80 : i32
        %add3A_387 = arith.addi %mul3A_385, %add3A_386 : i32
        %swap3A_388 = arith.index_cast %add3A_387 : i32 to index
        %swap3A_389 = tpu.vector_load %arg7[%swap3A_388] {strides = array<i32>} : memref<25600xf32, #tpu.memory_space<vmem>>, vector<16xf32>,
        tpu.vector_store %arg7[%swap3A_388], %select_n3A_383 {strides = array<i32>} : memref<25600xf32, #tpu.memory_space<vmem>>, vector<16xf32>,
        %select_n3A_390 = arith.select %eq3A_347, %max3A_35, %max3A_75 : vector<16xi1>, vector<16xf32>
        %mul3A_391 = arith.constant 128 : i32
        %mul3A_392 = arith.muli %add3A_339, %mul3A_391 : i32
        %add3A_393 = arith.constant 96 : i32
        %add3A_394 = arith.addi %mul3A_392, %add3A_393 : i32
        %swap3A_395 = arith.index_cast %add3A_394 : i32 to index
        %swap3A_396 = tpu.vector_load %arg7[%swap3A_395] {strides = array<i32>} : memref<25600xf32, #tpu.memory_space<vmem>>, vector<16xf32>,
        tpu.vector_store %arg7[%swap3A_395], %select_n3A_390 {strides = array<i32>} : memref<25600xf32, #tpu.memory_space<vmem>>, vector<16xf32>,
        %select_n3A_397 = arith.select %eq3A_347, %max3A_40, %max3A_80 : vector<16xi1>, vector<16xf32>
        %mul3A_398 = arith.constant 128 : i32
        %mul3A_399 = arith.muli %add3A_339, %mul3A_398 : i32
        %add3A_400 = arith.constant 112 : i32
        %add3A_401 = arith.addi %mul3A_399, %add3A_400 : i32
        %swap3A_402 = arith.index_cast %add3A_401 : i32 to index
        %swap3A_403 = tpu.vector_load %arg7[%swap3A_402] {strides = array<i32>} : memref<25600xf32, #tpu.memory_space<vmem>>, vector<16xf32>,
        tpu.vector_store %arg7[%swap3A_402], %select_n3A_397 {strides = array<i32>} : memref<25600xf32, #tpu.memory_space<vmem>>, vector<16xf32>,
        %mul3A_404 = arith.constant 25 : i32
        %mul3A_405 = arith.muli %scan3A_136, %mul3A_404 : i32
        %add3A_406 = arith.constant 4 : i32
        %add3A_407 = arith.addi %mul3A_405, %add3A_406 : i32
        %mul3A_408 = arith.constant 200 : i32
        %mul3A_409 = arith.muli %add3A_117, %mul3A_408 : i32
        %add3A_410 = arith.addi %mul3A_409, %add3A_407 : i32
        %broadcast_in_dim3A_411 = vector.broadcast %add3A_410 : i32 to vector<16xi32>
        %gather3A_412 = tpu.vector_load_idx %arg5[%broadcast_in_dim3A_411] : memref<10000xi32, #tpu.memory_space<vmem>>[vector<16xi32>], vector<16xi32>,
        %eq3A_413 = arith.constant 0 : i32
        %eq3A_414 = vector.broadcast %eq3A_413 : i32 to vector<16xi32>
        %eq3A_415 = arith.cmpi eq, %gather3A_412, %eq3A_414 : vector<16xi32>
        %select_n3A_416 = arith.select %eq3A_415, %max3A_5, %max3A_45 : vector<16xi1>, vector<16xf32>
        %mul3A_417 = arith.constant 128 : i32
        %mul3A_418 = arith.muli %add3A_407, %mul3A_417 : i32
        %add3A_419 = arith.constant 0 : i32
        %add3A_420 = arith.addi %mul3A_418, %add3A_419 : i32
        %swap3A_421 = arith.index_cast %add3A_420 : i32 to index
        %swap3A_422 = tpu.vector_load %arg7[%swap3A_421] {strides = array<i32>} : memref<25600xf32, #tpu.memory_space<vmem>>, vector<16xf32>,
        tpu.vector_store %arg7[%swap3A_421], %select_n3A_416 {strides = array<i32>} : memref<25600xf32, #tpu.memory_space<vmem>>, vector<16xf32>,
        %select_n3A_423 = arith.select %eq3A_415, %max3A_10, %max3A_50 : vector<16xi1>, vector<16xf32>
        %mul3A_424 = arith.constant 128 : i32
        %mul3A_425 = arith.muli %add3A_407, %mul3A_424 : i32
        %add3A_426 = arith.constant 16 : i32
        %add3A_427 = arith.addi %mul3A_425, %add3A_426 : i32
        %swap3A_428 = arith.index_cast %add3A_427 : i32 to index
        %swap3A_429 = tpu.vector_load %arg7[%swap3A_428] {strides = array<i32>} : memref<25600xf32, #tpu.memory_space<vmem>>, vector<16xf32>,
        tpu.vector_store %arg7[%swap3A_428], %select_n3A_423 {strides = array<i32>} : memref<25600xf32, #tpu.memory_space<vmem>>, vector<16xf32>,
        %select_n3A_430 = arith.select %eq3A_415, %max3A_15, %max3A_55 : vector<16xi1>, vector<16xf32>
        %mul3A_431 = arith.constant 128 : i32
        %mul3A_432 = arith.muli %add3A_407, %mul3A_431 : i32
        %add3A_433 = arith.constant 32 : i32
        %add3A_434 = arith.addi %mul3A_432, %add3A_433 : i32
        %swap3A_435 = arith.index_cast %add3A_434 : i32 to index
        %swap3A_436 = tpu.vector_load %arg7[%swap3A_435] {strides = array<i32>} : memref<25600xf32, #tpu.memory_space<vmem>>, vector<16xf32>,
        tpu.vector_store %arg7[%swap3A_435], %select_n3A_430 {strides = array<i32>} : memref<25600xf32, #tpu.memory_space<vmem>>, vector<16xf32>,
        %select_n3A_437 = arith.select %eq3A_415, %max3A_20, %max3A_60 : vector<16xi1>, vector<16xf32>
        %mul3A_438 = arith.constant 128 : i32
        %mul3A_439 = arith.muli %add3A_407, %mul3A_438 : i32
        %add3A_440 = arith.constant 48 : i32
        %add3A_441 = arith.addi %mul3A_439, %add3A_440 : i32
        %swap3A_442 = arith.index_cast %add3A_441 : i32 to index
        %swap3A_443 = tpu.vector_load %arg7[%swap3A_442] {strides = array<i32>} : memref<25600xf32, #tpu.memory_space<vmem>>, vector<16xf32>,
        tpu.vector_store %arg7[%swap3A_442], %select_n3A_437 {strides = array<i32>} : memref<25600xf32, #tpu.memory_space<vmem>>, vector<16xf32>,
        %select_n3A_444 = arith.select %eq3A_415, %max3A_25, %max3A_65 : vector<16xi1>, vector<16xf32>
        %mul3A_445 = arith.constant 128 : i32
        %mul3A_446 = arith.muli %add3A_407, %mul3A_445 : i32
        %add3A_447 = arith.constant 64 : i32
        %add3A_448 = arith.addi %mul3A_446, %add3A_447 : i32
        %swap3A_449 = arith.index_cast %add3A_448 : i32 to index
        %swap3A_450 = tpu.vector_load %arg7[%swap3A_449] {strides = array<i32>} : memref<25600xf32, #tpu.memory_space<vmem>>, vector<16xf32>,
        tpu.vector_store %arg7[%swap3A_449], %select_n3A_444 {strides = array<i32>} : memref<25600xf32, #tpu.memory_space<vmem>>, vector<16xf32>,
        %select_n3A_451 = arith.select %eq3A_415, %max3A_30, %max3A_70 : vector<16xi1>, vector<16xf32>
        %mul3A_452 = arith.constant 128 : i32
        %mul3A_453 = arith.muli %add3A_407, %mul3A_452 : i32
        %add3A_454 = arith.constant 80 : i32
        %add3A_455 = arith.addi %mul3A_453, %add3A_454 : i32
        %swap3A_456 = arith.index_cast %add3A_455 : i32 to index
        %swap3A_457 = tpu.vector_load %arg7[%swap3A_456] {strides = array<i32>} : memref<25600xf32, #tpu.memory_space<vmem>>, vector<16xf32>,
        tpu.vector_store %arg7[%swap3A_456], %select_n3A_451 {strides = array<i32>} : memref<25600xf32, #tpu.memory_space<vmem>>, vector<16xf32>,
        %select_n3A_458 = arith.select %eq3A_415, %max3A_35, %max3A_75 : vector<16xi1>, vector<16xf32>
        %mul3A_459 = arith.constant 128 : i32
        %mul3A_460 = arith.muli %add3A_407, %mul3A_459 : i32
        %add3A_461 = arith.constant 96 : i32
        %add3A_462 = arith.addi %mul3A_460, %add3A_461 : i32
        %swap3A_463 = arith.index_cast %add3A_462 : i32 to index
        %swap3A_464 = tpu.vector_load %arg7[%swap3A_463] {strides = array<i32>} : memref<25600xf32, #tpu.memory_space<vmem>>, vector<16xf32>,
        tpu.vector_store %arg7[%swap3A_463], %select_n3A_458 {strides = array<i32>} : memref<25600xf32, #tpu.memory_space<vmem>>, vector<16xf32>,
        %select_n3A_465 = arith.select %eq3A_415, %max3A_40, %max3A_80 : vector<16xi1>, vector<16xf32>
        %mul3A_466 = arith.constant 128 : i32
        %mul3A_467 = arith.muli %add3A_407, %mul3A_466 : i32
        %add3A_468 = arith.constant 112 : i32
        %add3A_469 = arith.addi %mul3A_467, %add3A_468 : i32
        %swap3A_470 = arith.index_cast %add3A_469 : i32 to index
        %swap3A_471 = tpu.vector_load %arg7[%swap3A_470] {strides = array<i32>} : memref<25600xf32, #tpu.memory_space<vmem>>, vector<16xf32>,
        tpu.vector_store %arg7[%swap3A_470], %select_n3A_465 {strides = array<i32>} : memref<25600xf32, #tpu.memory_space<vmem>>, vector<16xf32>,
        %mul3A_472 = arith.constant 25 : i32
        %mul3A_473 = arith.muli %scan3A_136, %mul3A_472 : i32
        %add3A_474 = arith.constant 5 : i32
        %add3A_475 = arith.addi %mul3A_473, %add3A_474 : i32
        %mul3A_476 = arith.constant 200 : i32
        %mul3A_477 = arith.muli %add3A_117, %mul3A_476 : i32
        %add3A_478 = arith.addi %mul3A_477, %add3A_475 : i32
        %broadcast_in_dim3A_479 = vector.broadcast %add3A_478 : i32 to vector<16xi32>
        %gather3A_480 = tpu.vector_load_idx %arg5[%broadcast_in_dim3A_479] : memref<10000xi32, #tpu.memory_space<vmem>>[vector<16xi32>], vector<16xi32>,
        %eq3A_481 = arith.constant 0 : i32
        %eq3A_482 = vector.broadcast %eq3A_481 : i32 to vector<16xi32>
        %eq3A_483 = arith.cmpi eq, %gather3A_480, %eq3A_482 : vector<16xi32>
        %select_n3A_484 = arith.select %eq3A_483, %max3A_5, %max3A_45 : vector<16xi1>, vector<16xf32>
        %mul3A_485 = arith.constant 128 : i32
        %mul3A_486 = arith.muli %add3A_475, %mul3A_485 : i32
        %add3A_487 = arith.constant 0 : i32
        %add3A_488 = arith.addi %mul3A_486, %add3A_487 : i32
        %swap3A_489 = arith.index_cast %add3A_488 : i32 to index
        %swap3A_490 = tpu.vector_load %arg7[%swap3A_489] {strides = array<i32>} : memref<25600xf32, #tpu.memory_space<vmem>>, vector<16xf32>,
        tpu.vector_store %arg7[%swap3A_489], %select_n3A_484 {strides = array<i32>} : memref<25600xf32, #tpu.memory_space<vmem>>, vector<16xf32>,
        %select_n3A_491 = arith.select %eq3A_483, %max3A_10, %max3A_50 : vector<16xi1>, vector<16xf32>
        %mul3A_492 = arith.constant 128 : i32
        %mul3A_493 = arith.muli %add3A_475, %mul3A_492 : i32
        %add3A_494 = arith.constant 16 : i32
        %add3A_495 = arith.addi %mul3A_493, %add3A_494 : i32
        %swap3A_496 = arith.index_cast %add3A_495 : i32 to index
        %swap3A_497 = tpu.vector_load %arg7[%swap3A_496] {strides = array<i32>} : memref<25600xf32, #tpu.memory_space<vmem>>, vector<16xf32>,
        tpu.vector_store %arg7[%swap3A_496], %select_n3A_491 {strides = array<i32>} : memref<25600xf32, #tpu.memory_space<vmem>>, vector<16xf32>,
        %select_n3A_498 = arith.select %eq3A_483, %max3A_15, %max3A_55 : vector<16xi1>, vector<16xf32>
        %mul3A_499 = arith.constant 128 : i32
        %mul3A_500 = arith.muli %add3A_475, %mul3A_499 : i32
        %add3A_501 = arith.constant 32 : i32
        %add3A_502 = arith.addi %mul3A_500, %add3A_501 : i32
        %swap3A_503 = arith.index_cast %add3A_502 : i32 to index
        %swap3A_504 = tpu.vector_load %arg7[%swap3A_503] {strides = array<i32>} : memref<25600xf32, #tpu.memory_space<vmem>>, vector<16xf32>,
        tpu.vector_store %arg7[%swap3A_503], %select_n3A_498 {strides = array<i32>} : memref<25600xf32, #tpu.memory_space<vmem>>, vector<16xf32>,
        %select_n3A_505 = arith.select %eq3A_483, %max3A_20, %max3A_60 : vector<16xi1>, vector<16xf32>
        %mul3A_506 = arith.constant 128 : i32
        %mul3A_507 = arith.muli %add3A_475, %mul3A_506 : i32
        %add3A_508 = arith.constant 48 : i32
        %add3A_509 = arith.addi %mul3A_507, %add3A_508 : i32
        %swap3A_510 = arith.index_cast %add3A_509 : i32 to index
        %swap3A_511 = tpu.vector_load %arg7[%swap3A_510] {strides = array<i32>} : memref<25600xf32, #tpu.memory_space<vmem>>, vector<16xf32>,
        tpu.vector_store %arg7[%swap3A_510], %select_n3A_505 {strides = array<i32>} : memref<25600xf32, #tpu.memory_space<vmem>>, vector<16xf32>,
        %select_n3A_512 = arith.select %eq3A_483, %max3A_25, %max3A_65 : vector<16xi1>, vector<16xf32>
        %mul3A_513 = arith.constant 128 : i32
        %mul3A_514 = arith.muli %add3A_475, %mul3A_513 : i32
        %add3A_515 = arith.constant 64 : i32
        %add3A_516 = arith.addi %mul3A_514, %add3A_515 : i32
        %swap3A_517 = arith.index_cast %add3A_516 : i32 to index
        %swap3A_518 = tpu.vector_load %arg7[%swap3A_517] {strides = array<i32>} : memref<25600xf32, #tpu.memory_space<vmem>>, vector<16xf32>,
        tpu.vector_store %arg7[%swap3A_517], %select_n3A_512 {strides = array<i32>} : memref<25600xf32, #tpu.memory_space<vmem>>, vector<16xf32>,
        %select_n3A_519 = arith.select %eq3A_483, %max3A_30, %max3A_70 : vector<16xi1>, vector<16xf32>
        %mul3A_520 = arith.constant 128 : i32
        %mul3A_521 = arith.muli %add3A_475, %mul3A_520 : i32
        %add3A_522 = arith.constant 80 : i32
        %add3A_523 = arith.addi %mul3A_521, %add3A_522 : i32
        %swap3A_524 = arith.index_cast %add3A_523 : i32 to index
        %swap3A_525 = tpu.vector_load %arg7[%swap3A_524] {strides = array<i32>} : memref<25600xf32, #tpu.memory_space<vmem>>, vector<16xf32>,
        tpu.vector_store %arg7[%swap3A_524], %select_n3A_519 {strides = array<i32>} : memref<25600xf32, #tpu.memory_space<vmem>>, vector<16xf32>,
        %select_n3A_526 = arith.select %eq3A_483, %max3A_35, %max3A_75 : vector<16xi1>, vector<16xf32>
        %mul3A_527 = arith.constant 128 : i32
        %mul3A_528 = arith.muli %add3A_475, %mul3A_527 : i32
        %add3A_529 = arith.constant 96 : i32
        %add3A_530 = arith.addi %mul3A_528, %add3A_529 : i32
        %swap3A_531 = arith.index_cast %add3A_530 : i32 to index
        %swap3A_532 = tpu.vector_load %arg7[%swap3A_531] {strides = array<i32>} : memref<25600xf32, #tpu.memory_space<vmem>>, vector<16xf32>,
        tpu.vector_store %arg7[%swap3A_531], %select_n3A_526 {strides = array<i32>} : memref<25600xf32, #tpu.memory_space<vmem>>, vector<16xf32>,
        %select_n3A_533 = arith.select %eq3A_483, %max3A_40, %max3A_80 : vector<16xi1>, vector<16xf32>
        %mul3A_534 = arith.constant 128 : i32
        %mul3A_535 = arith.muli %add3A_475, %mul3A_534 : i32
        %add3A_536 = arith.constant 112 : i32
        %add3A_537 = arith.addi %mul3A_535, %add3A_536 : i32
        %swap3A_538 = arith.index_cast %add3A_537 : i32 to index
        %swap3A_539 = tpu.vector_load %arg7[%swap3A_538] {strides = array<i32>} : memref<25600xf32, #tpu.memory_space<vmem>>, vector<16xf32>,
        tpu.vector_store %arg7[%swap3A_538], %select_n3A_533 {strides = array<i32>} : memref<25600xf32, #tpu.memory_space<vmem>>, vector<16xf32>,
        %mul3A_540 = arith.constant 25 : i32
        %mul3A_541 = arith.muli %scan3A_136, %mul3A_540 : i32
        %add3A_542 = arith.constant 6 : i32
        %add3A_543 = arith.addi %mul3A_541, %add3A_542 : i32
        %mul3A_544 = arith.constant 200 : i32
        %mul3A_545 = arith.muli %add3A_117, %mul3A_544 : i32
        %add3A_546 = arith.addi %mul3A_545, %add3A_543 : i32
        %broadcast_in_dim3A_547 = vector.broadcast %add3A_546 : i32 to vector<16xi32>
        %gather3A_548 = tpu.vector_load_idx %arg5[%broadcast_in_dim3A_547] : memref<10000xi32, #tpu.memory_space<vmem>>[vector<16xi32>], vector<16xi32>,
        %eq3A_549 = arith.constant 0 : i32
        %eq3A_550 = vector.broadcast %eq3A_549 : i32 to vector<16xi32>
        %eq3A_551 = arith.cmpi eq, %gather3A_548, %eq3A_550 : vector<16xi32>
        %select_n3A_552 = arith.select %eq3A_551, %max3A_5, %max3A_45 : vector<16xi1>, vector<16xf32>
        %mul3A_553 = arith.constant 128 : i32
        %mul3A_554 = arith.muli %add3A_543, %mul3A_553 : i32
        %add3A_555 = arith.constant 0 : i32
        %add3A_556 = arith.addi %mul3A_554, %add3A_555 : i32
        %swap3A_557 = arith.index_cast %add3A_556 : i32 to index
        %swap3A_558 = tpu.vector_load %arg7[%swap3A_557] {strides = array<i32>} : memref<25600xf32, #tpu.memory_space<vmem>>, vector<16xf32>,
        tpu.vector_store %arg7[%swap3A_557], %select_n3A_552 {strides = array<i32>} : memref<25600xf32, #tpu.memory_space<vmem>>, vector<16xf32>,
        %select_n3A_559 = arith.select %eq3A_551, %max3A_10, %max3A_50 : vector<16xi1>, vector<16xf32>
        %mul3A_560 = arith.constant 128 : i32
        %mul3A_561 = arith.muli %add3A_543, %mul3A_560 : i32
        %add3A_562 = arith.constant 16 : i32
        %add3A_563 = arith.addi %mul3A_561, %add3A_562 : i32
        %swap3A_564 = arith.index_cast %add3A_563 : i32 to index
        %swap3A_565 = tpu.vector_load %arg7[%swap3A_564] {strides = array<i32>} : memref<25600xf32, #tpu.memory_space<vmem>>, vector<16xf32>,
        tpu.vector_store %arg7[%swap3A_564], %select_n3A_559 {strides = array<i32>} : memref<25600xf32, #tpu.memory_space<vmem>>, vector<16xf32>,
        %select_n3A_566 = arith.select %eq3A_551, %max3A_15, %max3A_55 : vector<16xi1>, vector<16xf32>
        %mul3A_567 = arith.constant 128 : i32
        %mul3A_568 = arith.muli %add3A_543, %mul3A_567 : i32
        %add3A_569 = arith.constant 32 : i32
        %add3A_570 = arith.addi %mul3A_568, %add3A_569 : i32
        %swap3A_571 = arith.index_cast %add3A_570 : i32 to index
        %swap3A_572 = tpu.vector_load %arg7[%swap3A_571] {strides = array<i32>} : memref<25600xf32, #tpu.memory_space<vmem>>, vector<16xf32>,
        tpu.vector_store %arg7[%swap3A_571], %select_n3A_566 {strides = array<i32>} : memref<25600xf32, #tpu.memory_space<vmem>>, vector<16xf32>,
        %select_n3A_573 = arith.select %eq3A_551, %max3A_20, %max3A_60 : vector<16xi1>, vector<16xf32>
        %mul3A_574 = arith.constant 128 : i32
        %mul3A_575 = arith.muli %add3A_543, %mul3A_574 : i32
        %add3A_576 = arith.constant 48 : i32
        %add3A_577 = arith.addi %mul3A_575, %add3A_576 : i32
        %swap3A_578 = arith.index_cast %add3A_577 : i32 to index
        %swap3A_579 = tpu.vector_load %arg7[%swap3A_578] {strides = array<i32>} : memref<25600xf32, #tpu.memory_space<vmem>>, vector<16xf32>,
        tpu.vector_store %arg7[%swap3A_578], %select_n3A_573 {strides = array<i32>} : memref<25600xf32, #tpu.memory_space<vmem>>, vector<16xf32>,
        %select_n3A_580 = arith.select %eq3A_551, %max3A_25, %max3A_65 : vector<16xi1>, vector<16xf32>
        %mul3A_581 = arith.constant 128 : i32
        %mul3A_582 = arith.muli %add3A_543, %mul3A_581 : i32
        %add3A_583 = arith.constant 64 : i32
        %add3A_584 = arith.addi %mul3A_582, %add3A_583 : i32
        %swap3A_585 = arith.index_cast %add3A_584 : i32 to index
        %swap3A_586 = tpu.vector_load %arg7[%swap3A_585] {strides = array<i32>} : memref<25600xf32, #tpu.memory_space<vmem>>, vector<16xf32>,
        tpu.vector_store %arg7[%swap3A_585], %select_n3A_580 {strides = array<i32>} : memref<25600xf32, #tpu.memory_space<vmem>>, vector<16xf32>,
        %select_n3A_587 = arith.select %eq3A_551, %max3A_30, %max3A_70 : vector<16xi1>, vector<16xf32>
        %mul3A_588 = arith.constant 128 : i32
        %mul3A_589 = arith.muli %add3A_543, %mul3A_588 : i32
        %add3A_590 = arith.constant 80 : i32
        %add3A_591 = arith.addi %mul3A_589, %add3A_590 : i32
        %swap3A_592 = arith.index_cast %add3A_591 : i32 to index
        %swap3A_593 = tpu.vector_load %arg7[%swap3A_592] {strides = array<i32>} : memref<25600xf32, #tpu.memory_space<vmem>>, vector<16xf32>,
        tpu.vector_store %arg7[%swap3A_592], %select_n3A_587 {strides = array<i32>} : memref<25600xf32, #tpu.memory_space<vmem>>, vector<16xf32>,
        %select_n3A_594 = arith.select %eq3A_551, %max3A_35, %max3A_75 : vector<16xi1>, vector<16xf32>
        %mul3A_595 = arith.constant 128 : i32
        %mul3A_596 = arith.muli %add3A_543, %mul3A_595 : i32
        %add3A_597 = arith.constant 96 : i32
        %add3A_598 = arith.addi %mul3A_596, %add3A_597 : i32
        %swap3A_599 = arith.index_cast %add3A_598 : i32 to index
        %swap3A_600 = tpu.vector_load %arg7[%swap3A_599] {strides = array<i32>} : memref<25600xf32, #tpu.memory_space<vmem>>, vector<16xf32>,
        tpu.vector_store %arg7[%swap3A_599], %select_n3A_594 {strides = array<i32>} : memref<25600xf32, #tpu.memory_space<vmem>>, vector<16xf32>,
        %select_n3A_601 = arith.select %eq3A_551, %max3A_40, %max3A_80 : vector<16xi1>, vector<16xf32>
        %mul3A_602 = arith.constant 128 : i32
        %mul3A_603 = arith.muli %add3A_543, %mul3A_602 : i32
        %add3A_604 = arith.constant 112 : i32
        %add3A_605 = arith.addi %mul3A_603, %add3A_604 : i32
        %swap3A_606 = arith.index_cast %add3A_605 : i32 to index
        %swap3A_607 = tpu.vector_load %arg7[%swap3A_606] {strides = array<i32>} : memref<25600xf32, #tpu.memory_space<vmem>>, vector<16xf32>,
        tpu.vector_store %arg7[%swap3A_606], %select_n3A_601 {strides = array<i32>} : memref<25600xf32, #tpu.memory_space<vmem>>, vector<16xf32>,
        %mul3A_608 = arith.constant 25 : i32
        %mul3A_609 = arith.muli %scan3A_136, %mul3A_608 : i32
        %add3A_610 = arith.constant 7 : i32
        %add3A_611 = arith.addi %mul3A_609, %add3A_610 : i32
        %mul3A_612 = arith.constant 200 : i32
        %mul3A_613 = arith.muli %add3A_117, %mul3A_612 : i32
        %add3A_614 = arith.addi %mul3A_613, %add3A_611 : i32
        %broadcast_in_dim3A_615 = vector.broadcast %add3A_614 : i32 to vector<16xi32>
        %gather3A_616 = tpu.vector_load_idx %arg5[%broadcast_in_dim3A_615] : memref<10000xi32, #tpu.memory_space<vmem>>[vector<16xi32>], vector<16xi32>,
        %eq3A_617 = arith.constant 0 : i32
        %eq3A_618 = vector.broadcast %eq3A_617 : i32 to vector<16xi32>
        %eq3A_619 = arith.cmpi eq, %gather3A_616, %eq3A_618 : vector<16xi32>
        %select_n3A_620 = arith.select %eq3A_619, %max3A_5, %max3A_45 : vector<16xi1>, vector<16xf32>
        %mul3A_621 = arith.constant 128 : i32
        %mul3A_622 = arith.muli %add3A_611, %mul3A_621 : i32
        %add3A_623 = arith.constant 0 : i32
        %add3A_624 = arith.addi %mul3A_622, %add3A_623 : i32
        %swap3A_625 = arith.index_cast %add3A_624 : i32 to index
        %swap3A_626 = tpu.vector_load %arg7[%swap3A_625] {strides = array<i32>} : memref<25600xf32, #tpu.memory_space<vmem>>, vector<16xf32>,
        tpu.vector_store %arg7[%swap3A_625], %select_n3A_620 {strides = array<i32>} : memref<25600xf32, #tpu.memory_space<vmem>>, vector<16xf32>,
        %select_n3A_627 = arith.select %eq3A_619, %max3A_10, %max3A_50 : vector<16xi1>, vector<16xf32>
        %mul3A_628 = arith.constant 128 : i32
        %mul3A_629 = arith.muli %add3A_611, %mul3A_628 : i32
        %add3A_630 = arith.constant 16 : i32
        %add3A_631 = arith.addi %mul3A_629, %add3A_630 : i32
        %swap3A_632 = arith.index_cast %add3A_631 : i32 to index
        %swap3A_633 = tpu.vector_load %arg7[%swap3A_632] {strides = array<i32>} : memref<25600xf32, #tpu.memory_space<vmem>>, vector<16xf32>,
        tpu.vector_store %arg7[%swap3A_632], %select_n3A_627 {strides = array<i32>} : memref<25600xf32, #tpu.memory_space<vmem>>, vector<16xf32>,
        %select_n3A_634 = arith.select %eq3A_619, %max3A_15, %max3A_55 : vector<16xi1>, vector<16xf32>
        %mul3A_635 = arith.constant 128 : i32
        %mul3A_636 = arith.muli %add3A_611, %mul3A_635 : i32
        %add3A_637 = arith.constant 32 : i32
        %add3A_638 = arith.addi %mul3A_636, %add3A_637 : i32
        %swap3A_639 = arith.index_cast %add3A_638 : i32 to index
        %swap3A_640 = tpu.vector_load %arg7[%swap3A_639] {strides = array<i32>} : memref<25600xf32, #tpu.memory_space<vmem>>, vector<16xf32>,
        tpu.vector_store %arg7[%swap3A_639], %select_n3A_634 {strides = array<i32>} : memref<25600xf32, #tpu.memory_space<vmem>>, vector<16xf32>,
        %select_n3A_641 = arith.select %eq3A_619, %max3A_20, %max3A_60 : vector<16xi1>, vector<16xf32>
        %mul3A_642 = arith.constant 128 : i32
        %mul3A_643 = arith.muli %add3A_611, %mul3A_642 : i32
        %add3A_644 = arith.constant 48 : i32
        %add3A_645 = arith.addi %mul3A_643, %add3A_644 : i32
        %swap3A_646 = arith.index_cast %add3A_645 : i32 to index
        %swap3A_647 = tpu.vector_load %arg7[%swap3A_646] {strides = array<i32>} : memref<25600xf32, #tpu.memory_space<vmem>>, vector<16xf32>,
        tpu.vector_store %arg7[%swap3A_646], %select_n3A_641 {strides = array<i32>} : memref<25600xf32, #tpu.memory_space<vmem>>, vector<16xf32>,
        %select_n3A_648 = arith.select %eq3A_619, %max3A_25, %max3A_65 : vector<16xi1>, vector<16xf32>
        %mul3A_649 = arith.constant 128 : i32
        %mul3A_650 = arith.muli %add3A_611, %mul3A_649 : i32
        %add3A_651 = arith.constant 64 : i32
        %add3A_652 = arith.addi %mul3A_650, %add3A_651 : i32
        %swap3A_653 = arith.index_cast %add3A_652 : i32 to index
        %swap3A_654 = tpu.vector_load %arg7[%swap3A_653] {strides = array<i32>} : memref<25600xf32, #tpu.memory_space<vmem>>, vector<16xf32>,
        tpu.vector_store %arg7[%swap3A_653], %select_n3A_648 {strides = array<i32>} : memref<25600xf32, #tpu.memory_space<vmem>>, vector<16xf32>,
        %select_n3A_655 = arith.select %eq3A_619, %max3A_30, %max3A_70 : vector<16xi1>, vector<16xf32>
        %mul3A_656 = arith.constant 128 : i32
        %mul3A_657 = arith.muli %add3A_611, %mul3A_656 : i32
        %add3A_658 = arith.constant 80 : i32
        %add3A_659 = arith.addi %mul3A_657, %add3A_658 : i32
        %swap3A_660 = arith.index_cast %add3A_659 : i32 to index
        %swap3A_661 = tpu.vector_load %arg7[%swap3A_660] {strides = array<i32>} : memref<25600xf32, #tpu.memory_space<vmem>>, vector<16xf32>,
        tpu.vector_store %arg7[%swap3A_660], %select_n3A_655 {strides = array<i32>} : memref<25600xf32, #tpu.memory_space<vmem>>, vector<16xf32>,
        %select_n3A_662 = arith.select %eq3A_619, %max3A_35, %max3A_75 : vector<16xi1>, vector<16xf32>
        %mul3A_663 = arith.constant 128 : i32
        %mul3A_664 = arith.muli %add3A_611, %mul3A_663 : i32
        %add3A_665 = arith.constant 96 : i32
        %add3A_666 = arith.addi %mul3A_664, %add3A_665 : i32
        %swap3A_667 = arith.index_cast %add3A_666 : i32 to index
        %swap3A_668 = tpu.vector_load %arg7[%swap3A_667] {strides = array<i32>} : memref<25600xf32, #tpu.memory_space<vmem>>, vector<16xf32>,
        tpu.vector_store %arg7[%swap3A_667], %select_n3A_662 {strides = array<i32>} : memref<25600xf32, #tpu.memory_space<vmem>>, vector<16xf32>,
        %select_n3A_669 = arith.select %eq3A_619, %max3A_40, %max3A_80 : vector<16xi1>, vector<16xf32>
        %mul3A_670 = arith.constant 128 : i32
        %mul3A_671 = arith.muli %add3A_611, %mul3A_670 : i32
        %add3A_672 = arith.constant 112 : i32
        %add3A_673 = arith.addi %mul3A_671, %add3A_672 : i32
        %swap3A_674 = arith.index_cast %add3A_673 : i32 to index
        %swap3A_675 = tpu.vector_load %arg7[%swap3A_674] {strides = array<i32>} : memref<25600xf32, #tpu.memory_space<vmem>>, vector<16xf32>,
        tpu.vector_store %arg7[%swap3A_674], %select_n3A_669 {strides = array<i32>} : memref<25600xf32, #tpu.memory_space<vmem>>, vector<16xf32>,
        %mul3A_676 = arith.constant 25 : i32
        %mul3A_677 = arith.muli %scan3A_136, %mul3A_676 : i32
        %add3A_678 = arith.constant 8 : i32
        %add3A_679 = arith.addi %mul3A_677, %add3A_678 : i32
        %mul3A_680 = arith.constant 200 : i32
        %mul3A_681 = arith.muli %add3A_117, %mul3A_680 : i32
        %add3A_682 = arith.addi %mul3A_681, %add3A_679 : i32
        %broadcast_in_dim3A_683 = vector.broadcast %add3A_682 : i32 to vector<16xi32>
        %gather3A_684 = tpu.vector_load_idx %arg5[%broadcast_in_dim3A_683] : memref<10000xi32, #tpu.memory_space<vmem>>[vector<16xi32>], vector<16xi32>,
        %eq3A_685 = arith.constant 0 : i32
        %eq3A_686 = vector.broadcast %eq3A_685 : i32 to vector<16xi32>
        %eq3A_687 = arith.cmpi eq, %gather3A_684, %eq3A_686 : vector<16xi32>
        %select_n3A_688 = arith.select %eq3A_687, %max3A_5, %max3A_45 : vector<16xi1>, vector<16xf32>
        %mul3A_689 = arith.constant 128 : i32
        %mul3A_690 = arith.muli %add3A_679, %mul3A_689 : i32
        %add3A_691 = arith.constant 0 : i32
        %add3A_692 = arith.addi %mul3A_690, %add3A_691 : i32
        %swap3A_693 = arith.index_cast %add3A_692 : i32 to index
        %swap3A_694 = tpu.vector_load %arg7[%swap3A_693] {strides = array<i32>} : memref<25600xf32, #tpu.memory_space<vmem>>, vector<16xf32>,
        tpu.vector_store %arg7[%swap3A_693], %select_n3A_688 {strides = array<i32>} : memref<25600xf32, #tpu.memory_space<vmem>>, vector<16xf32>,
        %select_n3A_695 = arith.select %eq3A_687, %max3A_10, %max3A_50 : vector<16xi1>, vector<16xf32>
        %mul3A_696 = arith.constant 128 : i32
        %mul3A_697 = arith.muli %add3A_679, %mul3A_696 : i32
        %add3A_698 = arith.constant 16 : i32
        %add3A_699 = arith.addi %mul3A_697, %add3A_698 : i32
        %swap3A_700 = arith.index_cast %add3A_699 : i32 to index
        %swap3A_701 = tpu.vector_load %arg7[%swap3A_700] {strides = array<i32>} : memref<25600xf32, #tpu.memory_space<vmem>>, vector<16xf32>,
        tpu.vector_store %arg7[%swap3A_700], %select_n3A_695 {strides = array<i32>} : memref<25600xf32, #tpu.memory_space<vmem>>, vector<16xf32>,
        %select_n3A_702 = arith.select %eq3A_687, %max3A_15, %max3A_55 : vector<16xi1>, vector<16xf32>
        %mul3A_703 = arith.constant 128 : i32
        %mul3A_704 = arith.muli %add3A_679, %mul3A_703 : i32
        %add3A_705 = arith.constant 32 : i32
        %add3A_706 = arith.addi %mul3A_704, %add3A_705 : i32
        %swap3A_707 = arith.index_cast %add3A_706 : i32 to index
        %swap3A_708 = tpu.vector_load %arg7[%swap3A_707] {strides = array<i32>} : memref<25600xf32, #tpu.memory_space<vmem>>, vector<16xf32>,
        tpu.vector_store %arg7[%swap3A_707], %select_n3A_702 {strides = array<i32>} : memref<25600xf32, #tpu.memory_space<vmem>>, vector<16xf32>,
        %select_n3A_709 = arith.select %eq3A_687, %max3A_20, %max3A_60 : vector<16xi1>, vector<16xf32>
        %mul3A_710 = arith.constant 128 : i32
        %mul3A_711 = arith.muli %add3A_679, %mul3A_710 : i32
        %add3A_712 = arith.constant 48 : i32
        %add3A_713 = arith.addi %mul3A_711, %add3A_712 : i32
        %swap3A_714 = arith.index_cast %add3A_713 : i32 to index
        %swap3A_715 = tpu.vector_load %arg7[%swap3A_714] {strides = array<i32>} : memref<25600xf32, #tpu.memory_space<vmem>>, vector<16xf32>,
        tpu.vector_store %arg7[%swap3A_714], %select_n3A_709 {strides = array<i32>} : memref<25600xf32, #tpu.memory_space<vmem>>, vector<16xf32>,
        %select_n3A_716 = arith.select %eq3A_687, %max3A_25, %max3A_65 : vector<16xi1>, vector<16xf32>
        %mul3A_717 = arith.constant 128 : i32
        %mul3A_718 = arith.muli %add3A_679, %mul3A_717 : i32
        %add3A_719 = arith.constant 64 : i32
        %add3A_720 = arith.addi %mul3A_718, %add3A_719 : i32
        %swap3A_721 = arith.index_cast %add3A_720 : i32 to index
        %swap3A_722 = tpu.vector_load %arg7[%swap3A_721] {strides = array<i32>} : memref<25600xf32, #tpu.memory_space<vmem>>, vector<16xf32>,
        tpu.vector_store %arg7[%swap3A_721], %select_n3A_716 {strides = array<i32>} : memref<25600xf32, #tpu.memory_space<vmem>>, vector<16xf32>,
        %select_n3A_723 = arith.select %eq3A_687, %max3A_30, %max3A_70 : vector<16xi1>, vector<16xf32>
        %mul3A_724 = arith.constant 128 : i32
        %mul3A_725 = arith.muli %add3A_679, %mul3A_724 : i32
        %add3A_726 = arith.constant 80 : i32
        %add3A_727 = arith.addi %mul3A_725, %add3A_726 : i32
        %swap3A_728 = arith.index_cast %add3A_727 : i32 to index
        %swap3A_729 = tpu.vector_load %arg7[%swap3A_728] {strides = array<i32>} : memref<25600xf32, #tpu.memory_space<vmem>>, vector<16xf32>,
        tpu.vector_store %arg7[%swap3A_728], %select_n3A_723 {strides = array<i32>} : memref<25600xf32, #tpu.memory_space<vmem>>, vector<16xf32>,
        %select_n3A_730 = arith.select %eq3A_687, %max3A_35, %max3A_75 : vector<16xi1>, vector<16xf32>
        %mul3A_731 = arith.constant 128 : i32
        %mul3A_732 = arith.muli %add3A_679, %mul3A_731 : i32
        %add3A_733 = arith.constant 96 : i32
        %add3A_734 = arith.addi %mul3A_732, %add3A_733 : i32
        %swap3A_735 = arith.index_cast %add3A_734 : i32 to index
        %swap3A_736 = tpu.vector_load %arg7[%swap3A_735] {strides = array<i32>} : memref<25600xf32, #tpu.memory_space<vmem>>, vector<16xf32>,
        tpu.vector_store %arg7[%swap3A_735], %select_n3A_730 {strides = array<i32>} : memref<25600xf32, #tpu.memory_space<vmem>>, vector<16xf32>,
        %select_n3A_737 = arith.select %eq3A_687, %max3A_40, %max3A_80 : vector<16xi1>, vector<16xf32>
        %mul3A_738 = arith.constant 128 : i32
        %mul3A_739 = arith.muli %add3A_679, %mul3A_738 : i32
        %add3A_740 = arith.constant 112 : i32
        %add3A_741 = arith.addi %mul3A_739, %add3A_740 : i32
        %swap3A_742 = arith.index_cast %add3A_741 : i32 to index
        %swap3A_743 = tpu.vector_load %arg7[%swap3A_742] {strides = array<i32>} : memref<25600xf32, #tpu.memory_space<vmem>>, vector<16xf32>,
        tpu.vector_store %arg7[%swap3A_742], %select_n3A_737 {strides = array<i32>} : memref<25600xf32, #tpu.memory_space<vmem>>, vector<16xf32>,
        %mul3A_744 = arith.constant 25 : i32
        %mul3A_745 = arith.muli %scan3A_136, %mul3A_744 : i32
        %add3A_746 = arith.constant 9 : i32
        %add3A_747 = arith.addi %mul3A_745, %add3A_746 : i32
        %mul3A_748 = arith.constant 200 : i32
        %mul3A_749 = arith.muli %add3A_117, %mul3A_748 : i32
        %add3A_750 = arith.addi %mul3A_749, %add3A_747 : i32
        %broadcast_in_dim3A_751 = vector.broadcast %add3A_750 : i32 to vector<16xi32>
        %gather3A_752 = tpu.vector_load_idx %arg5[%broadcast_in_dim3A_751] : memref<10000xi32, #tpu.memory_space<vmem>>[vector<16xi32>], vector<16xi32>,
        %eq3A_753 = arith.constant 0 : i32
        %eq3A_754 = vector.broadcast %eq3A_753 : i32 to vector<16xi32>
        %eq3A_755 = arith.cmpi eq, %gather3A_752, %eq3A_754 : vector<16xi32>
        %select_n3A_756 = arith.select %eq3A_755, %max3A_5, %max3A_45 : vector<16xi1>, vector<16xf32>
        %mul3A_757 = arith.constant 128 : i32
        %mul3A_758 = arith.muli %add3A_747, %mul3A_757 : i32
        %add3A_759 = arith.constant 0 : i32
        %add3A_760 = arith.addi %mul3A_758, %add3A_759 : i32
        %swap3A_761 = arith.index_cast %add3A_760 : i32 to index
        %swap3A_762 = tpu.vector_load %arg7[%swap3A_761] {strides = array<i32>} : memref<25600xf32, #tpu.memory_space<vmem>>, vector<16xf32>,
        tpu.vector_store %arg7[%swap3A_761], %select_n3A_756 {strides = array<i32>} : memref<25600xf32, #tpu.memory_space<vmem>>, vector<16xf32>,
        %select_n3A_763 = arith.select %eq3A_755, %max3A_10, %max3A_50 : vector<16xi1>, vector<16xf32>
        %mul3A_764 = arith.constant 128 : i32
        %mul3A_765 = arith.muli %add3A_747, %mul3A_764 : i32
        %add3A_766 = arith.constant 16 : i32
        %add3A_767 = arith.addi %mul3A_765, %add3A_766 : i32
        %swap3A_768 = arith.index_cast %add3A_767 : i32 to index
        %swap3A_769 = tpu.vector_load %arg7[%swap3A_768] {strides = array<i32>} : memref<25600xf32, #tpu.memory_space<vmem>>, vector<16xf32>,
        tpu.vector_store %arg7[%swap3A_768], %select_n3A_763 {strides = array<i32>} : memref<25600xf32, #tpu.memory_space<vmem>>, vector<16xf32>,
        %select_n3A_770 = arith.select %eq3A_755, %max3A_15, %max3A_55 : vector<16xi1>, vector<16xf32>
        %mul3A_771 = arith.constant 128 : i32
        %mul3A_772 = arith.muli %add3A_747, %mul3A_771 : i32
        %add3A_773 = arith.constant 32 : i32
        %add3A_774 = arith.addi %mul3A_772, %add3A_773 : i32
        %swap3A_775 = arith.index_cast %add3A_774 : i32 to index
        %swap3A_776 = tpu.vector_load %arg7[%swap3A_775] {strides = array<i32>} : memref<25600xf32, #tpu.memory_space<vmem>>, vector<16xf32>,
        tpu.vector_store %arg7[%swap3A_775], %select_n3A_770 {strides = array<i32>} : memref<25600xf32, #tpu.memory_space<vmem>>, vector<16xf32>,
        %select_n3A_777 = arith.select %eq3A_755, %max3A_20, %max3A_60 : vector<16xi1>, vector<16xf32>
        %mul3A_778 = arith.constant 128 : i32
        %mul3A_779 = arith.muli %add3A_747, %mul3A_778 : i32
        %add3A_780 = arith.constant 48 : i32
        %add3A_781 = arith.addi %mul3A_779, %add3A_780 : i32
        %swap3A_782 = arith.index_cast %add3A_781 : i32 to index
        %swap3A_783 = tpu.vector_load %arg7[%swap3A_782] {strides = array<i32>} : memref<25600xf32, #tpu.memory_space<vmem>>, vector<16xf32>,
        tpu.vector_store %arg7[%swap3A_782], %select_n3A_777 {strides = array<i32>} : memref<25600xf32, #tpu.memory_space<vmem>>, vector<16xf32>,
        %select_n3A_784 = arith.select %eq3A_755, %max3A_25, %max3A_65 : vector<16xi1>, vector<16xf32>
        %mul3A_785 = arith.constant 128 : i32
        %mul3A_786 = arith.muli %add3A_747, %mul3A_785 : i32
        %add3A_787 = arith.constant 64 : i32
        %add3A_788 = arith.addi %mul3A_786, %add3A_787 : i32
        %swap3A_789 = arith.index_cast %add3A_788 : i32 to index
        %swap3A_790 = tpu.vector_load %arg7[%swap3A_789] {strides = array<i32>} : memref<25600xf32, #tpu.memory_space<vmem>>, vector<16xf32>,
        tpu.vector_store %arg7[%swap3A_789], %select_n3A_784 {strides = array<i32>} : memref<25600xf32, #tpu.memory_space<vmem>>, vector<16xf32>,
        %select_n3A_791 = arith.select %eq3A_755, %max3A_30, %max3A_70 : vector<16xi1>, vector<16xf32>
        %mul3A_792 = arith.constant 128 : i32
        %mul3A_793 = arith.muli %add3A_747, %mul3A_792 : i32
        %add3A_794 = arith.constant 80 : i32
        %add3A_795 = arith.addi %mul3A_793, %add3A_794 : i32
        %swap3A_796 = arith.index_cast %add3A_795 : i32 to index
        %swap3A_797 = tpu.vector_load %arg7[%swap3A_796] {strides = array<i32>} : memref<25600xf32, #tpu.memory_space<vmem>>, vector<16xf32>,
        tpu.vector_store %arg7[%swap3A_796], %select_n3A_791 {strides = array<i32>} : memref<25600xf32, #tpu.memory_space<vmem>>, vector<16xf32>,
        %select_n3A_798 = arith.select %eq3A_755, %max3A_35, %max3A_75 : vector<16xi1>, vector<16xf32>
        %mul3A_799 = arith.constant 128 : i32
        %mul3A_800 = arith.muli %add3A_747, %mul3A_799 : i32
        %add3A_801 = arith.constant 96 : i32
        %add3A_802 = arith.addi %mul3A_800, %add3A_801 : i32
        %swap3A_803 = arith.index_cast %add3A_802 : i32 to index
        %swap3A_804 = tpu.vector_load %arg7[%swap3A_803] {strides = array<i32>} : memref<25600xf32, #tpu.memory_space<vmem>>, vector<16xf32>,
        tpu.vector_store %arg7[%swap3A_803], %select_n3A_798 {strides = array<i32>} : memref<25600xf32, #tpu.memory_space<vmem>>, vector<16xf32>,
        %select_n3A_805 = arith.select %eq3A_755, %max3A_40, %max3A_80 : vector<16xi1>, vector<16xf32>
        %mul3A_806 = arith.constant 128 : i32
        %mul3A_807 = arith.muli %add3A_747, %mul3A_806 : i32
        %add3A_808 = arith.constant 112 : i32
        %add3A_809 = arith.addi %mul3A_807, %add3A_808 : i32
        %swap3A_810 = arith.index_cast %add3A_809 : i32 to index
        %swap3A_811 = tpu.vector_load %arg7[%swap3A_810] {strides = array<i32>} : memref<25600xf32, #tpu.memory_space<vmem>>, vector<16xf32>,
        tpu.vector_store %arg7[%swap3A_810], %select_n3A_805 {strides = array<i32>} : memref<25600xf32, #tpu.memory_space<vmem>>, vector<16xf32>,
        %mul3A_812 = arith.constant 25 : i32
        %mul3A_813 = arith.muli %scan3A_136, %mul3A_812 : i32
        %add3A_814 = arith.constant 10 : i32
        %add3A_815 = arith.addi %mul3A_813, %add3A_814 : i32
        %mul3A_816 = arith.constant 200 : i32
        %mul3A_817 = arith.muli %add3A_117, %mul3A_816 : i32
        %add3A_818 = arith.addi %mul3A_817, %add3A_815 : i32
        %broadcast_in_dim3A_819 = vector.broadcast %add3A_818 : i32 to vector<16xi32>
        %gather3A_820 = tpu.vector_load_idx %arg5[%broadcast_in_dim3A_819] : memref<10000xi32, #tpu.memory_space<vmem>>[vector<16xi32>], vector<16xi32>,
        %eq3A_821 = arith.constant 0 : i32
        %eq3A_822 = vector.broadcast %eq3A_821 : i32 to vector<16xi32>
        %eq3A_823 = arith.cmpi eq, %gather3A_820, %eq3A_822 : vector<16xi32>
        %select_n3A_824 = arith.select %eq3A_823, %max3A_5, %max3A_45 : vector<16xi1>, vector<16xf32>
        %mul3A_825 = arith.constant 128 : i32
        %mul3A_826 = arith.muli %add3A_815, %mul3A_825 : i32
        %add3A_827 = arith.constant 0 : i32
        %add3A_828 = arith.addi %mul3A_826, %add3A_827 : i32
        %swap3A_829 = arith.index_cast %add3A_828 : i32 to index
        %swap3A_830 = tpu.vector_load %arg7[%swap3A_829] {strides = array<i32>} : memref<25600xf32, #tpu.memory_space<vmem>>, vector<16xf32>,
        tpu.vector_store %arg7[%swap3A_829], %select_n3A_824 {strides = array<i32>} : memref<25600xf32, #tpu.memory_space<vmem>>, vector<16xf32>,
        %select_n3A_831 = arith.select %eq3A_823, %max3A_10, %max3A_50 : vector<16xi1>, vector<16xf32>
        %mul3A_832 = arith.constant 128 : i32
        %mul3A_833 = arith.muli %add3A_815, %mul3A_832 : i32
        %add3A_834 = arith.constant 16 : i32
        %add3A_835 = arith.addi %mul3A_833, %add3A_834 : i32
        %swap3A_836 = arith.index_cast %add3A_835 : i32 to index
        %swap3A_837 = tpu.vector_load %arg7[%swap3A_836] {strides = array<i32>} : memref<25600xf32, #tpu.memory_space<vmem>>, vector<16xf32>,
        tpu.vector_store %arg7[%swap3A_836], %select_n3A_831 {strides = array<i32>} : memref<25600xf32, #tpu.memory_space<vmem>>, vector<16xf32>,
        %select_n3A_838 = arith.select %eq3A_823, %max3A_15, %max3A_55 : vector<16xi1>, vector<16xf32>
        %mul3A_839 = arith.constant 128 : i32
        %mul3A_840 = arith.muli %add3A_815, %mul3A_839 : i32
        %add3A_841 = arith.constant 32 : i32
        %add3A_842 = arith.addi %mul3A_840, %add3A_841 : i32
        %swap3A_843 = arith.index_cast %add3A_842 : i32 to index
        %swap3A_844 = tpu.vector_load %arg7[%swap3A_843] {strides = array<i32>} : memref<25600xf32, #tpu.memory_space<vmem>>, vector<16xf32>,
        tpu.vector_store %arg7[%swap3A_843], %select_n3A_838 {strides = array<i32>} : memref<25600xf32, #tpu.memory_space<vmem>>, vector<16xf32>,
        %select_n3A_845 = arith.select %eq3A_823, %max3A_20, %max3A_60 : vector<16xi1>, vector<16xf32>
        %mul3A_846 = arith.constant 128 : i32
        %mul3A_847 = arith.muli %add3A_815, %mul3A_846 : i32
        %add3A_848 = arith.constant 48 : i32
        %add3A_849 = arith.addi %mul3A_847, %add3A_848 : i32
        %swap3A_850 = arith.index_cast %add3A_849 : i32 to index
        %swap3A_851 = tpu.vector_load %arg7[%swap3A_850] {strides = array<i32>} : memref<25600xf32, #tpu.memory_space<vmem>>, vector<16xf32>,
        tpu.vector_store %arg7[%swap3A_850], %select_n3A_845 {strides = array<i32>} : memref<25600xf32, #tpu.memory_space<vmem>>, vector<16xf32>,
        %select_n3A_852 = arith.select %eq3A_823, %max3A_25, %max3A_65 : vector<16xi1>, vector<16xf32>
        %mul3A_853 = arith.constant 128 : i32
        %mul3A_854 = arith.muli %add3A_815, %mul3A_853 : i32
        %add3A_855 = arith.constant 64 : i32
        %add3A_856 = arith.addi %mul3A_854, %add3A_855 : i32
        %swap3A_857 = arith.index_cast %add3A_856 : i32 to index
        %swap3A_858 = tpu.vector_load %arg7[%swap3A_857] {strides = array<i32>} : memref<25600xf32, #tpu.memory_space<vmem>>, vector<16xf32>,
        tpu.vector_store %arg7[%swap3A_857], %select_n3A_852 {strides = array<i32>} : memref<25600xf32, #tpu.memory_space<vmem>>, vector<16xf32>,
        %select_n3A_859 = arith.select %eq3A_823, %max3A_30, %max3A_70 : vector<16xi1>, vector<16xf32>
        %mul3A_860 = arith.constant 128 : i32
        %mul3A_861 = arith.muli %add3A_815, %mul3A_860 : i32
        %add3A_862 = arith.constant 80 : i32
        %add3A_863 = arith.addi %mul3A_861, %add3A_862 : i32
        %swap3A_864 = arith.index_cast %add3A_863 : i32 to index
        %swap3A_865 = tpu.vector_load %arg7[%swap3A_864] {strides = array<i32>} : memref<25600xf32, #tpu.memory_space<vmem>>, vector<16xf32>,
        tpu.vector_store %arg7[%swap3A_864], %select_n3A_859 {strides = array<i32>} : memref<25600xf32, #tpu.memory_space<vmem>>, vector<16xf32>,
        %select_n3A_866 = arith.select %eq3A_823, %max3A_35, %max3A_75 : vector<16xi1>, vector<16xf32>
        %mul3A_867 = arith.constant 128 : i32
        %mul3A_868 = arith.muli %add3A_815, %mul3A_867 : i32
        %add3A_869 = arith.constant 96 : i32
        %add3A_870 = arith.addi %mul3A_868, %add3A_869 : i32
        %swap3A_871 = arith.index_cast %add3A_870 : i32 to index
        %swap3A_872 = tpu.vector_load %arg7[%swap3A_871] {strides = array<i32>} : memref<25600xf32, #tpu.memory_space<vmem>>, vector<16xf32>,
        tpu.vector_store %arg7[%swap3A_871], %select_n3A_866 {strides = array<i32>} : memref<25600xf32, #tpu.memory_space<vmem>>, vector<16xf32>,
        %select_n3A_873 = arith.select %eq3A_823, %max3A_40, %max3A_80 : vector<16xi1>, vector<16xf32>
        %mul3A_874 = arith.constant 128 : i32
        %mul3A_875 = arith.muli %add3A_815, %mul3A_874 : i32
        %add3A_876 = arith.constant 112 : i32
        %add3A_877 = arith.addi %mul3A_875, %add3A_876 : i32
        %swap3A_878 = arith.index_cast %add3A_877 : i32 to index
        %swap3A_879 = tpu.vector_load %arg7[%swap3A_878] {strides = array<i32>} : memref<25600xf32, #tpu.memory_space<vmem>>, vector<16xf32>,
        tpu.vector_store %arg7[%swap3A_878], %select_n3A_873 {strides = array<i32>} : memref<25600xf32, #tpu.memory_space<vmem>>, vector<16xf32>,
        %mul3A_880 = arith.constant 25 : i32
        %mul3A_881 = arith.muli %scan3A_136, %mul3A_880 : i32
        %add3A_882 = arith.constant 11 : i32
        %add3A_883 = arith.addi %mul3A_881, %add3A_882 : i32
        %mul3A_884 = arith.constant 200 : i32
        %mul3A_885 = arith.muli %add3A_117, %mul3A_884 : i32
        %add3A_886 = arith.addi %mul3A_885, %add3A_883 : i32
        %broadcast_in_dim3A_887 = vector.broadcast %add3A_886 : i32 to vector<16xi32>
        %gather3A_888 = tpu.vector_load_idx %arg5[%broadcast_in_dim3A_887] : memref<10000xi32, #tpu.memory_space<vmem>>[vector<16xi32>], vector<16xi32>,
        %eq3A_889 = arith.constant 0 : i32
        %eq3A_890 = vector.broadcast %eq3A_889 : i32 to vector<16xi32>
        %eq3A_891 = arith.cmpi eq, %gather3A_888, %eq3A_890 : vector<16xi32>
        %select_n3A_892 = arith.select %eq3A_891, %max3A_5, %max3A_45 : vector<16xi1>, vector<16xf32>
        %mul3A_893 = arith.constant 128 : i32
        %mul3A_894 = arith.muli %add3A_883, %mul3A_893 : i32
        %add3A_895 = arith.constant 0 : i32
        %add3A_896 = arith.addi %mul3A_894, %add3A_895 : i32
        %swap3A_897 = arith.index_cast %add3A_896 : i32 to index
        %swap3A_898 = tpu.vector_load %arg7[%swap3A_897] {strides = array<i32>} : memref<25600xf32, #tpu.memory_space<vmem>>, vector<16xf32>,
        tpu.vector_store %arg7[%swap3A_897], %select_n3A_892 {strides = array<i32>} : memref<25600xf32, #tpu.memory_space<vmem>>, vector<16xf32>,
        %select_n3A_899 = arith.select %eq3A_891, %max3A_10, %max3A_50 : vector<16xi1>, vector<16xf32>
        %mul3A_900 = arith.constant 128 : i32
        %mul3A_901 = arith.muli %add3A_883, %mul3A_900 : i32
        %add3A_902 = arith.constant 16 : i32
        %add3A_903 = arith.addi %mul3A_901, %add3A_902 : i32
        %swap3A_904 = arith.index_cast %add3A_903 : i32 to index
        %swap3A_905 = tpu.vector_load %arg7[%swap3A_904] {strides = array<i32>} : memref<25600xf32, #tpu.memory_space<vmem>>, vector<16xf32>,
        tpu.vector_store %arg7[%swap3A_904], %select_n3A_899 {strides = array<i32>} : memref<25600xf32, #tpu.memory_space<vmem>>, vector<16xf32>,
        %select_n3A_906 = arith.select %eq3A_891, %max3A_15, %max3A_55 : vector<16xi1>, vector<16xf32>
        %mul3A_907 = arith.constant 128 : i32
        %mul3A_908 = arith.muli %add3A_883, %mul3A_907 : i32
        %add3A_909 = arith.constant 32 : i32
        %add3A_910 = arith.addi %mul3A_908, %add3A_909 : i32
        %swap3A_911 = arith.index_cast %add3A_910 : i32 to index
        %swap3A_912 = tpu.vector_load %arg7[%swap3A_911] {strides = array<i32>} : memref<25600xf32, #tpu.memory_space<vmem>>, vector<16xf32>,
        tpu.vector_store %arg7[%swap3A_911], %select_n3A_906 {strides = array<i32>} : memref<25600xf32, #tpu.memory_space<vmem>>, vector<16xf32>,
        %select_n3A_913 = arith.select %eq3A_891, %max3A_20, %max3A_60 : vector<16xi1>, vector<16xf32>
        %mul3A_914 = arith.constant 128 : i32
        %mul3A_915 = arith.muli %add3A_883, %mul3A_914 : i32
        %add3A_916 = arith.constant 48 : i32
        %add3A_917 = arith.addi %mul3A_915, %add3A_916 : i32
        %swap3A_918 = arith.index_cast %add3A_917 : i32 to index
        %swap3A_919 = tpu.vector_load %arg7[%swap3A_918] {strides = array<i32>} : memref<25600xf32, #tpu.memory_space<vmem>>, vector<16xf32>,
        tpu.vector_store %arg7[%swap3A_918], %select_n3A_913 {strides = array<i32>} : memref<25600xf32, #tpu.memory_space<vmem>>, vector<16xf32>,
        %select_n3A_920 = arith.select %eq3A_891, %max3A_25, %max3A_65 : vector<16xi1>, vector<16xf32>
        %mul3A_921 = arith.constant 128 : i32
        %mul3A_922 = arith.muli %add3A_883, %mul3A_921 : i32
        %add3A_923 = arith.constant 64 : i32
        %add3A_924 = arith.addi %mul3A_922, %add3A_923 : i32
        %swap3A_925 = arith.index_cast %add3A_924 : i32 to index
        %swap3A_926 = tpu.vector_load %arg7[%swap3A_925] {strides = array<i32>} : memref<25600xf32, #tpu.memory_space<vmem>>, vector<16xf32>,
        tpu.vector_store %arg7[%swap3A_925], %select_n3A_920 {strides = array<i32>} : memref<25600xf32, #tpu.memory_space<vmem>>, vector<16xf32>,
        %select_n3A_927 = arith.select %eq3A_891, %max3A_30, %max3A_70 : vector<16xi1>, vector<16xf32>
        %mul3A_928 = arith.constant 128 : i32
        %mul3A_929 = arith.muli %add3A_883, %mul3A_928 : i32
        %add3A_930 = arith.constant 80 : i32
        %add3A_931 = arith.addi %mul3A_929, %add3A_930 : i32
        %swap3A_932 = arith.index_cast %add3A_931 : i32 to index
        %swap3A_933 = tpu.vector_load %arg7[%swap3A_932] {strides = array<i32>} : memref<25600xf32, #tpu.memory_space<vmem>>, vector<16xf32>,
        tpu.vector_store %arg7[%swap3A_932], %select_n3A_927 {strides = array<i32>} : memref<25600xf32, #tpu.memory_space<vmem>>, vector<16xf32>,
        %select_n3A_934 = arith.select %eq3A_891, %max3A_35, %max3A_75 : vector<16xi1>, vector<16xf32>
        %mul3A_935 = arith.constant 128 : i32
        %mul3A_936 = arith.muli %add3A_883, %mul3A_935 : i32
        %add3A_937 = arith.constant 96 : i32
        %add3A_938 = arith.addi %mul3A_936, %add3A_937 : i32
        %swap3A_939 = arith.index_cast %add3A_938 : i32 to index
        %swap3A_940 = tpu.vector_load %arg7[%swap3A_939] {strides = array<i32>} : memref<25600xf32, #tpu.memory_space<vmem>>, vector<16xf32>,
        tpu.vector_store %arg7[%swap3A_939], %select_n3A_934 {strides = array<i32>} : memref<25600xf32, #tpu.memory_space<vmem>>, vector<16xf32>,
        %select_n3A_941 = arith.select %eq3A_891, %max3A_40, %max3A_80 : vector<16xi1>, vector<16xf32>
        %mul3A_942 = arith.constant 128 : i32
        %mul3A_943 = arith.muli %add3A_883, %mul3A_942 : i32
        %add3A_944 = arith.constant 112 : i32
        %add3A_945 = arith.addi %mul3A_943, %add3A_944 : i32
        %swap3A_946 = arith.index_cast %add3A_945 : i32 to index
        %swap3A_947 = tpu.vector_load %arg7[%swap3A_946] {strides = array<i32>} : memref<25600xf32, #tpu.memory_space<vmem>>, vector<16xf32>,
        tpu.vector_store %arg7[%swap3A_946], %select_n3A_941 {strides = array<i32>} : memref<25600xf32, #tpu.memory_space<vmem>>, vector<16xf32>,
        %mul3A_948 = arith.constant 25 : i32
        %mul3A_949 = arith.muli %scan3A_136, %mul3A_948 : i32
        %add3A_950 = arith.constant 12 : i32
        %add3A_951 = arith.addi %mul3A_949, %add3A_950 : i32
        %mul3A_952 = arith.constant 200 : i32
        %mul3A_953 = arith.muli %add3A_117, %mul3A_952 : i32
        %add3A_954 = arith.addi %mul3A_953, %add3A_951 : i32
        %broadcast_in_dim3A_955 = vector.broadcast %add3A_954 : i32 to vector<16xi32>
        %gather3A_956 = tpu.vector_load_idx %arg5[%broadcast_in_dim3A_955] : memref<10000xi32, #tpu.memory_space<vmem>>[vector<16xi32>], vector<16xi32>,
        %eq3A_957 = arith.constant 0 : i32
        %eq3A_958 = vector.broadcast %eq3A_957 : i32 to vector<16xi32>
        %eq3A_959 = arith.cmpi eq, %gather3A_956, %eq3A_958 : vector<16xi32>
        %select_n3A_960 = arith.select %eq3A_959, %max3A_5, %max3A_45 : vector<16xi1>, vector<16xf32>
        %mul3A_961 = arith.constant 128 : i32
        %mul3A_962 = arith.muli %add3A_951, %mul3A_961 : i32
        %add3A_963 = arith.constant 0 : i32
        %add3A_964 = arith.addi %mul3A_962, %add3A_963 : i32
        %swap3A_965 = arith.index_cast %add3A_964 : i32 to index
        %swap3A_966 = tpu.vector_load %arg7[%swap3A_965] {strides = array<i32>} : memref<25600xf32, #tpu.memory_space<vmem>>, vector<16xf32>,
        tpu.vector_store %arg7[%swap3A_965], %select_n3A_960 {strides = array<i32>} : memref<25600xf32, #tpu.memory_space<vmem>>, vector<16xf32>,
        %select_n3A_967 = arith.select %eq3A_959, %max3A_10, %max3A_50 : vector<16xi1>, vector<16xf32>
        %mul3A_968 = arith.constant 128 : i32
        %mul3A_969 = arith.muli %add3A_951, %mul3A_968 : i32
        %add3A_970 = arith.constant 16 : i32
        %add3A_971 = arith.addi %mul3A_969, %add3A_970 : i32
        %swap3A_972 = arith.index_cast %add3A_971 : i32 to index
        %swap3A_973 = tpu.vector_load %arg7[%swap3A_972] {strides = array<i32>} : memref<25600xf32, #tpu.memory_space<vmem>>, vector<16xf32>,
        tpu.vector_store %arg7[%swap3A_972], %select_n3A_967 {strides = array<i32>} : memref<25600xf32, #tpu.memory_space<vmem>>, vector<16xf32>,
        %select_n3A_974 = arith.select %eq3A_959, %max3A_15, %max3A_55 : vector<16xi1>, vector<16xf32>
        %mul3A_975 = arith.constant 128 : i32
        %mul3A_976 = arith.muli %add3A_951, %mul3A_975 : i32
        %add3A_977 = arith.constant 32 : i32
        %add3A_978 = arith.addi %mul3A_976, %add3A_977 : i32
        %swap3A_979 = arith.index_cast %add3A_978 : i32 to index
        %swap3A_980 = tpu.vector_load %arg7[%swap3A_979] {strides = array<i32>} : memref<25600xf32, #tpu.memory_space<vmem>>, vector<16xf32>,
        tpu.vector_store %arg7[%swap3A_979], %select_n3A_974 {strides = array<i32>} : memref<25600xf32, #tpu.memory_space<vmem>>, vector<16xf32>,
        %select_n3A_981 = arith.select %eq3A_959, %max3A_20, %max3A_60 : vector<16xi1>, vector<16xf32>
        %mul3A_982 = arith.constant 128 : i32
        %mul3A_983 = arith.muli %add3A_951, %mul3A_982 : i32
        %add3A_984 = arith.constant 48 : i32
        %add3A_985 = arith.addi %mul3A_983, %add3A_984 : i32
        %swap3A_986 = arith.index_cast %add3A_985 : i32 to index
        %swap3A_987 = tpu.vector_load %arg7[%swap3A_986] {strides = array<i32>} : memref<25600xf32, #tpu.memory_space<vmem>>, vector<16xf32>,
        tpu.vector_store %arg7[%swap3A_986], %select_n3A_981 {strides = array<i32>} : memref<25600xf32, #tpu.memory_space<vmem>>, vector<16xf32>,
        %select_n3A_988 = arith.select %eq3A_959, %max3A_25, %max3A_65 : vector<16xi1>, vector<16xf32>
        %mul3A_989 = arith.constant 128 : i32
        %mul3A_990 = arith.muli %add3A_951, %mul3A_989 : i32
        %add3A_991 = arith.constant 64 : i32
        %add3A_992 = arith.addi %mul3A_990, %add3A_991 : i32
        %swap3A_993 = arith.index_cast %add3A_992 : i32 to index
        %swap3A_994 = tpu.vector_load %arg7[%swap3A_993] {strides = array<i32>} : memref<25600xf32, #tpu.memory_space<vmem>>, vector<16xf32>,
        tpu.vector_store %arg7[%swap3A_993], %select_n3A_988 {strides = array<i32>} : memref<25600xf32, #tpu.memory_space<vmem>>, vector<16xf32>,
        %select_n3A_995 = arith.select %eq3A_959, %max3A_30, %max3A_70 : vector<16xi1>, vector<16xf32>
        %mul3A_996 = arith.constant 128 : i32
        %mul3A_997 = arith.muli %add3A_951, %mul3A_996 : i32
        %add3A_998 = arith.constant 80 : i32
        %add3A_999 = arith.addi %mul3A_997, %add3A_998 : i32
        %swap3A_1000 = arith.index_cast %add3A_999 : i32 to index
        %swap3A_1001 = tpu.vector_load %arg7[%swap3A_1000] {strides = array<i32>} : memref<25600xf32, #tpu.memory_space<vmem>>, vector<16xf32>,
        tpu.vector_store %arg7[%swap3A_1000], %select_n3A_995 {strides = array<i32>} : memref<25600xf32, #tpu.memory_space<vmem>>, vector<16xf32>,
        %select_n3A_1002 = arith.select %eq3A_959, %max3A_35, %max3A_75 : vector<16xi1>, vector<16xf32>
        %mul3A_1003 = arith.constant 128 : i32
        %mul3A_1004 = arith.muli %add3A_951, %mul3A_1003 : i32
        %add3A_1005 = arith.constant 96 : i32
        %add3A_1006 = arith.addi %mul3A_1004, %add3A_1005 : i32
        %swap3A_1007 = arith.index_cast %add3A_1006 : i32 to index
        %swap3A_1008 = tpu.vector_load %arg7[%swap3A_1007] {strides = array<i32>} : memref<25600xf32, #tpu.memory_space<vmem>>, vector<16xf32>,
        tpu.vector_store %arg7[%swap3A_1007], %select_n3A_1002 {strides = array<i32>} : memref<25600xf32, #tpu.memory_space<vmem>>, vector<16xf32>,
        %select_n3A_1009 = arith.select %eq3A_959, %max3A_40, %max3A_80 : vector<16xi1>, vector<16xf32>
        %mul3A_1010 = arith.constant 128 : i32
        %mul3A_1011 = arith.muli %add3A_951, %mul3A_1010 : i32
        %add3A_1012 = arith.constant 112 : i32
        %add3A_1013 = arith.addi %mul3A_1011, %add3A_1012 : i32
        %swap3A_1014 = arith.index_cast %add3A_1013 : i32 to index
        %swap3A_1015 = tpu.vector_load %arg7[%swap3A_1014] {strides = array<i32>} : memref<25600xf32, #tpu.memory_space<vmem>>, vector<16xf32>,
        tpu.vector_store %arg7[%swap3A_1014], %select_n3A_1009 {strides = array<i32>} : memref<25600xf32, #tpu.memory_space<vmem>>, vector<16xf32>,
        %mul3A_1016 = arith.constant 25 : i32
        %mul3A_1017 = arith.muli %scan3A_136, %mul3A_1016 : i32
        %add3A_1018 = arith.constant 13 : i32
        %add3A_1019 = arith.addi %mul3A_1017, %add3A_1018 : i32
        %mul3A_1020 = arith.constant 200 : i32
        %mul3A_1021 = arith.muli %add3A_117, %mul3A_1020 : i32
        %add3A_1022 = arith.addi %mul3A_1021, %add3A_1019 : i32
        %broadcast_in_dim3A_1023 = vector.broadcast %add3A_1022 : i32 to vector<16xi32>
        %gather3A_1024 = tpu.vector_load_idx %arg5[%broadcast_in_dim3A_1023] : memref<10000xi32, #tpu.memory_space<vmem>>[vector<16xi32>], vector<16xi32>,
        %eq3A_1025 = arith.constant 0 : i32
        %eq3A_1026 = vector.broadcast %eq3A_1025 : i32 to vector<16xi32>
        %eq3A_1027 = arith.cmpi eq, %gather3A_1024, %eq3A_1026 : vector<16xi32>
        %select_n3A_1028 = arith.select %eq3A_1027, %max3A_5, %max3A_45 : vector<16xi1>, vector<16xf32>
        %mul3A_1029 = arith.constant 128 : i32
        %mul3A_1030 = arith.muli %add3A_1019, %mul3A_1029 : i32
        %add3A_1031 = arith.constant 0 : i32
        %add3A_1032 = arith.addi %mul3A_1030, %add3A_1031 : i32
        %swap3A_1033 = arith.index_cast %add3A_1032 : i32 to index
        %swap3A_1034 = tpu.vector_load %arg7[%swap3A_1033] {strides = array<i32>} : memref<25600xf32, #tpu.memory_space<vmem>>, vector<16xf32>,
        tpu.vector_store %arg7[%swap3A_1033], %select_n3A_1028 {strides = array<i32>} : memref<25600xf32, #tpu.memory_space<vmem>>, vector<16xf32>,
        %select_n3A_1035 = arith.select %eq3A_1027, %max3A_10, %max3A_50 : vector<16xi1>, vector<16xf32>
        %mul3A_1036 = arith.constant 128 : i32
        %mul3A_1037 = arith.muli %add3A_1019, %mul3A_1036 : i32
        %add3A_1038 = arith.constant 16 : i32
        %add3A_1039 = arith.addi %mul3A_1037, %add3A_1038 : i32
        %swap3A_1040 = arith.index_cast %add3A_1039 : i32 to index
        %swap3A_1041 = tpu.vector_load %arg7[%swap3A_1040] {strides = array<i32>} : memref<25600xf32, #tpu.memory_space<vmem>>, vector<16xf32>,
        tpu.vector_store %arg7[%swap3A_1040], %select_n3A_1035 {strides = array<i32>} : memref<25600xf32, #tpu.memory_space<vmem>>, vector<16xf32>,
        %select_n3A_1042 = arith.select %eq3A_1027, %max3A_15, %max3A_55 : vector<16xi1>, vector<16xf32>
        %mul3A_1043 = arith.constant 128 : i32
        %mul3A_1044 = arith.muli %add3A_1019, %mul3A_1043 : i32
        %add3A_1045 = arith.constant 32 : i32
        %add3A_1046 = arith.addi %mul3A_1044, %add3A_1045 : i32
        %swap3A_1047 = arith.index_cast %add3A_1046 : i32 to index
        %swap3A_1048 = tpu.vector_load %arg7[%swap3A_1047] {strides = array<i32>} : memref<25600xf32, #tpu.memory_space<vmem>>, vector<16xf32>,
        tpu.vector_store %arg7[%swap3A_1047], %select_n3A_1042 {strides = array<i32>} : memref<25600xf32, #tpu.memory_space<vmem>>, vector<16xf32>,
        %select_n3A_1049 = arith.select %eq3A_1027, %max3A_20, %max3A_60 : vector<16xi1>, vector<16xf32>
        %mul3A_1050 = arith.constant 128 : i32
        %mul3A_1051 = arith.muli %add3A_1019, %mul3A_1050 : i32
        %add3A_1052 = arith.constant 48 : i32
        %add3A_1053 = arith.addi %mul3A_1051, %add3A_1052 : i32
        %swap3A_1054 = arith.index_cast %add3A_1053 : i32 to index
        %swap3A_1055 = tpu.vector_load %arg7[%swap3A_1054] {strides = array<i32>} : memref<25600xf32, #tpu.memory_space<vmem>>, vector<16xf32>,
        tpu.vector_store %arg7[%swap3A_1054], %select_n3A_1049 {strides = array<i32>} : memref<25600xf32, #tpu.memory_space<vmem>>, vector<16xf32>,
        %select_n3A_1056 = arith.select %eq3A_1027, %max3A_25, %max3A_65 : vector<16xi1>, vector<16xf32>
        %mul3A_1057 = arith.constant 128 : i32
        %mul3A_1058 = arith.muli %add3A_1019, %mul3A_1057 : i32
        %add3A_1059 = arith.constant 64 : i32
        %add3A_1060 = arith.addi %mul3A_1058, %add3A_1059 : i32
        %swap3A_1061 = arith.index_cast %add3A_1060 : i32 to index
        %swap3A_1062 = tpu.vector_load %arg7[%swap3A_1061] {strides = array<i32>} : memref<25600xf32, #tpu.memory_space<vmem>>, vector<16xf32>,
        tpu.vector_store %arg7[%swap3A_1061], %select_n3A_1056 {strides = array<i32>} : memref<25600xf32, #tpu.memory_space<vmem>>, vector<16xf32>,
        %select_n3A_1063 = arith.select %eq3A_1027, %max3A_30, %max3A_70 : vector<16xi1>, vector<16xf32>
        %mul3A_1064 = arith.constant 128 : i32
        %mul3A_1065 = arith.muli %add3A_1019, %mul3A_1064 : i32
        %add3A_1066 = arith.constant 80 : i32
        %add3A_1067 = arith.addi %mul3A_1065, %add3A_1066 : i32
        %swap3A_1068 = arith.index_cast %add3A_1067 : i32 to index
        %swap3A_1069 = tpu.vector_load %arg7[%swap3A_1068] {strides = array<i32>} : memref<25600xf32, #tpu.memory_space<vmem>>, vector<16xf32>,
        tpu.vector_store %arg7[%swap3A_1068], %select_n3A_1063 {strides = array<i32>} : memref<25600xf32, #tpu.memory_space<vmem>>, vector<16xf32>,
        %select_n3A_1070 = arith.select %eq3A_1027, %max3A_35, %max3A_75 : vector<16xi1>, vector<16xf32>
        %mul3A_1071 = arith.constant 128 : i32
        %mul3A_1072 = arith.muli %add3A_1019, %mul3A_1071 : i32
        %add3A_1073 = arith.constant 96 : i32
        %add3A_1074 = arith.addi %mul3A_1072, %add3A_1073 : i32
        %swap3A_1075 = arith.index_cast %add3A_1074 : i32 to index
        %swap3A_1076 = tpu.vector_load %arg7[%swap3A_1075] {strides = array<i32>} : memref<25600xf32, #tpu.memory_space<vmem>>, vector<16xf32>,
        tpu.vector_store %arg7[%swap3A_1075], %select_n3A_1070 {strides = array<i32>} : memref<25600xf32, #tpu.memory_space<vmem>>, vector<16xf32>,
        %select_n3A_1077 = arith.select %eq3A_1027, %max3A_40, %max3A_80 : vector<16xi1>, vector<16xf32>
        %mul3A_1078 = arith.constant 128 : i32
        %mul3A_1079 = arith.muli %add3A_1019, %mul3A_1078 : i32
        %add3A_1080 = arith.constant 112 : i32
        %add3A_1081 = arith.addi %mul3A_1079, %add3A_1080 : i32
        %swap3A_1082 = arith.index_cast %add3A_1081 : i32 to index
        %swap3A_1083 = tpu.vector_load %arg7[%swap3A_1082] {strides = array<i32>} : memref<25600xf32, #tpu.memory_space<vmem>>, vector<16xf32>,
        tpu.vector_store %arg7[%swap3A_1082], %select_n3A_1077 {strides = array<i32>} : memref<25600xf32, #tpu.memory_space<vmem>>, vector<16xf32>,
        %mul3A_1084 = arith.constant 25 : i32
        %mul3A_1085 = arith.muli %scan3A_136, %mul3A_1084 : i32
        %add3A_1086 = arith.constant 14 : i32
        %add3A_1087 = arith.addi %mul3A_1085, %add3A_1086 : i32
        %mul3A_1088 = arith.constant 200 : i32
        %mul3A_1089 = arith.muli %add3A_117, %mul3A_1088 : i32
        %add3A_1090 = arith.addi %mul3A_1089, %add3A_1087 : i32
        %broadcast_in_dim3A_1091 = vector.broadcast %add3A_1090 : i32 to vector<16xi32>
        %gather3A_1092 = tpu.vector_load_idx %arg5[%broadcast_in_dim3A_1091] : memref<10000xi32, #tpu.memory_space<vmem>>[vector<16xi32>], vector<16xi32>,
        %eq3A_1093 = arith.constant 0 : i32
        %eq3A_1094 = vector.broadcast %eq3A_1093 : i32 to vector<16xi32>
        %eq3A_1095 = arith.cmpi eq, %gather3A_1092, %eq3A_1094 : vector<16xi32>
        %select_n3A_1096 = arith.select %eq3A_1095, %max3A_5, %max3A_45 : vector<16xi1>, vector<16xf32>
        %mul3A_1097 = arith.constant 128 : i32
        %mul3A_1098 = arith.muli %add3A_1087, %mul3A_1097 : i32
        %add3A_1099 = arith.constant 0 : i32
        %add3A_1100 = arith.addi %mul3A_1098, %add3A_1099 : i32
        %swap3A_1101 = arith.index_cast %add3A_1100 : i32 to index
        %swap3A_1102 = tpu.vector_load %arg7[%swap3A_1101] {strides = array<i32>} : memref<25600xf32, #tpu.memory_space<vmem>>, vector<16xf32>,
        tpu.vector_store %arg7[%swap3A_1101], %select_n3A_1096 {strides = array<i32>} : memref<25600xf32, #tpu.memory_space<vmem>>, vector<16xf32>,
        %select_n3A_1103 = arith.select %eq3A_1095, %max3A_10, %max3A_50 : vector<16xi1>, vector<16xf32>
        %mul3A_1104 = arith.constant 128 : i32
        %mul3A_1105 = arith.muli %add3A_1087, %mul3A_1104 : i32
        %add3A_1106 = arith.constant 16 : i32
        %add3A_1107 = arith.addi %mul3A_1105, %add3A_1106 : i32
        %swap3A_1108 = arith.index_cast %add3A_1107 : i32 to index
        %swap3A_1109 = tpu.vector_load %arg7[%swap3A_1108] {strides = array<i32>} : memref<25600xf32, #tpu.memory_space<vmem>>, vector<16xf32>,
        tpu.vector_store %arg7[%swap3A_1108], %select_n3A_1103 {strides = array<i32>} : memref<25600xf32, #tpu.memory_space<vmem>>, vector<16xf32>,
        %select_n3A_1110 = arith.select %eq3A_1095, %max3A_15, %max3A_55 : vector<16xi1>, vector<16xf32>
        %mul3A_1111 = arith.constant 128 : i32
        %mul3A_1112 = arith.muli %add3A_1087, %mul3A_1111 : i32
        %add3A_1113 = arith.constant 32 : i32
        %add3A_1114 = arith.addi %mul3A_1112, %add3A_1113 : i32
        %swap3A_1115 = arith.index_cast %add3A_1114 : i32 to index
        %swap3A_1116 = tpu.vector_load %arg7[%swap3A_1115] {strides = array<i32>} : memref<25600xf32, #tpu.memory_space<vmem>>, vector<16xf32>,
        tpu.vector_store %arg7[%swap3A_1115], %select_n3A_1110 {strides = array<i32>} : memref<25600xf32, #tpu.memory_space<vmem>>, vector<16xf32>,
        %select_n3A_1117 = arith.select %eq3A_1095, %max3A_20, %max3A_60 : vector<16xi1>, vector<16xf32>
        %mul3A_1118 = arith.constant 128 : i32
        %mul3A_1119 = arith.muli %add3A_1087, %mul3A_1118 : i32
        %add3A_1120 = arith.constant 48 : i32
        %add3A_1121 = arith.addi %mul3A_1119, %add3A_1120 : i32
        %swap3A_1122 = arith.index_cast %add3A_1121 : i32 to index
        %swap3A_1123 = tpu.vector_load %arg7[%swap3A_1122] {strides = array<i32>} : memref<25600xf32, #tpu.memory_space<vmem>>, vector<16xf32>,
        tpu.vector_store %arg7[%swap3A_1122], %select_n3A_1117 {strides = array<i32>} : memref<25600xf32, #tpu.memory_space<vmem>>, vector<16xf32>,
        %select_n3A_1124 = arith.select %eq3A_1095, %max3A_25, %max3A_65 : vector<16xi1>, vector<16xf32>
        %mul3A_1125 = arith.constant 128 : i32
        %mul3A_1126 = arith.muli %add3A_1087, %mul3A_1125 : i32
        %add3A_1127 = arith.constant 64 : i32
        %add3A_1128 = arith.addi %mul3A_1126, %add3A_1127 : i32
        %swap3A_1129 = arith.index_cast %add3A_1128 : i32 to index
        %swap3A_1130 = tpu.vector_load %arg7[%swap3A_1129] {strides = array<i32>} : memref<25600xf32, #tpu.memory_space<vmem>>, vector<16xf32>,
        tpu.vector_store %arg7[%swap3A_1129], %select_n3A_1124 {strides = array<i32>} : memref<25600xf32, #tpu.memory_space<vmem>>, vector<16xf32>,
        %select_n3A_1131 = arith.select %eq3A_1095, %max3A_30, %max3A_70 : vector<16xi1>, vector<16xf32>
        %mul3A_1132 = arith.constant 128 : i32
        %mul3A_1133 = arith.muli %add3A_1087, %mul3A_1132 : i32
        %add3A_1134 = arith.constant 80 : i32
        %add3A_1135 = arith.addi %mul3A_1133, %add3A_1134 : i32
        %swap3A_1136 = arith.index_cast %add3A_1135 : i32 to index
        %swap3A_1137 = tpu.vector_load %arg7[%swap3A_1136] {strides = array<i32>} : memref<25600xf32, #tpu.memory_space<vmem>>, vector<16xf32>,
        tpu.vector_store %arg7[%swap3A_1136], %select_n3A_1131 {strides = array<i32>} : memref<25600xf32, #tpu.memory_space<vmem>>, vector<16xf32>,
        %select_n3A_1138 = arith.select %eq3A_1095, %max3A_35, %max3A_75 : vector<16xi1>, vector<16xf32>
        %mul3A_1139 = arith.constant 128 : i32
        %mul3A_1140 = arith.muli %add3A_1087, %mul3A_1139 : i32
        %add3A_1141 = arith.constant 96 : i32
        %add3A_1142 = arith.addi %mul3A_1140, %add3A_1141 : i32
        %swap3A_1143 = arith.index_cast %add3A_1142 : i32 to index
        %swap3A_1144 = tpu.vector_load %arg7[%swap3A_1143] {strides = array<i32>} : memref<25600xf32, #tpu.memory_space<vmem>>, vector<16xf32>,
        tpu.vector_store %arg7[%swap3A_1143], %select_n3A_1138 {strides = array<i32>} : memref<25600xf32, #tpu.memory_space<vmem>>, vector<16xf32>,
        %select_n3A_1145 = arith.select %eq3A_1095, %max3A_40, %max3A_80 : vector<16xi1>, vector<16xf32>
        %mul3A_1146 = arith.constant 128 : i32
        %mul3A_1147 = arith.muli %add3A_1087, %mul3A_1146 : i32
        %add3A_1148 = arith.constant 112 : i32
        %add3A_1149 = arith.addi %mul3A_1147, %add3A_1148 : i32
        %swap3A_1150 = arith.index_cast %add3A_1149 : i32 to index
        %swap3A_1151 = tpu.vector_load %arg7[%swap3A_1150] {strides = array<i32>} : memref<25600xf32, #tpu.memory_space<vmem>>, vector<16xf32>,
        tpu.vector_store %arg7[%swap3A_1150], %select_n3A_1145 {strides = array<i32>} : memref<25600xf32, #tpu.memory_space<vmem>>, vector<16xf32>,
        %mul3A_1152 = arith.constant 25 : i32
        %mul3A_1153 = arith.muli %scan3A_136, %mul3A_1152 : i32
        %add3A_1154 = arith.constant 15 : i32
        %add3A_1155 = arith.addi %mul3A_1153, %add3A_1154 : i32
        %mul3A_1156 = arith.constant 200 : i32
        %mul3A_1157 = arith.muli %add3A_117, %mul3A_1156 : i32
        %add3A_1158 = arith.addi %mul3A_1157, %add3A_1155 : i32
        %broadcast_in_dim3A_1159 = vector.broadcast %add3A_1158 : i32 to vector<16xi32>
        %gather3A_1160 = tpu.vector_load_idx %arg5[%broadcast_in_dim3A_1159] : memref<10000xi32, #tpu.memory_space<vmem>>[vector<16xi32>], vector<16xi32>,
        %eq3A_1161 = arith.constant 0 : i32
        %eq3A_1162 = vector.broadcast %eq3A_1161 : i32 to vector<16xi32>
        %eq3A_1163 = arith.cmpi eq, %gather3A_1160, %eq3A_1162 : vector<16xi32>
        %select_n3A_1164 = arith.select %eq3A_1163, %max3A_5, %max3A_45 : vector<16xi1>, vector<16xf32>
        %mul3A_1165 = arith.constant 128 : i32
        %mul3A_1166 = arith.muli %add3A_1155, %mul3A_1165 : i32
        %add3A_1167 = arith.constant 0 : i32
        %add3A_1168 = arith.addi %mul3A_1166, %add3A_1167 : i32
        %swap3A_1169 = arith.index_cast %add3A_1168 : i32 to index
        %swap3A_1170 = tpu.vector_load %arg7[%swap3A_1169] {strides = array<i32>} : memref<25600xf32, #tpu.memory_space<vmem>>, vector<16xf32>,
        tpu.vector_store %arg7[%swap3A_1169], %select_n3A_1164 {strides = array<i32>} : memref<25600xf32, #tpu.memory_space<vmem>>, vector<16xf32>,
        %select_n3A_1171 = arith.select %eq3A_1163, %max3A_10, %max3A_50 : vector<16xi1>, vector<16xf32>
        %mul3A_1172 = arith.constant 128 : i32
        %mul3A_1173 = arith.muli %add3A_1155, %mul3A_1172 : i32
        %add3A_1174 = arith.constant 16 : i32
        %add3A_1175 = arith.addi %mul3A_1173, %add3A_1174 : i32
        %swap3A_1176 = arith.index_cast %add3A_1175 : i32 to index
        %swap3A_1177 = tpu.vector_load %arg7[%swap3A_1176] {strides = array<i32>} : memref<25600xf32, #tpu.memory_space<vmem>>, vector<16xf32>,
        tpu.vector_store %arg7[%swap3A_1176], %select_n3A_1171 {strides = array<i32>} : memref<25600xf32, #tpu.memory_space<vmem>>, vector<16xf32>,
        %select_n3A_1178 = arith.select %eq3A_1163, %max3A_15, %max3A_55 : vector<16xi1>, vector<16xf32>
        %mul3A_1179 = arith.constant 128 : i32
        %mul3A_1180 = arith.muli %add3A_1155, %mul3A_1179 : i32
        %add3A_1181 = arith.constant 32 : i32
        %add3A_1182 = arith.addi %mul3A_1180, %add3A_1181 : i32
        %swap3A_1183 = arith.index_cast %add3A_1182 : i32 to index
        %swap3A_1184 = tpu.vector_load %arg7[%swap3A_1183] {strides = array<i32>} : memref<25600xf32, #tpu.memory_space<vmem>>, vector<16xf32>,
        tpu.vector_store %arg7[%swap3A_1183], %select_n3A_1178 {strides = array<i32>} : memref<25600xf32, #tpu.memory_space<vmem>>, vector<16xf32>,
        %select_n3A_1185 = arith.select %eq3A_1163, %max3A_20, %max3A_60 : vector<16xi1>, vector<16xf32>
        %mul3A_1186 = arith.constant 128 : i32
        %mul3A_1187 = arith.muli %add3A_1155, %mul3A_1186 : i32
        %add3A_1188 = arith.constant 48 : i32
        %add3A_1189 = arith.addi %mul3A_1187, %add3A_1188 : i32
        %swap3A_1190 = arith.index_cast %add3A_1189 : i32 to index
        %swap3A_1191 = tpu.vector_load %arg7[%swap3A_1190] {strides = array<i32>} : memref<25600xf32, #tpu.memory_space<vmem>>, vector<16xf32>,
        tpu.vector_store %arg7[%swap3A_1190], %select_n3A_1185 {strides = array<i32>} : memref<25600xf32, #tpu.memory_space<vmem>>, vector<16xf32>,
        %select_n3A_1192 = arith.select %eq3A_1163, %max3A_25, %max3A_65 : vector<16xi1>, vector<16xf32>
        %mul3A_1193 = arith.constant 128 : i32
        %mul3A_1194 = arith.muli %add3A_1155, %mul3A_1193 : i32
        %add3A_1195 = arith.constant 64 : i32
        %add3A_1196 = arith.addi %mul3A_1194, %add3A_1195 : i32
        %swap3A_1197 = arith.index_cast %add3A_1196 : i32 to index
        %swap3A_1198 = tpu.vector_load %arg7[%swap3A_1197] {strides = array<i32>} : memref<25600xf32, #tpu.memory_space<vmem>>, vector<16xf32>,
        tpu.vector_store %arg7[%swap3A_1197], %select_n3A_1192 {strides = array<i32>} : memref<25600xf32, #tpu.memory_space<vmem>>, vector<16xf32>,
        %select_n3A_1199 = arith.select %eq3A_1163, %max3A_30, %max3A_70 : vector<16xi1>, vector<16xf32>
        %mul3A_1200 = arith.constant 128 : i32
        %mul3A_1201 = arith.muli %add3A_1155, %mul3A_1200 : i32
        %add3A_1202 = arith.constant 80 : i32
        %add3A_1203 = arith.addi %mul3A_1201, %add3A_1202 : i32
        %swap3A_1204 = arith.index_cast %add3A_1203 : i32 to index
        %swap3A_1205 = tpu.vector_load %arg7[%swap3A_1204] {strides = array<i32>} : memref<25600xf32, #tpu.memory_space<vmem>>, vector<16xf32>,
        tpu.vector_store %arg7[%swap3A_1204], %select_n3A_1199 {strides = array<i32>} : memref<25600xf32, #tpu.memory_space<vmem>>, vector<16xf32>,
        %select_n3A_1206 = arith.select %eq3A_1163, %max3A_35, %max3A_75 : vector<16xi1>, vector<16xf32>
        %mul3A_1207 = arith.constant 128 : i32
        %mul3A_1208 = arith.muli %add3A_1155, %mul3A_1207 : i32
        %add3A_1209 = arith.constant 96 : i32
        %add3A_1210 = arith.addi %mul3A_1208, %add3A_1209 : i32
        %swap3A_1211 = arith.index_cast %add3A_1210 : i32 to index
        %swap3A_1212 = tpu.vector_load %arg7[%swap3A_1211] {strides = array<i32>} : memref<25600xf32, #tpu.memory_space<vmem>>, vector<16xf32>,
        tpu.vector_store %arg7[%swap3A_1211], %select_n3A_1206 {strides = array<i32>} : memref<25600xf32, #tpu.memory_space<vmem>>, vector<16xf32>,
        %select_n3A_1213 = arith.select %eq3A_1163, %max3A_40, %max3A_80 : vector<16xi1>, vector<16xf32>
        %mul3A_1214 = arith.constant 128 : i32
        %mul3A_1215 = arith.muli %add3A_1155, %mul3A_1214 : i32
        %add3A_1216 = arith.constant 112 : i32
        %add3A_1217 = arith.addi %mul3A_1215, %add3A_1216 : i32
        %swap3A_1218 = arith.index_cast %add3A_1217 : i32 to index
        %swap3A_1219 = tpu.vector_load %arg7[%swap3A_1218] {strides = array<i32>} : memref<25600xf32, #tpu.memory_space<vmem>>, vector<16xf32>,
        tpu.vector_store %arg7[%swap3A_1218], %select_n3A_1213 {strides = array<i32>} : memref<25600xf32, #tpu.memory_space<vmem>>, vector<16xf32>,
        %mul3A_1220 = arith.constant 25 : i32
        %mul3A_1221 = arith.muli %scan3A_136, %mul3A_1220 : i32
        %add3A_1222 = arith.constant 16 : i32
        %add3A_1223 = arith.addi %mul3A_1221, %add3A_1222 : i32
        %mul3A_1224 = arith.constant 200 : i32
        %mul3A_1225 = arith.muli %add3A_117, %mul3A_1224 : i32
        %add3A_1226 = arith.addi %mul3A_1225, %add3A_1223 : i32
        %broadcast_in_dim3A_1227 = vector.broadcast %add3A_1226 : i32 to vector<16xi32>
        %gather3A_1228 = tpu.vector_load_idx %arg5[%broadcast_in_dim3A_1227] : memref<10000xi32, #tpu.memory_space<vmem>>[vector<16xi32>], vector<16xi32>,
        %eq3A_1229 = arith.constant 0 : i32
        %eq3A_1230 = vector.broadcast %eq3A_1229 : i32 to vector<16xi32>
        %eq3A_1231 = arith.cmpi eq, %gather3A_1228, %eq3A_1230 : vector<16xi32>
        %select_n3A_1232 = arith.select %eq3A_1231, %max3A_5, %max3A_45 : vector<16xi1>, vector<16xf32>
        %mul3A_1233 = arith.constant 128 : i32
        %mul3A_1234 = arith.muli %add3A_1223, %mul3A_1233 : i32
        %add3A_1235 = arith.constant 0 : i32
        %add3A_1236 = arith.addi %mul3A_1234, %add3A_1235 : i32
        %swap3A_1237 = arith.index_cast %add3A_1236 : i32 to index
        %swap3A_1238 = tpu.vector_load %arg7[%swap3A_1237] {strides = array<i32>} : memref<25600xf32, #tpu.memory_space<vmem>>, vector<16xf32>,
        tpu.vector_store %arg7[%swap3A_1237], %select_n3A_1232 {strides = array<i32>} : memref<25600xf32, #tpu.memory_space<vmem>>, vector<16xf32>,
        %select_n3A_1239 = arith.select %eq3A_1231, %max3A_10, %max3A_50 : vector<16xi1>, vector<16xf32>
        %mul3A_1240 = arith.constant 128 : i32
        %mul3A_1241 = arith.muli %add3A_1223, %mul3A_1240 : i32
        %add3A_1242 = arith.constant 16 : i32
        %add3A_1243 = arith.addi %mul3A_1241, %add3A_1242 : i32
        %swap3A_1244 = arith.index_cast %add3A_1243 : i32 to index
        %swap3A_1245 = tpu.vector_load %arg7[%swap3A_1244] {strides = array<i32>} : memref<25600xf32, #tpu.memory_space<vmem>>, vector<16xf32>,
        tpu.vector_store %arg7[%swap3A_1244], %select_n3A_1239 {strides = array<i32>} : memref<25600xf32, #tpu.memory_space<vmem>>, vector<16xf32>,
        %select_n3A_1246 = arith.select %eq3A_1231, %max3A_15, %max3A_55 : vector<16xi1>, vector<16xf32>
        %mul3A_1247 = arith.constant 128 : i32
        %mul3A_1248 = arith.muli %add3A_1223, %mul3A_1247 : i32
        %add3A_1249 = arith.constant 32 : i32
        %add3A_1250 = arith.addi %mul3A_1248, %add3A_1249 : i32
        %swap3A_1251 = arith.index_cast %add3A_1250 : i32 to index
        %swap3A_1252 = tpu.vector_load %arg7[%swap3A_1251] {strides = array<i32>} : memref<25600xf32, #tpu.memory_space<vmem>>, vector<16xf32>,
        tpu.vector_store %arg7[%swap3A_1251], %select_n3A_1246 {strides = array<i32>} : memref<25600xf32, #tpu.memory_space<vmem>>, vector<16xf32>,
        %select_n3A_1253 = arith.select %eq3A_1231, %max3A_20, %max3A_60 : vector<16xi1>, vector<16xf32>
        %mul3A_1254 = arith.constant 128 : i32
        %mul3A_1255 = arith.muli %add3A_1223, %mul3A_1254 : i32
        %add3A_1256 = arith.constant 48 : i32
        %add3A_1257 = arith.addi %mul3A_1255, %add3A_1256 : i32
        %swap3A_1258 = arith.index_cast %add3A_1257 : i32 to index
        %swap3A_1259 = tpu.vector_load %arg7[%swap3A_1258] {strides = array<i32>} : memref<25600xf32, #tpu.memory_space<vmem>>, vector<16xf32>,
        tpu.vector_store %arg7[%swap3A_1258], %select_n3A_1253 {strides = array<i32>} : memref<25600xf32, #tpu.memory_space<vmem>>, vector<16xf32>,
        %select_n3A_1260 = arith.select %eq3A_1231, %max3A_25, %max3A_65 : vector<16xi1>, vector<16xf32>
        %mul3A_1261 = arith.constant 128 : i32
        %mul3A_1262 = arith.muli %add3A_1223, %mul3A_1261 : i32
        %add3A_1263 = arith.constant 64 : i32
        %add3A_1264 = arith.addi %mul3A_1262, %add3A_1263 : i32
        %swap3A_1265 = arith.index_cast %add3A_1264 : i32 to index
        %swap3A_1266 = tpu.vector_load %arg7[%swap3A_1265] {strides = array<i32>} : memref<25600xf32, #tpu.memory_space<vmem>>, vector<16xf32>,
        tpu.vector_store %arg7[%swap3A_1265], %select_n3A_1260 {strides = array<i32>} : memref<25600xf32, #tpu.memory_space<vmem>>, vector<16xf32>,
        %select_n3A_1267 = arith.select %eq3A_1231, %max3A_30, %max3A_70 : vector<16xi1>, vector<16xf32>
        %mul3A_1268 = arith.constant 128 : i32
        %mul3A_1269 = arith.muli %add3A_1223, %mul3A_1268 : i32
        %add3A_1270 = arith.constant 80 : i32
        %add3A_1271 = arith.addi %mul3A_1269, %add3A_1270 : i32
        %swap3A_1272 = arith.index_cast %add3A_1271 : i32 to index
        %swap3A_1273 = tpu.vector_load %arg7[%swap3A_1272] {strides = array<i32>} : memref<25600xf32, #tpu.memory_space<vmem>>, vector<16xf32>,
        tpu.vector_store %arg7[%swap3A_1272], %select_n3A_1267 {strides = array<i32>} : memref<25600xf32, #tpu.memory_space<vmem>>, vector<16xf32>,
        %select_n3A_1274 = arith.select %eq3A_1231, %max3A_35, %max3A_75 : vector<16xi1>, vector<16xf32>
        %mul3A_1275 = arith.constant 128 : i32
        %mul3A_1276 = arith.muli %add3A_1223, %mul3A_1275 : i32
        %add3A_1277 = arith.constant 96 : i32
        %add3A_1278 = arith.addi %mul3A_1276, %add3A_1277 : i32
        %swap3A_1279 = arith.index_cast %add3A_1278 : i32 to index
        %swap3A_1280 = tpu.vector_load %arg7[%swap3A_1279] {strides = array<i32>} : memref<25600xf32, #tpu.memory_space<vmem>>, vector<16xf32>,
        tpu.vector_store %arg7[%swap3A_1279], %select_n3A_1274 {strides = array<i32>} : memref<25600xf32, #tpu.memory_space<vmem>>, vector<16xf32>,
        %select_n3A_1281 = arith.select %eq3A_1231, %max3A_40, %max3A_80 : vector<16xi1>, vector<16xf32>
        %mul3A_1282 = arith.constant 128 : i32
        %mul3A_1283 = arith.muli %add3A_1223, %mul3A_1282 : i32
        %add3A_1284 = arith.constant 112 : i32
        %add3A_1285 = arith.addi %mul3A_1283, %add3A_1284 : i32
        %swap3A_1286 = arith.index_cast %add3A_1285 : i32 to index
        %swap3A_1287 = tpu.vector_load %arg7[%swap3A_1286] {strides = array<i32>} : memref<25600xf32, #tpu.memory_space<vmem>>, vector<16xf32>,
        tpu.vector_store %arg7[%swap3A_1286], %select_n3A_1281 {strides = array<i32>} : memref<25600xf32, #tpu.memory_space<vmem>>, vector<16xf32>,
        %mul3A_1288 = arith.constant 25 : i32
        %mul3A_1289 = arith.muli %scan3A_136, %mul3A_1288 : i32
        %add3A_1290 = arith.constant 17 : i32
        %add3A_1291 = arith.addi %mul3A_1289, %add3A_1290 : i32
        %mul3A_1292 = arith.constant 200 : i32
        %mul3A_1293 = arith.muli %add3A_117, %mul3A_1292 : i32
        %add3A_1294 = arith.addi %mul3A_1293, %add3A_1291 : i32
        %broadcast_in_dim3A_1295 = vector.broadcast %add3A_1294 : i32 to vector<16xi32>
        %gather3A_1296 = tpu.vector_load_idx %arg5[%broadcast_in_dim3A_1295] : memref<10000xi32, #tpu.memory_space<vmem>>[vector<16xi32>], vector<16xi32>,
        %eq3A_1297 = arith.constant 0 : i32
        %eq3A_1298 = vector.broadcast %eq3A_1297 : i32 to vector<16xi32>
        %eq3A_1299 = arith.cmpi eq, %gather3A_1296, %eq3A_1298 : vector<16xi32>
        %select_n3A_1300 = arith.select %eq3A_1299, %max3A_5, %max3A_45 : vector<16xi1>, vector<16xf32>
        %mul3A_1301 = arith.constant 128 : i32
        %mul3A_1302 = arith.muli %add3A_1291, %mul3A_1301 : i32
        %add3A_1303 = arith.constant 0 : i32
        %add3A_1304 = arith.addi %mul3A_1302, %add3A_1303 : i32
        %swap3A_1305 = arith.index_cast %add3A_1304 : i32 to index
        %swap3A_1306 = tpu.vector_load %arg7[%swap3A_1305] {strides = array<i32>} : memref<25600xf32, #tpu.memory_space<vmem>>, vector<16xf32>,
        tpu.vector_store %arg7[%swap3A_1305], %select_n3A_1300 {strides = array<i32>} : memref<25600xf32, #tpu.memory_space<vmem>>, vector<16xf32>,
        %select_n3A_1307 = arith.select %eq3A_1299, %max3A_10, %max3A_50 : vector<16xi1>, vector<16xf32>
        %mul3A_1308 = arith.constant 128 : i32
        %mul3A_1309 = arith.muli %add3A_1291, %mul3A_1308 : i32
        %add3A_1310 = arith.constant 16 : i32
        %add3A_1311 = arith.addi %mul3A_1309, %add3A_1310 : i32
        %swap3A_1312 = arith.index_cast %add3A_1311 : i32 to index
        %swap3A_1313 = tpu.vector_load %arg7[%swap3A_1312] {strides = array<i32>} : memref<25600xf32, #tpu.memory_space<vmem>>, vector<16xf32>,
        tpu.vector_store %arg7[%swap3A_1312], %select_n3A_1307 {strides = array<i32>} : memref<25600xf32, #tpu.memory_space<vmem>>, vector<16xf32>,
        %select_n3A_1314 = arith.select %eq3A_1299, %max3A_15, %max3A_55 : vector<16xi1>, vector<16xf32>
        %mul3A_1315 = arith.constant 128 : i32
        %mul3A_1316 = arith.muli %add3A_1291, %mul3A_1315 : i32
        %add3A_1317 = arith.constant 32 : i32
        %add3A_1318 = arith.addi %mul3A_1316, %add3A_1317 : i32
        %swap3A_1319 = arith.index_cast %add3A_1318 : i32 to index
        %swap3A_1320 = tpu.vector_load %arg7[%swap3A_1319] {strides = array<i32>} : memref<25600xf32, #tpu.memory_space<vmem>>, vector<16xf32>,
        tpu.vector_store %arg7[%swap3A_1319], %select_n3A_1314 {strides = array<i32>} : memref<25600xf32, #tpu.memory_space<vmem>>, vector<16xf32>,
        %select_n3A_1321 = arith.select %eq3A_1299, %max3A_20, %max3A_60 : vector<16xi1>, vector<16xf32>
        %mul3A_1322 = arith.constant 128 : i32
        %mul3A_1323 = arith.muli %add3A_1291, %mul3A_1322 : i32
        %add3A_1324 = arith.constant 48 : i32
        %add3A_1325 = arith.addi %mul3A_1323, %add3A_1324 : i32
        %swap3A_1326 = arith.index_cast %add3A_1325 : i32 to index
        %swap3A_1327 = tpu.vector_load %arg7[%swap3A_1326] {strides = array<i32>} : memref<25600xf32, #tpu.memory_space<vmem>>, vector<16xf32>,
        tpu.vector_store %arg7[%swap3A_1326], %select_n3A_1321 {strides = array<i32>} : memref<25600xf32, #tpu.memory_space<vmem>>, vector<16xf32>,
        %select_n3A_1328 = arith.select %eq3A_1299, %max3A_25, %max3A_65 : vector<16xi1>, vector<16xf32>
        %mul3A_1329 = arith.constant 128 : i32
        %mul3A_1330 = arith.muli %add3A_1291, %mul3A_1329 : i32
        %add3A_1331 = arith.constant 64 : i32
        %add3A_1332 = arith.addi %mul3A_1330, %add3A_1331 : i32
        %swap3A_1333 = arith.index_cast %add3A_1332 : i32 to index
        %swap3A_1334 = tpu.vector_load %arg7[%swap3A_1333] {strides = array<i32>} : memref<25600xf32, #tpu.memory_space<vmem>>, vector<16xf32>,
        tpu.vector_store %arg7[%swap3A_1333], %select_n3A_1328 {strides = array<i32>} : memref<25600xf32, #tpu.memory_space<vmem>>, vector<16xf32>,
        %select_n3A_1335 = arith.select %eq3A_1299, %max3A_30, %max3A_70 : vector<16xi1>, vector<16xf32>
        %mul3A_1336 = arith.constant 128 : i32
        %mul3A_1337 = arith.muli %add3A_1291, %mul3A_1336 : i32
        %add3A_1338 = arith.constant 80 : i32
        %add3A_1339 = arith.addi %mul3A_1337, %add3A_1338 : i32
        %swap3A_1340 = arith.index_cast %add3A_1339 : i32 to index
        %swap3A_1341 = tpu.vector_load %arg7[%swap3A_1340] {strides = array<i32>} : memref<25600xf32, #tpu.memory_space<vmem>>, vector<16xf32>,
        tpu.vector_store %arg7[%swap3A_1340], %select_n3A_1335 {strides = array<i32>} : memref<25600xf32, #tpu.memory_space<vmem>>, vector<16xf32>,
        %select_n3A_1342 = arith.select %eq3A_1299, %max3A_35, %max3A_75 : vector<16xi1>, vector<16xf32>
        %mul3A_1343 = arith.constant 128 : i32
        %mul3A_1344 = arith.muli %add3A_1291, %mul3A_1343 : i32
        %add3A_1345 = arith.constant 96 : i32
        %add3A_1346 = arith.addi %mul3A_1344, %add3A_1345 : i32
        %swap3A_1347 = arith.index_cast %add3A_1346 : i32 to index
        %swap3A_1348 = tpu.vector_load %arg7[%swap3A_1347] {strides = array<i32>} : memref<25600xf32, #tpu.memory_space<vmem>>, vector<16xf32>,
        tpu.vector_store %arg7[%swap3A_1347], %select_n3A_1342 {strides = array<i32>} : memref<25600xf32, #tpu.memory_space<vmem>>, vector<16xf32>,
        %select_n3A_1349 = arith.select %eq3A_1299, %max3A_40, %max3A_80 : vector<16xi1>, vector<16xf32>
        %mul3A_1350 = arith.constant 128 : i32
        %mul3A_1351 = arith.muli %add3A_1291, %mul3A_1350 : i32
        %add3A_1352 = arith.constant 112 : i32
        %add3A_1353 = arith.addi %mul3A_1351, %add3A_1352 : i32
        %swap3A_1354 = arith.index_cast %add3A_1353 : i32 to index
        %swap3A_1355 = tpu.vector_load %arg7[%swap3A_1354] {strides = array<i32>} : memref<25600xf32, #tpu.memory_space<vmem>>, vector<16xf32>,
        tpu.vector_store %arg7[%swap3A_1354], %select_n3A_1349 {strides = array<i32>} : memref<25600xf32, #tpu.memory_space<vmem>>, vector<16xf32>,
        %mul3A_1356 = arith.constant 25 : i32
        %mul3A_1357 = arith.muli %scan3A_136, %mul3A_1356 : i32
        %add3A_1358 = arith.constant 18 : i32
        %add3A_1359 = arith.addi %mul3A_1357, %add3A_1358 : i32
        %mul3A_1360 = arith.constant 200 : i32
        %mul3A_1361 = arith.muli %add3A_117, %mul3A_1360 : i32
        %add3A_1362 = arith.addi %mul3A_1361, %add3A_1359 : i32
        %broadcast_in_dim3A_1363 = vector.broadcast %add3A_1362 : i32 to vector<16xi32>
        %gather3A_1364 = tpu.vector_load_idx %arg5[%broadcast_in_dim3A_1363] : memref<10000xi32, #tpu.memory_space<vmem>>[vector<16xi32>], vector<16xi32>,
        %eq3A_1365 = arith.constant 0 : i32
        %eq3A_1366 = vector.broadcast %eq3A_1365 : i32 to vector<16xi32>
        %eq3A_1367 = arith.cmpi eq, %gather3A_1364, %eq3A_1366 : vector<16xi32>
        %select_n3A_1368 = arith.select %eq3A_1367, %max3A_5, %max3A_45 : vector<16xi1>, vector<16xf32>
        %mul3A_1369 = arith.constant 128 : i32
        %mul3A_1370 = arith.muli %add3A_1359, %mul3A_1369 : i32
        %add3A_1371 = arith.constant 0 : i32
        %add3A_1372 = arith.addi %mul3A_1370, %add3A_1371 : i32
        %swap3A_1373 = arith.index_cast %add3A_1372 : i32 to index
        %swap3A_1374 = tpu.vector_load %arg7[%swap3A_1373] {strides = array<i32>} : memref<25600xf32, #tpu.memory_space<vmem>>, vector<16xf32>,
        tpu.vector_store %arg7[%swap3A_1373], %select_n3A_1368 {strides = array<i32>} : memref<25600xf32, #tpu.memory_space<vmem>>, vector<16xf32>,
        %select_n3A_1375 = arith.select %eq3A_1367, %max3A_10, %max3A_50 : vector<16xi1>, vector<16xf32>
        %mul3A_1376 = arith.constant 128 : i32
        %mul3A_1377 = arith.muli %add3A_1359, %mul3A_1376 : i32
        %add3A_1378 = arith.constant 16 : i32
        %add3A_1379 = arith.addi %mul3A_1377, %add3A_1378 : i32
        %swap3A_1380 = arith.index_cast %add3A_1379 : i32 to index
        %swap3A_1381 = tpu.vector_load %arg7[%swap3A_1380] {strides = array<i32>} : memref<25600xf32, #tpu.memory_space<vmem>>, vector<16xf32>,
        tpu.vector_store %arg7[%swap3A_1380], %select_n3A_1375 {strides = array<i32>} : memref<25600xf32, #tpu.memory_space<vmem>>, vector<16xf32>,
        %select_n3A_1382 = arith.select %eq3A_1367, %max3A_15, %max3A_55 : vector<16xi1>, vector<16xf32>
        %mul3A_1383 = arith.constant 128 : i32
        %mul3A_1384 = arith.muli %add3A_1359, %mul3A_1383 : i32
        %add3A_1385 = arith.constant 32 : i32
        %add3A_1386 = arith.addi %mul3A_1384, %add3A_1385 : i32
        %swap3A_1387 = arith.index_cast %add3A_1386 : i32 to index
        %swap3A_1388 = tpu.vector_load %arg7[%swap3A_1387] {strides = array<i32>} : memref<25600xf32, #tpu.memory_space<vmem>>, vector<16xf32>,
        tpu.vector_store %arg7[%swap3A_1387], %select_n3A_1382 {strides = array<i32>} : memref<25600xf32, #tpu.memory_space<vmem>>, vector<16xf32>,
        %select_n3A_1389 = arith.select %eq3A_1367, %max3A_20, %max3A_60 : vector<16xi1>, vector<16xf32>
        %mul3A_1390 = arith.constant 128 : i32
        %mul3A_1391 = arith.muli %add3A_1359, %mul3A_1390 : i32
        %add3A_1392 = arith.constant 48 : i32
        %add3A_1393 = arith.addi %mul3A_1391, %add3A_1392 : i32
        %swap3A_1394 = arith.index_cast %add3A_1393 : i32 to index
        %swap3A_1395 = tpu.vector_load %arg7[%swap3A_1394] {strides = array<i32>} : memref<25600xf32, #tpu.memory_space<vmem>>, vector<16xf32>,
        tpu.vector_store %arg7[%swap3A_1394], %select_n3A_1389 {strides = array<i32>} : memref<25600xf32, #tpu.memory_space<vmem>>, vector<16xf32>,
        %select_n3A_1396 = arith.select %eq3A_1367, %max3A_25, %max3A_65 : vector<16xi1>, vector<16xf32>
        %mul3A_1397 = arith.constant 128 : i32
        %mul3A_1398 = arith.muli %add3A_1359, %mul3A_1397 : i32
        %add3A_1399 = arith.constant 64 : i32
        %add3A_1400 = arith.addi %mul3A_1398, %add3A_1399 : i32
        %swap3A_1401 = arith.index_cast %add3A_1400 : i32 to index
        %swap3A_1402 = tpu.vector_load %arg7[%swap3A_1401] {strides = array<i32>} : memref<25600xf32, #tpu.memory_space<vmem>>, vector<16xf32>,
        tpu.vector_store %arg7[%swap3A_1401], %select_n3A_1396 {strides = array<i32>} : memref<25600xf32, #tpu.memory_space<vmem>>, vector<16xf32>,
        %select_n3A_1403 = arith.select %eq3A_1367, %max3A_30, %max3A_70 : vector<16xi1>, vector<16xf32>
        %mul3A_1404 = arith.constant 128 : i32
        %mul3A_1405 = arith.muli %add3A_1359, %mul3A_1404 : i32
        %add3A_1406 = arith.constant 80 : i32
        %add3A_1407 = arith.addi %mul3A_1405, %add3A_1406 : i32
        %swap3A_1408 = arith.index_cast %add3A_1407 : i32 to index
        %swap3A_1409 = tpu.vector_load %arg7[%swap3A_1408] {strides = array<i32>} : memref<25600xf32, #tpu.memory_space<vmem>>, vector<16xf32>,
        tpu.vector_store %arg7[%swap3A_1408], %select_n3A_1403 {strides = array<i32>} : memref<25600xf32, #tpu.memory_space<vmem>>, vector<16xf32>,
        %select_n3A_1410 = arith.select %eq3A_1367, %max3A_35, %max3A_75 : vector<16xi1>, vector<16xf32>
        %mul3A_1411 = arith.constant 128 : i32
        %mul3A_1412 = arith.muli %add3A_1359, %mul3A_1411 : i32
        %add3A_1413 = arith.constant 96 : i32
        %add3A_1414 = arith.addi %mul3A_1412, %add3A_1413 : i32
        %swap3A_1415 = arith.index_cast %add3A_1414 : i32 to index
        %swap3A_1416 = tpu.vector_load %arg7[%swap3A_1415] {strides = array<i32>} : memref<25600xf32, #tpu.memory_space<vmem>>, vector<16xf32>,
        tpu.vector_store %arg7[%swap3A_1415], %select_n3A_1410 {strides = array<i32>} : memref<25600xf32, #tpu.memory_space<vmem>>, vector<16xf32>,
        %select_n3A_1417 = arith.select %eq3A_1367, %max3A_40, %max3A_80 : vector<16xi1>, vector<16xf32>
        %mul3A_1418 = arith.constant 128 : i32
        %mul3A_1419 = arith.muli %add3A_1359, %mul3A_1418 : i32
        %add3A_1420 = arith.constant 112 : i32
        %add3A_1421 = arith.addi %mul3A_1419, %add3A_1420 : i32
        %swap3A_1422 = arith.index_cast %add3A_1421 : i32 to index
        %swap3A_1423 = tpu.vector_load %arg7[%swap3A_1422] {strides = array<i32>} : memref<25600xf32, #tpu.memory_space<vmem>>, vector<16xf32>,
        tpu.vector_store %arg7[%swap3A_1422], %select_n3A_1417 {strides = array<i32>} : memref<25600xf32, #tpu.memory_space<vmem>>, vector<16xf32>,
        %mul3A_1424 = arith.constant 25 : i32
        %mul3A_1425 = arith.muli %scan3A_136, %mul3A_1424 : i32
        %add3A_1426 = arith.constant 19 : i32
        %add3A_1427 = arith.addi %mul3A_1425, %add3A_1426 : i32
        %mul3A_1428 = arith.constant 200 : i32
        %mul3A_1429 = arith.muli %add3A_117, %mul3A_1428 : i32
        %add3A_1430 = arith.addi %mul3A_1429, %add3A_1427 : i32
        %broadcast_in_dim3A_1431 = vector.broadcast %add3A_1430 : i32 to vector<16xi32>
        %gather3A_1432 = tpu.vector_load_idx %arg5[%broadcast_in_dim3A_1431] : memref<10000xi32, #tpu.memory_space<vmem>>[vector<16xi32>], vector<16xi32>,
        %eq3A_1433 = arith.constant 0 : i32
        %eq3A_1434 = vector.broadcast %eq3A_1433 : i32 to vector<16xi32>
        %eq3A_1435 = arith.cmpi eq, %gather3A_1432, %eq3A_1434 : vector<16xi32>
        %select_n3A_1436 = arith.select %eq3A_1435, %max3A_5, %max3A_45 : vector<16xi1>, vector<16xf32>
        %mul3A_1437 = arith.constant 128 : i32
        %mul3A_1438 = arith.muli %add3A_1427, %mul3A_1437 : i32
        %add3A_1439 = arith.constant 0 : i32
        %add3A_1440 = arith.addi %mul3A_1438, %add3A_1439 : i32
        %swap3A_1441 = arith.index_cast %add3A_1440 : i32 to index
        %swap3A_1442 = tpu.vector_load %arg7[%swap3A_1441] {strides = array<i32>} : memref<25600xf32, #tpu.memory_space<vmem>>, vector<16xf32>,
        tpu.vector_store %arg7[%swap3A_1441], %select_n3A_1436 {strides = array<i32>} : memref<25600xf32, #tpu.memory_space<vmem>>, vector<16xf32>,
        %select_n3A_1443 = arith.select %eq3A_1435, %max3A_10, %max3A_50 : vector<16xi1>, vector<16xf32>
        %mul3A_1444 = arith.constant 128 : i32
        %mul3A_1445 = arith.muli %add3A_1427, %mul3A_1444 : i32
        %add3A_1446 = arith.constant 16 : i32
        %add3A_1447 = arith.addi %mul3A_1445, %add3A_1446 : i32
        %swap3A_1448 = arith.index_cast %add3A_1447 : i32 to index
        %swap3A_1449 = tpu.vector_load %arg7[%swap3A_1448] {strides = array<i32>} : memref<25600xf32, #tpu.memory_space<vmem>>, vector<16xf32>,
        tpu.vector_store %arg7[%swap3A_1448], %select_n3A_1443 {strides = array<i32>} : memref<25600xf32, #tpu.memory_space<vmem>>, vector<16xf32>,
        %select_n3A_1450 = arith.select %eq3A_1435, %max3A_15, %max3A_55 : vector<16xi1>, vector<16xf32>
        %mul3A_1451 = arith.constant 128 : i32
        %mul3A_1452 = arith.muli %add3A_1427, %mul3A_1451 : i32
        %add3A_1453 = arith.constant 32 : i32
        %add3A_1454 = arith.addi %mul3A_1452, %add3A_1453 : i32
        %swap3A_1455 = arith.index_cast %add3A_1454 : i32 to index
        %swap3A_1456 = tpu.vector_load %arg7[%swap3A_1455] {strides = array<i32>} : memref<25600xf32, #tpu.memory_space<vmem>>, vector<16xf32>,
        tpu.vector_store %arg7[%swap3A_1455], %select_n3A_1450 {strides = array<i32>} : memref<25600xf32, #tpu.memory_space<vmem>>, vector<16xf32>,
        %select_n3A_1457 = arith.select %eq3A_1435, %max3A_20, %max3A_60 : vector<16xi1>, vector<16xf32>
        %mul3A_1458 = arith.constant 128 : i32
        %mul3A_1459 = arith.muli %add3A_1427, %mul3A_1458 : i32
        %add3A_1460 = arith.constant 48 : i32
        %add3A_1461 = arith.addi %mul3A_1459, %add3A_1460 : i32
        %swap3A_1462 = arith.index_cast %add3A_1461 : i32 to index
        %swap3A_1463 = tpu.vector_load %arg7[%swap3A_1462] {strides = array<i32>} : memref<25600xf32, #tpu.memory_space<vmem>>, vector<16xf32>,
        tpu.vector_store %arg7[%swap3A_1462], %select_n3A_1457 {strides = array<i32>} : memref<25600xf32, #tpu.memory_space<vmem>>, vector<16xf32>,
        %select_n3A_1464 = arith.select %eq3A_1435, %max3A_25, %max3A_65 : vector<16xi1>, vector<16xf32>
        %mul3A_1465 = arith.constant 128 : i32
        %mul3A_1466 = arith.muli %add3A_1427, %mul3A_1465 : i32
        %add3A_1467 = arith.constant 64 : i32
        %add3A_1468 = arith.addi %mul3A_1466, %add3A_1467 : i32
        %swap3A_1469 = arith.index_cast %add3A_1468 : i32 to index
        %swap3A_1470 = tpu.vector_load %arg7[%swap3A_1469] {strides = array<i32>} : memref<25600xf32, #tpu.memory_space<vmem>>, vector<16xf32>,
        tpu.vector_store %arg7[%swap3A_1469], %select_n3A_1464 {strides = array<i32>} : memref<25600xf32, #tpu.memory_space<vmem>>, vector<16xf32>,
        %select_n3A_1471 = arith.select %eq3A_1435, %max3A_30, %max3A_70 : vector<16xi1>, vector<16xf32>
        %mul3A_1472 = arith.constant 128 : i32
        %mul3A_1473 = arith.muli %add3A_1427, %mul3A_1472 : i32
        %add3A_1474 = arith.constant 80 : i32
        %add3A_1475 = arith.addi %mul3A_1473, %add3A_1474 : i32
        %swap3A_1476 = arith.index_cast %add3A_1475 : i32 to index
        %swap3A_1477 = tpu.vector_load %arg7[%swap3A_1476] {strides = array<i32>} : memref<25600xf32, #tpu.memory_space<vmem>>, vector<16xf32>,
        tpu.vector_store %arg7[%swap3A_1476], %select_n3A_1471 {strides = array<i32>} : memref<25600xf32, #tpu.memory_space<vmem>>, vector<16xf32>,
        %select_n3A_1478 = arith.select %eq3A_1435, %max3A_35, %max3A_75 : vector<16xi1>, vector<16xf32>
        %mul3A_1479 = arith.constant 128 : i32
        %mul3A_1480 = arith.muli %add3A_1427, %mul3A_1479 : i32
        %add3A_1481 = arith.constant 96 : i32
        %add3A_1482 = arith.addi %mul3A_1480, %add3A_1481 : i32
        %swap3A_1483 = arith.index_cast %add3A_1482 : i32 to index
        %swap3A_1484 = tpu.vector_load %arg7[%swap3A_1483] {strides = array<i32>} : memref<25600xf32, #tpu.memory_space<vmem>>, vector<16xf32>,
        tpu.vector_store %arg7[%swap3A_1483], %select_n3A_1478 {strides = array<i32>} : memref<25600xf32, #tpu.memory_space<vmem>>, vector<16xf32>,
        %select_n3A_1485 = arith.select %eq3A_1435, %max3A_40, %max3A_80 : vector<16xi1>, vector<16xf32>
        %mul3A_1486 = arith.constant 128 : i32
        %mul3A_1487 = arith.muli %add3A_1427, %mul3A_1486 : i32
        %add3A_1488 = arith.constant 112 : i32
        %add3A_1489 = arith.addi %mul3A_1487, %add3A_1488 : i32
        %swap3A_1490 = arith.index_cast %add3A_1489 : i32 to index
        %swap3A_1491 = tpu.vector_load %arg7[%swap3A_1490] {strides = array<i32>} : memref<25600xf32, #tpu.memory_space<vmem>>, vector<16xf32>,
        tpu.vector_store %arg7[%swap3A_1490], %select_n3A_1485 {strides = array<i32>} : memref<25600xf32, #tpu.memory_space<vmem>>, vector<16xf32>,
        %mul3A_1492 = arith.constant 25 : i32
        %mul3A_1493 = arith.muli %scan3A_136, %mul3A_1492 : i32
        %add3A_1494 = arith.constant 20 : i32
        %add3A_1495 = arith.addi %mul3A_1493, %add3A_1494 : i32
        %mul3A_1496 = arith.constant 200 : i32
        %mul3A_1497 = arith.muli %add3A_117, %mul3A_1496 : i32
        %add3A_1498 = arith.addi %mul3A_1497, %add3A_1495 : i32
        %broadcast_in_dim3A_1499 = vector.broadcast %add3A_1498 : i32 to vector<16xi32>
        %gather3A_1500 = tpu.vector_load_idx %arg5[%broadcast_in_dim3A_1499] : memref<10000xi32, #tpu.memory_space<vmem>>[vector<16xi32>], vector<16xi32>,
        %eq3A_1501 = arith.constant 0 : i32
        %eq3A_1502 = vector.broadcast %eq3A_1501 : i32 to vector<16xi32>
        %eq3A_1503 = arith.cmpi eq, %gather3A_1500, %eq3A_1502 : vector<16xi32>
        %select_n3A_1504 = arith.select %eq3A_1503, %max3A_5, %max3A_45 : vector<16xi1>, vector<16xf32>
        %mul3A_1505 = arith.constant 128 : i32
        %mul3A_1506 = arith.muli %add3A_1495, %mul3A_1505 : i32
        %add3A_1507 = arith.constant 0 : i32
        %add3A_1508 = arith.addi %mul3A_1506, %add3A_1507 : i32
        %swap3A_1509 = arith.index_cast %add3A_1508 : i32 to index
        %swap3A_1510 = tpu.vector_load %arg7[%swap3A_1509] {strides = array<i32>} : memref<25600xf32, #tpu.memory_space<vmem>>, vector<16xf32>,
        tpu.vector_store %arg7[%swap3A_1509], %select_n3A_1504 {strides = array<i32>} : memref<25600xf32, #tpu.memory_space<vmem>>, vector<16xf32>,
        %select_n3A_1511 = arith.select %eq3A_1503, %max3A_10, %max3A_50 : vector<16xi1>, vector<16xf32>
        %mul3A_1512 = arith.constant 128 : i32
        %mul3A_1513 = arith.muli %add3A_1495, %mul3A_1512 : i32
        %add3A_1514 = arith.constant 16 : i32
        %add3A_1515 = arith.addi %mul3A_1513, %add3A_1514 : i32
        %swap3A_1516 = arith.index_cast %add3A_1515 : i32 to index
        %swap3A_1517 = tpu.vector_load %arg7[%swap3A_1516] {strides = array<i32>} : memref<25600xf32, #tpu.memory_space<vmem>>, vector<16xf32>,
        tpu.vector_store %arg7[%swap3A_1516], %select_n3A_1511 {strides = array<i32>} : memref<25600xf32, #tpu.memory_space<vmem>>, vector<16xf32>,
        %select_n3A_1518 = arith.select %eq3A_1503, %max3A_15, %max3A_55 : vector<16xi1>, vector<16xf32>
        %mul3A_1519 = arith.constant 128 : i32
        %mul3A_1520 = arith.muli %add3A_1495, %mul3A_1519 : i32
        %add3A_1521 = arith.constant 32 : i32
        %add3A_1522 = arith.addi %mul3A_1520, %add3A_1521 : i32
        %swap3A_1523 = arith.index_cast %add3A_1522 : i32 to index
        %swap3A_1524 = tpu.vector_load %arg7[%swap3A_1523] {strides = array<i32>} : memref<25600xf32, #tpu.memory_space<vmem>>, vector<16xf32>,
        tpu.vector_store %arg7[%swap3A_1523], %select_n3A_1518 {strides = array<i32>} : memref<25600xf32, #tpu.memory_space<vmem>>, vector<16xf32>,
        %select_n3A_1525 = arith.select %eq3A_1503, %max3A_20, %max3A_60 : vector<16xi1>, vector<16xf32>
        %mul3A_1526 = arith.constant 128 : i32
        %mul3A_1527 = arith.muli %add3A_1495, %mul3A_1526 : i32
        %add3A_1528 = arith.constant 48 : i32
        %add3A_1529 = arith.addi %mul3A_1527, %add3A_1528 : i32
        %swap3A_1530 = arith.index_cast %add3A_1529 : i32 to index
        %swap3A_1531 = tpu.vector_load %arg7[%swap3A_1530] {strides = array<i32>} : memref<25600xf32, #tpu.memory_space<vmem>>, vector<16xf32>,
        tpu.vector_store %arg7[%swap3A_1530], %select_n3A_1525 {strides = array<i32>} : memref<25600xf32, #tpu.memory_space<vmem>>, vector<16xf32>,
        %select_n3A_1532 = arith.select %eq3A_1503, %max3A_25, %max3A_65 : vector<16xi1>, vector<16xf32>
        %mul3A_1533 = arith.constant 128 : i32
        %mul3A_1534 = arith.muli %add3A_1495, %mul3A_1533 : i32
        %add3A_1535 = arith.constant 64 : i32
        %add3A_1536 = arith.addi %mul3A_1534, %add3A_1535 : i32
        %swap3A_1537 = arith.index_cast %add3A_1536 : i32 to index
        %swap3A_1538 = tpu.vector_load %arg7[%swap3A_1537] {strides = array<i32>} : memref<25600xf32, #tpu.memory_space<vmem>>, vector<16xf32>,
        tpu.vector_store %arg7[%swap3A_1537], %select_n3A_1532 {strides = array<i32>} : memref<25600xf32, #tpu.memory_space<vmem>>, vector<16xf32>,
        %select_n3A_1539 = arith.select %eq3A_1503, %max3A_30, %max3A_70 : vector<16xi1>, vector<16xf32>
        %mul3A_1540 = arith.constant 128 : i32
        %mul3A_1541 = arith.muli %add3A_1495, %mul3A_1540 : i32
        %add3A_1542 = arith.constant 80 : i32
        %add3A_1543 = arith.addi %mul3A_1541, %add3A_1542 : i32
        %swap3A_1544 = arith.index_cast %add3A_1543 : i32 to index
        %swap3A_1545 = tpu.vector_load %arg7[%swap3A_1544] {strides = array<i32>} : memref<25600xf32, #tpu.memory_space<vmem>>, vector<16xf32>,
        tpu.vector_store %arg7[%swap3A_1544], %select_n3A_1539 {strides = array<i32>} : memref<25600xf32, #tpu.memory_space<vmem>>, vector<16xf32>,
        %select_n3A_1546 = arith.select %eq3A_1503, %max3A_35, %max3A_75 : vector<16xi1>, vector<16xf32>
        %mul3A_1547 = arith.constant 128 : i32
        %mul3A_1548 = arith.muli %add3A_1495, %mul3A_1547 : i32
        %add3A_1549 = arith.constant 96 : i32
        %add3A_1550 = arith.addi %mul3A_1548, %add3A_1549 : i32
        %swap3A_1551 = arith.index_cast %add3A_1550 : i32 to index
        %swap3A_1552 = tpu.vector_load %arg7[%swap3A_1551] {strides = array<i32>} : memref<25600xf32, #tpu.memory_space<vmem>>, vector<16xf32>,
        tpu.vector_store %arg7[%swap3A_1551], %select_n3A_1546 {strides = array<i32>} : memref<25600xf32, #tpu.memory_space<vmem>>, vector<16xf32>,
        %select_n3A_1553 = arith.select %eq3A_1503, %max3A_40, %max3A_80 : vector<16xi1>, vector<16xf32>
        %mul3A_1554 = arith.constant 128 : i32
        %mul3A_1555 = arith.muli %add3A_1495, %mul3A_1554 : i32
        %add3A_1556 = arith.constant 112 : i32
        %add3A_1557 = arith.addi %mul3A_1555, %add3A_1556 : i32
        %swap3A_1558 = arith.index_cast %add3A_1557 : i32 to index
        %swap3A_1559 = tpu.vector_load %arg7[%swap3A_1558] {strides = array<i32>} : memref<25600xf32, #tpu.memory_space<vmem>>, vector<16xf32>,
        tpu.vector_store %arg7[%swap3A_1558], %select_n3A_1553 {strides = array<i32>} : memref<25600xf32, #tpu.memory_space<vmem>>, vector<16xf32>,
        %mul3A_1560 = arith.constant 25 : i32
        %mul3A_1561 = arith.muli %scan3A_136, %mul3A_1560 : i32
        %add3A_1562 = arith.constant 21 : i32
        %add3A_1563 = arith.addi %mul3A_1561, %add3A_1562 : i32
        %mul3A_1564 = arith.constant 200 : i32
        %mul3A_1565 = arith.muli %add3A_117, %mul3A_1564 : i32
        %add3A_1566 = arith.addi %mul3A_1565, %add3A_1563 : i32
        %broadcast_in_dim3A_1567 = vector.broadcast %add3A_1566 : i32 to vector<16xi32>
        %gather3A_1568 = tpu.vector_load_idx %arg5[%broadcast_in_dim3A_1567] : memref<10000xi32, #tpu.memory_space<vmem>>[vector<16xi32>], vector<16xi32>,
        %eq3A_1569 = arith.constant 0 : i32
        %eq3A_1570 = vector.broadcast %eq3A_1569 : i32 to vector<16xi32>
        %eq3A_1571 = arith.cmpi eq, %gather3A_1568, %eq3A_1570 : vector<16xi32>
        %select_n3A_1572 = arith.select %eq3A_1571, %max3A_5, %max3A_45 : vector<16xi1>, vector<16xf32>
        %mul3A_1573 = arith.constant 128 : i32
        %mul3A_1574 = arith.muli %add3A_1563, %mul3A_1573 : i32
        %add3A_1575 = arith.constant 0 : i32
        %add3A_1576 = arith.addi %mul3A_1574, %add3A_1575 : i32
        %swap3A_1577 = arith.index_cast %add3A_1576 : i32 to index
        %swap3A_1578 = tpu.vector_load %arg7[%swap3A_1577] {strides = array<i32>} : memref<25600xf32, #tpu.memory_space<vmem>>, vector<16xf32>,
        tpu.vector_store %arg7[%swap3A_1577], %select_n3A_1572 {strides = array<i32>} : memref<25600xf32, #tpu.memory_space<vmem>>, vector<16xf32>,
        %select_n3A_1579 = arith.select %eq3A_1571, %max3A_10, %max3A_50 : vector<16xi1>, vector<16xf32>
        %mul3A_1580 = arith.constant 128 : i32
        %mul3A_1581 = arith.muli %add3A_1563, %mul3A_1580 : i32
        %add3A_1582 = arith.constant 16 : i32
        %add3A_1583 = arith.addi %mul3A_1581, %add3A_1582 : i32
        %swap3A_1584 = arith.index_cast %add3A_1583 : i32 to index
        %swap3A_1585 = tpu.vector_load %arg7[%swap3A_1584] {strides = array<i32>} : memref<25600xf32, #tpu.memory_space<vmem>>, vector<16xf32>,
        tpu.vector_store %arg7[%swap3A_1584], %select_n3A_1579 {strides = array<i32>} : memref<25600xf32, #tpu.memory_space<vmem>>, vector<16xf32>,
        %select_n3A_1586 = arith.select %eq3A_1571, %max3A_15, %max3A_55 : vector<16xi1>, vector<16xf32>
        %mul3A_1587 = arith.constant 128 : i32
        %mul3A_1588 = arith.muli %add3A_1563, %mul3A_1587 : i32
        %add3A_1589 = arith.constant 32 : i32
        %add3A_1590 = arith.addi %mul3A_1588, %add3A_1589 : i32
        %swap3A_1591 = arith.index_cast %add3A_1590 : i32 to index
        %swap3A_1592 = tpu.vector_load %arg7[%swap3A_1591] {strides = array<i32>} : memref<25600xf32, #tpu.memory_space<vmem>>, vector<16xf32>,
        tpu.vector_store %arg7[%swap3A_1591], %select_n3A_1586 {strides = array<i32>} : memref<25600xf32, #tpu.memory_space<vmem>>, vector<16xf32>,
        %select_n3A_1593 = arith.select %eq3A_1571, %max3A_20, %max3A_60 : vector<16xi1>, vector<16xf32>
        %mul3A_1594 = arith.constant 128 : i32
        %mul3A_1595 = arith.muli %add3A_1563, %mul3A_1594 : i32
        %add3A_1596 = arith.constant 48 : i32
        %add3A_1597 = arith.addi %mul3A_1595, %add3A_1596 : i32
        %swap3A_1598 = arith.index_cast %add3A_1597 : i32 to index
        %swap3A_1599 = tpu.vector_load %arg7[%swap3A_1598] {strides = array<i32>} : memref<25600xf32, #tpu.memory_space<vmem>>, vector<16xf32>,
        tpu.vector_store %arg7[%swap3A_1598], %select_n3A_1593 {strides = array<i32>} : memref<25600xf32, #tpu.memory_space<vmem>>, vector<16xf32>,
        %select_n3A_1600 = arith.select %eq3A_1571, %max3A_25, %max3A_65 : vector<16xi1>, vector<16xf32>
        %mul3A_1601 = arith.constant 128 : i32
        %mul3A_1602 = arith.muli %add3A_1563, %mul3A_1601 : i32
        %add3A_1603 = arith.constant 64 : i32
        %add3A_1604 = arith.addi %mul3A_1602, %add3A_1603 : i32
        %swap3A_1605 = arith.index_cast %add3A_1604 : i32 to index
        %swap3A_1606 = tpu.vector_load %arg7[%swap3A_1605] {strides = array<i32>} : memref<25600xf32, #tpu.memory_space<vmem>>, vector<16xf32>,
        tpu.vector_store %arg7[%swap3A_1605], %select_n3A_1600 {strides = array<i32>} : memref<25600xf32, #tpu.memory_space<vmem>>, vector<16xf32>,
        %select_n3A_1607 = arith.select %eq3A_1571, %max3A_30, %max3A_70 : vector<16xi1>, vector<16xf32>
        %mul3A_1608 = arith.constant 128 : i32
        %mul3A_1609 = arith.muli %add3A_1563, %mul3A_1608 : i32
        %add3A_1610 = arith.constant 80 : i32
        %add3A_1611 = arith.addi %mul3A_1609, %add3A_1610 : i32
        %swap3A_1612 = arith.index_cast %add3A_1611 : i32 to index
        %swap3A_1613 = tpu.vector_load %arg7[%swap3A_1612] {strides = array<i32>} : memref<25600xf32, #tpu.memory_space<vmem>>, vector<16xf32>,
        tpu.vector_store %arg7[%swap3A_1612], %select_n3A_1607 {strides = array<i32>} : memref<25600xf32, #tpu.memory_space<vmem>>, vector<16xf32>,
        %select_n3A_1614 = arith.select %eq3A_1571, %max3A_35, %max3A_75 : vector<16xi1>, vector<16xf32>
        %mul3A_1615 = arith.constant 128 : i32
        %mul3A_1616 = arith.muli %add3A_1563, %mul3A_1615 : i32
        %add3A_1617 = arith.constant 96 : i32
        %add3A_1618 = arith.addi %mul3A_1616, %add3A_1617 : i32
        %swap3A_1619 = arith.index_cast %add3A_1618 : i32 to index
        %swap3A_1620 = tpu.vector_load %arg7[%swap3A_1619] {strides = array<i32>} : memref<25600xf32, #tpu.memory_space<vmem>>, vector<16xf32>,
        tpu.vector_store %arg7[%swap3A_1619], %select_n3A_1614 {strides = array<i32>} : memref<25600xf32, #tpu.memory_space<vmem>>, vector<16xf32>,
        %select_n3A_1621 = arith.select %eq3A_1571, %max3A_40, %max3A_80 : vector<16xi1>, vector<16xf32>
        %mul3A_1622 = arith.constant 128 : i32
        %mul3A_1623 = arith.muli %add3A_1563, %mul3A_1622 : i32
        %add3A_1624 = arith.constant 112 : i32
        %add3A_1625 = arith.addi %mul3A_1623, %add3A_1624 : i32
        %swap3A_1626 = arith.index_cast %add3A_1625 : i32 to index
        %swap3A_1627 = tpu.vector_load %arg7[%swap3A_1626] {strides = array<i32>} : memref<25600xf32, #tpu.memory_space<vmem>>, vector<16xf32>,
        tpu.vector_store %arg7[%swap3A_1626], %select_n3A_1621 {strides = array<i32>} : memref<25600xf32, #tpu.memory_space<vmem>>, vector<16xf32>,
        %mul3A_1628 = arith.constant 25 : i32
        %mul3A_1629 = arith.muli %scan3A_136, %mul3A_1628 : i32
        %add3A_1630 = arith.constant 22 : i32
        %add3A_1631 = arith.addi %mul3A_1629, %add3A_1630 : i32
        %mul3A_1632 = arith.constant 200 : i32
        %mul3A_1633 = arith.muli %add3A_117, %mul3A_1632 : i32
        %add3A_1634 = arith.addi %mul3A_1633, %add3A_1631 : i32
        %broadcast_in_dim3A_1635 = vector.broadcast %add3A_1634 : i32 to vector<16xi32>
        %gather3A_1636 = tpu.vector_load_idx %arg5[%broadcast_in_dim3A_1635] : memref<10000xi32, #tpu.memory_space<vmem>>[vector<16xi32>], vector<16xi32>,
        %eq3A_1637 = arith.constant 0 : i32
        %eq3A_1638 = vector.broadcast %eq3A_1637 : i32 to vector<16xi32>
        %eq3A_1639 = arith.cmpi eq, %gather3A_1636, %eq3A_1638 : vector<16xi32>
        %select_n3A_1640 = arith.select %eq3A_1639, %max3A_5, %max3A_45 : vector<16xi1>, vector<16xf32>
        %mul3A_1641 = arith.constant 128 : i32
        %mul3A_1642 = arith.muli %add3A_1631, %mul3A_1641 : i32
        %add3A_1643 = arith.constant 0 : i32
        %add3A_1644 = arith.addi %mul3A_1642, %add3A_1643 : i32
        %swap3A_1645 = arith.index_cast %add3A_1644 : i32 to index
        %swap3A_1646 = tpu.vector_load %arg7[%swap3A_1645] {strides = array<i32>} : memref<25600xf32, #tpu.memory_space<vmem>>, vector<16xf32>,
        tpu.vector_store %arg7[%swap3A_1645], %select_n3A_1640 {strides = array<i32>} : memref<25600xf32, #tpu.memory_space<vmem>>, vector<16xf32>,
        %select_n3A_1647 = arith.select %eq3A_1639, %max3A_10, %max3A_50 : vector<16xi1>, vector<16xf32>
        %mul3A_1648 = arith.constant 128 : i32
        %mul3A_1649 = arith.muli %add3A_1631, %mul3A_1648 : i32
        %add3A_1650 = arith.constant 16 : i32
        %add3A_1651 = arith.addi %mul3A_1649, %add3A_1650 : i32
        %swap3A_1652 = arith.index_cast %add3A_1651 : i32 to index
        %swap3A_1653 = tpu.vector_load %arg7[%swap3A_1652] {strides = array<i32>} : memref<25600xf32, #tpu.memory_space<vmem>>, vector<16xf32>,
        tpu.vector_store %arg7[%swap3A_1652], %select_n3A_1647 {strides = array<i32>} : memref<25600xf32, #tpu.memory_space<vmem>>, vector<16xf32>,
        %select_n3A_1654 = arith.select %eq3A_1639, %max3A_15, %max3A_55 : vector<16xi1>, vector<16xf32>
        %mul3A_1655 = arith.constant 128 : i32
        %mul3A_1656 = arith.muli %add3A_1631, %mul3A_1655 : i32
        %add3A_1657 = arith.constant 32 : i32
        %add3A_1658 = arith.addi %mul3A_1656, %add3A_1657 : i32
        %swap3A_1659 = arith.index_cast %add3A_1658 : i32 to index
        %swap3A_1660 = tpu.vector_load %arg7[%swap3A_1659] {strides = array<i32>} : memref<25600xf32, #tpu.memory_space<vmem>>, vector<16xf32>,
        tpu.vector_store %arg7[%swap3A_1659], %select_n3A_1654 {strides = array<i32>} : memref<25600xf32, #tpu.memory_space<vmem>>, vector<16xf32>,
        %select_n3A_1661 = arith.select %eq3A_1639, %max3A_20, %max3A_60 : vector<16xi1>, vector<16xf32>
        %mul3A_1662 = arith.constant 128 : i32
        %mul3A_1663 = arith.muli %add3A_1631, %mul3A_1662 : i32
        %add3A_1664 = arith.constant 48 : i32
        %add3A_1665 = arith.addi %mul3A_1663, %add3A_1664 : i32
        %swap3A_1666 = arith.index_cast %add3A_1665 : i32 to index
        %swap3A_1667 = tpu.vector_load %arg7[%swap3A_1666] {strides = array<i32>} : memref<25600xf32, #tpu.memory_space<vmem>>, vector<16xf32>,
        tpu.vector_store %arg7[%swap3A_1666], %select_n3A_1661 {strides = array<i32>} : memref<25600xf32, #tpu.memory_space<vmem>>, vector<16xf32>,
        %select_n3A_1668 = arith.select %eq3A_1639, %max3A_25, %max3A_65 : vector<16xi1>, vector<16xf32>
        %mul3A_1669 = arith.constant 128 : i32
        %mul3A_1670 = arith.muli %add3A_1631, %mul3A_1669 : i32
        %add3A_1671 = arith.constant 64 : i32
        %add3A_1672 = arith.addi %mul3A_1670, %add3A_1671 : i32
        %swap3A_1673 = arith.index_cast %add3A_1672 : i32 to index
        %swap3A_1674 = tpu.vector_load %arg7[%swap3A_1673] {strides = array<i32>} : memref<25600xf32, #tpu.memory_space<vmem>>, vector<16xf32>,
        tpu.vector_store %arg7[%swap3A_1673], %select_n3A_1668 {strides = array<i32>} : memref<25600xf32, #tpu.memory_space<vmem>>, vector<16xf32>,
        %select_n3A_1675 = arith.select %eq3A_1639, %max3A_30, %max3A_70 : vector<16xi1>, vector<16xf32>
        %mul3A_1676 = arith.constant 128 : i32
        %mul3A_1677 = arith.muli %add3A_1631, %mul3A_1676 : i32
        %add3A_1678 = arith.constant 80 : i32
        %add3A_1679 = arith.addi %mul3A_1677, %add3A_1678 : i32
        %swap3A_1680 = arith.index_cast %add3A_1679 : i32 to index
        %swap3A_1681 = tpu.vector_load %arg7[%swap3A_1680] {strides = array<i32>} : memref<25600xf32, #tpu.memory_space<vmem>>, vector<16xf32>,
        tpu.vector_store %arg7[%swap3A_1680], %select_n3A_1675 {strides = array<i32>} : memref<25600xf32, #tpu.memory_space<vmem>>, vector<16xf32>,
        %select_n3A_1682 = arith.select %eq3A_1639, %max3A_35, %max3A_75 : vector<16xi1>, vector<16xf32>
        %mul3A_1683 = arith.constant 128 : i32
        %mul3A_1684 = arith.muli %add3A_1631, %mul3A_1683 : i32
        %add3A_1685 = arith.constant 96 : i32
        %add3A_1686 = arith.addi %mul3A_1684, %add3A_1685 : i32
        %swap3A_1687 = arith.index_cast %add3A_1686 : i32 to index
        %swap3A_1688 = tpu.vector_load %arg7[%swap3A_1687] {strides = array<i32>} : memref<25600xf32, #tpu.memory_space<vmem>>, vector<16xf32>,
        tpu.vector_store %arg7[%swap3A_1687], %select_n3A_1682 {strides = array<i32>} : memref<25600xf32, #tpu.memory_space<vmem>>, vector<16xf32>,
        %select_n3A_1689 = arith.select %eq3A_1639, %max3A_40, %max3A_80 : vector<16xi1>, vector<16xf32>
        %mul3A_1690 = arith.constant 128 : i32
        %mul3A_1691 = arith.muli %add3A_1631, %mul3A_1690 : i32
        %add3A_1692 = arith.constant 112 : i32
        %add3A_1693 = arith.addi %mul3A_1691, %add3A_1692 : i32
        %swap3A_1694 = arith.index_cast %add3A_1693 : i32 to index
        %swap3A_1695 = tpu.vector_load %arg7[%swap3A_1694] {strides = array<i32>} : memref<25600xf32, #tpu.memory_space<vmem>>, vector<16xf32>,
        tpu.vector_store %arg7[%swap3A_1694], %select_n3A_1689 {strides = array<i32>} : memref<25600xf32, #tpu.memory_space<vmem>>, vector<16xf32>,
        %mul3A_1696 = arith.constant 25 : i32
        %mul3A_1697 = arith.muli %scan3A_136, %mul3A_1696 : i32
        %add3A_1698 = arith.constant 23 : i32
        %add3A_1699 = arith.addi %mul3A_1697, %add3A_1698 : i32
        %mul3A_1700 = arith.constant 200 : i32
        %mul3A_1701 = arith.muli %add3A_117, %mul3A_1700 : i32
        %add3A_1702 = arith.addi %mul3A_1701, %add3A_1699 : i32
        %broadcast_in_dim3A_1703 = vector.broadcast %add3A_1702 : i32 to vector<16xi32>
        %gather3A_1704 = tpu.vector_load_idx %arg5[%broadcast_in_dim3A_1703] : memref<10000xi32, #tpu.memory_space<vmem>>[vector<16xi32>], vector<16xi32>,
        %eq3A_1705 = arith.constant 0 : i32
        %eq3A_1706 = vector.broadcast %eq3A_1705 : i32 to vector<16xi32>
        %eq3A_1707 = arith.cmpi eq, %gather3A_1704, %eq3A_1706 : vector<16xi32>
        %select_n3A_1708 = arith.select %eq3A_1707, %max3A_5, %max3A_45 : vector<16xi1>, vector<16xf32>
        %mul3A_1709 = arith.constant 128 : i32
        %mul3A_1710 = arith.muli %add3A_1699, %mul3A_1709 : i32
        %add3A_1711 = arith.constant 0 : i32
        %add3A_1712 = arith.addi %mul3A_1710, %add3A_1711 : i32
        %swap3A_1713 = arith.index_cast %add3A_1712 : i32 to index
        %swap3A_1714 = tpu.vector_load %arg7[%swap3A_1713] {strides = array<i32>} : memref<25600xf32, #tpu.memory_space<vmem>>, vector<16xf32>,
        tpu.vector_store %arg7[%swap3A_1713], %select_n3A_1708 {strides = array<i32>} : memref<25600xf32, #tpu.memory_space<vmem>>, vector<16xf32>,
        %select_n3A_1715 = arith.select %eq3A_1707, %max3A_10, %max3A_50 : vector<16xi1>, vector<16xf32>
        %mul3A_1716 = arith.constant 128 : i32
        %mul3A_1717 = arith.muli %add3A_1699, %mul3A_1716 : i32
        %add3A_1718 = arith.constant 16 : i32
        %add3A_1719 = arith.addi %mul3A_1717, %add3A_1718 : i32
        %swap3A_1720 = arith.index_cast %add3A_1719 : i32 to index
        %swap3A_1721 = tpu.vector_load %arg7[%swap3A_1720] {strides = array<i32>} : memref<25600xf32, #tpu.memory_space<vmem>>, vector<16xf32>,
        tpu.vector_store %arg7[%swap3A_1720], %select_n3A_1715 {strides = array<i32>} : memref<25600xf32, #tpu.memory_space<vmem>>, vector<16xf32>,
        %select_n3A_1722 = arith.select %eq3A_1707, %max3A_15, %max3A_55 : vector<16xi1>, vector<16xf32>
        %mul3A_1723 = arith.constant 128 : i32
        %mul3A_1724 = arith.muli %add3A_1699, %mul3A_1723 : i32
        %add3A_1725 = arith.constant 32 : i32
        %add3A_1726 = arith.addi %mul3A_1724, %add3A_1725 : i32
        %swap3A_1727 = arith.index_cast %add3A_1726 : i32 to index
        %swap3A_1728 = tpu.vector_load %arg7[%swap3A_1727] {strides = array<i32>} : memref<25600xf32, #tpu.memory_space<vmem>>, vector<16xf32>,
        tpu.vector_store %arg7[%swap3A_1727], %select_n3A_1722 {strides = array<i32>} : memref<25600xf32, #tpu.memory_space<vmem>>, vector<16xf32>,
        %select_n3A_1729 = arith.select %eq3A_1707, %max3A_20, %max3A_60 : vector<16xi1>, vector<16xf32>
        %mul3A_1730 = arith.constant 128 : i32
        %mul3A_1731 = arith.muli %add3A_1699, %mul3A_1730 : i32
        %add3A_1732 = arith.constant 48 : i32
        %add3A_1733 = arith.addi %mul3A_1731, %add3A_1732 : i32
        %swap3A_1734 = arith.index_cast %add3A_1733 : i32 to index
        %swap3A_1735 = tpu.vector_load %arg7[%swap3A_1734] {strides = array<i32>} : memref<25600xf32, #tpu.memory_space<vmem>>, vector<16xf32>,
        tpu.vector_store %arg7[%swap3A_1734], %select_n3A_1729 {strides = array<i32>} : memref<25600xf32, #tpu.memory_space<vmem>>, vector<16xf32>,
        %select_n3A_1736 = arith.select %eq3A_1707, %max3A_25, %max3A_65 : vector<16xi1>, vector<16xf32>
        %mul3A_1737 = arith.constant 128 : i32
        %mul3A_1738 = arith.muli %add3A_1699, %mul3A_1737 : i32
        %add3A_1739 = arith.constant 64 : i32
        %add3A_1740 = arith.addi %mul3A_1738, %add3A_1739 : i32
        %swap3A_1741 = arith.index_cast %add3A_1740 : i32 to index
        %swap3A_1742 = tpu.vector_load %arg7[%swap3A_1741] {strides = array<i32>} : memref<25600xf32, #tpu.memory_space<vmem>>, vector<16xf32>,
        tpu.vector_store %arg7[%swap3A_1741], %select_n3A_1736 {strides = array<i32>} : memref<25600xf32, #tpu.memory_space<vmem>>, vector<16xf32>,
        %select_n3A_1743 = arith.select %eq3A_1707, %max3A_30, %max3A_70 : vector<16xi1>, vector<16xf32>
        %mul3A_1744 = arith.constant 128 : i32
        %mul3A_1745 = arith.muli %add3A_1699, %mul3A_1744 : i32
        %add3A_1746 = arith.constant 80 : i32
        %add3A_1747 = arith.addi %mul3A_1745, %add3A_1746 : i32
        %swap3A_1748 = arith.index_cast %add3A_1747 : i32 to index
        %swap3A_1749 = tpu.vector_load %arg7[%swap3A_1748] {strides = array<i32>} : memref<25600xf32, #tpu.memory_space<vmem>>, vector<16xf32>,
        tpu.vector_store %arg7[%swap3A_1748], %select_n3A_1743 {strides = array<i32>} : memref<25600xf32, #tpu.memory_space<vmem>>, vector<16xf32>,
        %select_n3A_1750 = arith.select %eq3A_1707, %max3A_35, %max3A_75 : vector<16xi1>, vector<16xf32>
        %mul3A_1751 = arith.constant 128 : i32
        %mul3A_1752 = arith.muli %add3A_1699, %mul3A_1751 : i32
        %add3A_1753 = arith.constant 96 : i32
        %add3A_1754 = arith.addi %mul3A_1752, %add3A_1753 : i32
        %swap3A_1755 = arith.index_cast %add3A_1754 : i32 to index
        %swap3A_1756 = tpu.vector_load %arg7[%swap3A_1755] {strides = array<i32>} : memref<25600xf32, #tpu.memory_space<vmem>>, vector<16xf32>,
        tpu.vector_store %arg7[%swap3A_1755], %select_n3A_1750 {strides = array<i32>} : memref<25600xf32, #tpu.memory_space<vmem>>, vector<16xf32>,
        %select_n3A_1757 = arith.select %eq3A_1707, %max3A_40, %max3A_80 : vector<16xi1>, vector<16xf32>
        %mul3A_1758 = arith.constant 128 : i32
        %mul3A_1759 = arith.muli %add3A_1699, %mul3A_1758 : i32
        %add3A_1760 = arith.constant 112 : i32
        %add3A_1761 = arith.addi %mul3A_1759, %add3A_1760 : i32
        %swap3A_1762 = arith.index_cast %add3A_1761 : i32 to index
        %swap3A_1763 = tpu.vector_load %arg7[%swap3A_1762] {strides = array<i32>} : memref<25600xf32, #tpu.memory_space<vmem>>, vector<16xf32>,
        tpu.vector_store %arg7[%swap3A_1762], %select_n3A_1757 {strides = array<i32>} : memref<25600xf32, #tpu.memory_space<vmem>>, vector<16xf32>,
        %mul3A_1764 = arith.constant 25 : i32
        %mul3A_1765 = arith.muli %scan3A_136, %mul3A_1764 : i32
        %add3A_1766 = arith.constant 24 : i32
        %add3A_1767 = arith.addi %mul3A_1765, %add3A_1766 : i32
        %mul3A_1768 = arith.constant 200 : i32
        %mul3A_1769 = arith.muli %add3A_117, %mul3A_1768 : i32
        %add3A_1770 = arith.addi %mul3A_1769, %add3A_1767 : i32
        %broadcast_in_dim3A_1771 = vector.broadcast %add3A_1770 : i32 to vector<16xi32>
        %gather3A_1772 = tpu.vector_load_idx %arg5[%broadcast_in_dim3A_1771] : memref<10000xi32, #tpu.memory_space<vmem>>[vector<16xi32>], vector<16xi32>,
        %eq3A_1773 = arith.constant 0 : i32
        %eq3A_1774 = vector.broadcast %eq3A_1773 : i32 to vector<16xi32>
        %eq3A_1775 = arith.cmpi eq, %gather3A_1772, %eq3A_1774 : vector<16xi32>
        %select_n3A_1776 = arith.select %eq3A_1775, %max3A_5, %max3A_45 : vector<16xi1>, vector<16xf32>
        %mul3A_1777 = arith.constant 128 : i32
        %mul3A_1778 = arith.muli %add3A_1767, %mul3A_1777 : i32
        %add3A_1779 = arith.constant 0 : i32
        %add3A_1780 = arith.addi %mul3A_1778, %add3A_1779 : i32
        %swap3A_1781 = arith.index_cast %add3A_1780 : i32 to index
        %swap3A_1782 = tpu.vector_load %arg7[%swap3A_1781] {strides = array<i32>} : memref<25600xf32, #tpu.memory_space<vmem>>, vector<16xf32>,
        tpu.vector_store %arg7[%swap3A_1781], %select_n3A_1776 {strides = array<i32>} : memref<25600xf32, #tpu.memory_space<vmem>>, vector<16xf32>,
        %select_n3A_1783 = arith.select %eq3A_1775, %max3A_10, %max3A_50 : vector<16xi1>, vector<16xf32>
        %mul3A_1784 = arith.constant 128 : i32
        %mul3A_1785 = arith.muli %add3A_1767, %mul3A_1784 : i32
        %add3A_1786 = arith.constant 16 : i32
        %add3A_1787 = arith.addi %mul3A_1785, %add3A_1786 : i32
        %swap3A_1788 = arith.index_cast %add3A_1787 : i32 to index
        %swap3A_1789 = tpu.vector_load %arg7[%swap3A_1788] {strides = array<i32>} : memref<25600xf32, #tpu.memory_space<vmem>>, vector<16xf32>,
        tpu.vector_store %arg7[%swap3A_1788], %select_n3A_1783 {strides = array<i32>} : memref<25600xf32, #tpu.memory_space<vmem>>, vector<16xf32>,
        %select_n3A_1790 = arith.select %eq3A_1775, %max3A_15, %max3A_55 : vector<16xi1>, vector<16xf32>
        %mul3A_1791 = arith.constant 128 : i32
        %mul3A_1792 = arith.muli %add3A_1767, %mul3A_1791 : i32
        %add3A_1793 = arith.constant 32 : i32
        %add3A_1794 = arith.addi %mul3A_1792, %add3A_1793 : i32
        %swap3A_1795 = arith.index_cast %add3A_1794 : i32 to index
        %swap3A_1796 = tpu.vector_load %arg7[%swap3A_1795] {strides = array<i32>} : memref<25600xf32, #tpu.memory_space<vmem>>, vector<16xf32>,
        tpu.vector_store %arg7[%swap3A_1795], %select_n3A_1790 {strides = array<i32>} : memref<25600xf32, #tpu.memory_space<vmem>>, vector<16xf32>,
        %select_n3A_1797 = arith.select %eq3A_1775, %max3A_20, %max3A_60 : vector<16xi1>, vector<16xf32>
        %mul3A_1798 = arith.constant 128 : i32
        %mul3A_1799 = arith.muli %add3A_1767, %mul3A_1798 : i32
        %add3A_1800 = arith.constant 48 : i32
        %add3A_1801 = arith.addi %mul3A_1799, %add3A_1800 : i32
        %swap3A_1802 = arith.index_cast %add3A_1801 : i32 to index
        %swap3A_1803 = tpu.vector_load %arg7[%swap3A_1802] {strides = array<i32>} : memref<25600xf32, #tpu.memory_space<vmem>>, vector<16xf32>,
        tpu.vector_store %arg7[%swap3A_1802], %select_n3A_1797 {strides = array<i32>} : memref<25600xf32, #tpu.memory_space<vmem>>, vector<16xf32>,
        %select_n3A_1804 = arith.select %eq3A_1775, %max3A_25, %max3A_65 : vector<16xi1>, vector<16xf32>
        %mul3A_1805 = arith.constant 128 : i32
        %mul3A_1806 = arith.muli %add3A_1767, %mul3A_1805 : i32
        %add3A_1807 = arith.constant 64 : i32
        %add3A_1808 = arith.addi %mul3A_1806, %add3A_1807 : i32
        %swap3A_1809 = arith.index_cast %add3A_1808 : i32 to index
        %swap3A_1810 = tpu.vector_load %arg7[%swap3A_1809] {strides = array<i32>} : memref<25600xf32, #tpu.memory_space<vmem>>, vector<16xf32>,
        tpu.vector_store %arg7[%swap3A_1809], %select_n3A_1804 {strides = array<i32>} : memref<25600xf32, #tpu.memory_space<vmem>>, vector<16xf32>,
        %select_n3A_1811 = arith.select %eq3A_1775, %max3A_30, %max3A_70 : vector<16xi1>, vector<16xf32>
        %mul3A_1812 = arith.constant 128 : i32
        %mul3A_1813 = arith.muli %add3A_1767, %mul3A_1812 : i32
        %add3A_1814 = arith.constant 80 : i32
        %add3A_1815 = arith.addi %mul3A_1813, %add3A_1814 : i32
        %swap3A_1816 = arith.index_cast %add3A_1815 : i32 to index
        %swap3A_1817 = tpu.vector_load %arg7[%swap3A_1816] {strides = array<i32>} : memref<25600xf32, #tpu.memory_space<vmem>>, vector<16xf32>,
        tpu.vector_store %arg7[%swap3A_1816], %select_n3A_1811 {strides = array<i32>} : memref<25600xf32, #tpu.memory_space<vmem>>, vector<16xf32>,
        %select_n3A_1818 = arith.select %eq3A_1775, %max3A_35, %max3A_75 : vector<16xi1>, vector<16xf32>
        %mul3A_1819 = arith.constant 128 : i32
        %mul3A_1820 = arith.muli %add3A_1767, %mul3A_1819 : i32
        %add3A_1821 = arith.constant 96 : i32
        %add3A_1822 = arith.addi %mul3A_1820, %add3A_1821 : i32
        %swap3A_1823 = arith.index_cast %add3A_1822 : i32 to index
        %swap3A_1824 = tpu.vector_load %arg7[%swap3A_1823] {strides = array<i32>} : memref<25600xf32, #tpu.memory_space<vmem>>, vector<16xf32>,
        tpu.vector_store %arg7[%swap3A_1823], %select_n3A_1818 {strides = array<i32>} : memref<25600xf32, #tpu.memory_space<vmem>>, vector<16xf32>,
        %select_n3A_1825 = arith.select %eq3A_1775, %max3A_40, %max3A_80 : vector<16xi1>, vector<16xf32>
        %mul3A_1826 = arith.constant 128 : i32
        %mul3A_1827 = arith.muli %add3A_1767, %mul3A_1826 : i32
        %add3A_1828 = arith.constant 112 : i32
        %add3A_1829 = arith.addi %mul3A_1827, %add3A_1828 : i32
        %swap3A_1830 = arith.index_cast %add3A_1829 : i32 to index
        %swap3A_1831 = tpu.vector_load %arg7[%swap3A_1830] {strides = array<i32>} : memref<25600xf32, #tpu.memory_space<vmem>>, vector<16xf32>,
        tpu.vector_store %arg7[%swap3A_1830], %select_n3A_1825 {strides = array<i32>} : memref<25600xf32, #tpu.memory_space<vmem>>, vector<16xf32>,
      }
      %scan3A_131 = arith.constant 8 : i32
      %mul3A_132 = arith.constant 128 : i32
      %mul3A_133 = arith.muli %add3A_120, %mul3A_132 : i32
      %dma_start3A_134 = tpu.memref_slice %arg4[%mul3A_133] : memref<40960000xf32, #tpu.memory_space<hbm>> -> memref<25600xf32, #tpu.memory_space<hbm>>
      %dma_start3A_135 = tpu.memref_slice %arg4[%mul3A_133] : memref<40960000xf32, #tpu.memory_space<hbm>> -> memref<25600xf32, #tpu.memory_space<hbm>>
      tpu.enqueue_dma source(%arg7 : memref<25600xf32, #tpu.memory_space<vmem>>) target(%dma_start3A_135 : memref<25600xf32, #tpu.memory_space<hbm>>) target_semaphore(%arg10 : memref<!tpu.dma_semaphore, #tpu.memory_space<semaphore_mem>>)
    }
    %scan3A_85 = arith.constant 25 : i32
    %add3A_86 = arith.constant 9600 : i32
    %add3A_87 = arith.addi %mul3A_2, %add3A_86 : i32
    %mul3A_88 = arith.constant 128 : i32
    %mul3A_89 = arith.muli %add3A_87, %mul3A_88 : i32
    %dma_wait3A = tpu.memref_slice %arg4[%mul3A_89] : memref<40960000xf32, #tpu.memory_space<hbm>> -> memref<25600xf32, #tpu.memory_space<hbm>>
    %dma_wait3A_90 = tpu.memref_slice %arg4[%mul3A_89] : memref<40960000xf32, #tpu.memory_space<hbm>> -> memref<25600xf32, #tpu.memory_space<hbm>>
    tpu.wait_dma2 semaphore(%arg9 : memref<!tpu.dma_semaphore, #tpu.memory_space<semaphore_mem>>) src(%arg6 : memref<25600xf32, #tpu.memory_space<vmem>>) dst(%dma_wait3A_90 : memref<25600xf32, #tpu.memory_space<hbm>>)
    %add3A_91 = arith.constant 9800 : i32
    %add3A_92 = arith.addi %mul3A_2, %add3A_91 : i32
    %mul3A_93 = arith.constant 128 : i32
    %mul3A_94 = arith.muli %add3A_92, %mul3A_93 : i32
    %dma_wait3A_95 = tpu.memref_slice %arg4[%mul3A_94] : memref<40960000xf32, #tpu.memory_space<hbm>> -> memref<25600xf32, #tpu.memory_space<hbm>>
    %dma_wait3A_96 = tpu.memref_slice %arg4[%mul3A_94] : memref<40960000xf32, #tpu.memory_space<hbm>> -> memref<25600xf32, #tpu.memory_space<hbm>>
    tpu.wait_dma2 semaphore(%arg10 : memref<!tpu.dma_semaphore, #tpu.memory_space<semaphore_mem>>) src(%arg7 : memref<25600xf32, #tpu.memory_space<vmem>>) dst(%dma_wait3A_96 : memref<25600xf32, #tpu.memory_space<hbm>>)
    return
  }
}

module attributes {stable_mosaic.version = 14 : i64} {
  func.func @body(%arg0: i32, %arg1: memref<1000x16xf32, #tpu.memory_space<vmem>>, %arg2: memref<1000x1xi32, #tpu.memory_space<vmem>>, %arg3: memref<1024x128xf32, #tpu.memory_space<vmem>>, %arg4: memref<16x128xf32, #tpu.memory_space<vmem>>, %arg5: memref<1x128xf32, #tpu.memory_space<vmem>>, %arg6: memref<128x128xf32, #tpu.memory_space<vmem>>, %arg7: memref<128x128xf32, #tpu.memory_space<vmem>>, %arg8: memref<1x128xf32, #tpu.memory_space<vmem>>, %arg9: memref<1000x128xf32, #tpu.memory_space<vmem>>) attributes {dimension_semantics = [#tpu.dimension_semantics<arbitrary>], iteration_bounds = array<i64: 10>, scalar_prefetch = 0 : i64, scratch_operands = 0 : i64, tpu.core_type = #tpu.core_type<tc>, window_params = [{transform_indices = @transform_0, window_bounds = array<i64: 1000, 16>}, {transform_indices = @transform_1, window_bounds = array<i64: 1000, 1>}, {pipeline_mode = #tpu.pipeline_mode<synchronous>, transform_indices = @transform_2, window_bounds = array<i64: 1024, 128>}, {pipeline_mode = #tpu.pipeline_mode<synchronous>, transform_indices = @transform_3, window_bounds = array<i64: 16, 128>}, {pipeline_mode = #tpu.pipeline_mode<synchronous>, transform_indices = @transform_4, window_bounds = array<i64: 1, 128>}, {pipeline_mode = #tpu.pipeline_mode<synchronous>, transform_indices = @transform_5, window_bounds = array<i64: 128, 128>}, {pipeline_mode = #tpu.pipeline_mode<synchronous>, transform_indices = @transform_6, window_bounds = array<i64: 128, 128>}, {pipeline_mode = #tpu.pipeline_mode<synchronous>, transform_indices = @transform_7, window_bounds = array<i64: 1, 128>}, {transform_indices = @transform_8, window_bounds = array<i64: 1000, 128>}]} {
    %get3A = arith.constant 0 : index
    %get3A_0 = arith.constant 0 : index
    %get3A_1 = vector.load %arg1[%get3A, %get3A_0] : memref<1000x16xf32, #tpu.memory_space<vmem>>, vector<1000x16xf32>
    %get3A_2 = arith.constant 0 : index
    %get3A_3 = arith.constant 0 : index
    %get3A_4 = vector.load %arg4[%get3A_2, %get3A_3] : memref<16x128xf32, #tpu.memory_space<vmem>>, vector<16x128xf32>
    %dot_general3A = arith.constant dense<0.000000e+00> : vector<1000x128xf32>
    %dot_general3A_5 = tpu.matmul %get3A_1, %get3A_4, %dot_general3A {dimension_numbers = #tpu.dot_dimension_numbers<[1], [0], [0], [1], [0, 0, 1, 1], [], []>, transpose_lhs_hint = false} : vector<1000x16xf32>, vector<16x128xf32>, vector<1000x128xf32> -> vector<1000x128xf32>
    %get3A_6 = arith.constant 0 : index
    %get3A_7 = arith.constant 0 : index
    %get3A_8 = vector.load %arg5[%get3A_6, %get3A_7] : memref<1x128xf32, #tpu.memory_space<vmem>>, vector<1x128xf32>
    %add3A = vector.broadcast %get3A_8 : vector<1x128xf32> to vector<1000x128xf32>
    %add3A_9 = arith.addf %dot_general3A_5, %add3A : vector<1000x128xf32>
    %max3A = arith.constant 0.000000e+00 : f32
    %max3A_10 = vector.broadcast %max3A : f32 to vector<1000x128xf32>
    %max3A_11 = arith.maximumf %add3A_9, %max3A_10 : vector<1000x128xf32>
    %get3A_12 = arith.constant 0 : index
    %get3A_13 = arith.constant 0 : index
    %get3A_14 = vector.load %arg2[%get3A_12, %get3A_13] : memref<1000x1xi32, #tpu.memory_space<vmem>>, vector<1000x1xi32>
    %iota3A = tpu.iota {dimensions = array<i32: 1>} : vector<1000x1024xi32>
    %eq3A = vector.broadcast %get3A_14 : vector<1000x1xi32> to vector<1000x1024xi32>
    %eq3A_15 = arith.cmpi eq, %eq3A, %iota3A : vector<1000x1024xi32>
    %convert_element_type3A = arith.extui %eq3A_15 : vector<1000x1024xi1> to vector<1000x1024xi32>
    %convert_element_type3A_16 = arith.sitofp %convert_element_type3A : vector<1000x1024xi32> to vector<1000x1024xf32>
    %get3A_17 = arith.constant 0 : index
    %get3A_18 = arith.constant 0 : index
    %get3A_19 = vector.load %arg3[%get3A_17, %get3A_18] : memref<1024x128xf32, #tpu.memory_space<vmem>>, vector<1024x128xf32>
    %dot_general3A_20 = arith.constant dense<0.000000e+00> : vector<1000x128xf32>
    %dot_general3A_21 = tpu.matmul %convert_element_type3A_16, %get3A_19, %dot_general3A_20 {dimension_numbers = #tpu.dot_dimension_numbers<[1], [0], [0], [1], [0, 0, 1, 1], [], []>, transpose_lhs_hint = false} : vector<1000x1024xf32>, vector<1024x128xf32>, vector<1000x128xf32> -> vector<1000x128xf32>
    %max3A_22 = arith.constant 0.000000e+00 : f32
    %max3A_23 = vector.broadcast %max3A_22 : f32 to vector<1000x128xf32>
    %max3A_24 = arith.maximumf %dot_general3A_21, %max3A_23 : vector<1000x128xf32>
    %get3A_25 = arith.constant 0 : index
    %get3A_26 = arith.constant 0 : index
    %get3A_27 = vector.load %arg6[%get3A_25, %get3A_26] : memref<128x128xf32, #tpu.memory_space<vmem>>, vector<128x128xf32>
    %dot_general3A_28 = arith.constant dense<0.000000e+00> : vector<1000x128xf32>
    %dot_general3A_29 = tpu.matmul %max3A_11, %get3A_27, %dot_general3A_28 {dimension_numbers = #tpu.dot_dimension_numbers<[1], [0], [0], [1], [0, 0, 1, 1], [], []>, transpose_lhs_hint = false} : vector<1000x128xf32>, vector<128x128xf32>, vector<1000x128xf32> -> vector<1000x128xf32>
    %get3A_30 = arith.constant 0 : index
    %get3A_31 = arith.constant 0 : index
    %get3A_32 = vector.load %arg7[%get3A_30, %get3A_31] : memref<128x128xf32, #tpu.memory_space<vmem>>, vector<128x128xf32>
    %dot_general3A_33 = arith.constant dense<0.000000e+00> : vector<1000x128xf32>
    %dot_general3A_34 = tpu.matmul %max3A_24, %get3A_32, %dot_general3A_33 {dimension_numbers = #tpu.dot_dimension_numbers<[1], [0], [0], [1], [0, 0, 1, 1], [], []>, transpose_lhs_hint = false} : vector<1000x128xf32>, vector<128x128xf32>, vector<1000x128xf32> -> vector<1000x128xf32>
    %add3A_35 = arith.addf %dot_general3A_29, %dot_general3A_34 : vector<1000x128xf32>
    %get3A_36 = arith.constant 0 : index
    %get3A_37 = arith.constant 0 : index
    %get3A_38 = vector.load %arg8[%get3A_36, %get3A_37] : memref<1x128xf32, #tpu.memory_space<vmem>>, vector<1x128xf32>
    %add3A_39 = vector.broadcast %get3A_38 : vector<1x128xf32> to vector<1000x128xf32>
    %add3A_40 = arith.addf %add3A_35, %add3A_39 : vector<1000x128xf32>
    %max3A_41 = arith.constant 0.000000e+00 : f32
    %max3A_42 = vector.broadcast %max3A_41 : f32 to vector<1000x128xf32>
    %max3A_43 = arith.maximumf %add3A_40, %max3A_42 : vector<1000x128xf32>
    %swap3A = arith.constant 0 : index
    %swap3A_44 = arith.constant 0 : index
    %swap3A_45 = vector.load %arg9[%swap3A, %swap3A_44] : memref<1000x128xf32, #tpu.memory_space<vmem>>, vector<1000x128xf32>
    tpu.vector_store %arg9[%swap3A, %swap3A_44], %max3A_43 {strides = array<i32>} : memref<1000x128xf32, #tpu.memory_space<vmem>>, vector<1000x128xf32>,
    return
  }
  func.func @transform_0(%arg0: i32) -> (i32, i32) {
    %c0_i32 = arith.constant 0 : i32
    %c0_i32_0 = arith.constant 0 : i32
    return %arg0, %c0_i32 : i32, i32
  }
  func.func @transform_1(%arg0: i32) -> (i32, i32) {
    %c0_i32 = arith.constant 0 : i32
    %c0_i32_0 = arith.constant 0 : i32
    return %arg0, %c0_i32 : i32, i32
  }
  func.func @transform_2(%arg0: i32) -> (i32, i32) {
    %c0_i32 = arith.constant 0 : i32
    %c0_i32_0 = arith.constant 0 : i32
    %c0_i32_1 = arith.constant 0 : i32
    return %c0_i32, %c0_i32_0 : i32, i32
  }
  func.func @transform_3(%arg0: i32) -> (i32, i32) {
    %c0_i32 = arith.constant 0 : i32
    %c0_i32_0 = arith.constant 0 : i32
    %c0_i32_1 = arith.constant 0 : i32
    return %c0_i32, %c0_i32_0 : i32, i32
  }
  func.func @transform_4(%arg0: i32) -> (i32, i32) {
    %c0_i32 = arith.constant 0 : i32
    %c0_i32_0 = arith.constant 0 : i32
    %c0_i32_1 = arith.constant 0 : i32
    return %c0_i32, %c0_i32_0 : i32, i32
  }
  func.func @transform_5(%arg0: i32) -> (i32, i32) {
    %c0_i32 = arith.constant 0 : i32
    %c0_i32_0 = arith.constant 0 : i32
    %c0_i32_1 = arith.constant 0 : i32
    return %c0_i32, %c0_i32_0 : i32, i32
  }
  func.func @transform_6(%arg0: i32) -> (i32, i32) {
    %c0_i32 = arith.constant 0 : i32
    %c0_i32_0 = arith.constant 0 : i32
    %c0_i32_1 = arith.constant 0 : i32
    return %c0_i32, %c0_i32_0 : i32, i32
  }
  func.func @transform_7(%arg0: i32) -> (i32, i32) {
    %c0_i32 = arith.constant 0 : i32
    %c0_i32_0 = arith.constant 0 : i32
    %c0_i32_1 = arith.constant 0 : i32
    return %c0_i32, %c0_i32_0 : i32, i32
  }
  func.func @transform_8(%arg0: i32) -> (i32, i32) {
    %c0_i32 = arith.constant 0 : i32
    %c0_i32_0 = arith.constant 0 : i32
    return %arg0, %c0_i32 : i32, i32
  }
}

</mosaic_0001>

<sc_bundles>
// kernel: kernel.4.cloned.1.call-start
scs
__scs_entry_jumppad:
0x0: {  	(pc) =	sbr.rel $0x88, $3  }
0x1: {  	(tag) =	ssettag $0x0;
	lr =	simm.s32 $0x1  }
0x2: {  	[smem:$0x3F98] =	sst lr;
	_ =	strace $0xD0000000  }
0x3: {  	_ = 	snop  }
0x4: {  	_ = 	snop  }
0x5: {  	_ = 	snop  }
0x6: {  	_ = 	snop  }
0x7: {  	_ = 	snop  }
__scs_overlays_trampoline_lowered:
0x8: {  	[smem:$0x3FA7] =	sst s0  }
0x9: {  	[smem:$0x3FA8] =	sst s1  }
0xa: {  	[smem:$0x3FA9] =	sst s2  }
0xb: {  	[smem:$0x3FAA] =	sst s3  }
0xc: {  	[smem:$0x3FAB] =	sst s4  }
0xd: {  	[smem:$0x3FAC] =	sst s5  }
0xe: {  	[smem:$0x3FAD] =	sst s6  }
0xf: {  	[smem:$0x3FAE] =	sst s7  }
0x10: {  	[smem:$0x3FAF] =	sst s8  }
0x11: {  	[smem:$0x3FB0] =	sst s9;
	s0 =	simm.s32 @!p0 $0x0  }
0x12: {  	s1 =	sld [smem:$0x3F96];
	s0 =	simm.s32 @p0 $0x1  }
0x13: {  	[smem:$0x3FB1] =	sst s0;
	s0 =	simm.s32 @!p1 $0x0  }
0x14: {  	s2 =	sld [smem:$0x3F95];
	s0 =	simm.s32 @p1 $0x1  }
0x15: {  	[smem:$0x3FB2] =	sst s0;
	s0 =	simm.s32 @!p2 $0x0  }
0x16: {  	s3 =	sld [smem:$0x3FDB];
	s0 =	simm.s32 @p2 $0x1  }
0x17: {  	s4 =	simm.s32 $0x1BF5;
	[smem:$0x3FB4] =	sst s0  }
0x18: {  	s0 =	sld [smem:$0x3F97];
	_ =	swait.ge [sflag:s4], $0x0  }
0x19: {  	s7 =	sld [smem:$0x3F98]  }
0x1a: {  	s8 =	sadd.s32 $0xFFFFE003, lr  }
0x1b: {  	s9 =	sadd.s32 $0xFFFFFEF7, lr;
	s5 =	simm.s32 $0xFFFFFFFF;
	p2 =	slt.u32 s8, $0xFFFFF086  }
0x1c: {  	p1 =	slt.u32 s9, $0xF7A;
	s5 =	simm.s32 @!p2 $0x0  }
0x1d: {  	s5 =	simm.s32 @p1 $0x1;
	p0 =	seq.s32 s7, s2  }
0x1e: {  	s7 =	smul.u32 @!p0 $0xF7A, s2;
	p2 =	seq.s32 @!p0 s5, $0x0  }
0x1f: {  	s9 =	smul.u32 $0xF7A, s1;
	s8 =	simm.s32 @!p0 $0x1BF5;
	p2 =	por !p2, p0  }
0x20: {  	[sflag:s8] =	ssyncset.s32 @!p0 $0xFFFFF086;
	s6 =	sadd.s32 @!p0 s3, s7;
	s7 =	simm.s32 @!p0 $0x108  }
0x21: {  	s3 =	sadd.s32 s3, s9;
	s6 =	sadd.s32 @!p0 $0x88, s6;
	s7 =	simm.s32 @p2 $0x1082  }
0x22: {  	[simem:s7], [sflag:s8] =	dma.local @!p0 [hbm:s6], $0xF7A  }
0x23: {  	s9 =	sor.u32 $0xD0000000, s2;
	s6 =	simm.s32 $0x108;
	_ =	swait.ge @!p0 [sflag:s8], $0x0  }
0x24: {  	s3 =	sadd.s32 $0x88, s3;
	s6 =	simm.s32 @!p1 $0x1082;
	[sflag:s4] =	ssyncset.s32 $0xFFFFF086  }
0x25: {  	[simem:s6], [sflag:s4] =	dma.local [hbm:s3], $0xF7A  }
0x26: {  	[smem:$0x3F98] =	sst s1;
	(tag) =	ssettag s2;
	_ =	strace s9  }
0x27: {  	s1 =	sld [smem:$0x3FA8]  }
0x28: {  	s2 =	sld [smem:$0x3FA9]  }
0x29: {  	s4 =	sld [smem:$0x3FAB]  }
0x2a: {  	p0 =	seq.s32 s5, $0x0;
	s5 =	sld [smem:$0x3FAC]  }
0x2b: {  	s6 =	sld [smem:$0x3FAD]  }
0x2c: {  	s7 =	sld [smem:$0x3FAE]  }
0x2d: {  	s3 =	simm.s32 $0x108;
	s8 =	sld [smem:$0x3FAF]  }
0x2e: {  	s3 =	simm.s32 @!p0 $0x1082;
	s9 =	sld [smem:$0x3FB0]  }
0x2f: {  	lr =	sadd.s32 s0, s3;
	s0 =	sld [smem:$0x3FA7]  }
0x30: {  	s3 =	sld [smem:$0x3FAA]  }
0x31: {  	[smem:$0x3FB3] =	sst s10  }
0x32: {  	s10 =	sld [smem:$0x3FB1];
	_ =	sdelay $0x3  }
0x33: {  	p0 =	seq.s32 s10, $0x1;
	s10 =	sld [smem:$0x3FB3];
	_ =	sdelay $0x3  }
0x34: {  	[smem:$0x3FB3] =	sst s10  }
0x35: {  	s10 =	sld [smem:$0x3FB2];
	_ =	sdelay $0x3  }
0x36: {  	p1 =	seq.s32 s10, $0x1;
	s10 =	sld [smem:$0x3FB3];
	_ =	sdelay $0x3  }
0x37: {  	[smem:$0x3FB3] =	sst s10  }
0x38: {  	s10 =	sld [smem:$0x3FB4]  }
0x39: {  	_ = 	snop;
	(pc) =	sbr.ind lr, $3  }
0x3a: {  	_ = 	snop  }
0x3b: {  	_ = 	snop  }
0x3c: {  	p2 =	seq.s32 s10, $0x1;
	s10 =	sld [smem:$0x3FB3]  }
0x3d: {  	_ =	shalt  }
0x3e: {  	_ =	shalt  }
0x3f: {  	_ =	shalt  }
0x40: {  	_ =	shalt  }
0x41: {  	_ =	shalt  }
0x42: {  	_ =	shalt  }
0x43: {  	_ =	shalt  }
0x44: {  	_ =	shalt  }
0x45: {  	_ =	shalt  }
0x46: {  	_ =	shalt  }
0x47: {  	_ =	shalt  }
0x48: {  	_ =	shalt  }
0x49: {  	_ =	shalt  }
0x4a: {  	_ =	shalt  }
0x4b: {  	_ =	shalt  }
0x4c: {  	_ =	shalt  }
0x4d: {  	_ =	shalt  }
0x4e: {  	_ =	shalt  }
0x4f: {  	_ =	shalt  }
0x50: {  	_ =	shalt  }
0x51: {  	_ =	shalt  }
0x52: {  	_ =	shalt  }
0x53: {  	_ =	shalt  }
0x54: {  	_ =	shalt  }
0x55: {  	_ =	shalt  }
0x56: {  	_ =	shalt  }
0x57: {  	_ =	shalt  }
0x58: {  	_ =	shalt  }
0x59: {  	_ =	shalt  }
0x5a: {  	_ =	shalt  }
0x5b: {  	_ =	shalt  }
0x5c: {  	_ =	shalt  }
0x5d: {  	_ =	shalt  }
0x5e: {  	_ =	shalt  }
0x5f: {  	_ =	shalt  }
0x60: {  	_ =	shalt  }
0x61: {  	_ =	shalt  }
0x62: {  	_ =	shalt  }
0x63: {  	_ =	shalt  }
0x64: {  	_ =	shalt  }
0x65: {  	_ =	shalt  }
0x66: {  	_ =	shalt  }
0x67: {  	_ =	shalt  }
0x68: {  	_ =	shalt  }
0x69: {  	_ =	shalt  }
0x6a: {  	_ =	shalt  }
0x6b: {  	_ =	shalt  }
0x6c: {  	_ =	shalt  }
0x6d: {  	_ =	shalt  }
0x6e: {  	_ =	shalt  }
0x6f: {  	_ =	shalt  }
0x70: {  	_ =	shalt  }
0x71: {  	_ =	shalt  }
0x72: {  	_ =	shalt  }
0x73: {  	_ =	shalt  }
0x74: {  	_ =	shalt  }
0x75: {  	_ =	shalt  }
0x76: {  	_ =	shalt  }
0x77: {  	_ =	shalt  }
0x78: {  	_ =	shalt  }
0x79: {  	_ =	shalt  }
0x7a: {  	_ =	shalt  }
0x7b: {  	_ =	shalt  }
0x7c: {  	_ =	shalt  }
0x7d: {  	_ =	shalt  }
0x7e: {  	_ =	shalt  }
0x7f: {  	_ =	shalt  }
0x80: {  	_ =	shalt  }
0x81: {  	_ =	shalt  }
0x82: {  	_ =	shalt  }
0x83: {  	_ =	shalt  }
0x84: {  	_ =	shalt  }
0x85: {  	_ =	shalt  }
0x86: {  	_ =	shalt  }
0x87: {  	_ =	shalt  }
.Lfunc_end0:
.L_simem_size_0:
called_computation_lowered:
.L_overlay_start_0:
0x88: {  	s2 =	sld [smem:$0x3FD9]  }
0x89: {  	s3 =	sld [smem:$0x3FFE];
	_ =	sdelay $0x1  }
0x8a: {  	s1 =	srdreg.scid  }
0x8b: {  	s0 =	sand.u32 $0x1, s1  }
0x8c: {  	s15 =	sshll.u32 s0, $0xA;
	s2 =	sadd.s32 s3, s2  }
0x8d: {  	s2 =	sadd.s32 s2, s15  }
0x8e: {  	[smem:$0x3FBF] =	sst s2  }
0x8f: {  	_ = 	snop  }
0x90: {  	s2 =	sld [smem:$0x3FD0];
	_ =	sdelay $0x1  }
0x91: {  	s16 =	sld [smem:$0x3FC7]  }
0x92: {  	s5 =	simm.s32 $0xA;
	s6 =	simm.s32 $0x10;
	s4 =	sld [smem:$0x3FC1]  }
0x93: {  	[smem:s6], [sflag:s5] =	dma.local [hbm:s2], $0x1  }
0x94: {  	_ =	swait.eq [sflag:s5], $0x1  }
0x95: {  	[sflag:s5] =	ssyncset.done $0x0  }
0x96: {  	[sflag:s5] =	ssyncadd.s32 $0xFFFFFFFF  }
0x97: {  	s17 =	sld [smem:$0x11];
	(tm) =	ssettm $0x1  }
0x98: {  	s18 =	sld [smem:$0x3FFB];
	_ =	sdelay $0x3  }
0x99: {  	_ =	strace s18  }
0x9a: {  	s5 =	sld [smem:$0x3FFC];
	_ =	sdelay $0x3  }
0x9b: {  	_ =	strace s5  }
0x9c: {  	s5 =	sld [smem:$0x3FFD];
	_ =	sdelay $0x3  }
0x9d: {  	_ =	strace s5  }
0x9e: {  	_ =	strace $0x8FFFFFFF  }
0x9f: {  	s19 =	sld [smem:$0x3FDB];
	_ =	sdelay $0x1  }
0xa0: {  	s20 =	simm.s32 $_scs_section_size  }
0xa1: {  	s7 =	simm.s32 $_size__tile_overlayer_lowered;
	s8 =	simm.s32 $_tile_overlayer_lowered  }
0xa2: {  	s23 =	simm.s32 $0x1BFF;
	s22 =	sshll.u32 s8, $0x1;
	s5 =	sadd.s32 s20, s19  }
0xa3: {  	s9 =	simm.s32 $0x0;
	s21 =	sshll.u32 s7, $0x1;
	s7 =	sadd.s32 s22, s5  }
0xa4: {  	[timem:s9], [sflag:s23] =	dma.local [hbm:s7], s21  }
0xa5: {  	_ =	swait.ge [sflag:s23], s21  }
0xa6: {  	s6 =	ssub.s32 $0x0, s21;
	[sflag:s23] =	ssyncset.done $0x0  }
0xa7: {  	[sflag:s23] =	ssyncadd.s32 s6;
	_ =	sdelay $0x1  }
0xa8: {  	s24 =	simm.s32 $0x1B8B  }
0xa9: {  	_ =	swait.ge [sflag:s24], $0x1  }
0xaa: {  	[sflag:s24] =	ssyncset.done $0x0  }
0xab: {  	s25 =	simm.s32 $0x1B8E;
	[sflag:s24] =	ssyncadd.s32 $0xFFFFFFFF  }
0xac: {  	s26 =	simm.s32 $execute0_lowered;
	[smem:$0x3FD2] =	sst s25  }
0xad: {  	s6 =	sshll.u32 s26, $0x1;
	_ =	strace $0x80000046;
	[dreg:$0x1] =	wrdreg $0xFFFFFFFF  }
0xae: {  	s28 =	simm.s32 $_size_execute0_lowered;
	s5 =	sadd.s32 s5, s6;
	[dreg:$0x0] =	wrdreg $0x0  }
0xaf: {  	s6 =	sshll.u32 s28, $0x1;
	[dreg:$0x2] =	wrdreg s5  }
0xb0: {  	[dreg:$0x3] =	wrdreg s6  }
0xb1: {  	[dreg:$0x4] =	wrdreg $0xC0  }
0xb2: {  	_ =	task [dreg:s9], $0x5FFFF  }
0xb3: {  	[dreg:$0x1] =	wrdreg $0xFFFFFFFF  }
0xb4: {  	[dreg:$0x0] =	wrdreg $0x60  }
0xb5: {  	[dreg:$0x2] =	wrdreg s16  }
0xb6: {  	[dreg:$0x3] =	wrdreg s4  }
0xb7: {  	[dreg:$0x4] =	wrdreg s17  }
0xb8: {  	[dreg:$0x5] =	wrdreg $0x9  }
0xb9: {  	_ =	task.clear_ibuf [dreg:s9], $0x6FFFF;
	_ =	strace $0x90000046  }
0xba: {  	s29 =	simm.s32 $0x9;
	_ =	strace $0x80000048  }
0xbb: {  	_ =	swait.ge [sflag:s29], $0x1  }
0xbc: {  	[sflag:s29] =	ssyncadd.s32 $0xFFFFFFFF  }
0xbd: {  	_ =	strace $0x90000048  }
0xbe: {  	_ =	sfence  }
0xbf: {  	s30 =	sld [smem:$0x0];
	_ =	sdelay $0x2  }
0xc0: {  	s31 =	sshll.u32 s1, $0xD;
	s1 =	sshrl.u32 s1, $0x2  }
0xc1: {  	s3 =	sand.u32 $0x4000, s31;
	s1 =	sadd.s32 s1, s30  }
0xc2: {  	s0 =	sor.u32 s3, s0;
	s1 =	sshll.u32 s1, $0x11  }
0xc3: {  	s0 =	sor.u32 s1, s0  }
0xc4: {  	s0 =	sadd.s32 $0x8F2B, s0  }
0xc5: {  	[sflag:s0] =	ssyncadd.remote.s32 $0x1  }
0xc6: {  	_ =	sfence.sel $0xFFFF  }
0xc7: {  	[dreg:$0x0] =	wrdreg $0xFFFFFFFF;
	(pc) =	sbr.abs _section_cstart, $3  }
0xc8: {  	[dreg:$0x1] =	wrdreg $0xFFFFFFFF  }
0xc9: {  	_ =	task.clear_ibuf [dreg:s9], $0x2FFFF;
	_ =	strace $0x9FFFFFFF  }
0xca: {  	(tm) =	ssettm $0x7FFFFFFF  }
0xcb: {  	_ =	shalt  }
tec
execute0_lowered:
.L_overlay_start_1:
0x0: {  	(tag) =	ssettag $0x1  }
0x1: {  	s6 =	rddreg [dreg:$0x0]  }
0x2: {  	s2 =	rddreg [dreg:$0x1];
	s1 =	srdreg.scid  }
0x3: {  	s0 =	stileid.u32;
	s3 =	rddreg [dreg:$0x2]  }
0x4: {  	s9 =	simm.s32 $0xEF80;
	s10 =	simm.s32 $0x2780;
	s11 =	simm.s32 $0x8B80  }
0x5: {  	s12 =	simm.s32 $0x1;
	s5 =	sand.u32 $0x1, s1;
	s4 =	sshll.u32 s0, $0x1  }
0x6: {  	s13 =	simm.s32 $0x2;
	s1 =	rddreg [dreg:$0x3];
	s7 =	sor.u32 s5, s4  }
0x7: {  	s4 =	simm.s32 $0x0;
	s8 =	ssub.s32 $0x2, s5;
	s5 =	smul.u32 $0x2710, s7  }
0x8: {  	s14 =	simm.s32 $0x0;
	[smem:$0x7FF] =	sst s4;
	s30 =	sshrl.u32 s8, $0x1  }
0x9: {  	_ =	strace $0x80000047;
	s7 =	ssub.s32 s8, s30;
	s31 =	sshrl.u32 s5, $0x3  }
0xa: {  	s8 =	simm.s32 $0x3;
	s7 =	smax.u32 s7, $0x1;
	s6 =	sadd.s32 s6, s31  }
.LBB2_1:
0xb: {  	[tilespmem:s4], [sflag:$0x3] =	stream.linear.gather [hbm4b:s6+s4], $0x2710, $0x38;
	[tilespmem:$0xF080] =	vst v63  }
0xc: {  	_ =	swait.ge [sflag:s8], $0x2710  }
0xd: {  	[sflag:s8] =	ssyncset.done $0x0  }
0xe: {  	[sflag:s8] =	ssyncadd.s32 $0xFFFFD8F0  }
0xf: {  	[tilespmem:s9], [sflag:$0x3] =	stream.linear.gather [hbm4b:s2+s4], $0x100, $0x38;
	[tilespmem:$0xF080] =	vst v63  }
0x10: {  	_ =	swait.ge [sflag:s8], $0x100  }
0x11: {  	[sflag:s8] =	ssyncset.done $0x0  }
0x12: {  	[sflag:s8] =	ssyncadd.s32 $0xFFFFFF00  }
0x13: {  	v0 =	vld [tilespmem:$0xEF80]  }
0x14: {  	v1 =	vld [tilespmem:$0xEF90]  }
0x15: {  	v2 =	vld [tilespmem:$0xEFA0]  }
0x16: {  	v3 =	vld [tilespmem:$0xEFB0]  }
0x17: {  	v4 =	vld [tilespmem:$0xEFC0]  }
0x18: {  	v5 =	vld [tilespmem:$0xEFD0]  }
0x19: {  	v6 =	vld [tilespmem:$0xEFE0]  }
0x1a: {  	v7 =	vld [tilespmem:$0xEFF0]  }
0x1b: {  	v8 =	vld [tilespmem:$0xF000]  }
0x1c: {  	v9 =	vld [tilespmem:$0xF010]  }
0x1d: {  	v10 =	vld [tilespmem:$0xF020]  }
0x1e: {  	v11 =	vld [tilespmem:$0xF030]  }
0x1f: {  	v12 =	vld [tilespmem:$0xF040]  }
0x20: {  	v13 =	vld [tilespmem:$0xF050]  }
0x21: {  	v14 =	vld [tilespmem:$0xF060]  }
0x22: {  	v15 =	vld [tilespmem:$0xF070];
	v0 =	vmax.f32 v0, $0.0e+00  }
0x23: {  	v1 =	vmax.f32 v1, $0.0e+00;
	v2 =	vmax.f32 v2, $0.0e+00;
	v3 =	vmax.f32 v3, $0.0e+00  }
0x24: {  	v4 =	vmax.f32 v4, $0.0e+00;
	v5 =	vmax.f32 v5, $0.0e+00;
	v6 =	vmax.f32 v6, $0.0e+00  }
0x25: {  	v7 =	vmax.f32 v7, $0.0e+00;
	v8 =	vmax.f32 v8, $0.0e+00;
	v9 =	vmax.f32 v9, $0.0e+00  }
0x26: {  	v10 =	vmax.f32 v10, $0.0e+00;
	v11 =	vmax.f32 v11, $0.0e+00;
	v12 =	vmax.f32 v12, $0.0e+00  }
0x27: {  	s15 =	simm.s32 $0x0;
	v13 =	vmax.f32 v13, $0.0e+00;
	v14 =	vmax.f32 v14, $0.0e+00;
	v15 =	vmax.f32 v15, $0.0e+00  }
.LBB2_2:
0x28: {  	p0 =	seq.s32 s15, $0x0  }
0x29: {  	s18 =	simm.s32 @!p0 $0x1  }
0x2a: {  	s16 =	smul.u32 $0x190, s15;
	_ =	swait.ge @!p0 [sflag:s18], $0x6400  }
0x2b: {  	[sflag:s18] =	ssyncset.done @!p0 $0x0  }
0x2c: {  	s17 =	sadd.s32 s5, s16;
	[sflag:s18] =	ssyncadd.s32 @!p0 $0xFFFF9C00;
	s18 =	simm.s32 $0x0  }
.LBB2_3:
0x2d: {  	s19 =	smul.u32 $0x19, s18;
	_ =	sdelay $0x1  }
0x2e: {  	s20 =	sadd.s32 s16, s19  }
0x2f: {  	v16 =	vmov s20;
	_ =	sdelay $0x4  }
0x30: {  	v16 =	vld.idx.msk [tilespmem:v16+s4+$0x0], $0xffff;
	_ =	sdelay $0x3  }
0x31: {  	s24 =	smul.u32 $0x3200, s18  }
0x32: {  	vm0 =	veq.s32 v16, $0x0  }
0x33: {  	s20 =	sshra.s32 s24, $0x2;
	v16 =	vsel vm0, v0, v8  }
0x34: {  	[tilespmem:s20+$0x2780] =	vst v16;
	v16 =	vsel vm0, v1, v9  }
0x35: {  	s21 =	sadd.s32 $0x1, s19;
	[tilespmem:s20+$0x2790] =	vst v16;
	v16 =	vsel vm0, v2, v10  }
0x36: {  	s22 =	sadd.s32 s16, s21;
	[tilespmem:s20+$0x27A0] =	vst v16;
	v16 =	vsel vm0, v3, v11  }
0x37: {  	v17 =	vmov s22;
	[tilespmem:s20+$0x27B0] =	vst v16;
	v16 =	vsel vm0, v4, v12  }
0x38: {  	[tilespmem:s20+$0x27C0] =	vst v16;
	v16 =	vsel vm0, v5, v13  }
0x39: {  	[tilespmem:s20+$0x27D0] =	vst v16;
	v16 =	vsel vm0, v6, v14  }
0x3a: {  	[tilespmem:s20+$0x27E0] =	vst v16;
	v16 =	vsel vm0, v7, v15  }
0x3b: {  	[tilespmem:s20+$0x27F0] =	vst v16  }
0x3c: {  	v16 =	vld.idx.msk [tilespmem:v17+s4+$0x0], $0xffff;
	_ =	sdelay $0x4  }
0x3d: {  	s25 =	sshll.u32 s21, $0x7;
	vm4 =	veq.s32 v16, $0x0  }
0x3e: {  	s20 =	sand.u32 $0x3FFFFF80, s25;
	v16 =	vsel vm4, v0, v8  }
0x3f: {  	[tilespmem:s20+$0x2780] =	vst v16;
	v16 =	vsel vm4, v1, v9  }
0x40: {  	s26 =	sadd.s32 $0x2, s19;
	[tilespmem:s20+$0x2790] =	vst v16;
	v16 =	vsel vm4, v2, v10  }
0x41: {  	s28 =	sadd.s32 s16, s26;
	[tilespmem:s20+$0x27A0] =	vst v16;
	v16 =	vsel vm4, v3, v11  }
0x42: {  	v17 =	vmov s28;
	[tilespmem:s20+$0x27B0] =	vst v16;
	v16 =	vsel vm4, v4, v12  }
0x43: {  	[tilespmem:s20+$0x27C0] =	vst v16;
	v16 =	vsel vm4, v5, v13  }
0x44: {  	[tilespmem:s20+$0x27D0] =	vst v16;
	v16 =	vsel vm4, v6, v14  }
0x45: {  	[tilespmem:s20+$0x27E0] =	vst v16;
	v16 =	vsel vm4, v7, v15  }
0x46: {  	[tilespmem:s20+$0x27F0] =	vst v16  }
0x47: {  	v16 =	vld.idx.msk [tilespmem:v17+s4+$0x0], $0xffff;
	_ =	sdelay $0x4  }
0x48: {  	s29 =	sshll.u32 s26, $0x7;
	vm5 =	veq.s32 v16, $0x0  }
0x49: {  	s20 =	sand.u32 $0x3FFFFF80, s29;
	v16 =	vsel vm5, v0, v8  }
0x4a: {  	[tilespmem:s20+$0x2780] =	vst v16;
	v16 =	vsel vm5, v1, v9  }
0x4b: {  	s30 =	sadd.s32 $0x3, s19;
	[tilespmem:s20+$0x2790] =	vst v16;
	v16 =	vsel vm5, v2, v10  }
0x4c: {  	s31 =	sadd.s32 s16, s30;
	[tilespmem:s20+$0x27A0] =	vst v16;
	v16 =	vsel vm5, v3, v11  }
0x4d: {  	v17 =	vmov s31;
	[tilespmem:s20+$0x27B0] =	vst v16;
	v16 =	vsel vm5, v4, v12  }
0x4e: {  	[tilespmem:s20+$0x27C0] =	vst v16;
	v16 =	vsel vm5, v5, v13  }
0x4f: {  	[tilespmem:s20+$0x27D0] =	vst v16;
	v16 =	vsel vm5, v6, v14  }
0x50: {  	[tilespmem:s20+$0x27E0] =	vst v16;
	v16 =	vsel vm5, v7, v15  }
0x51: {  	[tilespmem:s20+$0x27F0] =	vst v16  }
0x52: {  	v16 =	vld.idx.msk [tilespmem:v17+s4+$0x0], $0xffff;
	_ =	sdelay $0x4  }
0x53: {  	s22 =	sshll.u32 s30, $0x7;
	vm6 =	veq.s32 v16, $0x0  }
0x54: {  	s20 =	sand.u32 $0x3FFFFF80, s22;
	v16 =	vsel vm6, v0, v8  }
0x55: {  	[tilespmem:s20+$0x2780] =	vst v16;
	v16 =	vsel vm6, v1, v9  }
0x56: {  	s23 =	sadd.s32 $0x4, s19;
	[tilespmem:s20+$0x2790] =	vst v16;
	v16 =	vsel vm6, v2, v10  }
0x57: {  	s24 =	sadd.s32 s16, s23;
	[tilespmem:s20+$0x27A0] =	vst v16;
	v16 =	vsel vm6, v3, v11  }
0x58: {  	v17 =	vmov s24;
	[tilespmem:s20+$0x27B0] =	vst v16;
	v16 =	vsel vm6, v4, v12  }
0x59: {  	[tilespmem:s20+$0x27C0] =	vst v16;
	v16 =	vsel vm6, v5, v13  }
0x5a: {  	[tilespmem:s20+$0x27D0] =	vst v16;
	v16 =	vsel vm6, v6, v14  }
0x5b: {  	[tilespmem:s20+$0x27E0] =	vst v16;
	v16 =	vsel vm6, v7, v15  }
0x5c: {  	[tilespmem:s20+$0x27F0] =	vst v16  }
0x5d: {  	v16 =	vld.idx.msk [tilespmem:v17+s4+$0x0], $0xffff;
	_ =	sdelay $0x4  }
0x5e: {  	s25 =	sshll.u32 s23, $0x7;
	vm7 =	veq.s32 v16, $0x0  }
0x5f: {  	s20 =	sand.u32 $0x3FFFFF80, s25;
	v16 =	vsel vm7, v0, v8  }
0x60: {  	[tilespmem:s20+$0x2780] =	vst v16;
	v16 =	vsel vm7, v1, v9  }
0x61: {  	s26 =	sadd.s32 $0x5, s19;
	[tilespmem:s20+$0x2790] =	vst v16;
	v16 =	vsel vm7, v2, v10  }
0x62: {  	s28 =	sadd.s32 s16, s26;
	[tilespmem:s20+$0x27A0] =	vst v16;
	v16 =	vsel vm7, v3, v11  }
0x63: {  	v17 =	vmov s28;
	[tilespmem:s20+$0x27B0] =	vst v16;
	v16 =	vsel vm7, v4, v12  }
0x64: {  	[tilespmem:s20+$0x27C0] =	vst v16;
	v16 =	vsel vm7, v5, v13  }
0x65: {  	[tilespmem:s20+$0x27D0] =	vst v16;
	v16 =	vsel vm7, v6, v14  }
0x66: {  	[tilespmem:s20+$0x27E0] =	vst v16;
	v16 =	vsel vm7, v7, v15  }
0x67: {  	[tilespmem:s20+$0x27F0] =	vst v16  }
0x68: {  	v16 =	vld.idx.msk [tilespmem:v17+s4+$0x0], $0xffff;
	_ =	sdelay $0x4  }
0x69: {  	s29 =	sshll.u32 s26, $0x7;
	vm8 =	veq.s32 v16, $0x0  }
0x6a: {  	s20 =	sand.u32 $0x3FFFFF80, s29;
	v16 =	vsel vm8, v0, v8  }
0x6b: {  	[tilespmem:s20+$0x2780] =	vst v16;
	v16 =	vsel vm8, v1, v9  }
0x6c: {  	s30 =	sadd.s32 $0x6, s19;
	[tilespmem:s20+$0x2790] =	vst v16;
	v16 =	vsel vm8, v2, v10  }
0x6d: {  	s31 =	sadd.s32 s16, s30;
	[tilespmem:s20+$0x27A0] =	vst v16;
	v16 =	vsel vm8, v3, v11  }
0x6e: {  	v17 =	vmov s31;
	[tilespmem:s20+$0x27B0] =	vst v16;
	v16 =	vsel vm8, v4, v12  }
0x6f: {  	[tilespmem:s20+$0x27C0] =	vst v16;
	v16 =	vsel vm8, v5, v13  }
0x70: {  	[tilespmem:s20+$0x27D0] =	vst v16;
	v16 =	vsel vm8, v6, v14  }
0x71: {  	[tilespmem:s20+$0x27E0] =	vst v16;
	v16 =	vsel vm8, v7, v15  }
0x72: {  	[tilespmem:s20+$0x27F0] =	vst v16  }
0x73: {  	v16 =	vld.idx.msk [tilespmem:v17+s4+$0x0], $0xffff;
	_ =	sdelay $0x4  }
0x74: {  	s22 =	sshll.u32 s30, $0x7;
	vm9 =	veq.s32 v16, $0x0  }
0x75: {  	s20 =	sand.u32 $0x3FFFFF80, s22;
	v16 =	vsel vm9, v0, v8  }
0x76: {  	[tilespmem:s20+$0x2780] =	vst v16;
	v16 =	vsel vm9, v1, v9  }
0x77: {  	s23 =	sadd.s32 $0x7, s19;
	[tilespmem:s20+$0x2790] =	vst v16;
	v16 =	vsel vm9, v2, v10  }
0x78: {  	s24 =	sadd.s32 s16, s23;
	[tilespmem:s20+$0x27A0] =	vst v16;
	v16 =	vsel vm9, v3, v11  }
0x79: {  	v17 =	vmov s24;
	[tilespmem:s20+$0x27B0] =	vst v16;
	v16 =	vsel vm9, v4, v12  }
0x7a: {  	[tilespmem:s20+$0x27C0] =	vst v16;
	v16 =	vsel vm9, v5, v13  }
0x7b: {  	[tilespmem:s20+$0x27D0] =	vst v16;
	v16 =	vsel vm9, v6, v14  }
0x7c: {  	[tilespmem:s20+$0x27E0] =	vst v16;
	v16 =	vsel vm9, v7, v15  }
0x7d: {  	[tilespmem:s20+$0x27F0] =	vst v16  }
0x7e: {  	v16 =	vld.idx.msk [tilespmem:v17+s4+$0x0], $0xffff;
	_ =	sdelay $0x4  }
0x7f: {  	s25 =	sshll.u32 s23, $0x7;
	vm10 =	veq.s32 v16, $0x0  }
0x80: {  	s20 =	sand.u32 $0x3FFFFF80, s25;
	v16 =	vsel vm10, v0, v8  }
0x81: {  	[tilespmem:s20+$0x2780] =	vst v16;
	v16 =	vsel vm10, v1, v9  }
0x82: {  	s26 =	sadd.s32 $0x8, s19;
	[tilespmem:s20+$0x2790] =	vst v16;
	v16 =	vsel vm10, v2, v10  }
0x83: {  	s28 =	sadd.s32 s16, s26;
	[tilespmem:s20+$0x27A0] =	vst v16;
	v16 =	vsel vm10, v3, v11  }
0x84: {  	v17 =	vmov s28;
	[tilespmem:s20+$0x27B0] =	vst v16;
	v16 =	vsel vm10, v4, v12  }
0x85: {  	[tilespmem:s20+$0x27C0] =	vst v16;
	v16 =	vsel vm10, v5, v13  }
0x86: {  	[tilespmem:s20+$0x27D0] =	vst v16;
	v16 =	vsel vm10, v6, v14  }
0x87: {  	[tilespmem:s20+$0x27E0] =	vst v16;
	v16 =	vsel vm10, v7, v15  }
0x88: {  	[tilespmem:s20+$0x27F0] =	vst v16  }
0x89: {  	v16 =	vld.idx.msk [tilespmem:v17+s4+$0x0], $0xffff;
	_ =	sdelay $0x4  }
0x8a: {  	s29 =	sshll.u32 s26, $0x7;
	vm11 =	veq.s32 v16, $0x0  }
0x8b: {  	s20 =	sand.u32 $0x3FFFFF80, s29;
	v16 =	vsel vm11, v0, v8  }
0x8c: {  	[tilespmem:s20+$0x2780] =	vst v16;
	v16 =	vsel vm11, v1, v9  }
0x8d: {  	s30 =	sadd.s32 $0x9, s19;
	[tilespmem:s20+$0x2790] =	vst v16;
	v16 =	vsel vm11, v2, v10  }
0x8e: {  	s31 =	sadd.s32 s16, s30;
	[tilespmem:s20+$0x27A0] =	vst v16;
	v16 =	vsel vm11, v3, v11  }
0x8f: {  	v17 =	vmov s31;
	[tilespmem:s20+$0x27B0] =	vst v16;
	v16 =	vsel vm11, v4, v12  }
0x90: {  	[tilespmem:s20+$0x27C0] =	vst v16;
	v16 =	vsel vm11, v5, v13  }
0x91: {  	[tilespmem:s20+$0x27D0] =	vst v16;
	v16 =	vsel vm11, v6, v14  }
0x92: {  	[tilespmem:s20+$0x27E0] =	vst v16;
	v16 =	vsel vm11, v7, v15  }
0x93: {  	[tilespmem:s20+$0x27F0] =	vst v16  }
0x94: {  	v16 =	vld.idx.msk [tilespmem:v17+s4+$0x0], $0xffff;
	_ =	sdelay $0x4  }
0x95: {  	s22 =	sshll.u32 s30, $0x7;
	vm12 =	veq.s32 v16, $0x0  }
0x96: {  	s20 =	sand.u32 $0x3FFFFF80, s22;
	v16 =	vsel vm12, v0, v8  }
0x97: {  	[tilespmem:s20+$0x2780] =	vst v16;
	v16 =	vsel vm12, v1, v9  }
0x98: {  	s23 =	sadd.s32 $0xA, s19;
	[tilespmem:s20+$0x2790] =	vst v16;
	v16 =	vsel vm12, v2, v10  }
0x99: {  	s24 =	sadd.s32 s16, s23;
	[tilespmem:s20+$0x27A0] =	vst v16;
	v16 =	vsel vm12, v3, v11  }
0x9a: {  	v17 =	vmov s24;
	[tilespmem:s20+$0x27B0] =	vst v16;
	v16 =	vsel vm12, v4, v12  }
0x9b: {  	[tilespmem:s20+$0x27C0] =	vst v16;
	v16 =	vsel vm12, v5, v13  }
0x9c: {  	[tilespmem:s20+$0x27D0] =	vst v16;
	v16 =	vsel vm12, v6, v14  }
0x9d: {  	[tilespmem:s20+$0x27E0] =	vst v16;
	v16 =	vsel vm12, v7, v15  }
0x9e: {  	[tilespmem:s20+$0x27F0] =	vst v16  }
0x9f: {  	v16 =	vld.idx.msk [tilespmem:v17+s4+$0x0], $0xffff;
	_ =	sdelay $0x4  }
0xa0: {  	s25 =	sshll.u32 s23, $0x7;
	vm13 =	veq.s32 v16, $0x0  }
0xa1: {  	s20 =	sand.u32 $0x3FFFFF80, s25;
	v16 =	vsel vm13, v0, v8  }
0xa2: {  	[tilespmem:s20+$0x2780] =	vst v16;
	v16 =	vsel vm13, v1, v9  }
0xa3: {  	s26 =	sadd.s32 $0xB, s19;
	[tilespmem:s20+$0x2790] =	vst v16;
	v16 =	vsel vm13, v2, v10  }
0xa4: {  	s28 =	sadd.s32 s16, s26;
	[tilespmem:s20+$0x27A0] =	vst v16;
	v16 =	vsel vm13, v3, v11  }
0xa5: {  	v17 =	vmov s28;
	[tilespmem:s20+$0x27B0] =	vst v16;
	v16 =	vsel vm13, v4, v12  }
0xa6: {  	[tilespmem:s20+$0x27C0] =	vst v16;
	v16 =	vsel vm13, v5, v13  }
0xa7: {  	[tilespmem:s20+$0x27D0] =	vst v16;
	v16 =	vsel vm13, v6, v14  }
0xa8: {  	[tilespmem:s20+$0x27E0] =	vst v16;
	v16 =	vsel vm13, v7, v15  }
0xa9: {  	[tilespmem:s20+$0x27F0] =	vst v16  }
0xaa: {  	v16 =	vld.idx.msk [tilespmem:v17+s4+$0x0], $0xffff;
	_ =	sdelay $0x4  }
0xab: {  	s29 =	sshll.u32 s26, $0x7;
	vm14 =	veq.s32 v16, $0x0  }
0xac: {  	s20 =	sand.u32 $0x3FFFFF80, s29;
	v16 =	vsel vm14, v0, v8  }
0xad: {  	[tilespmem:s20+$0x2780] =	vst v16;
	v16 =	vsel vm14, v1, v9  }
0xae: {  	s30 =	sadd.s32 $0xC, s19;
	[tilespmem:s20+$0x2790] =	vst v16;
	v16 =	vsel vm14, v2, v10  }
0xaf: {  	s31 =	sadd.s32 s16, s30;
	[tilespmem:s20+$0x27A0] =	vst v16;
	v16 =	vsel vm14, v3, v11  }
0xb0: {  	v17 =	vmov s31;
	[tilespmem:s20+$0x27B0] =	vst v16;
	v16 =	vsel vm14, v4, v12  }
0xb1: {  	[tilespmem:s20+$0x27C0] =	vst v16;
	v16 =	vsel vm14, v5, v13  }
0xb2: {  	[tilespmem:s20+$0x27D0] =	vst v16;
	v16 =	vsel vm14, v6, v14  }
0xb3: {  	[tilespmem:s20+$0x27E0] =	vst v16;
	v16 =	vsel vm14, v7, v15  }
0xb4: {  	[tilespmem:s20+$0x27F0] =	vst v16  }
0xb5: {  	v16 =	vld.idx.msk [tilespmem:v17+s4+$0x0], $0xffff;
	_ =	sdelay $0x4  }
0xb6: {  	s22 =	sshll.u32 s30, $0x7;
	vm15 =	veq.s32 v16, $0x0  }
0xb7: {  	s20 =	sand.u32 $0x3FFFFF80, s22;
	v16 =	vsel vm15, v0, v8  }
0xb8: {  	[tilespmem:s20+$0x2780] =	vst v16;
	v16 =	vsel vm15, v1, v9  }
0xb9: {  	s23 =	sadd.s32 $0xD, s19;
	[tilespmem:s20+$0x2790] =	vst v16;
	v16 =	vsel vm15, v2, v10  }
0xba: {  	s24 =	sadd.s32 s16, s23;
	[tilespmem:s20+$0x27A0] =	vst v16;
	v16 =	vsel vm15, v3, v11  }
0xbb: {  	v17 =	vmov s24;
	[tilespmem:s20+$0x27B0] =	vst v16;
	v16 =	vsel vm15, v4, v12  }
0xbc: {  	[tilespmem:s20+$0x27C0] =	vst v16;
	v16 =	vsel vm15, v5, v13  }
0xbd: {  	[tilespmem:s20+$0x27D0] =	vst v16;
	v16 =	vsel vm15, v6, v14  }
0xbe: {  	[tilespmem:s20+$0x27E0] =	vst v16;
	v16 =	vsel vm15, v7, v15  }
0xbf: {  	[tilespmem:s20+$0x27F0] =	vst v16  }
0xc0: {  	v16 =	vld.idx.msk [tilespmem:v17+s4+$0x0], $0xffff;
	_ =	sdelay $0x4  }
0xc1: {  	s25 =	sshll.u32 s23, $0x7;
	vm4 =	veq.s32 v16, $0x0  }
0xc2: {  	s20 =	sand.u32 $0x3FFFFF80, s25;
	v16 =	vsel vm4, v0, v8  }
0xc3: {  	[tilespmem:s20+$0x2780] =	vst v16;
	v16 =	vsel vm4, v1, v9  }
0xc4: {  	s26 =	sadd.s32 $0xE, s19;
	[tilespmem:s20+$0x2790] =	vst v16;
	v16 =	vsel vm4, v2, v10  }
0xc5: {  	s28 =	sadd.s32 s16, s26;
	[tilespmem:s20+$0x27A0] =	vst v16;
	v16 =	vsel vm4, v3, v11  }
0xc6: {  	v17 =	vmov s28;
	[tilespmem:s20+$0x27B0] =	vst v16;
	v16 =	vsel vm4, v4, v12  }
0xc7: {  	[tilespmem:s20+$0x27C0] =	vst v16;
	v16 =	vsel vm4, v5, v13  }
0xc8: {  	[tilespmem:s20+$0x27D0] =	vst v16;
	v16 =	vsel vm4, v6, v14  }
0xc9: {  	[tilespmem:s20+$0x27E0] =	vst v16;
	v16 =	vsel vm4, v7, v15  }
0xca: {  	[tilespmem:s20+$0x27F0] =	vst v16  }
0xcb: {  	v16 =	vld.idx.msk [tilespmem:v17+s4+$0x0], $0xffff;
	_ =	sdelay $0x4  }
0xcc: {  	s29 =	sshll.u32 s26, $0x7;
	vm5 =	veq.s32 v16, $0x0  }
0xcd: {  	s20 =	sand.u32 $0x3FFFFF80, s29;
	v16 =	vsel vm5, v0, v8  }
0xce: {  	[tilespmem:s20+$0x2780] =	vst v16;
	v16 =	vsel vm5, v1, v9  }
0xcf: {  	s30 =	sadd.s32 $0xF, s19;
	[tilespmem:s20+$0x2790] =	vst v16;
	v16 =	vsel vm5, v2, v10  }
0xd0: {  	s31 =	sadd.s32 s16, s30;
	[tilespmem:s20+$0x27A0] =	vst v16;
	v16 =	vsel vm5, v3, v11  }
0xd1: {  	v17 =	vmov s31;
	[tilespmem:s20+$0x27B0] =	vst v16;
	v16 =	vsel vm5, v4, v12  }
0xd2: {  	[tilespmem:s20+$0x27C0] =	vst v16;
	v16 =	vsel vm5, v5, v13  }
0xd3: {  	[tilespmem:s20+$0x27D0] =	vst v16;
	v16 =	vsel vm5, v6, v14  }
0xd4: {  	[tilespmem:s20+$0x27E0] =	vst v16;
	v16 =	vsel vm5, v7, v15  }
0xd5: {  	[tilespmem:s20+$0x27F0] =	vst v16  }
0xd6: {  	v16 =	vld.idx.msk [tilespmem:v17+s4+$0x0], $0xffff;
	_ =	sdelay $0x4  }
0xd7: {  	s22 =	sshll.u32 s30, $0x7;
	vm6 =	veq.s32 v16, $0x0  }
0xd8: {  	s20 =	sand.u32 $0x3FFFFF80, s22;
	v16 =	vsel vm6, v0, v8  }
0xd9: {  	[tilespmem:s20+$0x2780] =	vst v16;
	v16 =	vsel vm6, v1, v9  }
0xda: {  	s23 =	sadd.s32 $0x10, s19;
	[tilespmem:s20+$0x2790] =	vst v16;
	v16 =	vsel vm6, v2, v10  }
0xdb: {  	s24 =	sadd.s32 s16, s23;
	[tilespmem:s20+$0x27A0] =	vst v16;
	v16 =	vsel vm6, v3, v11  }
0xdc: {  	v17 =	vmov s24;
	[tilespmem:s20+$0x27B0] =	vst v16;
	v16 =	vsel vm6, v4, v12  }
0xdd: {  	[tilespmem:s20+$0x27C0] =	vst v16;
	v16 =	vsel vm6, v5, v13  }
0xde: {  	[tilespmem:s20+$0x27D0] =	vst v16;
	v16 =	vsel vm6, v6, v14  }
0xdf: {  	[tilespmem:s20+$0x27E0] =	vst v16;
	v16 =	vsel vm6, v7, v15  }
0xe0: {  	[tilespmem:s20+$0x27F0] =	vst v16  }
0xe1: {  	v16 =	vld.idx.msk [tilespmem:v17+s4+$0x0], $0xffff;
	_ =	sdelay $0x4  }
0xe2: {  	s25 =	sshll.u32 s23, $0x7;
	vm7 =	veq.s32 v16, $0x0  }
0xe3: {  	s20 =	sand.u32 $0x3FFFFF80, s25;
	v16 =	vsel vm7, v0, v8  }
0xe4: {  	[tilespmem:s20+$0x2780] =	vst v16;
	v16 =	vsel vm7, v1, v9  }
0xe5: {  	s26 =	sadd.s32 $0x11, s19;
	[tilespmem:s20+$0x2790] =	vst v16;
	v16 =	vsel vm7, v2, v10  }
0xe6: {  	s28 =	sadd.s32 s16, s26;
	[tilespmem:s20+$0x27A0] =	vst v16;
	v16 =	vsel vm7, v3, v11  }
0xe7: {  	v17 =	vmov s28;
	[tilespmem:s20+$0x27B0] =	vst v16;
	v16 =	vsel vm7, v4, v12  }
0xe8: {  	[tilespmem:s20+$0x27C0] =	vst v16;
	v16 =	vsel vm7, v5, v13  }
0xe9: {  	[tilespmem:s20+$0x27D0] =	vst v16;
	v16 =	vsel vm7, v6, v14  }
0xea: {  	[tilespmem:s20+$0x27E0] =	vst v16;
	v16 =	vsel vm7, v7, v15  }
0xeb: {  	[tilespmem:s20+$0x27F0] =	vst v16  }
0xec: {  	v16 =	vld.idx.msk [tilespmem:v17+s4+$0x0], $0xffff;
	_ =	sdelay $0x4  }
0xed: {  	s29 =	sshll.u32 s26, $0x7;
	vm8 =	veq.s32 v16, $0x0  }
0xee: {  	s20 =	sand.u32 $0x3FFFFF80, s29;
	v16 =	vsel vm8, v0, v8  }
0xef: {  	[tilespmem:s20+$0x2780] =	vst v16;
	v16 =	vsel vm8, v1, v9  }
0xf0: {  	s30 =	sadd.s32 $0x12, s19;
	[tilespmem:s20+$0x2790] =	vst v16;
	v16 =	vsel vm8, v2, v10  }
0xf1: {  	s31 =	sadd.s32 s16, s30;
	[tilespmem:s20+$0x27A0] =	vst v16;
	v16 =	vsel vm8, v3, v11  }
0xf2: {  	v17 =	vmov s31;
	[tilespmem:s20+$0x27B0] =	vst v16;
	v16 =	vsel vm8, v4, v12  }
0xf3: {  	[tilespmem:s20+$0x27C0] =	vst v16;
	v16 =	vsel vm8, v5, v13  }
0xf4: {  	[tilespmem:s20+$0x27D0] =	vst v16;
	v16 =	vsel vm8, v6, v14  }
0xf5: {  	[tilespmem:s20+$0x27E0] =	vst v16;
	v16 =	vsel vm8, v7, v15  }
0xf6: {  	[tilespmem:s20+$0x27F0] =	vst v16  }
0xf7: {  	v16 =	vld.idx.msk [tilespmem:v17+s4+$0x0], $0xffff;
	_ =	sdelay $0x4  }
0xf8: {  	s22 =	sshll.u32 s30, $0x7;
	vm9 =	veq.s32 v16, $0x0  }
0xf9: {  	s20 =	sand.u32 $0x3FFFFF80, s22;
	v16 =	vsel vm9, v0, v8  }
0xfa: {  	[tilespmem:s20+$0x2780] =	vst v16;
	v16 =	vsel vm9, v1, v9  }
0xfb: {  	s23 =	sadd.s32 $0x13, s19;
	[tilespmem:s20+$0x2790] =	vst v16;
	v16 =	vsel vm9, v2, v10  }
0xfc: {  	s24 =	sadd.s32 s16, s23;
	[tilespmem:s20+$0x27A0] =	vst v16;
	v16 =	vsel vm9, v3, v11  }
0xfd: {  	v17 =	vmov s24;
	[tilespmem:s20+$0x27B0] =	vst v16;
	v16 =	vsel vm9, v4, v12  }
0xfe: {  	[tilespmem:s20+$0x27C0] =	vst v16;
	v16 =	vsel vm9, v5, v13  }
0xff: {  	[tilespmem:s20+$0x27D0] =	vst v16;
	v16 =	vsel vm9, v6, v14  }
0x100: {  	[tilespmem:s20+$0x27E0] =	vst v16;
	v16 =	vsel vm9, v7, v15  }
0x101: {  	[tilespmem:s20+$0x27F0] =	vst v16  }
0x102: {  	v16 =	vld.idx.msk [tilespmem:v17+s4+$0x0], $0xffff;
	_ =	sdelay $0x4  }
0x103: {  	s25 =	sshll.u32 s23, $0x7;
	vm10 =	veq.s32 v16, $0x0  }
0x104: {  	s20 =	sand.u32 $0x3FFFFF80, s25;
	v16 =	vsel vm10, v0, v8  }
0x105: {  	[tilespmem:s20+$0x2780] =	vst v16;
	v16 =	vsel vm10, v1, v9  }
0x106: {  	s26 =	sadd.s32 $0x14, s19;
	[tilespmem:s20+$0x2790] =	vst v16;
	v16 =	vsel vm10, v2, v10  }
0x107: {  	s28 =	sadd.s32 s16, s26;
	[tilespmem:s20+$0x27A0] =	vst v16;
	v16 =	vsel vm10, v3, v11  }
0x108: {  	v17 =	vmov s28;
	[tilespmem:s20+$0x27B0] =	vst v16;
	v16 =	vsel vm10, v4, v12  }
0x109: {  	[tilespmem:s20+$0x27C0] =	vst v16;
	v16 =	vsel vm10, v5, v13  }
0x10a: {  	[tilespmem:s20+$0x27D0] =	vst v16;
	v16 =	vsel vm10, v6, v14  }
0x10b: {  	[tilespmem:s20+$0x27E0] =	vst v16;
	v16 =	vsel vm10, v7, v15  }
0x10c: {  	[tilespmem:s20+$0x27F0] =	vst v16  }
0x10d: {  	v16 =	vld.idx.msk [tilespmem:v17+s4+$0x0], $0xffff;
	_ =	sdelay $0x4  }
0x10e: {  	s29 =	sshll.u32 s26, $0x7;
	vm11 =	veq.s32 v16, $0x0  }
0x10f: {  	s20 =	sand.u32 $0x3FFFFF80, s29;
	v16 =	vsel vm11, v0, v8  }
0x110: {  	[tilespmem:s20+$0x2780] =	vst v16;
	v16 =	vsel vm11, v1, v9  }
0x111: {  	s30 =	sadd.s32 $0x15, s19;
	[tilespmem:s20+$0x2790] =	vst v16;
	v16 =	vsel vm11, v2, v10  }
0x112: {  	s31 =	sadd.s32 s16, s30;
	[tilespmem:s20+$0x27A0] =	vst v16;
	v16 =	vsel vm11, v3, v11  }
0x113: {  	v17 =	vmov s31;
	[tilespmem:s20+$0x27B0] =	vst v16;
	v16 =	vsel vm11, v4, v12  }
0x114: {  	[tilespmem:s20+$0x27C0] =	vst v16;
	v16 =	vsel vm11, v5, v13  }
0x115: {  	[tilespmem:s20+$0x27D0] =	vst v16;
	v16 =	vsel vm11, v6, v14  }
0x116: {  	[tilespmem:s20+$0x27E0] =	vst v16;
	v16 =	vsel vm11, v7, v15  }
0x117: {  	[tilespmem:s20+$0x27F0] =	vst v16  }
0x118: {  	v16 =	vld.idx.msk [tilespmem:v17+s4+$0x0], $0xffff;
	_ =	sdelay $0x4  }
0x119: {  	s23 =	sshll.u32 s30, $0x7;
	vm12 =	veq.s32 v16, $0x0  }
0x11a: {  	s20 =	sand.u32 $0x3FFFFF80, s23;
	v16 =	vsel vm12, v0, v8  }
0x11b: {  	[tilespmem:s20+$0x2780] =	vst v16;
	v16 =	vsel vm12, v1, v9  }
0x11c: {  	s24 =	sadd.s32 $0x16, s19;
	[tilespmem:s20+$0x2790] =	vst v16;
	v16 =	vsel vm12, v2, v10  }
0x11d: {  	s25 =	sadd.s32 s16, s24;
	[tilespmem:s20+$0x27A0] =	vst v16;
	v16 =	vsel vm12, v3, v11  }
0x11e: {  	v17 =	vmov s25;
	[tilespmem:s20+$0x27B0] =	vst v16;
	v16 =	vsel vm12, v4, v12  }
0x11f: {  	[tilespmem:s20+$0x27C0] =	vst v16;
	v16 =	vsel vm12, v5, v13  }
0x120: {  	[tilespmem:s20+$0x27D0] =	vst v16;
	v16 =	vsel vm12, v6, v14  }
0x121: {  	[tilespmem:s20+$0x27E0] =	vst v16;
	v16 =	vsel vm12, v7, v15  }
0x122: {  	[tilespmem:s20+$0x27F0] =	vst v16  }
0x123: {  	v16 =	vld.idx.msk [tilespmem:v17+s4+$0x0], $0xffff;
	_ =	sdelay $0x4  }
0x124: {  	s26 =	sshll.u32 s24, $0x7;
	vm13 =	veq.s32 v16, $0x0  }
0x125: {  	s20 =	sand.u32 $0x3FFFFF80, s26;
	v16 =	vsel vm13, v0, v8  }
0x126: {  	[tilespmem:s20+$0x2780] =	vst v16;
	v16 =	vsel vm13, v1, v9  }
0x127: {  	s28 =	sadd.s32 $0x17, s19;
	[tilespmem:s20+$0x2790] =	vst v16;
	v16 =	vsel vm13, v2, v10  }
0x128: {  	s29 =	sadd.s32 s16, s28;
	[tilespmem:s20+$0x27A0] =	vst v16;
	v16 =	vsel vm13, v3, v11  }
0x129: {  	v17 =	vmov s29;
	[tilespmem:s20+$0x27B0] =	vst v16;
	v16 =	vsel vm13, v4, v12  }
0x12a: {  	[tilespmem:s20+$0x27C0] =	vst v16;
	v16 =	vsel vm13, v5, v13  }
0x12b: {  	[tilespmem:s20+$0x27D0] =	vst v16;
	v16 =	vsel vm13, v6, v14  }
0x12c: {  	[tilespmem:s20+$0x27E0] =	vst v16;
	v16 =	vsel vm13, v7, v15  }
0x12d: {  	[tilespmem:s20+$0x27F0] =	vst v16  }
0x12e: {  	v16 =	vld.idx.msk [tilespmem:v17+s4+$0x0], $0xffff;
	_ =	sdelay $0x4  }
0x12f: {  	s30 =	sshll.u32 s28, $0x7;
	vm14 =	veq.s32 v16, $0x0  }
0x130: {  	s20 =	sand.u32 $0x3FFFFF80, s30;
	v16 =	vsel vm14, v0, v8  }
0x131: {  	[tilespmem:s20+$0x2780] =	vst v16;
	v16 =	vsel vm14, v1, v9  }
0x132: {  	s19 =	sadd.s32 $0x18, s19;
	[tilespmem:s20+$0x2790] =	vst v16;
	v16 =	vsel vm14, v2, v10  }
0x133: {  	s31 =	sadd.s32 s16, s19;
	[tilespmem:s20+$0x27A0] =	vst v16;
	v16 =	vsel vm14, v3, v11  }
0x134: {  	v17 =	vmov s31;
	[tilespmem:s20+$0x27B0] =	vst v16;
	v16 =	vsel vm14, v4, v12  }
0x135: {  	[tilespmem:s20+$0x27C0] =	vst v16;
	v16 =	vsel vm14, v5, v13  }
0x136: {  	[tilespmem:s20+$0x27D0] =	vst v16;
	v16 =	vsel vm14, v6, v14  }
0x137: {  	[tilespmem:s20+$0x27E0] =	vst v16;
	v16 =	vsel vm14, v7, v15  }
0x138: {  	[tilespmem:s20+$0x27F0] =	vst v16  }
0x139: {  	v16 =	vld.idx.msk [tilespmem:v17+s4+$0x0], $0xffff;
	_ =	sdelay $0x4  }
0x13a: {  	s19 =	sshll.u32 s19, $0x7;
	vm15 =	veq.s32 v16, $0x0  }
0x13b: {  	s19 =	sand.u32 $0x3FFFFF80, s19;
	v16 =	vsel vm15, v0, v8  }
0x13c: {  	[tilespmem:s19+$0x2780] =	vst v16;
	v16 =	vsel vm15, v1, v9  }
0x13d: {  	[tilespmem:s19+$0x2790] =	vst v16;
	v16 =	vsel vm15, v2, v10  }
0x13e: {  	p1 =	sne.s32 s18, $0x7;
	[tilespmem:s19+$0x27A0] =	vst v16;
	v16 =	vsel vm15, v3, v11  }
.Ltmp0:
0x13f: {  	[tilespmem:s19+$0x27B0] =	vst v16;
	v16 =	vsel vm15, v4, v12;
	(pc) =	sbr.rel @p1 .LBB2_3-.Ltmp0, $4  }
0x140: {  	[tilespmem:s19+$0x27C0] =	vst v16;
	v16 =	vsel vm15, v5, v13  }
0x141: {  	[tilespmem:s19+$0x27D0] =	vst v16;
	v16 =	vsel vm15, v6, v14  }
0x142: {  	[tilespmem:s19+$0x27E0] =	vst v16;
	v16 =	vsel vm15, v7, v15  }
0x143: {  	s18 =	sadd.s32 $0x1, s18;
	[tilespmem:s19+$0x27F0] =	vst v16  }
0x144: {  	s17 =	sshll.u32 s17, $0x4  }
0x145: {  	s18 =	simm.s32 @!p0 $0x2;
	s17 =	sadd.s32 s3, s17  }
0x146: {  	[hbm4b:s17+s4] =	stream.linear.scatter [tilespmem:s10], [sflag:$0x1], $0x6400, $0x38;
	[tilespmem:$0xF080] =	vst v63  }
0x147: {  	_ =	swait.ge @!p0 [sflag:s18], $0x6400  }
0x148: {  	s16 =	sadd.s32 $0xC8, s16;
	[sflag:s18] =	ssyncset.done @!p0 $0x0  }
0x149: {  	s17 =	sadd.s32 s5, s16;
	[sflag:s18] =	ssyncadd.s32 @!p0 $0xFFFF9C00;
	s18 =	simm.s32 $0x0  }
.LBB2_5:
0x14a: {  	s19 =	smul.u32 $0x19, s18;
	_ =	sdelay $0x1  }
0x14b: {  	s20 =	sadd.s32 s16, s19  }
0x14c: {  	v16 =	vmov s20;
	_ =	sdelay $0x4  }
0x14d: {  	v16 =	vld.idx.msk [tilespmem:v16+s4+$0x0], $0xffff;
	_ =	sdelay $0x3  }
0x14e: {  	s24 =	smul.u32 $0x3200, s18  }
0x14f: {  	vm0 =	veq.s32 v16, $0x0  }
0x150: {  	s20 =	sshra.s32 s24, $0x2;
	v16 =	vsel vm0, v0, v8  }
0x151: {  	[tilespmem:s20+$0x8B80] =	vst v16;
	v16 =	vsel vm0, v1, v9  }
0x152: {  	s21 =	sadd.s32 $0x1, s19;
	[tilespmem:s20+$0x8B90] =	vst v16;
	v16 =	vsel vm0, v2, v10  }
0x153: {  	s22 =	sadd.s32 s16, s21;
	[tilespmem:s20+$0x8BA0] =	vst v16;
	v16 =	vsel vm0, v3, v11  }
0x154: {  	v17 =	vmov s22;
	[tilespmem:s20+$0x8BB0] =	vst v16;
	v16 =	vsel vm0, v4, v12  }
0x155: {  	[tilespmem:s20+$0x8BC0] =	vst v16;
	v16 =	vsel vm0, v5, v13  }
0x156: {  	[tilespmem:s20+$0x8BD0] =	vst v16;
	v16 =	vsel vm0, v6, v14  }
0x157: {  	[tilespmem:s20+$0x8BE0] =	vst v16;
	v16 =	vsel vm0, v7, v15  }
0x158: {  	[tilespmem:s20+$0x8BF0] =	vst v16  }
0x159: {  	v16 =	vld.idx.msk [tilespmem:v17+s4+$0x0], $0xffff;
	_ =	sdelay $0x4  }
0x15a: {  	s25 =	sshll.u32 s21, $0x7;
	vm4 =	veq.s32 v16, $0x0  }
0x15b: {  	s20 =	sand.u32 $0x3FFFFF80, s25;
	v16 =	vsel vm4, v0, v8  }
0x15c: {  	[tilespmem:s20+$0x8B80] =	vst v16;
	v16 =	vsel vm4, v1, v9  }
0x15d: {  	s26 =	sadd.s32 $0x2, s19;
	[tilespmem:s20+$0x8B90] =	vst v16;
	v16 =	vsel vm4, v2, v10  }
0x15e: {  	s28 =	sadd.s32 s16, s26;
	[tilespmem:s20+$0x8BA0] =	vst v16;
	v16 =	vsel vm4, v3, v11  }
0x15f: {  	v17 =	vmov s28;
	[tilespmem:s20+$0x8BB0] =	vst v16;
	v16 =	vsel vm4, v4, v12  }
0x160: {  	[tilespmem:s20+$0x8BC0] =	vst v16;
	v16 =	vsel vm4, v5, v13  }
0x161: {  	[tilespmem:s20+$0x8BD0] =	vst v16;
	v16 =	vsel vm4, v6, v14  }
0x162: {  	[tilespmem:s20+$0x8BE0] =	vst v16;
	v16 =	vsel vm4, v7, v15  }
0x163: {  	[tilespmem:s20+$0x8BF0] =	vst v16  }
0x164: {  	v16 =	vld.idx.msk [tilespmem:v17+s4+$0x0], $0xffff;
	_ =	sdelay $0x4  }
0x165: {  	s29 =	sshll.u32 s26, $0x7;
	vm5 =	veq.s32 v16, $0x0  }
0x166: {  	s20 =	sand.u32 $0x3FFFFF80, s29;
	v16 =	vsel vm5, v0, v8  }
0x167: {  	[tilespmem:s20+$0x8B80] =	vst v16;
	v16 =	vsel vm5, v1, v9  }
0x168: {  	s30 =	sadd.s32 $0x3, s19;
	[tilespmem:s20+$0x8B90] =	vst v16;
	v16 =	vsel vm5, v2, v10  }
0x169: {  	s31 =	sadd.s32 s16, s30;
	[tilespmem:s20+$0x8BA0] =	vst v16;
	v16 =	vsel vm5, v3, v11  }
0x16a: {  	v17 =	vmov s31;
	[tilespmem:s20+$0x8BB0] =	vst v16;
	v16 =	vsel vm5, v4, v12  }
0x16b: {  	[tilespmem:s20+$0x8BC0] =	vst v16;
	v16 =	vsel vm5, v5, v13  }
0x16c: {  	[tilespmem:s20+$0x8BD0] =	vst v16;
	v16 =	vsel vm5, v6, v14  }
0x16d: {  	[tilespmem:s20+$0x8BE0] =	vst v16;
	v16 =	vsel vm5, v7, v15  }
0x16e: {  	[tilespmem:s20+$0x8BF0] =	vst v16  }
0x16f: {  	v16 =	vld.idx.msk [tilespmem:v17+s4+$0x0], $0xffff;
	_ =	sdelay $0x4  }
0x170: {  	s22 =	sshll.u32 s30, $0x7;
	vm6 =	veq.s32 v16, $0x0  }
0x171: {  	s20 =	sand.u32 $0x3FFFFF80, s22;
	v16 =	vsel vm6, v0, v8  }
0x172: {  	[tilespmem:s20+$0x8B80] =	vst v16;
	v16 =	vsel vm6, v1, v9  }
0x173: {  	s23 =	sadd.s32 $0x4, s19;
	[tilespmem:s20+$0x8B90] =	vst v16;
	v16 =	vsel vm6, v2, v10  }
0x174: {  	s24 =	sadd.s32 s16, s23;
	[tilespmem:s20+$0x8BA0] =	vst v16;
	v16 =	vsel vm6, v3, v11  }
0x175: {  	v17 =	vmov s24;
	[tilespmem:s20+$0x8BB0] =	vst v16;
	v16 =	vsel vm6, v4, v12  }
0x176: {  	[tilespmem:s20+$0x8BC0] =	vst v16;
	v16 =	vsel vm6, v5, v13  }
0x177: {  	[tilespmem:s20+$0x8BD0] =	vst v16;
	v16 =	vsel vm6, v6, v14  }
0x178: {  	[tilespmem:s20+$0x8BE0] =	vst v16;
	v16 =	vsel vm6, v7, v15  }
0x179: {  	[tilespmem:s20+$0x8BF0] =	vst v16  }
0x17a: {  	v16 =	vld.idx.msk [tilespmem:v17+s4+$0x0], $0xffff;
	_ =	sdelay $0x4  }
0x17b: {  	s25 =	sshll.u32 s23, $0x7;
	vm7 =	veq.s32 v16, $0x0  }
0x17c: {  	s20 =	sand.u32 $0x3FFFFF80, s25;
	v16 =	vsel vm7, v0, v8  }
0x17d: {  	[tilespmem:s20+$0x8B80] =	vst v16;
	v16 =	vsel vm7, v1, v9  }
0x17e: {  	s26 =	sadd.s32 $0x5, s19;
	[tilespmem:s20+$0x8B90] =	vst v16;
	v16 =	vsel vm7, v2, v10  }
0x17f: {  	s28 =	sadd.s32 s16, s26;
	[tilespmem:s20+$0x8BA0] =	vst v16;
	v16 =	vsel vm7, v3, v11  }
0x180: {  	v17 =	vmov s28;
	[tilespmem:s20+$0x8BB0] =	vst v16;
	v16 =	vsel vm7, v4, v12  }
0x181: {  	[tilespmem:s20+$0x8BC0] =	vst v16;
	v16 =	vsel vm7, v5, v13  }
0x182: {  	[tilespmem:s20+$0x8BD0] =	vst v16;
	v16 =	vsel vm7, v6, v14  }
0x183: {  	[tilespmem:s20+$0x8BE0] =	vst v16;
	v16 =	vsel vm7, v7, v15  }
0x184: {  	[tilespmem:s20+$0x8BF0] =	vst v16  }
0x185: {  	v16 =	vld.idx.msk [tilespmem:v17+s4+$0x0], $0xffff;
	_ =	sdelay $0x4  }
0x186: {  	s29 =	sshll.u32 s26, $0x7;
	vm8 =	veq.s32 v16, $0x0  }
0x187: {  	s20 =	sand.u32 $0x3FFFFF80, s29;
	v16 =	vsel vm8, v0, v8  }
0x188: {  	[tilespmem:s20+$0x8B80] =	vst v16;
	v16 =	vsel vm8, v1, v9  }
0x189: {  	s30 =	sadd.s32 $0x6, s19;
	[tilespmem:s20+$0x8B90] =	vst v16;
	v16 =	vsel vm8, v2, v10  }
0x18a: {  	s31 =	sadd.s32 s16, s30;
	[tilespmem:s20+$0x8BA0] =	vst v16;
	v16 =	vsel vm8, v3, v11  }
0x18b: {  	v17 =	vmov s31;
	[tilespmem:s20+$0x8BB0] =	vst v16;
	v16 =	vsel vm8, v4, v12  }
0x18c: {  	[tilespmem:s20+$0x8BC0] =	vst v16;
	v16 =	vsel vm8, v5, v13  }
0x18d: {  	[tilespmem:s20+$0x8BD0] =	vst v16;
	v16 =	vsel vm8, v6, v14  }
0x18e: {  	[tilespmem:s20+$0x8BE0] =	vst v16;
	v16 =	vsel vm8, v7, v15  }
0x18f: {  	[tilespmem:s20+$0x8BF0] =	vst v16  }
0x190: {  	v16 =	vld.idx.msk [tilespmem:v17+s4+$0x0], $0xffff;
	_ =	sdelay $0x4  }
0x191: {  	s22 =	sshll.u32 s30, $0x7;
	vm9 =	veq.s32 v16, $0x0  }
0x192: {  	s20 =	sand.u32 $0x3FFFFF80, s22;
	v16 =	vsel vm9, v0, v8  }
0x193: {  	[tilespmem:s20+$0x8B80] =	vst v16;
	v16 =	vsel vm9, v1, v9  }
0x194: {  	s23 =	sadd.s32 $0x7, s19;
	[tilespmem:s20+$0x8B90] =	vst v16;
	v16 =	vsel vm9, v2, v10  }
0x195: {  	s24 =	sadd.s32 s16, s23;
	[tilespmem:s20+$0x8BA0] =	vst v16;
	v16 =	vsel vm9, v3, v11  }
0x196: {  	v17 =	vmov s24;
	[tilespmem:s20+$0x8BB0] =	vst v16;
	v16 =	vsel vm9, v4, v12  }
0x197: {  	[tilespmem:s20+$0x8BC0] =	vst v16;
	v16 =	vsel vm9, v5, v13  }
0x198: {  	[tilespmem:s20+$0x8BD0] =	vst v16;
	v16 =	vsel vm9, v6, v14  }
0x199: {  	[tilespmem:s20+$0x8BE0] =	vst v16;
	v16 =	vsel vm9, v7, v15  }
0x19a: {  	[tilespmem:s20+$0x8BF0] =	vst v16  }
0x19b: {  	v16 =	vld.idx.msk [tilespmem:v17+s4+$0x0], $0xffff;
	_ =	sdelay $0x4  }
0x19c: {  	s25 =	sshll.u32 s23, $0x7;
	vm10 =	veq.s32 v16, $0x0  }
0x19d: {  	s20 =	sand.u32 $0x3FFFFF80, s25;
	v16 =	vsel vm10, v0, v8  }
0x19e: {  	[tilespmem:s20+$0x8B80] =	vst v16;
	v16 =	vsel vm10, v1, v9  }
0x19f: {  	s26 =	sadd.s32 $0x8, s19;
	[tilespmem:s20+$0x8B90] =	vst v16;
	v16 =	vsel vm10, v2, v10  }
0x1a0: {  	s28 =	sadd.s32 s16, s26;
	[tilespmem:s20+$0x8BA0] =	vst v16;
	v16 =	vsel vm10, v3, v11  }
0x1a1: {  	v17 =	vmov s28;
	[tilespmem:s20+$0x8BB0] =	vst v16;
	v16 =	vsel vm10, v4, v12  }
0x1a2: {  	[tilespmem:s20+$0x8BC0] =	vst v16;
	v16 =	vsel vm10, v5, v13  }
0x1a3: {  	[tilespmem:s20+$0x8BD0] =	vst v16;
	v16 =	vsel vm10, v6, v14  }
0x1a4: {  	[tilespmem:s20+$0x8BE0] =	vst v16;
	v16 =	vsel vm10, v7, v15  }
0x1a5: {  	[tilespmem:s20+$0x8BF0] =	vst v16  }
0x1a6: {  	v16 =	vld.idx.msk [tilespmem:v17+s4+$0x0], $0xffff;
	_ =	sdelay $0x4  }
0x1a7: {  	s29 =	sshll.u32 s26, $0x7;
	vm11 =	veq.s32 v16, $0x0  }
0x1a8: {  	s20 =	sand.u32 $0x3FFFFF80, s29;
	v16 =	vsel vm11, v0, v8  }
0x1a9: {  	[tilespmem:s20+$0x8B80] =	vst v16;
	v16 =	vsel vm11, v1, v9  }
0x1aa: {  	s30 =	sadd.s32 $0x9, s19;
	[tilespmem:s20+$0x8B90] =	vst v16;
	v16 =	vsel vm11, v2, v10  }
0x1ab: {  	s31 =	sadd.s32 s16, s30;
	[tilespmem:s20+$0x8BA0] =	vst v16;
	v16 =	vsel vm11, v3, v11  }
0x1ac: {  	v17 =	vmov s31;
	[tilespmem:s20+$0x8BB0] =	vst v16;
	v16 =	vsel vm11, v4, v12  }
0x1ad: {  	[tilespmem:s20+$0x8BC0] =	vst v16;
	v16 =	vsel vm11, v5, v13  }
0x1ae: {  	[tilespmem:s20+$0x8BD0] =	vst v16;
	v16 =	vsel vm11, v6, v14  }
0x1af: {  	[tilespmem:s20+$0x8BE0] =	vst v16;
	v16 =	vsel vm11, v7, v15  }
0x1b0: {  	[tilespmem:s20+$0x8BF0] =	vst v16  }
0x1b1: {  	v16 =	vld.idx.msk [tilespmem:v17+s4+$0x0], $0xffff;
	_ =	sdelay $0x4  }
0x1b2: {  	s22 =	sshll.u32 s30, $0x7;
	vm12 =	veq.s32 v16, $0x0  }
0x1b3: {  	s20 =	sand.u32 $0x3FFFFF80, s22;
	v16 =	vsel vm12, v0, v8  }
0x1b4: {  	[tilespmem:s20+$0x8B80] =	vst v16;
	v16 =	vsel vm12, v1, v9  }
0x1b5: {  	s23 =	sadd.s32 $0xA, s19;
	[tilespmem:s20+$0x8B90] =	vst v16;
	v16 =	vsel vm12, v2, v10  }
0x1b6: {  	s24 =	sadd.s32 s16, s23;
	[tilespmem:s20+$0x8BA0] =	vst v16;
	v16 =	vsel vm12, v3, v11  }
0x1b7: {  	v17 =	vmov s24;
	[tilespmem:s20+$0x8BB0] =	vst v16;
	v16 =	vsel vm12, v4, v12  }
0x1b8: {  	[tilespmem:s20+$0x8BC0] =	vst v16;
	v16 =	vsel vm12, v5, v13  }
0x1b9: {  	[tilespmem:s20+$0x8BD0] =	vst v16;
	v16 =	vsel vm12, v6, v14  }
0x1ba: {  	[tilespmem:s20+$0x8BE0] =	vst v16;
	v16 =	vsel vm12, v7, v15  }
0x1bb: {  	[tilespmem:s20+$0x8BF0] =	vst v16  }
0x1bc: {  	v16 =	vld.idx.msk [tilespmem:v17+s4+$0x0], $0xffff;
	_ =	sdelay $0x4  }
0x1bd: {  	s25 =	sshll.u32 s23, $0x7;
	vm13 =	veq.s32 v16, $0x0  }
0x1be: {  	s20 =	sand.u32 $0x3FFFFF80, s25;
	v16 =	vsel vm13, v0, v8  }
0x1bf: {  	[tilespmem:s20+$0x8B80] =	vst v16;
	v16 =	vsel vm13, v1, v9  }
0x1c0: {  	s26 =	sadd.s32 $0xB, s19;
	[tilespmem:s20+$0x8B90] =	vst v16;
	v16 =	vsel vm13, v2, v10  }
0x1c1: {  	s28 =	sadd.s32 s16, s26;
	[tilespmem:s20+$0x8BA0] =	vst v16;
	v16 =	vsel vm13, v3, v11  }
0x1c2: {  	v17 =	vmov s28;
	[tilespmem:s20+$0x8BB0] =	vst v16;
	v16 =	vsel vm13, v4, v12  }
0x1c3: {  	[tilespmem:s20+$0x8BC0] =	vst v16;
	v16 =	vsel vm13, v5, v13  }
0x1c4: {  	[tilespmem:s20+$0x8BD0] =	vst v16;
	v16 =	vsel vm13, v6, v14  }
0x1c5: {  	[tilespmem:s20+$0x8BE0] =	vst v16;
	v16 =	vsel vm13, v7, v15  }
0x1c6: {  	[tilespmem:s20+$0x8BF0] =	vst v16  }
0x1c7: {  	v16 =	vld.idx.msk [tilespmem:v17+s4+$0x0], $0xffff;
	_ =	sdelay $0x4  }
0x1c8: {  	s29 =	sshll.u32 s26, $0x7;
	vm14 =	veq.s32 v16, $0x0  }
0x1c9: {  	s20 =	sand.u32 $0x3FFFFF80, s29;
	v16 =	vsel vm14, v0, v8  }
0x1ca: {  	[tilespmem:s20+$0x8B80] =	vst v16;
	v16 =	vsel vm14, v1, v9  }
0x1cb: {  	s30 =	sadd.s32 $0xC, s19;
	[tilespmem:s20+$0x8B90] =	vst v16;
	v16 =	vsel vm14, v2, v10  }
0x1cc: {  	s31 =	sadd.s32 s16, s30;
	[tilespmem:s20+$0x8BA0] =	vst v16;
	v16 =	vsel vm14, v3, v11  }
0x1cd: {  	v17 =	vmov s31;
	[tilespmem:s20+$0x8BB0] =	vst v16;
	v16 =	vsel vm14, v4, v12  }
0x1ce: {  	[tilespmem:s20+$0x8BC0] =	vst v16;
	v16 =	vsel vm14, v5, v13  }
0x1cf: {  	[tilespmem:s20+$0x8BD0] =	vst v16;
	v16 =	vsel vm14, v6, v14  }
0x1d0: {  	[tilespmem:s20+$0x8BE0] =	vst v16;
	v16 =	vsel vm14, v7, v15  }
0x1d1: {  	[tilespmem:s20+$0x8BF0] =	vst v16  }
0x1d2: {  	v16 =	vld.idx.msk [tilespmem:v17+s4+$0x0], $0xffff;
	_ =	sdelay $0x4  }
0x1d3: {  	s22 =	sshll.u32 s30, $0x7;
	vm15 =	veq.s32 v16, $0x0  }
0x1d4: {  	s20 =	sand.u32 $0x3FFFFF80, s22;
	v16 =	vsel vm15, v0, v8  }
0x1d5: {  	[tilespmem:s20+$0x8B80] =	vst v16;
	v16 =	vsel vm15, v1, v9  }
0x1d6: {  	s23 =	sadd.s32 $0xD, s19;
	[tilespmem:s20+$0x8B90] =	vst v16;
	v16 =	vsel vm15, v2, v10  }
0x1d7: {  	s24 =	sadd.s32 s16, s23;
	[tilespmem:s20+$0x8BA0] =	vst v16;
	v16 =	vsel vm15, v3, v11  }
0x1d8: {  	v17 =	vmov s24;
	[tilespmem:s20+$0x8BB0] =	vst v16;
	v16 =	vsel vm15, v4, v12  }
0x1d9: {  	[tilespmem:s20+$0x8BC0] =	vst v16;
	v16 =	vsel vm15, v5, v13  }
0x1da: {  	[tilespmem:s20+$0x8BD0] =	vst v16;
	v16 =	vsel vm15, v6, v14  }
0x1db: {  	[tilespmem:s20+$0x8BE0] =	vst v16;
	v16 =	vsel vm15, v7, v15  }
0x1dc: {  	[tilespmem:s20+$0x8BF0] =	vst v16  }
0x1dd: {  	v16 =	vld.idx.msk [tilespmem:v17+s4+$0x0], $0xffff;
	_ =	sdelay $0x4  }
0x1de: {  	s25 =	sshll.u32 s23, $0x7;
	vm4 =	veq.s32 v16, $0x0  }
0x1df: {  	s20 =	sand.u32 $0x3FFFFF80, s25;
	v16 =	vsel vm4, v0, v8  }
0x1e0: {  	[tilespmem:s20+$0x8B80] =	vst v16;
	v16 =	vsel vm4, v1, v9  }
0x1e1: {  	s26 =	sadd.s32 $0xE, s19;
	[tilespmem:s20+$0x8B90] =	vst v16;
	v16 =	vsel vm4, v2, v10  }
0x1e2: {  	s28 =	sadd.s32 s16, s26;
	[tilespmem:s20+$0x8BA0] =	vst v16;
	v16 =	vsel vm4, v3, v11  }
0x1e3: {  	v17 =	vmov s28;
	[tilespmem:s20+$0x8BB0] =	vst v16;
	v16 =	vsel vm4, v4, v12  }
0x1e4: {  	[tilespmem:s20+$0x8BC0] =	vst v16;
	v16 =	vsel vm4, v5, v13  }
0x1e5: {  	[tilespmem:s20+$0x8BD0] =	vst v16;
	v16 =	vsel vm4, v6, v14  }
0x1e6: {  	[tilespmem:s20+$0x8BE0] =	vst v16;
	v16 =	vsel vm4, v7, v15  }
0x1e7: {  	[tilespmem:s20+$0x8BF0] =	vst v16  }
0x1e8: {  	v16 =	vld.idx.msk [tilespmem:v17+s4+$0x0], $0xffff;
	_ =	sdelay $0x4  }
0x1e9: {  	s29 =	sshll.u32 s26, $0x7;
	vm5 =	veq.s32 v16, $0x0  }
0x1ea: {  	s20 =	sand.u32 $0x3FFFFF80, s29;
	v16 =	vsel vm5, v0, v8  }
0x1eb: {  	[tilespmem:s20+$0x8B80] =	vst v16;
	v16 =	vsel vm5, v1, v9  }
0x1ec: {  	s30 =	sadd.s32 $0xF, s19;
	[tilespmem:s20+$0x8B90] =	vst v16;
	v16 =	vsel vm5, v2, v10  }
0x1ed: {  	s31 =	sadd.s32 s16, s30;
	[tilespmem:s20+$0x8BA0] =	vst v16;
	v16 =	vsel vm5, v3, v11  }
0x1ee: {  	v17 =	vmov s31;
	[tilespmem:s20+$0x8BB0] =	vst v16;
	v16 =	vsel vm5, v4, v12  }
0x1ef: {  	[tilespmem:s20+$0x8BC0] =	vst v16;
	v16 =	vsel vm5, v5, v13  }
0x1f0: {  	[tilespmem:s20+$0x8BD0] =	vst v16;
	v16 =	vsel vm5, v6, v14  }
0x1f1: {  	[tilespmem:s20+$0x8BE0] =	vst v16;
	v16 =	vsel vm5, v7, v15  }
0x1f2: {  	[tilespmem:s20+$0x8BF0] =	vst v16  }
0x1f3: {  	v16 =	vld.idx.msk [tilespmem:v17+s4+$0x0], $0xffff;
	_ =	sdelay $0x4  }
0x1f4: {  	s22 =	sshll.u32 s30, $0x7;
	vm6 =	veq.s32 v16, $0x0  }
0x1f5: {  	s20 =	sand.u32 $0x3FFFFF80, s22;
	v16 =	vsel vm6, v0, v8  }
0x1f6: {  	[tilespmem:s20+$0x8B80] =	vst v16;
	v16 =	vsel vm6, v1, v9  }
0x1f7: {  	s23 =	sadd.s32 $0x10, s19;
	[tilespmem:s20+$0x8B90] =	vst v16;
	v16 =	vsel vm6, v2, v10  }
0x1f8: {  	s24 =	sadd.s32 s16, s23;
	[tilespmem:s20+$0x8BA0] =	vst v16;
	v16 =	vsel vm6, v3, v11  }
0x1f9: {  	v17 =	vmov s24;
	[tilespmem:s20+$0x8BB0] =	vst v16;
	v16 =	vsel vm6, v4, v12  }
0x1fa: {  	[tilespmem:s20+$0x8BC0] =	vst v16;
	v16 =	vsel vm6, v5, v13  }
0x1fb: {  	[tilespmem:s20+$0x8BD0] =	vst v16;
	v16 =	vsel vm6, v6, v14  }
0x1fc: {  	[tilespmem:s20+$0x8BE0] =	vst v16;
	v16 =	vsel vm6, v7, v15  }
0x1fd: {  	[tilespmem:s20+$0x8BF0] =	vst v16  }
0x1fe: {  	v16 =	vld.idx.msk [tilespmem:v17+s4+$0x0], $0xffff;
	_ =	sdelay $0x4  }
0x1ff: {  	s25 =	sshll.u32 s23, $0x7;
	vm7 =	veq.s32 v16, $0x0  }
0x200: {  	s20 =	sand.u32 $0x3FFFFF80, s25;
	v16 =	vsel vm7, v0, v8  }
0x201: {  	[tilespmem:s20+$0x8B80] =	vst v16;
	v16 =	vsel vm7, v1, v9  }
0x202: {  	s26 =	sadd.s32 $0x11, s19;
	[tilespmem:s20+$0x8B90] =	vst v16;
	v16 =	vsel vm7, v2, v10  }
0x203: {  	s28 =	sadd.s32 s16, s26;
	[tilespmem:s20+$0x8BA0] =	vst v16;
	v16 =	vsel vm7, v3, v11  }
0x204: {  	v17 =	vmov s28;
	[tilespmem:s20+$0x8BB0] =	vst v16;
	v16 =	vsel vm7, v4, v12  }
0x205: {  	[tilespmem:s20+$0x8BC0] =	vst v16;
	v16 =	vsel vm7, v5, v13  }
0x206: {  	[tilespmem:s20+$0x8BD0] =	vst v16;
	v16 =	vsel vm7, v6, v14  }
0x207: {  	[tilespmem:s20+$0x8BE0] =	vst v16;
	v16 =	vsel vm7, v7, v15  }
0x208: {  	[tilespmem:s20+$0x8BF0] =	vst v16  }
0x209: {  	v16 =	vld.idx.msk [tilespmem:v17+s4+$0x0], $0xffff;
	_ =	sdelay $0x4  }
0x20a: {  	s29 =	sshll.u32 s26, $0x7;
	vm8 =	veq.s32 v16, $0x0  }
0x20b: {  	s20 =	sand.u32 $0x3FFFFF80, s29;
	v16 =	vsel vm8, v0, v8  }
0x20c: {  	[tilespmem:s20+$0x8B80] =	vst v16;
	v16 =	vsel vm8, v1, v9  }
0x20d: {  	s30 =	sadd.s32 $0x12, s19;
	[tilespmem:s20+$0x8B90] =	vst v16;
	v16 =	vsel vm8, v2, v10  }
0x20e: {  	s31 =	sadd.s32 s16, s30;
	[tilespmem:s20+$0x8BA0] =	vst v16;
	v16 =	vsel vm8, v3, v11  }
0x20f: {  	v17 =	vmov s31;
	[tilespmem:s20+$0x8BB0] =	vst v16;
	v16 =	vsel vm8, v4, v12  }
0x210: {  	[tilespmem:s20+$0x8BC0] =	vst v16;
	v16 =	vsel vm8, v5, v13  }
0x211: {  	[tilespmem:s20+$0x8BD0] =	vst v16;
	v16 =	vsel vm8, v6, v14  }
0x212: {  	[tilespmem:s20+$0x8BE0] =	vst v16;
	v16 =	vsel vm8, v7, v15  }
0x213: {  	[tilespmem:s20+$0x8BF0] =	vst v16  }
0x214: {  	v16 =	vld.idx.msk [tilespmem:v17+s4+$0x0], $0xffff;
	_ =	sdelay $0x4  }
0x215: {  	s22 =	sshll.u32 s30, $0x7;
	vm9 =	veq.s32 v16, $0x0  }
0x216: {  	s20 =	sand.u32 $0x3FFFFF80, s22;
	v16 =	vsel vm9, v0, v8  }
0x217: {  	[tilespmem:s20+$0x8B80] =	vst v16;
	v16 =	vsel vm9, v1, v9  }
0x218: {  	s23 =	sadd.s32 $0x13, s19;
	[tilespmem:s20+$0x8B90] =	vst v16;
	v16 =	vsel vm9, v2, v10  }
0x219: {  	s24 =	sadd.s32 s16, s23;
	[tilespmem:s20+$0x8BA0] =	vst v16;
	v16 =	vsel vm9, v3, v11  }
0x21a: {  	v17 =	vmov s24;
	[tilespmem:s20+$0x8BB0] =	vst v16;
	v16 =	vsel vm9, v4, v12  }
0x21b: {  	[tilespmem:s20+$0x8BC0] =	vst v16;
	v16 =	vsel vm9, v5, v13  }
0x21c: {  	[tilespmem:s20+$0x8BD0] =	vst v16;
	v16 =	vsel vm9, v6, v14  }
0x21d: {  	[tilespmem:s20+$0x8BE0] =	vst v16;
	v16 =	vsel vm9, v7, v15  }
0x21e: {  	[tilespmem:s20+$0x8BF0] =	vst v16  }
0x21f: {  	v16 =	vld.idx.msk [tilespmem:v17+s4+$0x0], $0xffff;
	_ =	sdelay $0x4  }
0x220: {  	s25 =	sshll.u32 s23, $0x7;
	vm10 =	veq.s32 v16, $0x0  }
0x221: {  	s20 =	sand.u32 $0x3FFFFF80, s25;
	v16 =	vsel vm10, v0, v8  }
0x222: {  	[tilespmem:s20+$0x8B80] =	vst v16;
	v16 =	vsel vm10, v1, v9  }
0x223: {  	s26 =	sadd.s32 $0x14, s19;
	[tilespmem:s20+$0x8B90] =	vst v16;
	v16 =	vsel vm10, v2, v10  }
0x224: {  	s28 =	sadd.s32 s16, s26;
	[tilespmem:s20+$0x8BA0] =	vst v16;
	v16 =	vsel vm10, v3, v11  }
0x225: {  	v17 =	vmov s28;
	[tilespmem:s20+$0x8BB0] =	vst v16;
	v16 =	vsel vm10, v4, v12  }
0x226: {  	[tilespmem:s20+$0x8BC0] =	vst v16;
	v16 =	vsel vm10, v5, v13  }
0x227: {  	[tilespmem:s20+$0x8BD0] =	vst v16;
	v16 =	vsel vm10, v6, v14  }
0x228: {  	[tilespmem:s20+$0x8BE0] =	vst v16;
	v16 =	vsel vm10, v7, v15  }
0x229: {  	[tilespmem:s20+$0x8BF0] =	vst v16  }
0x22a: {  	v16 =	vld.idx.msk [tilespmem:v17+s4+$0x0], $0xffff;
	_ =	sdelay $0x4  }
0x22b: {  	s29 =	sshll.u32 s26, $0x7;
	vm11 =	veq.s32 v16, $0x0  }
0x22c: {  	s20 =	sand.u32 $0x3FFFFF80, s29;
	v16 =	vsel vm11, v0, v8  }
0x22d: {  	[tilespmem:s20+$0x8B80] =	vst v16;
	v16 =	vsel vm11, v1, v9  }
0x22e: {  	s30 =	sadd.s32 $0x15, s19;
	[tilespmem:s20+$0x8B90] =	vst v16;
	v16 =	vsel vm11, v2, v10  }
0x22f: {  	s31 =	sadd.s32 s16, s30;
	[tilespmem:s20+$0x8BA0] =	vst v16;
	v16 =	vsel vm11, v3, v11  }
0x230: {  	v17 =	vmov s31;
	[tilespmem:s20+$0x8BB0] =	vst v16;
	v16 =	vsel vm11, v4, v12  }
0x231: {  	[tilespmem:s20+$0x8BC0] =	vst v16;
	v16 =	vsel vm11, v5, v13  }
0x232: {  	[tilespmem:s20+$0x8BD0] =	vst v16;
	v16 =	vsel vm11, v6, v14  }
0x233: {  	[tilespmem:s20+$0x8BE0] =	vst v16;
	v16 =	vsel vm11, v7, v15  }
0x234: {  	[tilespmem:s20+$0x8BF0] =	vst v16  }
0x235: {  	v16 =	vld.idx.msk [tilespmem:v17+s4+$0x0], $0xffff;
	_ =	sdelay $0x4  }
0x236: {  	s23 =	sshll.u32 s30, $0x7;
	vm12 =	veq.s32 v16, $0x0  }
0x237: {  	s20 =	sand.u32 $0x3FFFFF80, s23;
	v16 =	vsel vm12, v0, v8  }
0x238: {  	[tilespmem:s20+$0x8B80] =	vst v16;
	v16 =	vsel vm12, v1, v9  }
0x239: {  	s24 =	sadd.s32 $0x16, s19;
	[tilespmem:s20+$0x8B90] =	vst v16;
	v16 =	vsel vm12, v2, v10  }
0x23a: {  	s25 =	sadd.s32 s16, s24;
	[tilespmem:s20+$0x8BA0] =	vst v16;
	v16 =	vsel vm12, v3, v11  }
0x23b: {  	v17 =	vmov s25;
	[tilespmem:s20+$0x8BB0] =	vst v16;
	v16 =	vsel vm12, v4, v12  }
0x23c: {  	[tilespmem:s20+$0x8BC0] =	vst v16;
	v16 =	vsel vm12, v5, v13  }
0x23d: {  	[tilespmem:s20+$0x8BD0] =	vst v16;
	v16 =	vsel vm12, v6, v14  }
0x23e: {  	[tilespmem:s20+$0x8BE0] =	vst v16;
	v16 =	vsel vm12, v7, v15  }
0x23f: {  	[tilespmem:s20+$0x8BF0] =	vst v16  }
0x240: {  	v16 =	vld.idx.msk [tilespmem:v17+s4+$0x0], $0xffff;
	_ =	sdelay $0x4  }
0x241: {  	s26 =	sshll.u32 s24, $0x7;
	vm13 =	veq.s32 v16, $0x0  }
0x242: {  	s20 =	sand.u32 $0x3FFFFF80, s26;
	v16 =	vsel vm13, v0, v8  }
0x243: {  	[tilespmem:s20+$0x8B80] =	vst v16;
	v16 =	vsel vm13, v1, v9  }
0x244: {  	s28 =	sadd.s32 $0x17, s19;
	[tilespmem:s20+$0x8B90] =	vst v16;
	v16 =	vsel vm13, v2, v10  }
0x245: {  	s29 =	sadd.s32 s16, s28;
	[tilespmem:s20+$0x8BA0] =	vst v16;
	v16 =	vsel vm13, v3, v11  }
0x246: {  	v17 =	vmov s29;
	[tilespmem:s20+$0x8BB0] =	vst v16;
	v16 =	vsel vm13, v4, v12  }
0x247: {  	[tilespmem:s20+$0x8BC0] =	vst v16;
	v16 =	vsel vm13, v5, v13  }
0x248: {  	[tilespmem:s20+$0x8BD0] =	vst v16;
	v16 =	vsel vm13, v6, v14  }
0x249: {  	[tilespmem:s20+$0x8BE0] =	vst v16;
	v16 =	vsel vm13, v7, v15  }
0x24a: {  	[tilespmem:s20+$0x8BF0] =	vst v16  }
0x24b: {  	v16 =	vld.idx.msk [tilespmem:v17+s4+$0x0], $0xffff;
	_ =	sdelay $0x4  }
0x24c: {  	s30 =	sshll.u32 s28, $0x7;
	vm14 =	veq.s32 v16, $0x0  }
0x24d: {  	s20 =	sand.u32 $0x3FFFFF80, s30;
	v16 =	vsel vm14, v0, v8  }
0x24e: {  	[tilespmem:s20+$0x8B80] =	vst v16;
	v16 =	vsel vm14, v1, v9  }
0x24f: {  	s19 =	sadd.s32 $0x18, s19;
	[tilespmem:s20+$0x8B90] =	vst v16;
	v16 =	vsel vm14, v2, v10  }
0x250: {  	s31 =	sadd.s32 s16, s19;
	[tilespmem:s20+$0x8BA0] =	vst v16;
	v16 =	vsel vm14, v3, v11  }
0x251: {  	v17 =	vmov s31;
	[tilespmem:s20+$0x8BB0] =	vst v16;
	v16 =	vsel vm14, v4, v12  }
0x252: {  	[tilespmem:s20+$0x8BC0] =	vst v16;
	v16 =	vsel vm14, v5, v13  }
0x253: {  	[tilespmem:s20+$0x8BD0] =	vst v16;
	v16 =	vsel vm14, v6, v14  }
0x254: {  	[tilespmem:s20+$0x8BE0] =	vst v16;
	v16 =	vsel vm14, v7, v15  }
0x255: {  	[tilespmem:s20+$0x8BF0] =	vst v16  }
0x256: {  	v16 =	vld.idx.msk [tilespmem:v17+s4+$0x0], $0xffff;
	_ =	sdelay $0x4  }
0x257: {  	s19 =	sshll.u32 s19, $0x7;
	vm15 =	veq.s32 v16, $0x0  }
0x258: {  	s19 =	sand.u32 $0x3FFFFF80, s19;
	v16 =	vsel vm15, v0, v8  }
0x259: {  	[tilespmem:s19+$0x8B80] =	vst v16;
	v16 =	vsel vm15, v1, v9  }
0x25a: {  	[tilespmem:s19+$0x8B90] =	vst v16;
	v16 =	vsel vm15, v2, v10  }
0x25b: {  	p0 =	sne.s32 s18, $0x7;
	[tilespmem:s19+$0x8BA0] =	vst v16;
	v16 =	vsel vm15, v3, v11  }
.Ltmp1:
0x25c: {  	[tilespmem:s19+$0x8BB0] =	vst v16;
	v16 =	vsel vm15, v4, v12;
	(pc) =	sbr.rel @p0 .LBB2_5-.Ltmp1, $4  }
0x25d: {  	[tilespmem:s19+$0x8BC0] =	vst v16;
	v16 =	vsel vm15, v5, v13  }
0x25e: {  	[tilespmem:s19+$0x8BD0] =	vst v16;
	v16 =	vsel vm15, v6, v14  }
0x25f: {  	[tilespmem:s19+$0x8BE0] =	vst v16;
	v16 =	vsel vm15, v7, v15  }
0x260: {  	s18 =	sadd.s32 $0x1, s18;
	[tilespmem:s19+$0x8BF0] =	vst v16  }
0x261: {  	s15 =	sadd.s32 $0x1, s15  }
0x262: {  	p0 =	sne.s32 s15, $0x19  }
.Ltmp2:
0x263: {  	_ = 	snop;
	(pc) =	sbr.rel @p0 .LBB2_2-.Ltmp2, $4  }
0x264: {  	s16 =	sshll.u32 s17, $0x4  }
0x265: {  	s16 =	sand.u32 $0x1FFFFF80, s16  }
0x266: {  	s16 =	sadd.s32 s3, s16  }
0x267: {  	[hbm4b:s16+s4] =	stream.linear.scatter [tilespmem:s11], [sflag:$0x2], $0x6400, $0x38;
	[tilespmem:$0xF080] =	vst v63  }
0x268: {  	s14 =	sadd.s32 $0x1, s14  }
0x269: {  	_ =	swait.ge [sflag:s12], $0x6400;
	p0 =	sne.s32 s14, s7  }
.Ltmp3:
0x26a: {  	[sflag:s12] =	ssyncset.done $0x0;
	(pc) =	sbr.rel @p0 .LBB2_1-.Ltmp3, $4  }
0x26b: {  	[sflag:s12] =	ssyncadd.s32 $0xFFFF9C00  }
0x26c: {  	_ =	swait.ge [sflag:s13], $0x6400  }
0x26d: {  	[sflag:s13] =	ssyncset.done $0x0  }
0x26e: {  	[sflag:s13] =	ssyncadd.s32 $0xFFFF9C00  }
0x26f: {  	_ =	sfence.sel $0x180000  }
0x270: {  	[bflag:$0x0] =	sbarrier.arrive $0xFFFF  }
0x271: {  	p0 =	sne.s32 s0, $0x0;
	_ =	strace $0x90000047  }
0x272: {  	s0 =	sadd.s32 @!p0 $0x100000, s1;
	[bflag:$0x2] =	sbarrier.arrive $0xFFFF  }
0x273: {  	[sflag:s0] =	ssyncadd.tile.s32 @!p0 $0x1;
	_ =	shalt  }
.Lfunc_end2:
_tile_overlayer_lowered:
.L_overlay_start_2:
0x274: {  	(tag) =	ssettag $0x2  }
0x275: {  	s0 =	rddreg [dreg:$0x0];
	s2 =	stileid.u32  }
0x276: {  	s1 =	rddreg [dreg:$0x1];
	p0 =	sne.s32 s2, $0x0  }
0x277: {  	s3 =	rddreg [dreg:$0x2];
	[bflag:$0x3] =	sbarrier.arrive $0xFFFF;
	s2 =	simm.s32 @!p0 $0x1C03  }
0x278: {  	[timem:s3], [sflag:s2] =	dma.local @!p0 [hbm:s0], s1  }
0x279: {  	s0 =	simm.s32 @!p0 $0x3  }
0x27a: {  	_ =	swait.ge @!p0 [sflag:s0], s1  }
0x27b: {  	s1 =	ssub.s32 @!p0 $0x0, s1;
	[sflag:s0] =	ssyncset.done @!p0 $0x0  }
0x27c: {  	[sflag:s0] =	ssyncadd.s32 @!p0 s1  }
0x27d: {  	[bflag:$0x3] =	sbarrier.arrive $0xFFFF  }
0x27e: {  	_ =	shalt  }

</sc_bundles>
